<compile_context>
chip_gen: v7x
topology: tpu7x:2x2x1
jax: 0.10.2.dev20260603
libtpu: 0.0.44.dev20260713+nightly
codegen_flags: <defaults>
</compile_context>

<pallas_src>
import functools

import jax
import jax.numpy as jnp
from jax import lax
from jax.experimental import pallas as pl
from jax.experimental.pallas import tpu as pltpu
from jax.experimental.pallas import tpu_sc as plsc

N = 10000
NPAD = 10240
D = 128
E = 320000
NC = 2
NS = 16
NW = NC * NS
CHUNK = 128
NCHUNKS = 80
NBUF = 4
EPT = CHUNK * NCHUNKS
EPAD = NW * EPT
SLAB = NPAD // NS
DEGW = 16
BLK = 1024


def _sc_mesh():
    return plsc.VectorSubcoreMesh(core_axis_name="c", subcore_axis_name="s")




def _deg_kernel(dst3):

    @functools.partial(
        pl.kernel,
        out_type=jax.ShapeDtypeStruct((NC, NPAD, DEGW), jnp.float32),
        mesh=_sc_mesh(),
        scratch_types=(
            [pltpu.VMEM((CHUNK,), jnp.int32)] * 8
            + [pltpu.VMEM((CHUNK, DEGW), jnp.float32)] * 2
            + [pltpu.VMEM_SHARED((NPAD, DEGW), jnp.float32)]
            + [pltpu.SemaphoreType.DMA] * 10
        ),
    )
    def k(dst_ref, out_ref, *sc):
        idx_v = sc[0:8]
        ones_v, zeros_v = sc[8], sc[9]
        acc = sc[10]
        isems = sc[11:19]
        ssems = (sc[19], sc[20])
        c = lax.axis_index("c")
        s = lax.axis_index("s")
        wid = c * NS + s
        GRP = 8

        def fire_idx(g, sl):
            pltpu.async_copy(dst_ref.at[wid, g], idx_v[sl], isems[sl])

        def wait_idx(g, sl):
            pltpu.make_async_copy(dst_ref.at[wid, g], idx_v[sl],
                                  isems[sl]).wait()

        def grp(c0, fire_next_idx):
            sp = [None] * GRP
            for k in range(GRP):
                wait_idx(c0 + k, k)
                sp[k] = pltpu.async_copy(ones_v, acc.at[idx_v[k]],
                                         ssems[k % 2], add=True)
                if k >= 1:
                    sp[k - 1].wait()
                    if fire_next_idx:
                        fire_idx(c0 + (k - 1) + GRP, k - 1)
            sp[GRP - 1].wait()
            if fire_next_idx:
                fire_idx(c0 + (GRP - 1) + GRP, GRP - 1)

        for sl in range(GRP):
            fire_idx(sl, sl)

        @pl.loop(0, CHUNK)
        def _(i):
            ones_v[i, :] = jnp.full((DEGW,), 1.0, jnp.float32)
            zeros_v[i, :] = jnp.zeros((DEGW,), jnp.float32)

        @pl.loop(0, SLAB // CHUNK)
        def _(j):
            pltpu.sync_copy(zeros_v, acc.at[pl.ds(s * SLAB + j * CHUNK, CHUNK)])

        plsc.subcore_barrier()

        @pl.loop(0, NCHUNKS - GRP, step=GRP)
        def _(c0):
            grp(c0, True)

        grp(NCHUNKS - GRP, False)

        plsc.subcore_barrier()
        pltpu.sync_copy(acc.at[pl.ds(s * SLAB, SLAB)],
                        out_ref.at[c, pl.ds(s * SLAB, SLAB)])

    return k(dst3)


def _rowpass_kernel(hs, src3, dst3):

    @functools.partial(
        pl.kernel,
        out_type=jax.ShapeDtypeStruct((NC, NPAD, D), jnp.float32),
        mesh=_sc_mesh(),
    scratch_types=(
            [pltpu.VMEM((CHUNK,), jnp.int32)] * 16
            + [pltpu.VMEM((CHUNK, D), jnp.float32)] * 2
            + [pltpu.VMEM_SHARED((NPAD, D), jnp.float32)]
            + [pltpu.SemaphoreType.DMA] * 10
        ),
    )
    def k(hs_ref, src_ref, dst_ref, out_ref, *sc):
        src_v = sc[0:8]
        dst_v = sc[8:16]
        rows0, rows1 = sc[16], sc[17]
        acc = sc[18]
        isems = sc[19:27]
        gsems = (sc[27], sc[28])
        gs0 = gsems[0]
        c = lax.axis_index("c")
        s = lax.axis_index("s")
        wid = c * NS + s

        def fire_idx(g, sl):
            pltpu.async_copy(src_ref.at[wid, g], src_v[sl], isems[sl])
            pltpu.async_copy(dst_ref.at[wid, g], dst_v[sl], isems[sl])

        def wait_idx(g, sl):
            pltpu.make_async_copy(src_ref.at[wid, g], src_v[sl],
                                  isems[sl]).wait()
            pltpu.make_async_copy(dst_ref.at[wid, g], dst_v[sl],
                                  isems[sl]).wait()

        rows = (rows0, rows1)
        GRP = 8

        def grp(c0, fire_next_idx):
            cp = [None] * GRP
            for k in range(2):
                wait_idx(c0 + k, k)
                cp[k] = pltpu.async_copy(hs_ref.at[src_v[k]], rows[k % 2],
                                         gsems[k % 2])
            for k in range(GRP):
                cp[k].wait()
                pltpu.sync_copy(rows[k % 2], acc.at[dst_v[k]], add=True)
                if k < GRP - 2:
                    wait_idx(c0 + k + 2, k + 2)
                    cp[k + 2] = pltpu.async_copy(hs_ref.at[src_v[k + 2]],
                                                 rows[k % 2], gsems[k % 2])
                if fire_next_idx:
                    fire_idx(c0 + k + GRP, k)

        @pl.loop(0, CHUNK)
        def _(i):
            @pl.loop(0, D // 16)
            def _(j):
                rows0[i, pl.ds(j * 16, 16)] = jnp.zeros((16,), jnp.float32)

        @pl.loop(0, SLAB // CHUNK)
        def _(j):
            pltpu.sync_copy(rows0,
                            acc.at[pl.ds(s * SLAB + j * CHUNK, CHUNK)])

        for sl in range(GRP):
            fire_idx(sl, sl)
        plsc.subcore_barrier()

        @pl.loop(0, NCHUNKS - GRP, step=GRP)
        def _(c0):
            grp(c0, True)

        grp(NCHUNKS - GRP, False)

        plsc.subcore_barrier()
        pltpu.sync_copy(acc.at[pl.ds(s * SLAB, SLAB)],
                        out_ref.at[c, pl.ds(s * SLAB, SLAB)])

    return k(hs, src3, dst3)




def _matmul_kernel(x, w):

    def body(x_ref, w_ref, o_ref):
        o_ref[...] = jnp.dot(x_ref[...], w_ref[...],
                             preferred_element_type=jnp.float32)

    return pl.pallas_call(
        body,
        grid=(NPAD // BLK,),
        in_specs=[
            pl.BlockSpec((BLK, D), lambda i: (i, 0)),
            pl.BlockSpec((D, D), lambda i: (0, 0)),
        ],
        out_specs=pl.BlockSpec((BLK, D), lambda i: (i, 0)),
        out_shape=jax.ShapeDtypeStruct((NPAD, D), jnp.float32),
    )(x, w)


def _scale_kernel(deg, h):

    def body(deg_ref, h_ref, dinv_ref, hs_ref):
        degsum = deg_ref[0, :, 0:1] + deg_ref[1, :, 0:1] + 1.0
        dinv = lax.rsqrt(degsum)
        dinv_rep = jnp.broadcast_to(dinv, (BLK, D))
        dinv_ref[...] = dinv_rep
        hs_ref[...] = dinv_rep * h_ref[...]

    return pl.pallas_call(
        body,
        grid=(NPAD // BLK,),
        in_specs=[
            pl.BlockSpec((NC, BLK, DEGW), lambda i: (0, i, 0)),
            pl.BlockSpec((BLK, D), lambda i: (i, 0)),
        ],
        out_specs=[
            pl.BlockSpec((BLK, D), lambda i: (i, 0)),
            pl.BlockSpec((BLK, D), lambda i: (i, 0)),
        ],
        out_shape=[
            jax.ShapeDtypeStruct((NPAD, D), jnp.float32),
            jax.ShapeDtypeStruct((NPAD, D), jnp.float32),
        ],
    )(deg, h)


def _layer_out_kernel(sp, hs, dinv, pre_b, w, post_b, scale_out):

    def body(sp_ref, hs_ref, dinv_ref, pb_ref, w_ref, qb_ref, o_ref):
        t = dinv_ref[...] * (sp_ref[0] + sp_ref[1] + hs_ref[...]) + pb_ref[...]
        r = jnp.maximum(t, 0.0)
        o = jnp.dot(r, w_ref[...], preferred_element_type=jnp.float32)
        if scale_out:
            o = dinv_ref[...] * o
        o_ref[...] = o + qb_ref[...]

    return pl.pallas_call(
        body,
        grid=(NPAD // BLK,),
        in_specs=[
            pl.BlockSpec((NC, BLK, D), lambda i: (0, i, 0)),
            pl.BlockSpec((BLK, D), lambda i: (i, 0)),
            pl.BlockSpec((BLK, D), lambda i: (i, 0)),
            pl.BlockSpec((1, D), lambda i: (0, 0)),
            pl.BlockSpec((D, D), lambda i: (0, 0)),
            pl.BlockSpec((1, D), lambda i: (0, 0)),
        ],
        out_specs=pl.BlockSpec((BLK, D), lambda i: (i, 0)),
        out_shape=jax.ShapeDtypeStruct((NPAD, D), jnp.float32),
    )(sp, hs, dinv, pre_b, w, post_b)




def kernel(x, edge_index, W1, b1, W2, b2, Wt, bt, We, be):
    src = edge_index[0].astype(jnp.int32)
    dst = edge_index[1].astype(jnp.int32)
    pad = (jnp.arange(EPAD - E, dtype=jnp.int32) % (NPAD - N)) + N
    src3 = jnp.concatenate([src, pad]).reshape(NW, NCHUNKS, CHUNK)
    dst3 = jnp.concatenate([dst, pad]).reshape(NW, NCHUNKS, CHUNK)

    xp = jnp.zeros((NPAD, D), jnp.float32).at[:N].set(x)
    b1r = b1.reshape(1, D)
    b2r = b2.reshape(1, D)
    zb = jnp.zeros((1, D), jnp.float32)
    Wh = jnp.zeros((D, D), jnp.float32).at[:, 0:1].set(Wt).at[:, 1:2].set(We)
    bh = jnp.zeros((1, D), jnp.float32).at[0, 0].set(bt[0]).at[0, 1].set(be[0])

    deg = _deg_kernel(dst3)
    h1 = _matmul_kernel(xp, W1)
    dinv, hs1 = _scale_kernel(deg, h1)
    s1 = _rowpass_kernel(hs1, src3, dst3)
    hs2 = _layer_out_kernel(s1, hs1, dinv, b1r, W2, zb, True)
    s2 = _rowpass_kernel(hs2, src3, dst3)
    out = _layer_out_kernel(s2, hs2, dinv, b2r, Wh, bh, False)

    return (out[:N, 0:1], out[:N, 1:2])

# --- scband reference (transcript-rebuilt; emitter-appended) ---
"""Pipeline reference for scband-survival-gnn-47682726920388 (READ-ONLY COPY).

The authoritative reference and input builder live on the scoring server;
editing this copy changes nothing except your own understanding.
"""

import jax, jax.numpy as jnp
import numpy as np

N_NODES = 10000
D_IN = 128
D_HID = 128


def _glorot(key, shape):
    fan_in, fan_out = shape[0], shape[1]
    lim = (6.0 / (fan_in + fan_out)) ** 0.5
    return jax.random.uniform(key, shape, jnp.float32, -lim, lim)


def setup_inputs(seed: int = 0) -> dict:
    key = jax.random.key(seed)
    ks = jax.random.split(key, 12)
    x = jax.random.normal(ks[0], (N_NODES, D_IN), dtype=jnp.float32)
    edge_index = jax.random.randint(ks[1], (2, 320000), 0, N_NODES, dtype=jnp.int64)
    W1 = _glorot(ks[2], (D_IN, D_HID))
    b1 = jnp.zeros((D_HID,), jnp.float32)
    W2 = _glorot(ks[3], (D_HID, D_HID))
    b2 = jnp.zeros((D_HID,), jnp.float32)
    Wt = _glorot(ks[4], (D_HID, 1))
    bt = jnp.zeros((1,), jnp.float32)
    We = _glorot(ks[5], (D_HID, 1))
    be = jnp.zeros((1,), jnp.float32)
    return {"x": x, "edge_index": edge_index, "W1": W1, "b1": b1, "W2": W2, "b2": b2, "Wt": Wt, "bt": bt, "We": We, "be": be}


def _gcn_conv(x, src, dst, W, b, num_nodes):
    # PyG GCNConv: add self-loops, symmetric normalization D^-1/2 (A+I) D^-1/2, then linear
    loop = jnp.arange(num_nodes, dtype=src.dtype)
    s = jnp.concatenate([src, loop])
    d = jnp.concatenate([dst, loop])
    deg = jnp.zeros((num_nodes,), jnp.float32).at[d].add(1.0)
    dinv = jnp.where(deg > 0, deg ** -0.5, 0.0)
    norm = dinv[s] * dinv[d]
    h = x @ W
    msg = h[s] * norm[:, None]
    out = jnp.zeros((num_nodes, h.shape[1]), jnp.float32).at[d].add(msg)
    return out + b


def reference(x, edge_index, W1, b1, W2, b2, Wt, bt, We, be):
    src, dst = edge_index[0], edge_index[1]
    n = x.shape[0]
    h = jax.nn.relu(_gcn_conv(x, src, dst, W1, b1, n))
    h = jax.nn.relu(_gcn_conv(h, src, dst, W2, b2, n))
    # dropout is identity in eval mode (deterministic reference)
    survival_time = h @ Wt + bt
    event_status = h @ We + be
    return (survival_time, event_status)

if __name__ == "__main__":
    import jax
    _d = setup_inputs()
    print(jax.jit(kernel)(*tuple(_d.values())))

</pallas_src>

<mosaic_0001>
#map = affine_map<(d0, d1) -> (0, 0)>
#map1 = affine_map<(d0, d1) -> (0, 0, 0)>
module attributes {stable_mosaic.version = 14 : i64} {
  func.func @k(%arg0: i32, %arg1: i32, %arg2: memref<10240x128xf32, #tpu.memory_space<hbm>>, %arg3: memref<32x80x128xi32, #tpu.memory_space<hbm>>, %arg4: memref<32x80x128xi32, #tpu.memory_space<hbm>>, %arg5: memref<2x10240x128xf32, #tpu.memory_space<hbm>>, %arg6: memref<128xi32, #tpu.memory_space<vmem>>, %arg7: memref<128xi32, #tpu.memory_space<vmem>>, %arg8: memref<128xi32, #tpu.memory_space<vmem>>, %arg9: memref<128xi32, #tpu.memory_space<vmem>>, %arg10: memref<128xi32, #tpu.memory_space<vmem>>, %arg11: memref<128xi32, #tpu.memory_space<vmem>>, %arg12: memref<128xi32, #tpu.memory_space<vmem>>, %arg13: memref<128xi32, #tpu.memory_space<vmem>>, %arg14: memref<128xi32, #tpu.memory_space<vmem>>, %arg15: memref<128xi32, #tpu.memory_space<vmem>>, %arg16: memref<128xi32, #tpu.memory_space<vmem>>, %arg17: memref<128xi32, #tpu.memory_space<vmem>>, %arg18: memref<128xi32, #tpu.memory_space<vmem>>, %arg19: memref<128xi32, #tpu.memory_space<vmem>>, %arg20: memref<128xi32, #tpu.memory_space<vmem>>, %arg21: memref<128xi32, #tpu.memory_space<vmem>>, %arg22: memref<128x128xf32, #tpu.memory_space<vmem>>, %arg23: memref<128x128xf32, #tpu.memory_space<vmem>>, %arg24: memref<10240x128xf32, #tpu.memory_space<vmem_shared>>, %arg25: memref<!tpu.dma_semaphore, #tpu.memory_space<semaphore_mem>>, %arg26: memref<!tpu.dma_semaphore, #tpu.memory_space<semaphore_mem>>, %arg27: memref<!tpu.dma_semaphore, #tpu.memory_space<semaphore_mem>>, %arg28: memref<!tpu.dma_semaphore, #tpu.memory_space<semaphore_mem>>, %arg29: memref<!tpu.dma_semaphore, #tpu.memory_space<semaphore_mem>>, %arg30: memref<!tpu.dma_semaphore, #tpu.memory_space<semaphore_mem>>, %arg31: memref<!tpu.dma_semaphore, #tpu.memory_space<semaphore_mem>>, %arg32: memref<!tpu.dma_semaphore, #tpu.memory_space<semaphore_mem>>, %arg33: memref<!tpu.dma_semaphore, #tpu.memory_space<semaphore_mem>>, %arg34: memref<!tpu.dma_semaphore, #tpu.memory_space<semaphore_mem>>) attributes {dimension_semantics = [#tpu.dimension_semantics<core_parallel>, #tpu.dimension_semantics<subcore_parallel>], iteration_bounds = array<i64: 2, 16>, scalar_prefetch = 0 : i64, scratch_operands = 29 : i64, tpu.core_type = #tpu.core_type<sc_vector_subcore>, window_params = [{transform_indices = #map}, {transform_indices = #map1}, {transform_indices = #map1}, {transform_indices = #map1}]} {
    %mul3A = arith.constant 16 : i32
    %mul3A_0 = arith.muli %arg0, %mul3A : i32
    %add3A = arith.addi %mul3A_0, %arg1 : i32
    %scan3A = arith.constant 0 : i32
    %scan3A_1 = arith.constant 128 : i32
    %scan3A_2 = arith.addi %scan3A, %scan3A_1 : i32
    %scan3A_3 = arith.constant 1 : i32
    scf.for %scan3A_290 = %scan3A to %scan3A_2 step %scan3A_3  : i32 {
      %mul3A_291 = arith.constant 1 : i32
      %mul3A_292 = arith.muli %scan3A_290, %mul3A_291 : i32
      %add3A_293 = arith.constant 0 : i32
      %add3A_294 = arith.addi %add3A_293, %mul3A_292 : i32
      %scan3A_295 = arith.constant 0 : i32
      %scan3A_296 = arith.constant 8 : i32
      %scan3A_297 = arith.addi %scan3A_295, %scan3A_296 : i32
      %scan3A_298 = arith.constant 1 : i32
      scf.for %scan3A_300 = %scan3A_295 to %scan3A_297 step %scan3A_298  : i32 {
        %mul3A_301 = arith.constant 1 : i32
        %mul3A_302 = arith.muli %scan3A_300, %mul3A_301 : i32
        %add3A_303 = arith.constant 0 : i32
        %add3A_304 = arith.addi %add3A_303, %mul3A_302 : i32
        %broadcast_in_dim3A = arith.constant 0.000000e+00 : f32
        %broadcast_in_dim3A_305 = vector.broadcast %broadcast_in_dim3A : f32 to vector<16xf32>
        %mul3A_306 = arith.constant 16 : i32
        %mul3A_307 = arith.muli %add3A_304, %mul3A_306 : i32
        %swap3A = arith.index_cast %add3A_294 : i32 to index
        %swap3A_308 = arith.index_cast %mul3A_307 : i32 to index
        %swap3A_309 = tpu.vector_load %arg22[%swap3A, %swap3A_308] {strides = array<i32>} : memref<128x128xf32, #tpu.memory_space<vmem>>, vector<1x16xf32>,
        %swap3A_310 = vector.shape_cast %swap3A_309 : vector<1x16xf32> to vector<16xf32>
        %swap3A_311 = vector.shape_cast %broadcast_in_dim3A_305 : vector<16xf32> to vector<1x16xf32>
        tpu.vector_store %arg22[%swap3A, %swap3A_308], %swap3A_311 {strides = array<i32>} : memref<128x128xf32, #tpu.memory_space<vmem>>, vector<1x16xf32>,
      }
      %scan3A_299 = arith.constant 8 : i32
    }
    %scan3A_4 = arith.constant 128 : i32
    %scan3A_5 = arith.constant 0 : i32
    %scan3A_6 = arith.constant 5 : i32
    %scan3A_7 = arith.addi %scan3A_5, %scan3A_6 : i32
    %scan3A_8 = arith.constant 1 : i32
    scf.for %scan3A_290 = %scan3A_5 to %scan3A_7 step %scan3A_8  : i32 {
      %mul3A_291 = arith.constant 1 : i32
      %mul3A_292 = arith.muli %scan3A_290, %mul3A_291 : i32
      %add3A_293 = arith.constant 0 : i32
      %add3A_294 = arith.addi %add3A_293, %mul3A_292 : i32
      %mul3A_295 = arith.constant 640 : i32
      %mul3A_296 = arith.muli %arg1, %mul3A_295 : i32
      %mul3A_297 = arith.constant 128 : i32
      %mul3A_298 = arith.muli %add3A_294, %mul3A_297 : i32
      %add3A_299 = arith.addi %mul3A_296, %mul3A_298 : i32
      "tpu.region"() ({
        %run_scoped3A = tpu.sem_alloc : memref<!tpu.dma_semaphore, #tpu.memory_space<semaphore_mem>>
        %dma_start3A_300 = arith.constant 0 : i32
        %dma_start3A_301 = tpu.memref_slice %arg24[%add3A_299, %dma_start3A_300] : memref<10240x128xf32, #tpu.memory_space<vmem_shared>> -> memref<128x128xf32, #tpu.memory_space<vmem_shared>>
        %dma_start3A_302 = arith.constant 0 : i32
        %dma_start3A_303 = tpu.memref_slice %arg24[%add3A_299, %dma_start3A_302] : memref<10240x128xf32, #tpu.memory_space<vmem_shared>> -> memref<128x128xf32, #tpu.memory_space<vmem_shared>>
        tpu.enqueue_dma source(%arg22 : memref<128x128xf32, #tpu.memory_space<vmem>>) target(%dma_start3A_303 : memref<128x128xf32, #tpu.memory_space<vmem_shared>>) target_semaphore(%run_scoped3A : memref<!tpu.dma_semaphore, #tpu.memory_space<semaphore_mem>>)
        %dma_wait3A_304 = arith.constant 0 : i32
        %dma_wait3A_305 = tpu.memref_slice %arg24[%add3A_299, %dma_wait3A_304] : memref<10240x128xf32, #tpu.memory_space<vmem_shared>> -> memref<128x128xf32, #tpu.memory_space<vmem_shared>>
        %dma_wait3A_306 = arith.constant 0 : i32
        %dma_wait3A_307 = tpu.memref_slice %arg24[%add3A_299, %dma_wait3A_306] : memref<10240x128xf32, #tpu.memory_space<vmem_shared>> -> memref<128x128xf32, #tpu.memory_space<vmem_shared>>
        tpu.wait_dma2 semaphore(%run_scoped3A : memref<!tpu.dma_semaphore, #tpu.memory_space<semaphore_mem>>) src(%arg22 : memref<128x128xf32, #tpu.memory_space<vmem>>) dst(%dma_wait3A_307 : memref<128x128xf32, #tpu.memory_space<vmem_shared>>)
        tpu.yield
      }) : () -> ()
    }
    %scan3A_9 = arith.constant 5 : i32
    %dma_start3A = arith.constant 0 : i32
    %dma_start3A_10 = arith.constant 0 : i32
    %dma_start3A_11 = tpu.memref_slice %arg3[%add3A, %dma_start3A, %dma_start3A_10] : memref<32x80x128xi32, #tpu.memory_space<hbm>> -> memref<1x1x128xi32, #tpu.memory_space<hbm>>
    %dma_start3A_12 = tpu.memref_squeeze %dma_start3A_11 : memref<1x1x128xi32, #tpu.memory_space<hbm>> -> memref<128xi32, #tpu.memory_space<hbm>>
    %dma_start3A_13 = arith.constant 0 : i32
    %dma_start3A_14 = tpu.memref_slice %arg3[%add3A, %dma_start3A, %dma_start3A_13] : memref<32x80x128xi32, #tpu.memory_space<hbm>> -> memref<1x1x128xi32, #tpu.memory_space<hbm>>
    %dma_start3A_15 = tpu.memref_squeeze %dma_start3A_14 : memref<1x1x128xi32, #tpu.memory_space<hbm>> -> memref<128xi32, #tpu.memory_space<hbm>>
    tpu.enqueue_dma source(%dma_start3A_15 : memref<128xi32, #tpu.memory_space<hbm>>) target(%arg6 : memref<128xi32, #tpu.memory_space<vmem>>) target_semaphore(%arg25 : memref<!tpu.dma_semaphore, #tpu.memory_space<semaphore_mem>>)
    %dma_start3A_16 = arith.constant 0 : i32
    %dma_start3A_17 = arith.constant 0 : i32
    %dma_start3A_18 = tpu.memref_slice %arg4[%add3A, %dma_start3A_16, %dma_start3A_17] : memref<32x80x128xi32, #tpu.memory_space<hbm>> -> memref<1x1x128xi32, #tpu.memory_space<hbm>>
    %dma_start3A_19 = tpu.memref_squeeze %dma_start3A_18 : memref<1x1x128xi32, #tpu.memory_space<hbm>> -> memref<128xi32, #tpu.memory_space<hbm>>
    %dma_start3A_20 = arith.constant 0 : i32
    %dma_start3A_21 = tpu.memref_slice %arg4[%add3A, %dma_start3A_16, %dma_start3A_20] : memref<32x80x128xi32, #tpu.memory_space<hbm>> -> memref<1x1x128xi32, #tpu.memory_space<hbm>>
    %dma_start3A_22 = tpu.memref_squeeze %dma_start3A_21 : memref<1x1x128xi32, #tpu.memory_space<hbm>> -> memref<128xi32, #tpu.memory_space<hbm>>
    tpu.enqueue_dma source(%dma_start3A_22 : memref<128xi32, #tpu.memory_space<hbm>>) target(%arg14 : memref<128xi32, #tpu.memory_space<vmem>>) target_semaphore(%arg25 : memref<!tpu.dma_semaphore, #tpu.memory_space<semaphore_mem>>)
    %dma_start3A_23 = arith.constant 1 : i32
    %dma_start3A_24 = arith.constant 0 : i32
    %dma_start3A_25 = tpu.memref_slice %arg3[%add3A, %dma_start3A_23, %dma_start3A_24] : memref<32x80x128xi32, #tpu.memory_space<hbm>> -> memref<1x1x128xi32, #tpu.memory_space<hbm>>
    %dma_start3A_26 = tpu.memref_squeeze %dma_start3A_25 : memref<1x1x128xi32, #tpu.memory_space<hbm>> -> memref<128xi32, #tpu.memory_space<hbm>>
    %dma_start3A_27 = arith.constant 0 : i32
    %dma_start3A_28 = tpu.memref_slice %arg3[%add3A, %dma_start3A_23, %dma_start3A_27] : memref<32x80x128xi32, #tpu.memory_space<hbm>> -> memref<1x1x128xi32, #tpu.memory_space<hbm>>
    %dma_start3A_29 = tpu.memref_squeeze %dma_start3A_28 : memref<1x1x128xi32, #tpu.memory_space<hbm>> -> memref<128xi32, #tpu.memory_space<hbm>>
    tpu.enqueue_dma source(%dma_start3A_29 : memref<128xi32, #tpu.memory_space<hbm>>) target(%arg7 : memref<128xi32, #tpu.memory_space<vmem>>) target_semaphore(%arg26 : memref<!tpu.dma_semaphore, #tpu.memory_space<semaphore_mem>>)
    %dma_start3A_30 = arith.constant 1 : i32
    %dma_start3A_31 = arith.constant 0 : i32
    %dma_start3A_32 = tpu.memref_slice %arg4[%add3A, %dma_start3A_30, %dma_start3A_31] : memref<32x80x128xi32, #tpu.memory_space<hbm>> -> memref<1x1x128xi32, #tpu.memory_space<hbm>>
    %dma_start3A_33 = tpu.memref_squeeze %dma_start3A_32 : memref<1x1x128xi32, #tpu.memory_space<hbm>> -> memref<128xi32, #tpu.memory_space<hbm>>
    %dma_start3A_34 = arith.constant 0 : i32
    %dma_start3A_35 = tpu.memref_slice %arg4[%add3A, %dma_start3A_30, %dma_start3A_34] : memref<32x80x128xi32, #tpu.memory_space<hbm>> -> memref<1x1x128xi32, #tpu.memory_space<hbm>>
    %dma_start3A_36 = tpu.memref_squeeze %dma_start3A_35 : memref<1x1x128xi32, #tpu.memory_space<hbm>> -> memref<128xi32, #tpu.memory_space<hbm>>
    tpu.enqueue_dma source(%dma_start3A_36 : memref<128xi32, #tpu.memory_space<hbm>>) target(%arg15 : memref<128xi32, #tpu.memory_space<vmem>>) target_semaphore(%arg26 : memref<!tpu.dma_semaphore, #tpu.memory_space<semaphore_mem>>)
    %dma_start3A_37 = arith.constant 2 : i32
    %dma_start3A_38 = arith.constant 0 : i32
    %dma_start3A_39 = tpu.memref_slice %arg3[%add3A, %dma_start3A_37, %dma_start3A_38] : memref<32x80x128xi32, #tpu.memory_space<hbm>> -> memref<1x1x128xi32, #tpu.memory_space<hbm>>
    %dma_start3A_40 = tpu.memref_squeeze %dma_start3A_39 : memref<1x1x128xi32, #tpu.memory_space<hbm>> -> memref<128xi32, #tpu.memory_space<hbm>>
    %dma_start3A_41 = arith.constant 0 : i32
    %dma_start3A_42 = tpu.memref_slice %arg3[%add3A, %dma_start3A_37, %dma_start3A_41] : memref<32x80x128xi32, #tpu.memory_space<hbm>> -> memref<1x1x128xi32, #tpu.memory_space<hbm>>
    %dma_start3A_43 = tpu.memref_squeeze %dma_start3A_42 : memref<1x1x128xi32, #tpu.memory_space<hbm>> -> memref<128xi32, #tpu.memory_space<hbm>>
    tpu.enqueue_dma source(%dma_start3A_43 : memref<128xi32, #tpu.memory_space<hbm>>) target(%arg8 : memref<128xi32, #tpu.memory_space<vmem>>) target_semaphore(%arg27 : memref<!tpu.dma_semaphore, #tpu.memory_space<semaphore_mem>>)
    %dma_start3A_44 = arith.constant 2 : i32
    %dma_start3A_45 = arith.constant 0 : i32
    %dma_start3A_46 = tpu.memref_slice %arg4[%add3A, %dma_start3A_44, %dma_start3A_45] : memref<32x80x128xi32, #tpu.memory_space<hbm>> -> memref<1x1x128xi32, #tpu.memory_space<hbm>>
    %dma_start3A_47 = tpu.memref_squeeze %dma_start3A_46 : memref<1x1x128xi32, #tpu.memory_space<hbm>> -> memref<128xi32, #tpu.memory_space<hbm>>
    %dma_start3A_48 = arith.constant 0 : i32
    %dma_start3A_49 = tpu.memref_slice %arg4[%add3A, %dma_start3A_44, %dma_start3A_48] : memref<32x80x128xi32, #tpu.memory_space<hbm>> -> memref<1x1x128xi32, #tpu.memory_space<hbm>>
    %dma_start3A_50 = tpu.memref_squeeze %dma_start3A_49 : memref<1x1x128xi32, #tpu.memory_space<hbm>> -> memref<128xi32, #tpu.memory_space<hbm>>
    tpu.enqueue_dma source(%dma_start3A_50 : memref<128xi32, #tpu.memory_space<hbm>>) target(%arg16 : memref<128xi32, #tpu.memory_space<vmem>>) target_semaphore(%arg27 : memref<!tpu.dma_semaphore, #tpu.memory_space<semaphore_mem>>)
    %dma_start3A_51 = arith.constant 3 : i32
    %dma_start3A_52 = arith.constant 0 : i32
    %dma_start3A_53 = tpu.memref_slice %arg3[%add3A, %dma_start3A_51, %dma_start3A_52] : memref<32x80x128xi32, #tpu.memory_space<hbm>> -> memref<1x1x128xi32, #tpu.memory_space<hbm>>
    %dma_start3A_54 = tpu.memref_squeeze %dma_start3A_53 : memref<1x1x128xi32, #tpu.memory_space<hbm>> -> memref<128xi32, #tpu.memory_space<hbm>>
    %dma_start3A_55 = arith.constant 0 : i32
    %dma_start3A_56 = tpu.memref_slice %arg3[%add3A, %dma_start3A_51, %dma_start3A_55] : memref<32x80x128xi32, #tpu.memory_space<hbm>> -> memref<1x1x128xi32, #tpu.memory_space<hbm>>
    %dma_start3A_57 = tpu.memref_squeeze %dma_start3A_56 : memref<1x1x128xi32, #tpu.memory_space<hbm>> -> memref<128xi32, #tpu.memory_space<hbm>>
    tpu.enqueue_dma source(%dma_start3A_57 : memref<128xi32, #tpu.memory_space<hbm>>) target(%arg9 : memref<128xi32, #tpu.memory_space<vmem>>) target_semaphore(%arg28 : memref<!tpu.dma_semaphore, #tpu.memory_space<semaphore_mem>>)
    %dma_start3A_58 = arith.constant 3 : i32
    %dma_start3A_59 = arith.constant 0 : i32
    %dma_start3A_60 = tpu.memref_slice %arg4[%add3A, %dma_start3A_58, %dma_start3A_59] : memref<32x80x128xi32, #tpu.memory_space<hbm>> -> memref<1x1x128xi32, #tpu.memory_space<hbm>>
    %dma_start3A_61 = tpu.memref_squeeze %dma_start3A_60 : memref<1x1x128xi32, #tpu.memory_space<hbm>> -> memref<128xi32, #tpu.memory_space<hbm>>
    %dma_start3A_62 = arith.constant 0 : i32
    %dma_start3A_63 = tpu.memref_slice %arg4[%add3A, %dma_start3A_58, %dma_start3A_62] : memref<32x80x128xi32, #tpu.memory_space<hbm>> -> memref<1x1x128xi32, #tpu.memory_space<hbm>>
    %dma_start3A_64 = tpu.memref_squeeze %dma_start3A_63 : memref<1x1x128xi32, #tpu.memory_space<hbm>> -> memref<128xi32, #tpu.memory_space<hbm>>
    tpu.enqueue_dma source(%dma_start3A_64 : memref<128xi32, #tpu.memory_space<hbm>>) target(%arg17 : memref<128xi32, #tpu.memory_space<vmem>>) target_semaphore(%arg28 : memref<!tpu.dma_semaphore, #tpu.memory_space<semaphore_mem>>)
    %dma_start3A_65 = arith.constant 4 : i32
    %dma_start3A_66 = arith.constant 0 : i32
    %dma_start3A_67 = tpu.memref_slice %arg3[%add3A, %dma_start3A_65, %dma_start3A_66] : memref<32x80x128xi32, #tpu.memory_space<hbm>> -> memref<1x1x128xi32, #tpu.memory_space<hbm>>
    %dma_start3A_68 = tpu.memref_squeeze %dma_start3A_67 : memref<1x1x128xi32, #tpu.memory_space<hbm>> -> memref<128xi32, #tpu.memory_space<hbm>>
    %dma_start3A_69 = arith.constant 0 : i32
    %dma_start3A_70 = tpu.memref_slice %arg3[%add3A, %dma_start3A_65, %dma_start3A_69] : memref<32x80x128xi32, #tpu.memory_space<hbm>> -> memref<1x1x128xi32, #tpu.memory_space<hbm>>
    %dma_start3A_71 = tpu.memref_squeeze %dma_start3A_70 : memref<1x1x128xi32, #tpu.memory_space<hbm>> -> memref<128xi32, #tpu.memory_space<hbm>>
    tpu.enqueue_dma source(%dma_start3A_71 : memref<128xi32, #tpu.memory_space<hbm>>) target(%arg10 : memref<128xi32, #tpu.memory_space<vmem>>) target_semaphore(%arg29 : memref<!tpu.dma_semaphore, #tpu.memory_space<semaphore_mem>>)
    %dma_start3A_72 = arith.constant 4 : i32
    %dma_start3A_73 = arith.constant 0 : i32
    %dma_start3A_74 = tpu.memref_slice %arg4[%add3A, %dma_start3A_72, %dma_start3A_73] : memref<32x80x128xi32, #tpu.memory_space<hbm>> -> memref<1x1x128xi32, #tpu.memory_space<hbm>>
    %dma_start3A_75 = tpu.memref_squeeze %dma_start3A_74 : memref<1x1x128xi32, #tpu.memory_space<hbm>> -> memref<128xi32, #tpu.memory_space<hbm>>
    %dma_start3A_76 = arith.constant 0 : i32
    %dma_start3A_77 = tpu.memref_slice %arg4[%add3A, %dma_start3A_72, %dma_start3A_76] : memref<32x80x128xi32, #tpu.memory_space<hbm>> -> memref<1x1x128xi32, #tpu.memory_space<hbm>>
    %dma_start3A_78 = tpu.memref_squeeze %dma_start3A_77 : memref<1x1x128xi32, #tpu.memory_space<hbm>> -> memref<128xi32, #tpu.memory_space<hbm>>
    tpu.enqueue_dma source(%dma_start3A_78 : memref<128xi32, #tpu.memory_space<hbm>>) target(%arg18 : memref<128xi32, #tpu.memory_space<vmem>>) target_semaphore(%arg29 : memref<!tpu.dma_semaphore, #tpu.memory_space<semaphore_mem>>)
    %dma_start3A_79 = arith.constant 5 : i32
    %dma_start3A_80 = arith.constant 0 : i32
    %dma_start3A_81 = tpu.memref_slice %arg3[%add3A, %dma_start3A_79, %dma_start3A_80] : memref<32x80x128xi32, #tpu.memory_space<hbm>> -> memref<1x1x128xi32, #tpu.memory_space<hbm>>
    %dma_start3A_82 = tpu.memref_squeeze %dma_start3A_81 : memref<1x1x128xi32, #tpu.memory_space<hbm>> -> memref<128xi32, #tpu.memory_space<hbm>>
    %dma_start3A_83 = arith.constant 0 : i32
    %dma_start3A_84 = tpu.memref_slice %arg3[%add3A, %dma_start3A_79, %dma_start3A_83] : memref<32x80x128xi32, #tpu.memory_space<hbm>> -> memref<1x1x128xi32, #tpu.memory_space<hbm>>
    %dma_start3A_85 = tpu.memref_squeeze %dma_start3A_84 : memref<1x1x128xi32, #tpu.memory_space<hbm>> -> memref<128xi32, #tpu.memory_space<hbm>>
    tpu.enqueue_dma source(%dma_start3A_85 : memref<128xi32, #tpu.memory_space<hbm>>) target(%arg11 : memref<128xi32, #tpu.memory_space<vmem>>) target_semaphore(%arg30 : memref<!tpu.dma_semaphore, #tpu.memory_space<semaphore_mem>>)
    %dma_start3A_86 = arith.constant 5 : i32
    %dma_start3A_87 = arith.constant 0 : i32
    %dma_start3A_88 = tpu.memref_slice %arg4[%add3A, %dma_start3A_86, %dma_start3A_87] : memref<32x80x128xi32, #tpu.memory_space<hbm>> -> memref<1x1x128xi32, #tpu.memory_space<hbm>>
    %dma_start3A_89 = tpu.memref_squeeze %dma_start3A_88 : memref<1x1x128xi32, #tpu.memory_space<hbm>> -> memref<128xi32, #tpu.memory_space<hbm>>
    %dma_start3A_90 = arith.constant 0 : i32
    %dma_start3A_91 = tpu.memref_slice %arg4[%add3A, %dma_start3A_86, %dma_start3A_90] : memref<32x80x128xi32, #tpu.memory_space<hbm>> -> memref<1x1x128xi32, #tpu.memory_space<hbm>>
    %dma_start3A_92 = tpu.memref_squeeze %dma_start3A_91 : memref<1x1x128xi32, #tpu.memory_space<hbm>> -> memref<128xi32, #tpu.memory_space<hbm>>
    tpu.enqueue_dma source(%dma_start3A_92 : memref<128xi32, #tpu.memory_space<hbm>>) target(%arg19 : memref<128xi32, #tpu.memory_space<vmem>>) target_semaphore(%arg30 : memref<!tpu.dma_semaphore, #tpu.memory_space<semaphore_mem>>)
    %dma_start3A_93 = arith.constant 6 : i32
    %dma_start3A_94 = arith.constant 0 : i32
    %dma_start3A_95 = tpu.memref_slice %arg3[%add3A, %dma_start3A_93, %dma_start3A_94] : memref<32x80x128xi32, #tpu.memory_space<hbm>> -> memref<1x1x128xi32, #tpu.memory_space<hbm>>
    %dma_start3A_96 = tpu.memref_squeeze %dma_start3A_95 : memref<1x1x128xi32, #tpu.memory_space<hbm>> -> memref<128xi32, #tpu.memory_space<hbm>>
    %dma_start3A_97 = arith.constant 0 : i32
    %dma_start3A_98 = tpu.memref_slice %arg3[%add3A, %dma_start3A_93, %dma_start3A_97] : memref<32x80x128xi32, #tpu.memory_space<hbm>> -> memref<1x1x128xi32, #tpu.memory_space<hbm>>
    %dma_start3A_99 = tpu.memref_squeeze %dma_start3A_98 : memref<1x1x128xi32, #tpu.memory_space<hbm>> -> memref<128xi32, #tpu.memory_space<hbm>>
    tpu.enqueue_dma source(%dma_start3A_99 : memref<128xi32, #tpu.memory_space<hbm>>) target(%arg12 : memref<128xi32, #tpu.memory_space<vmem>>) target_semaphore(%arg31 : memref<!tpu.dma_semaphore, #tpu.memory_space<semaphore_mem>>)
    %dma_start3A_100 = arith.constant 6 : i32
    %dma_start3A_101 = arith.constant 0 : i32
    %dma_start3A_102 = tpu.memref_slice %arg4[%add3A, %dma_start3A_100, %dma_start3A_101] : memref<32x80x128xi32, #tpu.memory_space<hbm>> -> memref<1x1x128xi32, #tpu.memory_space<hbm>>
    %dma_start3A_103 = tpu.memref_squeeze %dma_start3A_102 : memref<1x1x128xi32, #tpu.memory_space<hbm>> -> memref<128xi32, #tpu.memory_space<hbm>>
    %dma_start3A_104 = arith.constant 0 : i32
    %dma_start3A_105 = tpu.memref_slice %arg4[%add3A, %dma_start3A_100, %dma_start3A_104] : memref<32x80x128xi32, #tpu.memory_space<hbm>> -> memref<1x1x128xi32, #tpu.memory_space<hbm>>
    %dma_start3A_106 = tpu.memref_squeeze %dma_start3A_105 : memref<1x1x128xi32, #tpu.memory_space<hbm>> -> memref<128xi32, #tpu.memory_space<hbm>>
    tpu.enqueue_dma source(%dma_start3A_106 : memref<128xi32, #tpu.memory_space<hbm>>) target(%arg20 : memref<128xi32, #tpu.memory_space<vmem>>) target_semaphore(%arg31 : memref<!tpu.dma_semaphore, #tpu.memory_space<semaphore_mem>>)
    %dma_start3A_107 = arith.constant 7 : i32
    %dma_start3A_108 = arith.constant 0 : i32
    %dma_start3A_109 = tpu.memref_slice %arg3[%add3A, %dma_start3A_107, %dma_start3A_108] : memref<32x80x128xi32, #tpu.memory_space<hbm>> -> memref<1x1x128xi32, #tpu.memory_space<hbm>>
    %dma_start3A_110 = tpu.memref_squeeze %dma_start3A_109 : memref<1x1x128xi32, #tpu.memory_space<hbm>> -> memref<128xi32, #tpu.memory_space<hbm>>
    %dma_start3A_111 = arith.constant 0 : i32
    %dma_start3A_112 = tpu.memref_slice %arg3[%add3A, %dma_start3A_107, %dma_start3A_111] : memref<32x80x128xi32, #tpu.memory_space<hbm>> -> memref<1x1x128xi32, #tpu.memory_space<hbm>>
    %dma_start3A_113 = tpu.memref_squeeze %dma_start3A_112 : memref<1x1x128xi32, #tpu.memory_space<hbm>> -> memref<128xi32, #tpu.memory_space<hbm>>
    tpu.enqueue_dma source(%dma_start3A_113 : memref<128xi32, #tpu.memory_space<hbm>>) target(%arg13 : memref<128xi32, #tpu.memory_space<vmem>>) target_semaphore(%arg32 : memref<!tpu.dma_semaphore, #tpu.memory_space<semaphore_mem>>)
    %dma_start3A_114 = arith.constant 7 : i32
    %dma_start3A_115 = arith.constant 0 : i32
    %dma_start3A_116 = tpu.memref_slice %arg4[%add3A, %dma_start3A_114, %dma_start3A_115] : memref<32x80x128xi32, #tpu.memory_space<hbm>> -> memref<1x1x128xi32, #tpu.memory_space<hbm>>
    %dma_start3A_117 = tpu.memref_squeeze %dma_start3A_116 : memref<1x1x128xi32, #tpu.memory_space<hbm>> -> memref<128xi32, #tpu.memory_space<hbm>>
    %dma_start3A_118 = arith.constant 0 : i32
    %dma_start3A_119 = tpu.memref_slice %arg4[%add3A, %dma_start3A_114, %dma_start3A_118] : memref<32x80x128xi32, #tpu.memory_space<hbm>> -> memref<1x1x128xi32, #tpu.memory_space<hbm>>
    %dma_start3A_120 = tpu.memref_squeeze %dma_start3A_119 : memref<1x1x128xi32, #tpu.memory_space<hbm>> -> memref<128xi32, #tpu.memory_space<hbm>>
    tpu.enqueue_dma source(%dma_start3A_120 : memref<128xi32, #tpu.memory_space<hbm>>) target(%arg21 : memref<128xi32, #tpu.memory_space<vmem>>) target_semaphore(%arg32 : memref<!tpu.dma_semaphore, #tpu.memory_space<semaphore_mem>>)
    %barrier3A = arith.constant 0 : index
    tpu.barrier barrier_id(%barrier3A)
    %scan3A_121 = arith.constant 0 : i32
    %scan3A_122 = arith.constant 9 : i32
    %scan3A_123 = arith.addi %scan3A_121, %scan3A_122 : i32
    %scan3A_124 = arith.constant 1 : i32
    scf.for %scan3A_290 = %scan3A_121 to %scan3A_123 step %scan3A_124  : i32 {
      %mul3A_291 = arith.constant 8 : i32
      %mul3A_292 = arith.muli %scan3A_290, %mul3A_291 : i32
      %add3A_293 = arith.constant 0 : i32
      %add3A_294 = arith.addi %add3A_293, %mul3A_292 : i32
      %add3A_295 = arith.constant 0 : i32
      %add3A_296 = arith.addi %add3A_294, %add3A_295 : i32
      %dma_wait3A_297 = arith.constant 0 : i32
      %dma_wait3A_298 = tpu.memref_slice %arg3[%add3A, %add3A_296, %dma_wait3A_297] : memref<32x80x128xi32, #tpu.memory_space<hbm>> -> memref<1x1x128xi32, #tpu.memory_space<hbm>>
      %dma_wait3A_299 = tpu.memref_squeeze %dma_wait3A_298 : memref<1x1x128xi32, #tpu.memory_space<hbm>> -> memref<128xi32, #tpu.memory_space<hbm>>
      %dma_wait3A_300 = arith.constant 0 : i32
      %dma_wait3A_301 = tpu.memref_slice %arg3[%add3A, %add3A_296, %dma_wait3A_300] : memref<32x80x128xi32, #tpu.memory_space<hbm>> -> memref<1x1x128xi32, #tpu.memory_space<hbm>>
      %dma_wait3A_302 = tpu.memref_squeeze %dma_wait3A_301 : memref<1x1x128xi32, #tpu.memory_space<hbm>> -> memref<128xi32, #tpu.memory_space<hbm>>
      tpu.wait_dma2 semaphore(%arg25 : memref<!tpu.dma_semaphore, #tpu.memory_space<semaphore_mem>>) src(%dma_wait3A_302 : memref<128xi32, #tpu.memory_space<hbm>>) dst(%arg6 : memref<128xi32, #tpu.memory_space<vmem>>)
      %dma_wait3A_303 = arith.constant 0 : i32
      %dma_wait3A_304 = tpu.memref_slice %arg4[%add3A, %add3A_296, %dma_wait3A_303] : memref<32x80x128xi32, #tpu.memory_space<hbm>> -> memref<1x1x128xi32, #tpu.memory_space<hbm>>
      %dma_wait3A_305 = tpu.memref_squeeze %dma_wait3A_304 : memref<1x1x128xi32, #tpu.memory_space<hbm>> -> memref<128xi32, #tpu.memory_space<hbm>>
      %dma_wait3A_306 = arith.constant 0 : i32
      %dma_wait3A_307 = tpu.memref_slice %arg4[%add3A, %add3A_296, %dma_wait3A_306] : memref<32x80x128xi32, #tpu.memory_space<hbm>> -> memref<1x1x128xi32, #tpu.memory_space<hbm>>
      %dma_wait3A_308 = tpu.memref_squeeze %dma_wait3A_307 : memref<1x1x128xi32, #tpu.memory_space<hbm>> -> memref<128xi32, #tpu.memory_space<hbm>>
      tpu.wait_dma2 semaphore(%arg25 : memref<!tpu.dma_semaphore, #tpu.memory_space<semaphore_mem>>) src(%dma_wait3A_308 : memref<128xi32, #tpu.memory_space<hbm>>) dst(%arg14 : memref<128xi32, #tpu.memory_space<vmem>>)
      %dma_start3A_309 = arith.constant 0 : i32
      %dma_start3A_310 = arith.constant 0 : i32
      %dma_start3A_311 = tpu.memref_slice %arg2[%dma_start3A_309, %dma_start3A_310] : memref<10240x128xf32, #tpu.memory_space<hbm>> -> memref<10240x128xf32, #tpu.memory_space<hbm>>
      tpu.enqueue_indirect_dma source(%dma_start3A_311 : memref<10240x128xf32, #tpu.memory_space<hbm>>) target(%arg22 : memref<128x128xf32, #tpu.memory_space<vmem>>) offsets(%arg6 : memref<128xi32, #tpu.memory_space<vmem>>) semaphore(%arg33 : memref<!tpu.dma_semaphore, #tpu.memory_space<semaphore_mem>>)
      %add3A_312 = arith.constant 1 : i32
      %add3A_313 = arith.addi %add3A_294, %add3A_312 : i32
      %dma_wait3A_314 = arith.constant 0 : i32
      %dma_wait3A_315 = tpu.memref_slice %arg3[%add3A, %add3A_313, %dma_wait3A_314] : memref<32x80x128xi32, #tpu.memory_space<hbm>> -> memref<1x1x128xi32, #tpu.memory_space<hbm>>
      %dma_wait3A_316 = tpu.memref_squeeze %dma_wait3A_315 : memref<1x1x128xi32, #tpu.memory_space<hbm>> -> memref<128xi32, #tpu.memory_space<hbm>>
      %dma_wait3A_317 = arith.constant 0 : i32
      %dma_wait3A_318 = tpu.memref_slice %arg3[%add3A, %add3A_313, %dma_wait3A_317] : memref<32x80x128xi32, #tpu.memory_space<hbm>> -> memref<1x1x128xi32, #tpu.memory_space<hbm>>
      %dma_wait3A_319 = tpu.memref_squeeze %dma_wait3A_318 : memref<1x1x128xi32, #tpu.memory_space<hbm>> -> memref<128xi32, #tpu.memory_space<hbm>>
      tpu.wait_dma2 semaphore(%arg26 : memref<!tpu.dma_semaphore, #tpu.memory_space<semaphore_mem>>) src(%dma_wait3A_319 : memref<128xi32, #tpu.memory_space<hbm>>) dst(%arg7 : memref<128xi32, #tpu.memory_space<vmem>>)
      %dma_wait3A_320 = arith.constant 0 : i32
      %dma_wait3A_321 = tpu.memref_slice %arg4[%add3A, %add3A_313, %dma_wait3A_320] : memref<32x80x128xi32, #tpu.memory_space<hbm>> -> memref<1x1x128xi32, #tpu.memory_space<hbm>>
      %dma_wait3A_322 = tpu.memref_squeeze %dma_wait3A_321 : memref<1x1x128xi32, #tpu.memory_space<hbm>> -> memref<128xi32, #tpu.memory_space<hbm>>
      %dma_wait3A_323 = arith.constant 0 : i32
      %dma_wait3A_324 = tpu.memref_slice %arg4[%add3A, %add3A_313, %dma_wait3A_323] : memref<32x80x128xi32, #tpu.memory_space<hbm>> -> memref<1x1x128xi32, #tpu.memory_space<hbm>>
      %dma_wait3A_325 = tpu.memref_squeeze %dma_wait3A_324 : memref<1x1x128xi32, #tpu.memory_space<hbm>> -> memref<128xi32, #tpu.memory_space<hbm>>
      tpu.wait_dma2 semaphore(%arg26 : memref<!tpu.dma_semaphore, #tpu.memory_space<semaphore_mem>>) src(%dma_wait3A_325 : memref<128xi32, #tpu.memory_space<hbm>>) dst(%arg15 : memref<128xi32, #tpu.memory_space<vmem>>)
      %dma_start3A_326 = arith.constant 0 : i32
      %dma_start3A_327 = arith.constant 0 : i32
      %dma_start3A_328 = tpu.memref_slice %arg2[%dma_start3A_326, %dma_start3A_327] : memref<10240x128xf32, #tpu.memory_space<hbm>> -> memref<10240x128xf32, #tpu.memory_space<hbm>>
      tpu.enqueue_indirect_dma source(%dma_start3A_328 : memref<10240x128xf32, #tpu.memory_space<hbm>>) target(%arg23 : memref<128x128xf32, #tpu.memory_space<vmem>>) offsets(%arg7 : memref<128xi32, #tpu.memory_space<vmem>>) semaphore(%arg34 : memref<!tpu.dma_semaphore, #tpu.memory_space<semaphore_mem>>)
      %dma_wait3A_329 = arith.constant 0 : i32
      %dma_wait3A_330 = arith.constant 0 : i32
      %dma_wait3A_331 = tpu.memref_slice %arg2[%dma_wait3A_329, %dma_wait3A_330] : memref<10240x128xf32, #tpu.memory_space<hbm>> -> memref<10240x128xf32, #tpu.memory_space<hbm>>
      tpu.wait_indirect_dma semaphore(%arg33 : memref<!tpu.dma_semaphore, #tpu.memory_space<semaphore_mem>>) src(%dma_wait3A_331 : memref<10240x128xf32, #tpu.memory_space<hbm>>) dst(%arg22 : memref<128x128xf32, #tpu.memory_space<vmem>>)
      "tpu.region"() ({
        %run_scoped3A = tpu.sem_alloc : memref<!tpu.dma_semaphore, #tpu.memory_space<semaphore_mem>>
        %dma_start3A_595 = arith.constant 0 : i32
        %dma_start3A_596 = arith.constant 0 : i32
        %dma_start3A_597 = tpu.memref_slice %arg24[%dma_start3A_595, %dma_start3A_596] : memref<10240x128xf32, #tpu.memory_space<vmem_shared>> -> memref<10240x128xf32, #tpu.memory_space<vmem_shared>>
        tpu.enqueue_indirect_dma source(%arg22 : memref<128x128xf32, #tpu.memory_space<vmem>>) target(%dma_start3A_597 : memref<10240x128xf32, #tpu.memory_space<vmem_shared>>) offsets(%arg14 : memref<128xi32, #tpu.memory_space<vmem>>) semaphore(%run_scoped3A : memref<!tpu.dma_semaphore, #tpu.memory_space<semaphore_mem>>) {add = true}
        %dma_wait3A_598 = arith.constant 0 : i32
        %dma_wait3A_599 = arith.constant 0 : i32
        %dma_wait3A_600 = tpu.memref_slice %arg24[%dma_wait3A_598, %dma_wait3A_599] : memref<10240x128xf32, #tpu.memory_space<vmem_shared>> -> memref<10240x128xf32, #tpu.memory_space<vmem_shared>>
        tpu.wait_indirect_dma semaphore(%run_scoped3A : memref<!tpu.dma_semaphore, #tpu.memory_space<semaphore_mem>>) src(%arg22 : memref<128x128xf32, #tpu.memory_space<vmem>>) dst(%dma_wait3A_600 : memref<10240x128xf32, #tpu.memory_space<vmem_shared>>)
        tpu.yield
      }) : () -> ()
      %add3A_332 = arith.constant 0 : i32
      %add3A_333 = arith.addi %add3A_294, %add3A_332 : i32
      %add3A_334 = arith.constant 2 : i32
      %add3A_335 = arith.addi %add3A_333, %add3A_334 : i32
      %dma_wait3A_336 = arith.constant 0 : i32
      %dma_wait3A_337 = tpu.memref_slice %arg3[%add3A, %add3A_335, %dma_wait3A_336] : memref<32x80x128xi32, #tpu.memory_space<hbm>> -> memref<1x1x128xi32, #tpu.memory_space<hbm>>
      %dma_wait3A_338 = tpu.memref_squeeze %dma_wait3A_337 : memref<1x1x128xi32, #tpu.memory_space<hbm>> -> memref<128xi32, #tpu.memory_space<hbm>>
      %dma_wait3A_339 = arith.constant 0 : i32
      %dma_wait3A_340 = tpu.memref_slice %arg3[%add3A, %add3A_335, %dma_wait3A_339] : memref<32x80x128xi32, #tpu.memory_space<hbm>> -> memref<1x1x128xi32, #tpu.memory_space<hbm>>
      %dma_wait3A_341 = tpu.memref_squeeze %dma_wait3A_340 : memref<1x1x128xi32, #tpu.memory_space<hbm>> -> memref<128xi32, #tpu.memory_space<hbm>>
      tpu.wait_dma2 semaphore(%arg27 : memref<!tpu.dma_semaphore, #tpu.memory_space<semaphore_mem>>) src(%dma_wait3A_341 : memref<128xi32, #tpu.memory_space<hbm>>) dst(%arg8 : memref<128xi32, #tpu.memory_space<vmem>>)
      %dma_wait3A_342 = arith.constant 0 : i32
      %dma_wait3A_343 = tpu.memref_slice %arg4[%add3A, %add3A_335, %dma_wait3A_342] : memref<32x80x128xi32, #tpu.memory_space<hbm>> -> memref<1x1x128xi32, #tpu.memory_space<hbm>>
      %dma_wait3A_344 = tpu.memref_squeeze %dma_wait3A_343 : memref<1x1x128xi32, #tpu.memory_space<hbm>> -> memref<128xi32, #tpu.memory_space<hbm>>
      %dma_wait3A_345 = arith.constant 0 : i32
      %dma_wait3A_346 = tpu.memref_slice %arg4[%add3A, %add3A_335, %dma_wait3A_345] : memref<32x80x128xi32, #tpu.memory_space<hbm>> -> memref<1x1x128xi32, #tpu.memory_space<hbm>>
      %dma_wait3A_347 = tpu.memref_squeeze %dma_wait3A_346 : memref<1x1x128xi32, #tpu.memory_space<hbm>> -> memref<128xi32, #tpu.memory_space<hbm>>
      tpu.wait_dma2 semaphore(%arg27 : memref<!tpu.dma_semaphore, #tpu.memory_space<semaphore_mem>>) src(%dma_wait3A_347 : memref<128xi32, #tpu.memory_space<hbm>>) dst(%arg16 : memref<128xi32, #tpu.memory_space<vmem>>)
      %dma_start3A_348 = arith.constant 0 : i32
      %dma_start3A_349 = arith.constant 0 : i32
      %dma_start3A_350 = tpu.memref_slice %arg2[%dma_start3A_348, %dma_start3A_349] : memref<10240x128xf32, #tpu.memory_space<hbm>> -> memref<10240x128xf32, #tpu.memory_space<hbm>>
      tpu.enqueue_indirect_dma source(%dma_start3A_350 : memref<10240x128xf32, #tpu.memory_space<hbm>>) target(%arg22 : memref<128x128xf32, #tpu.memory_space<vmem>>) offsets(%arg8 : memref<128xi32, #tpu.memory_space<vmem>>) semaphore(%arg33 : memref<!tpu.dma_semaphore, #tpu.memory_space<semaphore_mem>>)
      %add3A_351 = arith.constant 0 : i32
      %add3A_352 = arith.addi %add3A_294, %add3A_351 : i32
      %add3A_353 = arith.constant 8 : i32
      %add3A_354 = arith.addi %add3A_352, %add3A_353 : i32
      %dma_start3A_355 = arith.constant 0 : i32
      %dma_start3A_356 = tpu.memref_slice %arg3[%add3A, %add3A_354, %dma_start3A_355] : memref<32x80x128xi32, #tpu.memory_space<hbm>> -> memref<1x1x128xi32, #tpu.memory_space<hbm>>
      %dma_start3A_357 = tpu.memref_squeeze %dma_start3A_356 : memref<1x1x128xi32, #tpu.memory_space<hbm>> -> memref<128xi32, #tpu.memory_space<hbm>>
      %dma_start3A_358 = arith.constant 0 : i32
      %dma_start3A_359 = tpu.memref_slice %arg3[%add3A, %add3A_354, %dma_start3A_358] : memref<32x80x128xi32, #tpu.memory_space<hbm>> -> memref<1x1x128xi32, #tpu.memory_space<hbm>>
      %dma_start3A_360 = tpu.memref_squeeze %dma_start3A_359 : memref<1x1x128xi32, #tpu.memory_space<hbm>> -> memref<128xi32, #tpu.memory_space<hbm>>
      tpu.enqueue_dma source(%dma_start3A_360 : memref<128xi32, #tpu.memory_space<hbm>>) target(%arg6 : memref<128xi32, #tpu.memory_space<vmem>>) target_semaphore(%arg25 : memref<!tpu.dma_semaphore, #tpu.memory_space<semaphore_mem>>)
      %dma_start3A_361 = arith.constant 0 : i32
      %dma_start3A_362 = tpu.memref_slice %arg4[%add3A, %add3A_354, %dma_start3A_361] : memref<32x80x128xi32, #tpu.memory_space<hbm>> -> memref<1x1x128xi32, #tpu.memory_space<hbm>>
      %dma_start3A_363 = tpu.memref_squeeze %dma_start3A_362 : memref<1x1x128xi32, #tpu.memory_space<hbm>> -> memref<128xi32, #tpu.memory_space<hbm>>
      %dma_start3A_364 = arith.constant 0 : i32
      %dma_start3A_365 = tpu.memref_slice %arg4[%add3A, %add3A_354, %dma_start3A_364] : memref<32x80x128xi32, #tpu.memory_space<hbm>> -> memref<1x1x128xi32, #tpu.memory_space<hbm>>
      %dma_start3A_366 = tpu.memref_squeeze %dma_start3A_365 : memref<1x1x128xi32, #tpu.memory_space<hbm>> -> memref<128xi32, #tpu.memory_space<hbm>>
      tpu.enqueue_dma source(%dma_start3A_366 : memref<128xi32, #tpu.memory_space<hbm>>) target(%arg14 : memref<128xi32, #tpu.memory_space<vmem>>) target_semaphore(%arg25 : memref<!tpu.dma_semaphore, #tpu.memory_space<semaphore_mem>>)
      %dma_wait3A_367 = arith.constant 0 : i32
      %dma_wait3A_368 = arith.constant 0 : i32
      %dma_wait3A_369 = tpu.memref_slice %arg2[%dma_wait3A_367, %dma_wait3A_368] : memref<10240x128xf32, #tpu.memory_space<hbm>> -> memref<10240x128xf32, #tpu.memory_space<hbm>>
      tpu.wait_indirect_dma semaphore(%arg34 : memref<!tpu.dma_semaphore, #tpu.memory_space<semaphore_mem>>) src(%dma_wait3A_369 : memref<10240x128xf32, #tpu.memory_space<hbm>>) dst(%arg23 : memref<128x128xf32, #tpu.memory_space<vmem>>)
      "tpu.region"() ({
        %run_scoped3A = tpu.sem_alloc : memref<!tpu.dma_semaphore, #tpu.memory_space<semaphore_mem>>
        %dma_start3A_595 = arith.constant 0 : i32
        %dma_start3A_596 = arith.constant 0 : i32
        %dma_start3A_597 = tpu.memref_slice %arg24[%dma_start3A_595, %dma_start3A_596] : memref<10240x128xf32, #tpu.memory_space<vmem_shared>> -> memref<10240x128xf32, #tpu.memory_space<vmem_shared>>
        tpu.enqueue_indirect_dma source(%arg23 : memref<128x128xf32, #tpu.memory_space<vmem>>) target(%dma_start3A_597 : memref<10240x128xf32, #tpu.memory_space<vmem_shared>>) offsets(%arg15 : memref<128xi32, #tpu.memory_space<vmem>>) semaphore(%run_scoped3A : memref<!tpu.dma_semaphore, #tpu.memory_space<semaphore_mem>>) {add = true}
        %dma_wait3A_598 = arith.constant 0 : i32
        %dma_wait3A_599 = arith.constant 0 : i32
        %dma_wait3A_600 = tpu.memref_slice %arg24[%dma_wait3A_598, %dma_wait3A_599] : memref<10240x128xf32, #tpu.memory_space<vmem_shared>> -> memref<10240x128xf32, #tpu.memory_space<vmem_shared>>
        tpu.wait_indirect_dma semaphore(%run_scoped3A : memref<!tpu.dma_semaphore, #tpu.memory_space<semaphore_mem>>) src(%arg23 : memref<128x128xf32, #tpu.memory_space<vmem>>) dst(%dma_wait3A_600 : memref<10240x128xf32, #tpu.memory_space<vmem_shared>>)
        tpu.yield
      }) : () -> ()
      %add3A_370 = arith.constant 1 : i32
      %add3A_371 = arith.addi %add3A_294, %add3A_370 : i32
      %add3A_372 = arith.constant 2 : i32
      %add3A_373 = arith.addi %add3A_371, %add3A_372 : i32
      %dma_wait3A_374 = arith.constant 0 : i32
      %dma_wait3A_375 = tpu.memref_slice %arg3[%add3A, %add3A_373, %dma_wait3A_374] : memref<32x80x128xi32, #tpu.memory_space<hbm>> -> memref<1x1x128xi32, #tpu.memory_space<hbm>>
      %dma_wait3A_376 = tpu.memref_squeeze %dma_wait3A_375 : memref<1x1x128xi32, #tpu.memory_space<hbm>> -> memref<128xi32, #tpu.memory_space<hbm>>
      %dma_wait3A_377 = arith.constant 0 : i32
      %dma_wait3A_378 = tpu.memref_slice %arg3[%add3A, %add3A_373, %dma_wait3A_377] : memref<32x80x128xi32, #tpu.memory_space<hbm>> -> memref<1x1x128xi32, #tpu.memory_space<hbm>>
      %dma_wait3A_379 = tpu.memref_squeeze %dma_wait3A_378 : memref<1x1x128xi32, #tpu.memory_space<hbm>> -> memref<128xi32, #tpu.memory_space<hbm>>
      tpu.wait_dma2 semaphore(%arg28 : memref<!tpu.dma_semaphore, #tpu.memory_space<semaphore_mem>>) src(%dma_wait3A_379 : memref<128xi32, #tpu.memory_space<hbm>>) dst(%arg9 : memref<128xi32, #tpu.memory_space<vmem>>)
      %dma_wait3A_380 = arith.constant 0 : i32
      %dma_wait3A_381 = tpu.memref_slice %arg4[%add3A, %add3A_373, %dma_wait3A_380] : memref<32x80x128xi32, #tpu.memory_space<hbm>> -> memref<1x1x128xi32, #tpu.memory_space<hbm>>
      %dma_wait3A_382 = tpu.memref_squeeze %dma_wait3A_381 : memref<1x1x128xi32, #tpu.memory_space<hbm>> -> memref<128xi32, #tpu.memory_space<hbm>>
      %dma_wait3A_383 = arith.constant 0 : i32
      %dma_wait3A_384 = tpu.memref_slice %arg4[%add3A, %add3A_373, %dma_wait3A_383] : memref<32x80x128xi32, #tpu.memory_space<hbm>> -> memref<1x1x128xi32, #tpu.memory_space<hbm>>
      %dma_wait3A_385 = tpu.memref_squeeze %dma_wait3A_384 : memref<1x1x128xi32, #tpu.memory_space<hbm>> -> memref<128xi32, #tpu.memory_space<hbm>>
      tpu.wait_dma2 semaphore(%arg28 : memref<!tpu.dma_semaphore, #tpu.memory_space<semaphore_mem>>) src(%dma_wait3A_385 : memref<128xi32, #tpu.memory_space<hbm>>) dst(%arg17 : memref<128xi32, #tpu.memory_space<vmem>>)
      %dma_start3A_386 = arith.constant 0 : i32
      %dma_start3A_387 = arith.constant 0 : i32
      %dma_start3A_388 = tpu.memref_slice %arg2[%dma_start3A_386, %dma_start3A_387] : memref<10240x128xf32, #tpu.memory_space<hbm>> -> memref<10240x128xf32, #tpu.memory_space<hbm>>
      tpu.enqueue_indirect_dma source(%dma_start3A_388 : memref<10240x128xf32, #tpu.memory_space<hbm>>) target(%arg23 : memref<128x128xf32, #tpu.memory_space<vmem>>) offsets(%arg9 : memref<128xi32, #tpu.memory_space<vmem>>) semaphore(%arg34 : memref<!tpu.dma_semaphore, #tpu.memory_space<semaphore_mem>>)
      %add3A_389 = arith.constant 1 : i32
      %add3A_390 = arith.addi %add3A_294, %add3A_389 : i32
      %add3A_391 = arith.constant 8 : i32
      %add3A_392 = arith.addi %add3A_390, %add3A_391 : i32
      %dma_start3A_393 = arith.constant 0 : i32
      %dma_start3A_394 = tpu.memref_slice %arg3[%add3A, %add3A_392, %dma_start3A_393] : memref<32x80x128xi32, #tpu.memory_space<hbm>> -> memref<1x1x128xi32, #tpu.memory_space<hbm>>
      %dma_start3A_395 = tpu.memref_squeeze %dma_start3A_394 : memref<1x1x128xi32, #tpu.memory_space<hbm>> -> memref<128xi32, #tpu.memory_space<hbm>>
      %dma_start3A_396 = arith.constant 0 : i32
      %dma_start3A_397 = tpu.memref_slice %arg3[%add3A, %add3A_392, %dma_start3A_396] : memref<32x80x128xi32, #tpu.memory_space<hbm>> -> memref<1x1x128xi32, #tpu.memory_space<hbm>>
      %dma_start3A_398 = tpu.memref_squeeze %dma_start3A_397 : memref<1x1x128xi32, #tpu.memory_space<hbm>> -> memref<128xi32, #tpu.memory_space<hbm>>
      tpu.enqueue_dma source(%dma_start3A_398 : memref<128xi32, #tpu.memory_space<hbm>>) target(%arg7 : memref<128xi32, #tpu.memory_space<vmem>>) target_semaphore(%arg26 : memref<!tpu.dma_semaphore, #tpu.memory_space<semaphore_mem>>)
      %dma_start3A_399 = arith.constant 0 : i32
      %dma_start3A_400 = tpu.memref_slice %arg4[%add3A, %add3A_392, %dma_start3A_399] : memref<32x80x128xi32, #tpu.memory_space<hbm>> -> memref<1x1x128xi32, #tpu.memory_space<hbm>>
      %dma_start3A_401 = tpu.memref_squeeze %dma_start3A_400 : memref<1x1x128xi32, #tpu.memory_space<hbm>> -> memref<128xi32, #tpu.memory_space<hbm>>
      %dma_start3A_402 = arith.constant 0 : i32
      %dma_start3A_403 = tpu.memref_slice %arg4[%add3A, %add3A_392, %dma_start3A_402] : memref<32x80x128xi32, #tpu.memory_space<hbm>> -> memref<1x1x128xi32, #tpu.memory_space<hbm>>
      %dma_start3A_404 = tpu.memref_squeeze %dma_start3A_403 : memref<1x1x128xi32, #tpu.memory_space<hbm>> -> memref<128xi32, #tpu.memory_space<hbm>>
      tpu.enqueue_dma source(%dma_start3A_404 : memref<128xi32, #tpu.memory_space<hbm>>) target(%arg15 : memref<128xi32, #tpu.memory_space<vmem>>) target_semaphore(%arg26 : memref<!tpu.dma_semaphore, #tpu.memory_space<semaphore_mem>>)
      %dma_wait3A_405 = arith.constant 0 : i32
      %dma_wait3A_406 = arith.constant 0 : i32
      %dma_wait3A_407 = tpu.memref_slice %arg2[%dma_wait3A_405, %dma_wait3A_406] : memref<10240x128xf32, #tpu.memory_space<hbm>> -> memref<10240x128xf32, #tpu.memory_space<hbm>>
      tpu.wait_indirect_dma semaphore(%arg33 : memref<!tpu.dma_semaphore, #tpu.memory_space<semaphore_mem>>) src(%dma_wait3A_407 : memref<10240x128xf32, #tpu.memory_space<hbm>>) dst(%arg22 : memref<128x128xf32, #tpu.memory_space<vmem>>)
      "tpu.region"() ({
        %run_scoped3A = tpu.sem_alloc : memref<!tpu.dma_semaphore, #tpu.memory_space<semaphore_mem>>
        %dma_start3A_595 = arith.constant 0 : i32
        %dma_start3A_596 = arith.constant 0 : i32
        %dma_start3A_597 = tpu.memref_slice %arg24[%dma_start3A_595, %dma_start3A_596] : memref<10240x128xf32, #tpu.memory_space<vmem_shared>> -> memref<10240x128xf32, #tpu.memory_space<vmem_shared>>
        tpu.enqueue_indirect_dma source(%arg22 : memref<128x128xf32, #tpu.memory_space<vmem>>) target(%dma_start3A_597 : memref<10240x128xf32, #tpu.memory_space<vmem_shared>>) offsets(%arg16 : memref<128xi32, #tpu.memory_space<vmem>>) semaphore(%run_scoped3A : memref<!tpu.dma_semaphore, #tpu.memory_space<semaphore_mem>>) {add = true}
        %dma_wait3A_598 = arith.constant 0 : i32
        %dma_wait3A_599 = arith.constant 0 : i32
        %dma_wait3A_600 = tpu.memref_slice %arg24[%dma_wait3A_598, %dma_wait3A_599] : memref<10240x128xf32, #tpu.memory_space<vmem_shared>> -> memref<10240x128xf32, #tpu.memory_space<vmem_shared>>
        tpu.wait_indirect_dma semaphore(%run_scoped3A : memref<!tpu.dma_semaphore, #tpu.memory_space<semaphore_mem>>) src(%arg22 : memref<128x128xf32, #tpu.memory_space<vmem>>) dst(%dma_wait3A_600 : memref<10240x128xf32, #tpu.memory_space<vmem_shared>>)
        tpu.yield
      }) : () -> ()
      %add3A_408 = arith.constant 2 : i32
      %add3A_409 = arith.addi %add3A_294, %add3A_408 : i32
      %add3A_410 = arith.constant 2 : i32
      %add3A_411 = arith.addi %add3A_409, %add3A_410 : i32
      %dma_wait3A_412 = arith.constant 0 : i32
      %dma_wait3A_413 = tpu.memref_slice %arg3[%add3A, %add3A_411, %dma_wait3A_412] : memref<32x80x128xi32, #tpu.memory_space<hbm>> -> memref<1x1x128xi32, #tpu.memory_space<hbm>>
      %dma_wait3A_414 = tpu.memref_squeeze %dma_wait3A_413 : memref<1x1x128xi32, #tpu.memory_space<hbm>> -> memref<128xi32, #tpu.memory_space<hbm>>
      %dma_wait3A_415 = arith.constant 0 : i32
      %dma_wait3A_416 = tpu.memref_slice %arg3[%add3A, %add3A_411, %dma_wait3A_415] : memref<32x80x128xi32, #tpu.memory_space<hbm>> -> memref<1x1x128xi32, #tpu.memory_space<hbm>>
      %dma_wait3A_417 = tpu.memref_squeeze %dma_wait3A_416 : memref<1x1x128xi32, #tpu.memory_space<hbm>> -> memref<128xi32, #tpu.memory_space<hbm>>
      tpu.wait_dma2 semaphore(%arg29 : memref<!tpu.dma_semaphore, #tpu.memory_space<semaphore_mem>>) src(%dma_wait3A_417 : memref<128xi32, #tpu.memory_space<hbm>>) dst(%arg10 : memref<128xi32, #tpu.memory_space<vmem>>)
      %dma_wait3A_418 = arith.constant 0 : i32
      %dma_wait3A_419 = tpu.memref_slice %arg4[%add3A, %add3A_411, %dma_wait3A_418] : memref<32x80x128xi32, #tpu.memory_space<hbm>> -> memref<1x1x128xi32, #tpu.memory_space<hbm>>
      %dma_wait3A_420 = tpu.memref_squeeze %dma_wait3A_419 : memref<1x1x128xi32, #tpu.memory_space<hbm>> -> memref<128xi32, #tpu.memory_space<hbm>>
      %dma_wait3A_421 = arith.constant 0 : i32
      %dma_wait3A_422 = tpu.memref_slice %arg4[%add3A, %add3A_411, %dma_wait3A_421] : memref<32x80x128xi32, #tpu.memory_space<hbm>> -> memref<1x1x128xi32, #tpu.memory_space<hbm>>
      %dma_wait3A_423 = tpu.memref_squeeze %dma_wait3A_422 : memref<1x1x128xi32, #tpu.memory_space<hbm>> -> memref<128xi32, #tpu.memory_space<hbm>>
      tpu.wait_dma2 semaphore(%arg29 : memref<!tpu.dma_semaphore, #tpu.memory_space<semaphore_mem>>) src(%dma_wait3A_423 : memref<128xi32, #tpu.memory_space<hbm>>) dst(%arg18 : memref<128xi32, #tpu.memory_space<vmem>>)
      %dma_start3A_424 = arith.constant 0 : i32
      %dma_start3A_425 = arith.constant 0 : i32
      %dma_start3A_426 = tpu.memref_slice %arg2[%dma_start3A_424, %dma_start3A_425] : memref<10240x128xf32, #tpu.memory_space<hbm>> -> memref<10240x128xf32, #tpu.memory_space<hbm>>
      tpu.enqueue_indirect_dma source(%dma_start3A_426 : memref<10240x128xf32, #tpu.memory_space<hbm>>) target(%arg22 : memref<128x128xf32, #tpu.memory_space<vmem>>) offsets(%arg10 : memref<128xi32, #tpu.memory_space<vmem>>) semaphore(%arg33 : memref<!tpu.dma_semaphore, #tpu.memory_space<semaphore_mem>>)
      %add3A_427 = arith.constant 2 : i32
      %add3A_428 = arith.addi %add3A_294, %add3A_427 : i32
      %add3A_429 = arith.constant 8 : i32
      %add3A_430 = arith.addi %add3A_428, %add3A_429 : i32
      %dma_start3A_431 = arith.constant 0 : i32
      %dma_start3A_432 = tpu.memref_slice %arg3[%add3A, %add3A_430, %dma_start3A_431] : memref<32x80x128xi32, #tpu.memory_space<hbm>> -> memref<1x1x128xi32, #tpu.memory_space<hbm>>
      %dma_start3A_433 = tpu.memref_squeeze %dma_start3A_432 : memref<1x1x128xi32, #tpu.memory_space<hbm>> -> memref<128xi32, #tpu.memory_space<hbm>>
      %dma_start3A_434 = arith.constant 0 : i32
      %dma_start3A_435 = tpu.memref_slice %arg3[%add3A, %add3A_430, %dma_start3A_434] : memref<32x80x128xi32, #tpu.memory_space<hbm>> -> memref<1x1x128xi32, #tpu.memory_space<hbm>>
      %dma_start3A_436 = tpu.memref_squeeze %dma_start3A_435 : memref<1x1x128xi32, #tpu.memory_space<hbm>> -> memref<128xi32, #tpu.memory_space<hbm>>
      tpu.enqueue_dma source(%dma_start3A_436 : memref<128xi32, #tpu.memory_space<hbm>>) target(%arg8 : memref<128xi32, #tpu.memory_space<vmem>>) target_semaphore(%arg27 : memref<!tpu.dma_semaphore, #tpu.memory_space<semaphore_mem>>)
      %dma_start3A_437 = arith.constant 0 : i32
      %dma_start3A_438 = tpu.memref_slice %arg4[%add3A, %add3A_430, %dma_start3A_437] : memref<32x80x128xi32, #tpu.memory_space<hbm>> -> memref<1x1x128xi32, #tpu.memory_space<hbm>>
      %dma_start3A_439 = tpu.memref_squeeze %dma_start3A_438 : memref<1x1x128xi32, #tpu.memory_space<hbm>> -> memref<128xi32, #tpu.memory_space<hbm>>
      %dma_start3A_440 = arith.constant 0 : i32
      %dma_start3A_441 = tpu.memref_slice %arg4[%add3A, %add3A_430, %dma_start3A_440] : memref<32x80x128xi32, #tpu.memory_space<hbm>> -> memref<1x1x128xi32, #tpu.memory_space<hbm>>
      %dma_start3A_442 = tpu.memref_squeeze %dma_start3A_441 : memref<1x1x128xi32, #tpu.memory_space<hbm>> -> memref<128xi32, #tpu.memory_space<hbm>>
      tpu.enqueue_dma source(%dma_start3A_442 : memref<128xi32, #tpu.memory_space<hbm>>) target(%arg16 : memref<128xi32, #tpu.memory_space<vmem>>) target_semaphore(%arg27 : memref<!tpu.dma_semaphore, #tpu.memory_space<semaphore_mem>>)
      %dma_wait3A_443 = arith.constant 0 : i32
      %dma_wait3A_444 = arith.constant 0 : i32
      %dma_wait3A_445 = tpu.memref_slice %arg2[%dma_wait3A_443, %dma_wait3A_444] : memref<10240x128xf32, #tpu.memory_space<hbm>> -> memref<10240x128xf32, #tpu.memory_space<hbm>>
      tpu.wait_indirect_dma semaphore(%arg34 : memref<!tpu.dma_semaphore, #tpu.memory_space<semaphore_mem>>) src(%dma_wait3A_445 : memref<10240x128xf32, #tpu.memory_space<hbm>>) dst(%arg23 : memref<128x128xf32, #tpu.memory_space<vmem>>)
      "tpu.region"() ({
        %run_scoped3A = tpu.sem_alloc : memref<!tpu.dma_semaphore, #tpu.memory_space<semaphore_mem>>
        %dma_start3A_595 = arith.constant 0 : i32
        %dma_start3A_596 = arith.constant 0 : i32
        %dma_start3A_597 = tpu.memref_slice %arg24[%dma_start3A_595, %dma_start3A_596] : memref<10240x128xf32, #tpu.memory_space<vmem_shared>> -> memref<10240x128xf32, #tpu.memory_space<vmem_shared>>
        tpu.enqueue_indirect_dma source(%arg23 : memref<128x128xf32, #tpu.memory_space<vmem>>) target(%dma_start3A_597 : memref<10240x128xf32, #tpu.memory_space<vmem_shared>>) offsets(%arg17 : memref<128xi32, #tpu.memory_space<vmem>>) semaphore(%run_scoped3A : memref<!tpu.dma_semaphore, #tpu.memory_space<semaphore_mem>>) {add = true}
        %dma_wait3A_598 = arith.constant 0 : i32
        %dma_wait3A_599 = arith.constant 0 : i32
        %dma_wait3A_600 = tpu.memref_slice %arg24[%dma_wait3A_598, %dma_wait3A_599] : memref<10240x128xf32, #tpu.memory_space<vmem_shared>> -> memref<10240x128xf32, #tpu.memory_space<vmem_shared>>
        tpu.wait_indirect_dma semaphore(%run_scoped3A : memref<!tpu.dma_semaphore, #tpu.memory_space<semaphore_mem>>) src(%arg23 : memref<128x128xf32, #tpu.memory_space<vmem>>) dst(%dma_wait3A_600 : memref<10240x128xf32, #tpu.memory_space<vmem_shared>>)
        tpu.yield
      }) : () -> ()
      %add3A_446 = arith.constant 3 : i32
      %add3A_447 = arith.addi %add3A_294, %add3A_446 : i32
      %add3A_448 = arith.constant 2 : i32
      %add3A_449 = arith.addi %add3A_447, %add3A_448 : i32
      %dma_wait3A_450 = arith.constant 0 : i32
      %dma_wait3A_451 = tpu.memref_slice %arg3[%add3A, %add3A_449, %dma_wait3A_450] : memref<32x80x128xi32, #tpu.memory_space<hbm>> -> memref<1x1x128xi32, #tpu.memory_space<hbm>>
      %dma_wait3A_452 = tpu.memref_squeeze %dma_wait3A_451 : memref<1x1x128xi32, #tpu.memory_space<hbm>> -> memref<128xi32, #tpu.memory_space<hbm>>
      %dma_wait3A_453 = arith.constant 0 : i32
      %dma_wait3A_454 = tpu.memref_slice %arg3[%add3A, %add3A_449, %dma_wait3A_453] : memref<32x80x128xi32, #tpu.memory_space<hbm>> -> memref<1x1x128xi32, #tpu.memory_space<hbm>>
      %dma_wait3A_455 = tpu.memref_squeeze %dma_wait3A_454 : memref<1x1x128xi32, #tpu.memory_space<hbm>> -> memref<128xi32, #tpu.memory_space<hbm>>
      tpu.wait_dma2 semaphore(%arg30 : memref<!tpu.dma_semaphore, #tpu.memory_space<semaphore_mem>>) src(%dma_wait3A_455 : memref<128xi32, #tpu.memory_space<hbm>>) dst(%arg11 : memref<128xi32, #tpu.memory_space<vmem>>)
      %dma_wait3A_456 = arith.constant 0 : i32
      %dma_wait3A_457 = tpu.memref_slice %arg4[%add3A, %add3A_449, %dma_wait3A_456] : memref<32x80x128xi32, #tpu.memory_space<hbm>> -> memref<1x1x128xi32, #tpu.memory_space<hbm>>
      %dma_wait3A_458 = tpu.memref_squeeze %dma_wait3A_457 : memref<1x1x128xi32, #tpu.memory_space<hbm>> -> memref<128xi32, #tpu.memory_space<hbm>>
      %dma_wait3A_459 = arith.constant 0 : i32
      %dma_wait3A_460 = tpu.memref_slice %arg4[%add3A, %add3A_449, %dma_wait3A_459] : memref<32x80x128xi32, #tpu.memory_space<hbm>> -> memref<1x1x128xi32, #tpu.memory_space<hbm>>
      %dma_wait3A_461 = tpu.memref_squeeze %dma_wait3A_460 : memref<1x1x128xi32, #tpu.memory_space<hbm>> -> memref<128xi32, #tpu.memory_space<hbm>>
      tpu.wait_dma2 semaphore(%arg30 : memref<!tpu.dma_semaphore, #tpu.memory_space<semaphore_mem>>) src(%dma_wait3A_461 : memref<128xi32, #tpu.memory_space<hbm>>) dst(%arg19 : memref<128xi32, #tpu.memory_space<vmem>>)
      %dma_start3A_462 = arith.constant 0 : i32
      %dma_start3A_463 = arith.constant 0 : i32
      %dma_start3A_464 = tpu.memref_slice %arg2[%dma_start3A_462, %dma_start3A_463] : memref<10240x128xf32, #tpu.memory_space<hbm>> -> memref<10240x128xf32, #tpu.memory_space<hbm>>
      tpu.enqueue_indirect_dma source(%dma_start3A_464 : memref<10240x128xf32, #tpu.memory_space<hbm>>) target(%arg23 : memref<128x128xf32, #tpu.memory_space<vmem>>) offsets(%arg11 : memref<128xi32, #tpu.memory_space<vmem>>) semaphore(%arg34 : memref<!tpu.dma_semaphore, #tpu.memory_space<semaphore_mem>>)
      %add3A_465 = arith.constant 3 : i32
      %add3A_466 = arith.addi %add3A_294, %add3A_465 : i32
      %add3A_467 = arith.constant 8 : i32
      %add3A_468 = arith.addi %add3A_466, %add3A_467 : i32
      %dma_start3A_469 = arith.constant 0 : i32
      %dma_start3A_470 = tpu.memref_slice %arg3[%add3A, %add3A_468, %dma_start3A_469] : memref<32x80x128xi32, #tpu.memory_space<hbm>> -> memref<1x1x128xi32, #tpu.memory_space<hbm>>
      %dma_start3A_471 = tpu.memref_squeeze %dma_start3A_470 : memref<1x1x128xi32, #tpu.memory_space<hbm>> -> memref<128xi32, #tpu.memory_space<hbm>>
      %dma_start3A_472 = arith.constant 0 : i32
      %dma_start3A_473 = tpu.memref_slice %arg3[%add3A, %add3A_468, %dma_start3A_472] : memref<32x80x128xi32, #tpu.memory_space<hbm>> -> memref<1x1x128xi32, #tpu.memory_space<hbm>>
      %dma_start3A_474 = tpu.memref_squeeze %dma_start3A_473 : memref<1x1x128xi32, #tpu.memory_space<hbm>> -> memref<128xi32, #tpu.memory_space<hbm>>
      tpu.enqueue_dma source(%dma_start3A_474 : memref<128xi32, #tpu.memory_space<hbm>>) target(%arg9 : memref<128xi32, #tpu.memory_space<vmem>>) target_semaphore(%arg28 : memref<!tpu.dma_semaphore, #tpu.memory_space<semaphore_mem>>)
      %dma_start3A_475 = arith.constant 0 : i32
      %dma_start3A_476 = tpu.memref_slice %arg4[%add3A, %add3A_468, %dma_start3A_475] : memref<32x80x128xi32, #tpu.memory_space<hbm>> -> memref<1x1x128xi32, #tpu.memory_space<hbm>>
      %dma_start3A_477 = tpu.memref_squeeze %dma_start3A_476 : memref<1x1x128xi32, #tpu.memory_space<hbm>> -> memref<128xi32, #tpu.memory_space<hbm>>
      %dma_start3A_478 = arith.constant 0 : i32
      %dma_start3A_479 = tpu.memref_slice %arg4[%add3A, %add3A_468, %dma_start3A_478] : memref<32x80x128xi32, #tpu.memory_space<hbm>> -> memref<1x1x128xi32, #tpu.memory_space<hbm>>
      %dma_start3A_480 = tpu.memref_squeeze %dma_start3A_479 : memref<1x1x128xi32, #tpu.memory_space<hbm>> -> memref<128xi32, #tpu.memory_space<hbm>>
      tpu.enqueue_dma source(%dma_start3A_480 : memref<128xi32, #tpu.memory_space<hbm>>) target(%arg17 : memref<128xi32, #tpu.memory_space<vmem>>) target_semaphore(%arg28 : memref<!tpu.dma_semaphore, #tpu.memory_space<semaphore_mem>>)
      %dma_wait3A_481 = arith.constant 0 : i32
      %dma_wait3A_482 = arith.constant 0 : i32
      %dma_wait3A_483 = tpu.memref_slice %arg2[%dma_wait3A_481, %dma_wait3A_482] : memref<10240x128xf32, #tpu.memory_space<hbm>> -> memref<10240x128xf32, #tpu.memory_space<hbm>>
      tpu.wait_indirect_dma semaphore(%arg33 : memref<!tpu.dma_semaphore, #tpu.memory_space<semaphore_mem>>) src(%dma_wait3A_483 : memref<10240x128xf32, #tpu.memory_space<hbm>>) dst(%arg22 : memref<128x128xf32, #tpu.memory_space<vmem>>)
      "tpu.region"() ({
        %run_scoped3A = tpu.sem_alloc : memref<!tpu.dma_semaphore, #tpu.memory_space<semaphore_mem>>
        %dma_start3A_595 = arith.constant 0 : i32
        %dma_start3A_596 = arith.constant 0 : i32
        %dma_start3A_597 = tpu.memref_slice %arg24[%dma_start3A_595, %dma_start3A_596] : memref<10240x128xf32, #tpu.memory_space<vmem_shared>> -> memref<10240x128xf32, #tpu.memory_space<vmem_shared>>
        tpu.enqueue_indirect_dma source(%arg22 : memref<128x128xf32, #tpu.memory_space<vmem>>) target(%dma_start3A_597 : memref<10240x128xf32, #tpu.memory_space<vmem_shared>>) offsets(%arg18 : memref<128xi32, #tpu.memory_space<vmem>>) semaphore(%run_scoped3A : memref<!tpu.dma_semaphore, #tpu.memory_space<semaphore_mem>>) {add = true}
        %dma_wait3A_598 = arith.constant 0 : i32
        %dma_wait3A_599 = arith.constant 0 : i32
        %dma_wait3A_600 = tpu.memref_slice %arg24[%dma_wait3A_598, %dma_wait3A_599] : memref<10240x128xf32, #tpu.memory_space<vmem_shared>> -> memref<10240x128xf32, #tpu.memory_space<vmem_shared>>
        tpu.wait_indirect_dma semaphore(%run_scoped3A : memref<!tpu.dma_semaphore, #tpu.memory_space<semaphore_mem>>) src(%arg22 : memref<128x128xf32, #tpu.memory_space<vmem>>) dst(%dma_wait3A_600 : memref<10240x128xf32, #tpu.memory_space<vmem_shared>>)
        tpu.yield
      }) : () -> ()
      %add3A_484 = arith.constant 4 : i32
      %add3A_485 = arith.addi %add3A_294, %add3A_484 : i32
      %add3A_486 = arith.constant 2 : i32
      %add3A_487 = arith.addi %add3A_485, %add3A_486 : i32
      %dma_wait3A_488 = arith.constant 0 : i32
      %dma_wait3A_489 = tpu.memref_slice %arg3[%add3A, %add3A_487, %dma_wait3A_488] : memref<32x80x128xi32, #tpu.memory_space<hbm>> -> memref<1x1x128xi32, #tpu.memory_space<hbm>>
      %dma_wait3A_490 = tpu.memref_squeeze %dma_wait3A_489 : memref<1x1x128xi32, #tpu.memory_space<hbm>> -> memref<128xi32, #tpu.memory_space<hbm>>
      %dma_wait3A_491 = arith.constant 0 : i32
      %dma_wait3A_492 = tpu.memref_slice %arg3[%add3A, %add3A_487, %dma_wait3A_491] : memref<32x80x128xi32, #tpu.memory_space<hbm>> -> memref<1x1x128xi32, #tpu.memory_space<hbm>>
      %dma_wait3A_493 = tpu.memref_squeeze %dma_wait3A_492 : memref<1x1x128xi32, #tpu.memory_space<hbm>> -> memref<128xi32, #tpu.memory_space<hbm>>
      tpu.wait_dma2 semaphore(%arg31 : memref<!tpu.dma_semaphore, #tpu.memory_space<semaphore_mem>>) src(%dma_wait3A_493 : memref<128xi32, #tpu.memory_space<hbm>>) dst(%arg12 : memref<128xi32, #tpu.memory_space<vmem>>)
      %dma_wait3A_494 = arith.constant 0 : i32
      %dma_wait3A_495 = tpu.memref_slice %arg4[%add3A, %add3A_487, %dma_wait3A_494] : memref<32x80x128xi32, #tpu.memory_space<hbm>> -> memref<1x1x128xi32, #tpu.memory_space<hbm>>
      %dma_wait3A_496 = tpu.memref_squeeze %dma_wait3A_495 : memref<1x1x128xi32, #tpu.memory_space<hbm>> -> memref<128xi32, #tpu.memory_space<hbm>>
      %dma_wait3A_497 = arith.constant 0 : i32
      %dma_wait3A_498 = tpu.memref_slice %arg4[%add3A, %add3A_487, %dma_wait3A_497] : memref<32x80x128xi32, #tpu.memory_space<hbm>> -> memref<1x1x128xi32, #tpu.memory_space<hbm>>
      %dma_wait3A_499 = tpu.memref_squeeze %dma_wait3A_498 : memref<1x1x128xi32, #tpu.memory_space<hbm>> -> memref<128xi32, #tpu.memory_space<hbm>>
      tpu.wait_dma2 semaphore(%arg31 : memref<!tpu.dma_semaphore, #tpu.memory_space<semaphore_mem>>) src(%dma_wait3A_499 : memref<128xi32, #tpu.memory_space<hbm>>) dst(%arg20 : memref<128xi32, #tpu.memory_space<vmem>>)
      %dma_start3A_500 = arith.constant 0 : i32
      %dma_start3A_501 = arith.constant 0 : i32
      %dma_start3A_502 = tpu.memref_slice %arg2[%dma_start3A_500, %dma_start3A_501] : memref<10240x128xf32, #tpu.memory_space<hbm>> -> memref<10240x128xf32, #tpu.memory_space<hbm>>
      tpu.enqueue_indirect_dma source(%dma_start3A_502 : memref<10240x128xf32, #tpu.memory_space<hbm>>) target(%arg22 : memref<128x128xf32, #tpu.memory_space<vmem>>) offsets(%arg12 : memref<128xi32, #tpu.memory_space<vmem>>) semaphore(%arg33 : memref<!tpu.dma_semaphore, #tpu.memory_space<semaphore_mem>>)
      %add3A_503 = arith.constant 4 : i32
      %add3A_504 = arith.addi %add3A_294, %add3A_503 : i32
      %add3A_505 = arith.constant 8 : i32
      %add3A_506 = arith.addi %add3A_504, %add3A_505 : i32
      %dma_start3A_507 = arith.constant 0 : i32
      %dma_start3A_508 = tpu.memref_slice %arg3[%add3A, %add3A_506, %dma_start3A_507] : memref<32x80x128xi32, #tpu.memory_space<hbm>> -> memref<1x1x128xi32, #tpu.memory_space<hbm>>
      %dma_start3A_509 = tpu.memref_squeeze %dma_start3A_508 : memref<1x1x128xi32, #tpu.memory_space<hbm>> -> memref<128xi32, #tpu.memory_space<hbm>>
      %dma_start3A_510 = arith.constant 0 : i32
      %dma_start3A_511 = tpu.memref_slice %arg3[%add3A, %add3A_506, %dma_start3A_510] : memref<32x80x128xi32, #tpu.memory_space<hbm>> -> memref<1x1x128xi32, #tpu.memory_space<hbm>>
      %dma_start3A_512 = tpu.memref_squeeze %dma_start3A_511 : memref<1x1x128xi32, #tpu.memory_space<hbm>> -> memref<128xi32, #tpu.memory_space<hbm>>
      tpu.enqueue_dma source(%dma_start3A_512 : memref<128xi32, #tpu.memory_space<hbm>>) target(%arg10 : memref<128xi32, #tpu.memory_space<vmem>>) target_semaphore(%arg29 : memref<!tpu.dma_semaphore, #tpu.memory_space<semaphore_mem>>)
      %dma_start3A_513 = arith.constant 0 : i32
      %dma_start3A_514 = tpu.memref_slice %arg4[%add3A, %add3A_506, %dma_start3A_513] : memref<32x80x128xi32, #tpu.memory_space<hbm>> -> memref<1x1x128xi32, #tpu.memory_space<hbm>>
      %dma_start3A_515 = tpu.memref_squeeze %dma_start3A_514 : memref<1x1x128xi32, #tpu.memory_space<hbm>> -> memref<128xi32, #tpu.memory_space<hbm>>
      %dma_start3A_516 = arith.constant 0 : i32
      %dma_start3A_517 = tpu.memref_slice %arg4[%add3A, %add3A_506, %dma_start3A_516] : memref<32x80x128xi32, #tpu.memory_space<hbm>> -> memref<1x1x128xi32, #tpu.memory_space<hbm>>
      %dma_start3A_518 = tpu.memref_squeeze %dma_start3A_517 : memref<1x1x128xi32, #tpu.memory_space<hbm>> -> memref<128xi32, #tpu.memory_space<hbm>>
      tpu.enqueue_dma source(%dma_start3A_518 : memref<128xi32, #tpu.memory_space<hbm>>) target(%arg18 : memref<128xi32, #tpu.memory_space<vmem>>) target_semaphore(%arg29 : memref<!tpu.dma_semaphore, #tpu.memory_space<semaphore_mem>>)
      %dma_wait3A_519 = arith.constant 0 : i32
      %dma_wait3A_520 = arith.constant 0 : i32
      %dma_wait3A_521 = tpu.memref_slice %arg2[%dma_wait3A_519, %dma_wait3A_520] : memref<10240x128xf32, #tpu.memory_space<hbm>> -> memref<10240x128xf32, #tpu.memory_space<hbm>>
      tpu.wait_indirect_dma semaphore(%arg34 : memref<!tpu.dma_semaphore, #tpu.memory_space<semaphore_mem>>) src(%dma_wait3A_521 : memref<10240x128xf32, #tpu.memory_space<hbm>>) dst(%arg23 : memref<128x128xf32, #tpu.memory_space<vmem>>)
      "tpu.region"() ({
        %run_scoped3A = tpu.sem_alloc : memref<!tpu.dma_semaphore, #tpu.memory_space<semaphore_mem>>
        %dma_start3A_595 = arith.constant 0 : i32
        %dma_start3A_596 = arith.constant 0 : i32
        %dma_start3A_597 = tpu.memref_slice %arg24[%dma_start3A_595, %dma_start3A_596] : memref<10240x128xf32, #tpu.memory_space<vmem_shared>> -> memref<10240x128xf32, #tpu.memory_space<vmem_shared>>
        tpu.enqueue_indirect_dma source(%arg23 : memref<128x128xf32, #tpu.memory_space<vmem>>) target(%dma_start3A_597 : memref<10240x128xf32, #tpu.memory_space<vmem_shared>>) offsets(%arg19 : memref<128xi32, #tpu.memory_space<vmem>>) semaphore(%run_scoped3A : memref<!tpu.dma_semaphore, #tpu.memory_space<semaphore_mem>>) {add = true}
        %dma_wait3A_598 = arith.constant 0 : i32
        %dma_wait3A_599 = arith.constant 0 : i32
        %dma_wait3A_600 = tpu.memref_slice %arg24[%dma_wait3A_598, %dma_wait3A_599] : memref<10240x128xf32, #tpu.memory_space<vmem_shared>> -> memref<10240x128xf32, #tpu.memory_space<vmem_shared>>
        tpu.wait_indirect_dma semaphore(%run_scoped3A : memref<!tpu.dma_semaphore, #tpu.memory_space<semaphore_mem>>) src(%arg23 : memref<128x128xf32, #tpu.memory_space<vmem>>) dst(%dma_wait3A_600 : memref<10240x128xf32, #tpu.memory_space<vmem_shared>>)
        tpu.yield
      }) : () -> ()
      %add3A_522 = arith.constant 5 : i32
      %add3A_523 = arith.addi %add3A_294, %add3A_522 : i32
      %add3A_524 = arith.constant 2 : i32
      %add3A_525 = arith.addi %add3A_523, %add3A_524 : i32
      %dma_wait3A_526 = arith.constant 0 : i32
      %dma_wait3A_527 = tpu.memref_slice %arg3[%add3A, %add3A_525, %dma_wait3A_526] : memref<32x80x128xi32, #tpu.memory_space<hbm>> -> memref<1x1x128xi32, #tpu.memory_space<hbm>>
      %dma_wait3A_528 = tpu.memref_squeeze %dma_wait3A_527 : memref<1x1x128xi32, #tpu.memory_space<hbm>> -> memref<128xi32, #tpu.memory_space<hbm>>
      %dma_wait3A_529 = arith.constant 0 : i32
      %dma_wait3A_530 = tpu.memref_slice %arg3[%add3A, %add3A_525, %dma_wait3A_529] : memref<32x80x128xi32, #tpu.memory_space<hbm>> -> memref<1x1x128xi32, #tpu.memory_space<hbm>>
      %dma_wait3A_531 = tpu.memref_squeeze %dma_wait3A_530 : memref<1x1x128xi32, #tpu.memory_space<hbm>> -> memref<128xi32, #tpu.memory_space<hbm>>
      tpu.wait_dma2 semaphore(%arg32 : memref<!tpu.dma_semaphore, #tpu.memory_space<semaphore_mem>>) src(%dma_wait3A_531 : memref<128xi32, #tpu.memory_space<hbm>>) dst(%arg13 : memref<128xi32, #tpu.memory_space<vmem>>)
      %dma_wait3A_532 = arith.constant 0 : i32
      %dma_wait3A_533 = tpu.memref_slice %arg4[%add3A, %add3A_525, %dma_wait3A_532] : memref<32x80x128xi32, #tpu.memory_space<hbm>> -> memref<1x1x128xi32, #tpu.memory_space<hbm>>
      %dma_wait3A_534 = tpu.memref_squeeze %dma_wait3A_533 : memref<1x1x128xi32, #tpu.memory_space<hbm>> -> memref<128xi32, #tpu.memory_space<hbm>>
      %dma_wait3A_535 = arith.constant 0 : i32
      %dma_wait3A_536 = tpu.memref_slice %arg4[%add3A, %add3A_525, %dma_wait3A_535] : memref<32x80x128xi32, #tpu.memory_space<hbm>> -> memref<1x1x128xi32, #tpu.memory_space<hbm>>
      %dma_wait3A_537 = tpu.memref_squeeze %dma_wait3A_536 : memref<1x1x128xi32, #tpu.memory_space<hbm>> -> memref<128xi32, #tpu.memory_space<hbm>>
      tpu.wait_dma2 semaphore(%arg32 : memref<!tpu.dma_semaphore, #tpu.memory_space<semaphore_mem>>) src(%dma_wait3A_537 : memref<128xi32, #tpu.memory_space<hbm>>) dst(%arg21 : memref<128xi32, #tpu.memory_space<vmem>>)
      %dma_start3A_538 = arith.constant 0 : i32
      %dma_start3A_539 = arith.constant 0 : i32
      %dma_start3A_540 = tpu.memref_slice %arg2[%dma_start3A_538, %dma_start3A_539] : memref<10240x128xf32, #tpu.memory_space<hbm>> -> memref<10240x128xf32, #tpu.memory_space<hbm>>
      tpu.enqueue_indirect_dma source(%dma_start3A_540 : memref<10240x128xf32, #tpu.memory_space<hbm>>) target(%arg23 : memref<128x128xf32, #tpu.memory_space<vmem>>) offsets(%arg13 : memref<128xi32, #tpu.memory_space<vmem>>) semaphore(%arg34 : memref<!tpu.dma_semaphore, #tpu.memory_space<semaphore_mem>>)
      %add3A_541 = arith.constant 5 : i32
      %add3A_542 = arith.addi %add3A_294, %add3A_541 : i32
      %add3A_543 = arith.constant 8 : i32
      %add3A_544 = arith.addi %add3A_542, %add3A_543 : i32
      %dma_start3A_545 = arith.constant 0 : i32
      %dma_start3A_546 = tpu.memref_slice %arg3[%add3A, %add3A_544, %dma_start3A_545] : memref<32x80x128xi32, #tpu.memory_space<hbm>> -> memref<1x1x128xi32, #tpu.memory_space<hbm>>
      %dma_start3A_547 = tpu.memref_squeeze %dma_start3A_546 : memref<1x1x128xi32, #tpu.memory_space<hbm>> -> memref<128xi32, #tpu.memory_space<hbm>>
      %dma_start3A_548 = arith.constant 0 : i32
      %dma_start3A_549 = tpu.memref_slice %arg3[%add3A, %add3A_544, %dma_start3A_548] : memref<32x80x128xi32, #tpu.memory_space<hbm>> -> memref<1x1x128xi32, #tpu.memory_space<hbm>>
      %dma_start3A_550 = tpu.memref_squeeze %dma_start3A_549 : memref<1x1x128xi32, #tpu.memory_space<hbm>> -> memref<128xi32, #tpu.memory_space<hbm>>
      tpu.enqueue_dma source(%dma_start3A_550 : memref<128xi32, #tpu.memory_space<hbm>>) target(%arg11 : memref<128xi32, #tpu.memory_space<vmem>>) target_semaphore(%arg30 : memref<!tpu.dma_semaphore, #tpu.memory_space<semaphore_mem>>)
      %dma_start3A_551 = arith.constant 0 : i32
      %dma_start3A_552 = tpu.memref_slice %arg4[%add3A, %add3A_544, %dma_start3A_551] : memref<32x80x128xi32, #tpu.memory_space<hbm>> -> memref<1x1x128xi32, #tpu.memory_space<hbm>>
      %dma_start3A_553 = tpu.memref_squeeze %dma_start3A_552 : memref<1x1x128xi32, #tpu.memory_space<hbm>> -> memref<128xi32, #tpu.memory_space<hbm>>
      %dma_start3A_554 = arith.constant 0 : i32
      %dma_start3A_555 = tpu.memref_slice %arg4[%add3A, %add3A_544, %dma_start3A_554] : memref<32x80x128xi32, #tpu.memory_space<hbm>> -> memref<1x1x128xi32, #tpu.memory_space<hbm>>
      %dma_start3A_556 = tpu.memref_squeeze %dma_start3A_555 : memref<1x1x128xi32, #tpu.memory_space<hbm>> -> memref<128xi32, #tpu.memory_space<hbm>>
      tpu.enqueue_dma source(%dma_start3A_556 : memref<128xi32, #tpu.memory_space<hbm>>) target(%arg19 : memref<128xi32, #tpu.memory_space<vmem>>) target_semaphore(%arg30 : memref<!tpu.dma_semaphore, #tpu.memory_space<semaphore_mem>>)
      %dma_wait3A_557 = arith.constant 0 : i32
      %dma_wait3A_558 = arith.constant 0 : i32
      %dma_wait3A_559 = tpu.memref_slice %arg2[%dma_wait3A_557, %dma_wait3A_558] : memref<10240x128xf32, #tpu.memory_space<hbm>> -> memref<10240x128xf32, #tpu.memory_space<hbm>>
      tpu.wait_indirect_dma semaphore(%arg33 : memref<!tpu.dma_semaphore, #tpu.memory_space<semaphore_mem>>) src(%dma_wait3A_559 : memref<10240x128xf32, #tpu.memory_space<hbm>>) dst(%arg22 : memref<128x128xf32, #tpu.memory_space<vmem>>)
      "tpu.region"() ({
        %run_scoped3A = tpu.sem_alloc : memref<!tpu.dma_semaphore, #tpu.memory_space<semaphore_mem>>
        %dma_start3A_595 = arith.constant 0 : i32
        %dma_start3A_596 = arith.constant 0 : i32
        %dma_start3A_597 = tpu.memref_slice %arg24[%dma_start3A_595, %dma_start3A_596] : memref<10240x128xf32, #tpu.memory_space<vmem_shared>> -> memref<10240x128xf32, #tpu.memory_space<vmem_shared>>
        tpu.enqueue_indirect_dma source(%arg22 : memref<128x128xf32, #tpu.memory_space<vmem>>) target(%dma_start3A_597 : memref<10240x128xf32, #tpu.memory_space<vmem_shared>>) offsets(%arg20 : memref<128xi32, #tpu.memory_space<vmem>>) semaphore(%run_scoped3A : memref<!tpu.dma_semaphore, #tpu.memory_space<semaphore_mem>>) {add = true}
        %dma_wait3A_598 = arith.constant 0 : i32
        %dma_wait3A_599 = arith.constant 0 : i32
        %dma_wait3A_600 = tpu.memref_slice %arg24[%dma_wait3A_598, %dma_wait3A_599] : memref<10240x128xf32, #tpu.memory_space<vmem_shared>> -> memref<10240x128xf32, #tpu.memory_space<vmem_shared>>
        tpu.wait_indirect_dma semaphore(%run_scoped3A : memref<!tpu.dma_semaphore, #tpu.memory_space<semaphore_mem>>) src(%arg22 : memref<128x128xf32, #tpu.memory_space<vmem>>) dst(%dma_wait3A_600 : memref<10240x128xf32, #tpu.memory_space<vmem_shared>>)
        tpu.yield
      }) : () -> ()
      %add3A_560 = arith.constant 6 : i32
      %add3A_561 = arith.addi %add3A_294, %add3A_560 : i32
      %add3A_562 = arith.constant 8 : i32
      %add3A_563 = arith.addi %add3A_561, %add3A_562 : i32
      %dma_start3A_564 = arith.constant 0 : i32
      %dma_start3A_565 = tpu.memref_slice %arg3[%add3A, %add3A_563, %dma_start3A_564] : memref<32x80x128xi32, #tpu.memory_space<hbm>> -> memref<1x1x128xi32, #tpu.memory_space<hbm>>
      %dma_start3A_566 = tpu.memref_squeeze %dma_start3A_565 : memref<1x1x128xi32, #tpu.memory_space<hbm>> -> memref<128xi32, #tpu.memory_space<hbm>>
      %dma_start3A_567 = arith.constant 0 : i32
      %dma_start3A_568 = tpu.memref_slice %arg3[%add3A, %add3A_563, %dma_start3A_567] : memref<32x80x128xi32, #tpu.memory_space<hbm>> -> memref<1x1x128xi32, #tpu.memory_space<hbm>>
      %dma_start3A_569 = tpu.memref_squeeze %dma_start3A_568 : memref<1x1x128xi32, #tpu.memory_space<hbm>> -> memref<128xi32, #tpu.memory_space<hbm>>
      tpu.enqueue_dma source(%dma_start3A_569 : memref<128xi32, #tpu.memory_space<hbm>>) target(%arg12 : memref<128xi32, #tpu.memory_space<vmem>>) target_semaphore(%arg31 : memref<!tpu.dma_semaphore, #tpu.memory_space<semaphore_mem>>)
      %dma_start3A_570 = arith.constant 0 : i32
      %dma_start3A_571 = tpu.memref_slice %arg4[%add3A, %add3A_563, %dma_start3A_570] : memref<32x80x128xi32, #tpu.memory_space<hbm>> -> memref<1x1x128xi32, #tpu.memory_space<hbm>>
      %dma_start3A_572 = tpu.memref_squeeze %dma_start3A_571 : memref<1x1x128xi32, #tpu.memory_space<hbm>> -> memref<128xi32, #tpu.memory_space<hbm>>
      %dma_start3A_573 = arith.constant 0 : i32
      %dma_start3A_574 = tpu.memref_slice %arg4[%add3A, %add3A_563, %dma_start3A_573] : memref<32x80x128xi32, #tpu.memory_space<hbm>> -> memref<1x1x128xi32, #tpu.memory_space<hbm>>
      %dma_start3A_575 = tpu.memref_squeeze %dma_start3A_574 : memref<1x1x128xi32, #tpu.memory_space<hbm>> -> memref<128xi32, #tpu.memory_space<hbm>>
      tpu.enqueue_dma source(%dma_start3A_575 : memref<128xi32, #tpu.memory_space<hbm>>) target(%arg20 : memref<128xi32, #tpu.memory_space<vmem>>) target_semaphore(%arg31 : memref<!tpu.dma_semaphore, #tpu.memory_space<semaphore_mem>>)
      %dma_wait3A_576 = arith.constant 0 : i32
      %dma_wait3A_577 = arith.constant 0 : i32
      %dma_wait3A_578 = tpu.memref_slice %arg2[%dma_wait3A_576, %dma_wait3A_577] : memref<10240x128xf32, #tpu.memory_space<hbm>> -> memref<10240x128xf32, #tpu.memory_space<hbm>>
      tpu.wait_indirect_dma semaphore(%arg34 : memref<!tpu.dma_semaphore, #tpu.memory_space<semaphore_mem>>) src(%dma_wait3A_578 : memref<10240x128xf32, #tpu.memory_space<hbm>>) dst(%arg23 : memref<128x128xf32, #tpu.memory_space<vmem>>)
      "tpu.region"() ({
        %run_scoped3A = tpu.sem_alloc : memref<!tpu.dma_semaphore, #tpu.memory_space<semaphore_mem>>
        %dma_start3A_595 = arith.constant 0 : i32
        %dma_start3A_596 = arith.constant 0 : i32
        %dma_start3A_597 = tpu.memref_slice %arg24[%dma_start3A_595, %dma_start3A_596] : memref<10240x128xf32, #tpu.memory_space<vmem_shared>> -> memref<10240x128xf32, #tpu.memory_space<vmem_shared>>
        tpu.enqueue_indirect_dma source(%arg23 : memref<128x128xf32, #tpu.memory_space<vmem>>) target(%dma_start3A_597 : memref<10240x128xf32, #tpu.memory_space<vmem_shared>>) offsets(%arg21 : memref<128xi32, #tpu.memory_space<vmem>>) semaphore(%run_scoped3A : memref<!tpu.dma_semaphore, #tpu.memory_space<semaphore_mem>>) {add = true}
        %dma_wait3A_598 = arith.constant 0 : i32
        %dma_wait3A_599 = arith.constant 0 : i32
        %dma_wait3A_600 = tpu.memref_slice %arg24[%dma_wait3A_598, %dma_wait3A_599] : memref<10240x128xf32, #tpu.memory_space<vmem_shared>> -> memref<10240x128xf32, #tpu.memory_space<vmem_shared>>
        tpu.wait_indirect_dma semaphore(%run_scoped3A : memref<!tpu.dma_semaphore, #tpu.memory_space<semaphore_mem>>) src(%arg23 : memref<128x128xf32, #tpu.memory_space<vmem>>) dst(%dma_wait3A_600 : memref<10240x128xf32, #tpu.memory_space<vmem_shared>>)
        tpu.yield
      }) : () -> ()
      %add3A_579 = arith.constant 7 : i32
      %add3A_580 = arith.addi %add3A_294, %add3A_579 : i32
      %add3A_581 = arith.constant 8 : i32
      %add3A_582 = arith.addi %add3A_580, %add3A_581 : i32
      %dma_start3A_583 = arith.constant 0 : i32
      %dma_start3A_584 = tpu.memref_slice %arg3[%add3A, %add3A_582, %dma_start3A_583] : memref<32x80x128xi32, #tpu.memory_space<hbm>> -> memref<1x1x128xi32, #tpu.memory_space<hbm>>
      %dma_start3A_585 = tpu.memref_squeeze %dma_start3A_584 : memref<1x1x128xi32, #tpu.memory_space<hbm>> -> memref<128xi32, #tpu.memory_space<hbm>>
      %dma_start3A_586 = arith.constant 0 : i32
      %dma_start3A_587 = tpu.memref_slice %arg3[%add3A, %add3A_582, %dma_start3A_586] : memref<32x80x128xi32, #tpu.memory_space<hbm>> -> memref<1x1x128xi32, #tpu.memory_space<hbm>>
      %dma_start3A_588 = tpu.memref_squeeze %dma_start3A_587 : memref<1x1x128xi32, #tpu.memory_space<hbm>> -> memref<128xi32, #tpu.memory_space<hbm>>
      tpu.enqueue_dma source(%dma_start3A_588 : memref<128xi32, #tpu.memory_space<hbm>>) target(%arg13 : memref<128xi32, #tpu.memory_space<vmem>>) target_semaphore(%arg32 : memref<!tpu.dma_semaphore, #tpu.memory_space<semaphore_mem>>)
      %dma_start3A_589 = arith.constant 0 : i32
      %dma_start3A_590 = tpu.memref_slice %arg4[%add3A, %add3A_582, %dma_start3A_589] : memref<32x80x128xi32, #tpu.memory_space<hbm>> -> memref<1x1x128xi32, #tpu.memory_space<hbm>>
      %dma_start3A_591 = tpu.memref_squeeze %dma_start3A_590 : memref<1x1x128xi32, #tpu.memory_space<hbm>> -> memref<128xi32, #tpu.memory_space<hbm>>
      %dma_start3A_592 = arith.constant 0 : i32
      %dma_start3A_593 = tpu.memref_slice %arg4[%add3A, %add3A_582, %dma_start3A_592] : memref<32x80x128xi32, #tpu.memory_space<hbm>> -> memref<1x1x128xi32, #tpu.memory_space<hbm>>
      %dma_start3A_594 = tpu.memref_squeeze %dma_start3A_593 : memref<1x1x128xi32, #tpu.memory_space<hbm>> -> memref<128xi32, #tpu.memory_space<hbm>>
      tpu.enqueue_dma source(%dma_start3A_594 : memref<128xi32, #tpu.memory_space<hbm>>) target(%arg21 : memref<128xi32, #tpu.memory_space<vmem>>) target_semaphore(%arg32 : memref<!tpu.dma_semaphore, #tpu.memory_space<semaphore_mem>>)
    }
    %scan3A_125 = arith.constant 9 : i32
    %dma_wait3A = arith.constant 72 : i32
    %dma_wait3A_126 = arith.constant 0 : i32
    %dma_wait3A_127 = tpu.memref_slice %arg3[%add3A, %dma_wait3A, %dma_wait3A_126] : memref<32x80x128xi32, #tpu.memory_space<hbm>> -> memref<1x1x128xi32, #tpu.memory_space<hbm>>
    %dma_wait3A_128 = tpu.memref_squeeze %dma_wait3A_127 : memref<1x1x128xi32, #tpu.memory_space<hbm>> -> memref<128xi32, #tpu.memory_space<hbm>>
    %dma_wait3A_129 = arith.constant 0 : i32
    %dma_wait3A_130 = tpu.memref_slice %arg3[%add3A, %dma_wait3A, %dma_wait3A_129] : memref<32x80x128xi32, #tpu.memory_space<hbm>> -> memref<1x1x128xi32, #tpu.memory_space<hbm>>
    %dma_wait3A_131 = tpu.memref_squeeze %dma_wait3A_130 : memref<1x1x128xi32, #tpu.memory_space<hbm>> -> memref<128xi32, #tpu.memory_space<hbm>>
    tpu.wait_dma2 semaphore(%arg25 : memref<!tpu.dma_semaphore, #tpu.memory_space<semaphore_mem>>) src(%dma_wait3A_131 : memref<128xi32, #tpu.memory_space<hbm>>) dst(%arg6 : memref<128xi32, #tpu.memory_space<vmem>>)
    %dma_wait3A_132 = arith.constant 72 : i32
    %dma_wait3A_133 = arith.constant 0 : i32
    %dma_wait3A_134 = tpu.memref_slice %arg4[%add3A, %dma_wait3A_132, %dma_wait3A_133] : memref<32x80x128xi32, #tpu.memory_space<hbm>> -> memref<1x1x128xi32, #tpu.memory_space<hbm>>
    %dma_wait3A_135 = tpu.memref_squeeze %dma_wait3A_134 : memref<1x1x128xi32, #tpu.memory_space<hbm>> -> memref<128xi32, #tpu.memory_space<hbm>>
    %dma_wait3A_136 = arith.constant 0 : i32
    %dma_wait3A_137 = tpu.memref_slice %arg4[%add3A, %dma_wait3A_132, %dma_wait3A_136] : memref<32x80x128xi32, #tpu.memory_space<hbm>> -> memref<1x1x128xi32, #tpu.memory_space<hbm>>
    %dma_wait3A_138 = tpu.memref_squeeze %dma_wait3A_137 : memref<1x1x128xi32, #tpu.memory_space<hbm>> -> memref<128xi32, #tpu.memory_space<hbm>>
    tpu.wait_dma2 semaphore(%arg25 : memref<!tpu.dma_semaphore, #tpu.memory_space<semaphore_mem>>) src(%dma_wait3A_138 : memref<128xi32, #tpu.memory_space<hbm>>) dst(%arg14 : memref<128xi32, #tpu.memory_space<vmem>>)
    %dma_start3A_139 = arith.constant 0 : i32
    %dma_start3A_140 = arith.constant 0 : i32
    %dma_start3A_141 = tpu.memref_slice %arg2[%dma_start3A_139, %dma_start3A_140] : memref<10240x128xf32, #tpu.memory_space<hbm>> -> memref<10240x128xf32, #tpu.memory_space<hbm>>
    tpu.enqueue_indirect_dma source(%dma_start3A_141 : memref<10240x128xf32, #tpu.memory_space<hbm>>) target(%arg22 : memref<128x128xf32, #tpu.memory_space<vmem>>) offsets(%arg6 : memref<128xi32, #tpu.memory_space<vmem>>) semaphore(%arg33 : memref<!tpu.dma_semaphore, #tpu.memory_space<semaphore_mem>>)
    %dma_wait3A_142 = arith.constant 73 : i32
    %dma_wait3A_143 = arith.constant 0 : i32
    %dma_wait3A_144 = tpu.memref_slice %arg3[%add3A, %dma_wait3A_142, %dma_wait3A_143] : memref<32x80x128xi32, #tpu.memory_space<hbm>> -> memref<1x1x128xi32, #tpu.memory_space<hbm>>
    %dma_wait3A_145 = tpu.memref_squeeze %dma_wait3A_144 : memref<1x1x128xi32, #tpu.memory_space<hbm>> -> memref<128xi32, #tpu.memory_space<hbm>>
    %dma_wait3A_146 = arith.constant 0 : i32
    %dma_wait3A_147 = tpu.memref_slice %arg3[%add3A, %dma_wait3A_142, %dma_wait3A_146] : memref<32x80x128xi32, #tpu.memory_space<hbm>> -> memref<1x1x128xi32, #tpu.memory_space<hbm>>
    %dma_wait3A_148 = tpu.memref_squeeze %dma_wait3A_147 : memref<1x1x128xi32, #tpu.memory_space<hbm>> -> memref<128xi32, #tpu.memory_space<hbm>>
    tpu.wait_dma2 semaphore(%arg26 : memref<!tpu.dma_semaphore, #tpu.memory_space<semaphore_mem>>) src(%dma_wait3A_148 : memref<128xi32, #tpu.memory_space<hbm>>) dst(%arg7 : memref<128xi32, #tpu.memory_space<vmem>>)
    %dma_wait3A_149 = arith.constant 73 : i32
    %dma_wait3A_150 = arith.constant 0 : i32
    %dma_wait3A_151 = tpu.memref_slice %arg4[%add3A, %dma_wait3A_149, %dma_wait3A_150] : memref<32x80x128xi32, #tpu.memory_space<hbm>> -> memref<1x1x128xi32, #tpu.memory_space<hbm>>
    %dma_wait3A_152 = tpu.memref_squeeze %dma_wait3A_151 : memref<1x1x128xi32, #tpu.memory_space<hbm>> -> memref<128xi32, #tpu.memory_space<hbm>>
    %dma_wait3A_153 = arith.constant 0 : i32
    %dma_wait3A_154 = tpu.memref_slice %arg4[%add3A, %dma_wait3A_149, %dma_wait3A_153] : memref<32x80x128xi32, #tpu.memory_space<hbm>> -> memref<1x1x128xi32, #tpu.memory_space<hbm>>
    %dma_wait3A_155 = tpu.memref_squeeze %dma_wait3A_154 : memref<1x1x128xi32, #tpu.memory_space<hbm>> -> memref<128xi32, #tpu.memory_space<hbm>>
    tpu.wait_dma2 semaphore(%arg26 : memref<!tpu.dma_semaphore, #tpu.memory_space<semaphore_mem>>) src(%dma_wait3A_155 : memref<128xi32, #tpu.memory_space<hbm>>) dst(%arg15 : memref<128xi32, #tpu.memory_space<vmem>>)
    %dma_start3A_156 = arith.constant 0 : i32
    %dma_start3A_157 = arith.constant 0 : i32
    %dma_start3A_158 = tpu.memref_slice %arg2[%dma_start3A_156, %dma_start3A_157] : memref<10240x128xf32, #tpu.memory_space<hbm>> -> memref<10240x128xf32, #tpu.memory_space<hbm>>
    tpu.enqueue_indirect_dma source(%dma_start3A_158 : memref<10240x128xf32, #tpu.memory_space<hbm>>) target(%arg23 : memref<128x128xf32, #tpu.memory_space<vmem>>) offsets(%arg7 : memref<128xi32, #tpu.memory_space<vmem>>) semaphore(%arg34 : memref<!tpu.dma_semaphore, #tpu.memory_space<semaphore_mem>>)
    %dma_wait3A_159 = arith.constant 0 : i32
    %dma_wait3A_160 = arith.constant 0 : i32
    %dma_wait3A_161 = tpu.memref_slice %arg2[%dma_wait3A_159, %dma_wait3A_160] : memref<10240x128xf32, #tpu.memory_space<hbm>> -> memref<10240x128xf32, #tpu.memory_space<hbm>>
    tpu.wait_indirect_dma semaphore(%arg33 : memref<!tpu.dma_semaphore, #tpu.memory_space<semaphore_mem>>) src(%dma_wait3A_161 : memref<10240x128xf32, #tpu.memory_space<hbm>>) dst(%arg22 : memref<128x128xf32, #tpu.memory_space<vmem>>)
    "tpu.region"() ({
      %run_scoped3A = tpu.sem_alloc : memref<!tpu.dma_semaphore, #tpu.memory_space<semaphore_mem>>
      %dma_start3A_290 = arith.constant 0 : i32
      %dma_start3A_291 = arith.constant 0 : i32
      %dma_start3A_292 = tpu.memref_slice %arg24[%dma_start3A_290, %dma_start3A_291] : memref<10240x128xf32, #tpu.memory_space<vmem_shared>> -> memref<10240x128xf32, #tpu.memory_space<vmem_shared>>
      tpu.enqueue_indirect_dma source(%arg22 : memref<128x128xf32, #tpu.memory_space<vmem>>) target(%dma_start3A_292 : memref<10240x128xf32, #tpu.memory_space<vmem_shared>>) offsets(%arg14 : memref<128xi32, #tpu.memory_space<vmem>>) semaphore(%run_scoped3A : memref<!tpu.dma_semaphore, #tpu.memory_space<semaphore_mem>>) {add = true}
      %dma_wait3A_293 = arith.constant 0 : i32
      %dma_wait3A_294 = arith.constant 0 : i32
      %dma_wait3A_295 = tpu.memref_slice %arg24[%dma_wait3A_293, %dma_wait3A_294] : memref<10240x128xf32, #tpu.memory_space<vmem_shared>> -> memref<10240x128xf32, #tpu.memory_space<vmem_shared>>
      tpu.wait_indirect_dma semaphore(%run_scoped3A : memref<!tpu.dma_semaphore, #tpu.memory_space<semaphore_mem>>) src(%arg22 : memref<128x128xf32, #tpu.memory_space<vmem>>) dst(%dma_wait3A_295 : memref<10240x128xf32, #tpu.memory_space<vmem_shared>>)
      tpu.yield
    }) : () -> ()
    %dma_wait3A_162 = arith.constant 74 : i32
    %dma_wait3A_163 = arith.constant 0 : i32
    %dma_wait3A_164 = tpu.memref_slice %arg3[%add3A, %dma_wait3A_162, %dma_wait3A_163] : memref<32x80x128xi32, #tpu.memory_space<hbm>> -> memref<1x1x128xi32, #tpu.memory_space<hbm>>
    %dma_wait3A_165 = tpu.memref_squeeze %dma_wait3A_164 : memref<1x1x128xi32, #tpu.memory_space<hbm>> -> memref<128xi32, #tpu.memory_space<hbm>>
    %dma_wait3A_166 = arith.constant 0 : i32
    %dma_wait3A_167 = tpu.memref_slice %arg3[%add3A, %dma_wait3A_162, %dma_wait3A_166] : memref<32x80x128xi32, #tpu.memory_space<hbm>> -> memref<1x1x128xi32, #tpu.memory_space<hbm>>
    %dma_wait3A_168 = tpu.memref_squeeze %dma_wait3A_167 : memref<1x1x128xi32, #tpu.memory_space<hbm>> -> memref<128xi32, #tpu.memory_space<hbm>>
    tpu.wait_dma2 semaphore(%arg27 : memref<!tpu.dma_semaphore, #tpu.memory_space<semaphore_mem>>) src(%dma_wait3A_168 : memref<128xi32, #tpu.memory_space<hbm>>) dst(%arg8 : memref<128xi32, #tpu.memory_space<vmem>>)
    %dma_wait3A_169 = arith.constant 74 : i32
    %dma_wait3A_170 = arith.constant 0 : i32
    %dma_wait3A_171 = tpu.memref_slice %arg4[%add3A, %dma_wait3A_169, %dma_wait3A_170] : memref<32x80x128xi32, #tpu.memory_space<hbm>> -> memref<1x1x128xi32, #tpu.memory_space<hbm>>
    %dma_wait3A_172 = tpu.memref_squeeze %dma_wait3A_171 : memref<1x1x128xi32, #tpu.memory_space<hbm>> -> memref<128xi32, #tpu.memory_space<hbm>>
    %dma_wait3A_173 = arith.constant 0 : i32
    %dma_wait3A_174 = tpu.memref_slice %arg4[%add3A, %dma_wait3A_169, %dma_wait3A_173] : memref<32x80x128xi32, #tpu.memory_space<hbm>> -> memref<1x1x128xi32, #tpu.memory_space<hbm>>
    %dma_wait3A_175 = tpu.memref_squeeze %dma_wait3A_174 : memref<1x1x128xi32, #tpu.memory_space<hbm>> -> memref<128xi32, #tpu.memory_space<hbm>>
    tpu.wait_dma2 semaphore(%arg27 : memref<!tpu.dma_semaphore, #tpu.memory_space<semaphore_mem>>) src(%dma_wait3A_175 : memref<128xi32, #tpu.memory_space<hbm>>) dst(%arg16 : memref<128xi32, #tpu.memory_space<vmem>>)
    %dma_start3A_176 = arith.constant 0 : i32
    %dma_start3A_177 = arith.constant 0 : i32
    %dma_start3A_178 = tpu.memref_slice %arg2[%dma_start3A_176, %dma_start3A_177] : memref<10240x128xf32, #tpu.memory_space<hbm>> -> memref<10240x128xf32, #tpu.memory_space<hbm>>
    tpu.enqueue_indirect_dma source(%dma_start3A_178 : memref<10240x128xf32, #tpu.memory_space<hbm>>) target(%arg22 : memref<128x128xf32, #tpu.memory_space<vmem>>) offsets(%arg8 : memref<128xi32, #tpu.memory_space<vmem>>) semaphore(%arg33 : memref<!tpu.dma_semaphore, #tpu.memory_space<semaphore_mem>>)
    %dma_wait3A_179 = arith.constant 0 : i32
    %dma_wait3A_180 = arith.constant 0 : i32
    %dma_wait3A_181 = tpu.memref_slice %arg2[%dma_wait3A_179, %dma_wait3A_180] : memref<10240x128xf32, #tpu.memory_space<hbm>> -> memref<10240x128xf32, #tpu.memory_space<hbm>>
    tpu.wait_indirect_dma semaphore(%arg34 : memref<!tpu.dma_semaphore, #tpu.memory_space<semaphore_mem>>) src(%dma_wait3A_181 : memref<10240x128xf32, #tpu.memory_space<hbm>>) dst(%arg23 : memref<128x128xf32, #tpu.memory_space<vmem>>)
    "tpu.region"() ({
      %run_scoped3A = tpu.sem_alloc : memref<!tpu.dma_semaphore, #tpu.memory_space<semaphore_mem>>
      %dma_start3A_290 = arith.constant 0 : i32
      %dma_start3A_291 = arith.constant 0 : i32
      %dma_start3A_292 = tpu.memref_slice %arg24[%dma_start3A_290, %dma_start3A_291] : memref<10240x128xf32, #tpu.memory_space<vmem_shared>> -> memref<10240x128xf32, #tpu.memory_space<vmem_shared>>
      tpu.enqueue_indirect_dma source(%arg23 : memref<128x128xf32, #tpu.memory_space<vmem>>) target(%dma_start3A_292 : memref<10240x128xf32, #tpu.memory_space<vmem_shared>>) offsets(%arg15 : memref<128xi32, #tpu.memory_space<vmem>>) semaphore(%run_scoped3A : memref<!tpu.dma_semaphore, #tpu.memory_space<semaphore_mem>>) {add = true}
      %dma_wait3A_293 = arith.constant 0 : i32
      %dma_wait3A_294 = arith.constant 0 : i32
      %dma_wait3A_295 = tpu.memref_slice %arg24[%dma_wait3A_293, %dma_wait3A_294] : memref<10240x128xf32, #tpu.memory_space<vmem_shared>> -> memref<10240x128xf32, #tpu.memory_space<vmem_shared>>
      tpu.wait_indirect_dma semaphore(%run_scoped3A : memref<!tpu.dma_semaphore, #tpu.memory_space<semaphore_mem>>) src(%arg23 : memref<128x128xf32, #tpu.memory_space<vmem>>) dst(%dma_wait3A_295 : memref<10240x128xf32, #tpu.memory_space<vmem_shared>>)
      tpu.yield
    }) : () -> ()
    %dma_wait3A_182 = arith.constant 75 : i32
    %dma_wait3A_183 = arith.constant 0 : i32
    %dma_wait3A_184 = tpu.memref_slice %arg3[%add3A, %dma_wait3A_182, %dma_wait3A_183] : memref<32x80x128xi32, #tpu.memory_space<hbm>> -> memref<1x1x128xi32, #tpu.memory_space<hbm>>
    %dma_wait3A_185 = tpu.memref_squeeze %dma_wait3A_184 : memref<1x1x128xi32, #tpu.memory_space<hbm>> -> memref<128xi32, #tpu.memory_space<hbm>>
    %dma_wait3A_186 = arith.constant 0 : i32
    %dma_wait3A_187 = tpu.memref_slice %arg3[%add3A, %dma_wait3A_182, %dma_wait3A_186] : memref<32x80x128xi32, #tpu.memory_space<hbm>> -> memref<1x1x128xi32, #tpu.memory_space<hbm>>
    %dma_wait3A_188 = tpu.memref_squeeze %dma_wait3A_187 : memref<1x1x128xi32, #tpu.memory_space<hbm>> -> memref<128xi32, #tpu.memory_space<hbm>>
    tpu.wait_dma2 semaphore(%arg28 : memref<!tpu.dma_semaphore, #tpu.memory_space<semaphore_mem>>) src(%dma_wait3A_188 : memref<128xi32, #tpu.memory_space<hbm>>) dst(%arg9 : memref<128xi32, #tpu.memory_space<vmem>>)
    %dma_wait3A_189 = arith.constant 75 : i32
    %dma_wait3A_190 = arith.constant 0 : i32
    %dma_wait3A_191 = tpu.memref_slice %arg4[%add3A, %dma_wait3A_189, %dma_wait3A_190] : memref<32x80x128xi32, #tpu.memory_space<hbm>> -> memref<1x1x128xi32, #tpu.memory_space<hbm>>
    %dma_wait3A_192 = tpu.memref_squeeze %dma_wait3A_191 : memref<1x1x128xi32, #tpu.memory_space<hbm>> -> memref<128xi32, #tpu.memory_space<hbm>>
    %dma_wait3A_193 = arith.constant 0 : i32
    %dma_wait3A_194 = tpu.memref_slice %arg4[%add3A, %dma_wait3A_189, %dma_wait3A_193] : memref<32x80x128xi32, #tpu.memory_space<hbm>> -> memref<1x1x128xi32, #tpu.memory_space<hbm>>
    %dma_wait3A_195 = tpu.memref_squeeze %dma_wait3A_194 : memref<1x1x128xi32, #tpu.memory_space<hbm>> -> memref<128xi32, #tpu.memory_space<hbm>>
    tpu.wait_dma2 semaphore(%arg28 : memref<!tpu.dma_semaphore, #tpu.memory_space<semaphore_mem>>) src(%dma_wait3A_195 : memref<128xi32, #tpu.memory_space<hbm>>) dst(%arg17 : memref<128xi32, #tpu.memory_space<vmem>>)
    %dma_start3A_196 = arith.constant 0 : i32
    %dma_start3A_197 = arith.constant 0 : i32
    %dma_start3A_198 = tpu.memref_slice %arg2[%dma_start3A_196, %dma_start3A_197] : memref<10240x128xf32, #tpu.memory_space<hbm>> -> memref<10240x128xf32, #tpu.memory_space<hbm>>
    tpu.enqueue_indirect_dma source(%dma_start3A_198 : memref<10240x128xf32, #tpu.memory_space<hbm>>) target(%arg23 : memref<128x128xf32, #tpu.memory_space<vmem>>) offsets(%arg9 : memref<128xi32, #tpu.memory_space<vmem>>) semaphore(%arg34 : memref<!tpu.dma_semaphore, #tpu.memory_space<semaphore_mem>>)
    %dma_wait3A_199 = arith.constant 0 : i32
    %dma_wait3A_200 = arith.constant 0 : i32
    %dma_wait3A_201 = tpu.memref_slice %arg2[%dma_wait3A_199, %dma_wait3A_200] : memref<10240x128xf32, #tpu.memory_space<hbm>> -> memref<10240x128xf32, #tpu.memory_space<hbm>>
    tpu.wait_indirect_dma semaphore(%arg33 : memref<!tpu.dma_semaphore, #tpu.memory_space<semaphore_mem>>) src(%dma_wait3A_201 : memref<10240x128xf32, #tpu.memory_space<hbm>>) dst(%arg22 : memref<128x128xf32, #tpu.memory_space<vmem>>)
    "tpu.region"() ({
      %run_scoped3A = tpu.sem_alloc : memref<!tpu.dma_semaphore, #tpu.memory_space<semaphore_mem>>
      %dma_start3A_290 = arith.constant 0 : i32
      %dma_start3A_291 = arith.constant 0 : i32
      %dma_start3A_292 = tpu.memref_slice %arg24[%dma_start3A_290, %dma_start3A_291] : memref<10240x128xf32, #tpu.memory_space<vmem_shared>> -> memref<10240x128xf32, #tpu.memory_space<vmem_shared>>
      tpu.enqueue_indirect_dma source(%arg22 : memref<128x128xf32, #tpu.memory_space<vmem>>) target(%dma_start3A_292 : memref<10240x128xf32, #tpu.memory_space<vmem_shared>>) offsets(%arg16 : memref<128xi32, #tpu.memory_space<vmem>>) semaphore(%run_scoped3A : memref<!tpu.dma_semaphore, #tpu.memory_space<semaphore_mem>>) {add = true}
      %dma_wait3A_293 = arith.constant 0 : i32
      %dma_wait3A_294 = arith.constant 0 : i32
      %dma_wait3A_295 = tpu.memref_slice %arg24[%dma_wait3A_293, %dma_wait3A_294] : memref<10240x128xf32, #tpu.memory_space<vmem_shared>> -> memref<10240x128xf32, #tpu.memory_space<vmem_shared>>
      tpu.wait_indirect_dma semaphore(%run_scoped3A : memref<!tpu.dma_semaphore, #tpu.memory_space<semaphore_mem>>) src(%arg22 : memref<128x128xf32, #tpu.memory_space<vmem>>) dst(%dma_wait3A_295 : memref<10240x128xf32, #tpu.memory_space<vmem_shared>>)
      tpu.yield
    }) : () -> ()
    %dma_wait3A_202 = arith.constant 76 : i32
    %dma_wait3A_203 = arith.constant 0 : i32
    %dma_wait3A_204 = tpu.memref_slice %arg3[%add3A, %dma_wait3A_202, %dma_wait3A_203] : memref<32x80x128xi32, #tpu.memory_space<hbm>> -> memref<1x1x128xi32, #tpu.memory_space<hbm>>
    %dma_wait3A_205 = tpu.memref_squeeze %dma_wait3A_204 : memref<1x1x128xi32, #tpu.memory_space<hbm>> -> memref<128xi32, #tpu.memory_space<hbm>>
    %dma_wait3A_206 = arith.constant 0 : i32
    %dma_wait3A_207 = tpu.memref_slice %arg3[%add3A, %dma_wait3A_202, %dma_wait3A_206] : memref<32x80x128xi32, #tpu.memory_space<hbm>> -> memref<1x1x128xi32, #tpu.memory_space<hbm>>
    %dma_wait3A_208 = tpu.memref_squeeze %dma_wait3A_207 : memref<1x1x128xi32, #tpu.memory_space<hbm>> -> memref<128xi32, #tpu.memory_space<hbm>>
    tpu.wait_dma2 semaphore(%arg29 : memref<!tpu.dma_semaphore, #tpu.memory_space<semaphore_mem>>) src(%dma_wait3A_208 : memref<128xi32, #tpu.memory_space<hbm>>) dst(%arg10 : memref<128xi32, #tpu.memory_space<vmem>>)
    %dma_wait3A_209 = arith.constant 76 : i32
    %dma_wait3A_210 = arith.constant 0 : i32
    %dma_wait3A_211 = tpu.memref_slice %arg4[%add3A, %dma_wait3A_209, %dma_wait3A_210] : memref<32x80x128xi32, #tpu.memory_space<hbm>> -> memref<1x1x128xi32, #tpu.memory_space<hbm>>
    %dma_wait3A_212 = tpu.memref_squeeze %dma_wait3A_211 : memref<1x1x128xi32, #tpu.memory_space<hbm>> -> memref<128xi32, #tpu.memory_space<hbm>>
    %dma_wait3A_213 = arith.constant 0 : i32
    %dma_wait3A_214 = tpu.memref_slice %arg4[%add3A, %dma_wait3A_209, %dma_wait3A_213] : memref<32x80x128xi32, #tpu.memory_space<hbm>> -> memref<1x1x128xi32, #tpu.memory_space<hbm>>
    %dma_wait3A_215 = tpu.memref_squeeze %dma_wait3A_214 : memref<1x1x128xi32, #tpu.memory_space<hbm>> -> memref<128xi32, #tpu.memory_space<hbm>>
    tpu.wait_dma2 semaphore(%arg29 : memref<!tpu.dma_semaphore, #tpu.memory_space<semaphore_mem>>) src(%dma_wait3A_215 : memref<128xi32, #tpu.memory_space<hbm>>) dst(%arg18 : memref<128xi32, #tpu.memory_space<vmem>>)
    %dma_start3A_216 = arith.constant 0 : i32
    %dma_start3A_217 = arith.constant 0 : i32
    %dma_start3A_218 = tpu.memref_slice %arg2[%dma_start3A_216, %dma_start3A_217] : memref<10240x128xf32, #tpu.memory_space<hbm>> -> memref<10240x128xf32, #tpu.memory_space<hbm>>
    tpu.enqueue_indirect_dma source(%dma_start3A_218 : memref<10240x128xf32, #tpu.memory_space<hbm>>) target(%arg22 : memref<128x128xf32, #tpu.memory_space<vmem>>) offsets(%arg10 : memref<128xi32, #tpu.memory_space<vmem>>) semaphore(%arg33 : memref<!tpu.dma_semaphore, #tpu.memory_space<semaphore_mem>>)
    %dma_wait3A_219 = arith.constant 0 : i32
    %dma_wait3A_220 = arith.constant 0 : i32
    %dma_wait3A_221 = tpu.memref_slice %arg2[%dma_wait3A_219, %dma_wait3A_220] : memref<10240x128xf32, #tpu.memory_space<hbm>> -> memref<10240x128xf32, #tpu.memory_space<hbm>>
    tpu.wait_indirect_dma semaphore(%arg34 : memref<!tpu.dma_semaphore, #tpu.memory_space<semaphore_mem>>) src(%dma_wait3A_221 : memref<10240x128xf32, #tpu.memory_space<hbm>>) dst(%arg23 : memref<128x128xf32, #tpu.memory_space<vmem>>)
    "tpu.region"() ({
      %run_scoped3A = tpu.sem_alloc : memref<!tpu.dma_semaphore, #tpu.memory_space<semaphore_mem>>
      %dma_start3A_290 = arith.constant 0 : i32
      %dma_start3A_291 = arith.constant 0 : i32
      %dma_start3A_292 = tpu.memref_slice %arg24[%dma_start3A_290, %dma_start3A_291] : memref<10240x128xf32, #tpu.memory_space<vmem_shared>> -> memref<10240x128xf32, #tpu.memory_space<vmem_shared>>
      tpu.enqueue_indirect_dma source(%arg23 : memref<128x128xf32, #tpu.memory_space<vmem>>) target(%dma_start3A_292 : memref<10240x128xf32, #tpu.memory_space<vmem_shared>>) offsets(%arg17 : memref<128xi32, #tpu.memory_space<vmem>>) semaphore(%run_scoped3A : memref<!tpu.dma_semaphore, #tpu.memory_space<semaphore_mem>>) {add = true}
      %dma_wait3A_293 = arith.constant 0 : i32
      %dma_wait3A_294 = arith.constant 0 : i32
      %dma_wait3A_295 = tpu.memref_slice %arg24[%dma_wait3A_293, %dma_wait3A_294] : memref<10240x128xf32, #tpu.memory_space<vmem_shared>> -> memref<10240x128xf32, #tpu.memory_space<vmem_shared>>
      tpu.wait_indirect_dma semaphore(%run_scoped3A : memref<!tpu.dma_semaphore, #tpu.memory_space<semaphore_mem>>) src(%arg23 : memref<128x128xf32, #tpu.memory_space<vmem>>) dst(%dma_wait3A_295 : memref<10240x128xf32, #tpu.memory_space<vmem_shared>>)
      tpu.yield
    }) : () -> ()
    %dma_wait3A_222 = arith.constant 77 : i32
    %dma_wait3A_223 = arith.constant 0 : i32
    %dma_wait3A_224 = tpu.memref_slice %arg3[%add3A, %dma_wait3A_222, %dma_wait3A_223] : memref<32x80x128xi32, #tpu.memory_space<hbm>> -> memref<1x1x128xi32, #tpu.memory_space<hbm>>
    %dma_wait3A_225 = tpu.memref_squeeze %dma_wait3A_224 : memref<1x1x128xi32, #tpu.memory_space<hbm>> -> memref<128xi32, #tpu.memory_space<hbm>>
    %dma_wait3A_226 = arith.constant 0 : i32
    %dma_wait3A_227 = tpu.memref_slice %arg3[%add3A, %dma_wait3A_222, %dma_wait3A_226] : memref<32x80x128xi32, #tpu.memory_space<hbm>> -> memref<1x1x128xi32, #tpu.memory_space<hbm>>
    %dma_wait3A_228 = tpu.memref_squeeze %dma_wait3A_227 : memref<1x1x128xi32, #tpu.memory_space<hbm>> -> memref<128xi32, #tpu.memory_space<hbm>>
    tpu.wait_dma2 semaphore(%arg30 : memref<!tpu.dma_semaphore, #tpu.memory_space<semaphore_mem>>) src(%dma_wait3A_228 : memref<128xi32, #tpu.memory_space<hbm>>) dst(%arg11 : memref<128xi32, #tpu.memory_space<vmem>>)
    %dma_wait3A_229 = arith.constant 77 : i32
    %dma_wait3A_230 = arith.constant 0 : i32
    %dma_wait3A_231 = tpu.memref_slice %arg4[%add3A, %dma_wait3A_229, %dma_wait3A_230] : memref<32x80x128xi32, #tpu.memory_space<hbm>> -> memref<1x1x128xi32, #tpu.memory_space<hbm>>
    %dma_wait3A_232 = tpu.memref_squeeze %dma_wait3A_231 : memref<1x1x128xi32, #tpu.memory_space<hbm>> -> memref<128xi32, #tpu.memory_space<hbm>>
    %dma_wait3A_233 = arith.constant 0 : i32
    %dma_wait3A_234 = tpu.memref_slice %arg4[%add3A, %dma_wait3A_229, %dma_wait3A_233] : memref<32x80x128xi32, #tpu.memory_space<hbm>> -> memref<1x1x128xi32, #tpu.memory_space<hbm>>
    %dma_wait3A_235 = tpu.memref_squeeze %dma_wait3A_234 : memref<1x1x128xi32, #tpu.memory_space<hbm>> -> memref<128xi32, #tpu.memory_space<hbm>>
    tpu.wait_dma2 semaphore(%arg30 : memref<!tpu.dma_semaphore, #tpu.memory_space<semaphore_mem>>) src(%dma_wait3A_235 : memref<128xi32, #tpu.memory_space<hbm>>) dst(%arg19 : memref<128xi32, #tpu.memory_space<vmem>>)
    %dma_start3A_236 = arith.constant 0 : i32
    %dma_start3A_237 = arith.constant 0 : i32
    %dma_start3A_238 = tpu.memref_slice %arg2[%dma_start3A_236, %dma_start3A_237] : memref<10240x128xf32, #tpu.memory_space<hbm>> -> memref<10240x128xf32, #tpu.memory_space<hbm>>
    tpu.enqueue_indirect_dma source(%dma_start3A_238 : memref<10240x128xf32, #tpu.memory_space<hbm>>) target(%arg23 : memref<128x128xf32, #tpu.memory_space<vmem>>) offsets(%arg11 : memref<128xi32, #tpu.memory_space<vmem>>) semaphore(%arg34 : memref<!tpu.dma_semaphore, #tpu.memory_space<semaphore_mem>>)
    %dma_wait3A_239 = arith.constant 0 : i32
    %dma_wait3A_240 = arith.constant 0 : i32
    %dma_wait3A_241 = tpu.memref_slice %arg2[%dma_wait3A_239, %dma_wait3A_240] : memref<10240x128xf32, #tpu.memory_space<hbm>> -> memref<10240x128xf32, #tpu.memory_space<hbm>>
    tpu.wait_indirect_dma semaphore(%arg33 : memref<!tpu.dma_semaphore, #tpu.memory_space<semaphore_mem>>) src(%dma_wait3A_241 : memref<10240x128xf32, #tpu.memory_space<hbm>>) dst(%arg22 : memref<128x128xf32, #tpu.memory_space<vmem>>)
    "tpu.region"() ({
      %run_scoped3A = tpu.sem_alloc : memref<!tpu.dma_semaphore, #tpu.memory_space<semaphore_mem>>
      %dma_start3A_290 = arith.constant 0 : i32
      %dma_start3A_291 = arith.constant 0 : i32
      %dma_start3A_292 = tpu.memref_slice %arg24[%dma_start3A_290, %dma_start3A_291] : memref<10240x128xf32, #tpu.memory_space<vmem_shared>> -> memref<10240x128xf32, #tpu.memory_space<vmem_shared>>
      tpu.enqueue_indirect_dma source(%arg22 : memref<128x128xf32, #tpu.memory_space<vmem>>) target(%dma_start3A_292 : memref<10240x128xf32, #tpu.memory_space<vmem_shared>>) offsets(%arg18 : memref<128xi32, #tpu.memory_space<vmem>>) semaphore(%run_scoped3A : memref<!tpu.dma_semaphore, #tpu.memory_space<semaphore_mem>>) {add = true}
      %dma_wait3A_293 = arith.constant 0 : i32
      %dma_wait3A_294 = arith.constant 0 : i32
      %dma_wait3A_295 = tpu.memref_slice %arg24[%dma_wait3A_293, %dma_wait3A_294] : memref<10240x128xf32, #tpu.memory_space<vmem_shared>> -> memref<10240x128xf32, #tpu.memory_space<vmem_shared>>
      tpu.wait_indirect_dma semaphore(%run_scoped3A : memref<!tpu.dma_semaphore, #tpu.memory_space<semaphore_mem>>) src(%arg22 : memref<128x128xf32, #tpu.memory_space<vmem>>) dst(%dma_wait3A_295 : memref<10240x128xf32, #tpu.memory_space<vmem_shared>>)
      tpu.yield
    }) : () -> ()
    %dma_wait3A_242 = arith.constant 78 : i32
    %dma_wait3A_243 = arith.constant 0 : i32
    %dma_wait3A_244 = tpu.memref_slice %arg3[%add3A, %dma_wait3A_242, %dma_wait3A_243] : memref<32x80x128xi32, #tpu.memory_space<hbm>> -> memref<1x1x128xi32, #tpu.memory_space<hbm>>
    %dma_wait3A_245 = tpu.memref_squeeze %dma_wait3A_244 : memref<1x1x128xi32, #tpu.memory_space<hbm>> -> memref<128xi32, #tpu.memory_space<hbm>>
    %dma_wait3A_246 = arith.constant 0 : i32
    %dma_wait3A_247 = tpu.memref_slice %arg3[%add3A, %dma_wait3A_242, %dma_wait3A_246] : memref<32x80x128xi32, #tpu.memory_space<hbm>> -> memref<1x1x128xi32, #tpu.memory_space<hbm>>
    %dma_wait3A_248 = tpu.memref_squeeze %dma_wait3A_247 : memref<1x1x128xi32, #tpu.memory_space<hbm>> -> memref<128xi32, #tpu.memory_space<hbm>>
    tpu.wait_dma2 semaphore(%arg31 : memref<!tpu.dma_semaphore, #tpu.memory_space<semaphore_mem>>) src(%dma_wait3A_248 : memref<128xi32, #tpu.memory_space<hbm>>) dst(%arg12 : memref<128xi32, #tpu.memory_space<vmem>>)
    %dma_wait3A_249 = arith.constant 78 : i32
    %dma_wait3A_250 = arith.constant 0 : i32
    %dma_wait3A_251 = tpu.memref_slice %arg4[%add3A, %dma_wait3A_249, %dma_wait3A_250] : memref<32x80x128xi32, #tpu.memory_space<hbm>> -> memref<1x1x128xi32, #tpu.memory_space<hbm>>
    %dma_wait3A_252 = tpu.memref_squeeze %dma_wait3A_251 : memref<1x1x128xi32, #tpu.memory_space<hbm>> -> memref<128xi32, #tpu.memory_space<hbm>>
    %dma_wait3A_253 = arith.constant 0 : i32
    %dma_wait3A_254 = tpu.memref_slice %arg4[%add3A, %dma_wait3A_249, %dma_wait3A_253] : memref<32x80x128xi32, #tpu.memory_space<hbm>> -> memref<1x1x128xi32, #tpu.memory_space<hbm>>
    %dma_wait3A_255 = tpu.memref_squeeze %dma_wait3A_254 : memref<1x1x128xi32, #tpu.memory_space<hbm>> -> memref<128xi32, #tpu.memory_space<hbm>>
    tpu.wait_dma2 semaphore(%arg31 : memref<!tpu.dma_semaphore, #tpu.memory_space<semaphore_mem>>) src(%dma_wait3A_255 : memref<128xi32, #tpu.memory_space<hbm>>) dst(%arg20 : memref<128xi32, #tpu.memory_space<vmem>>)
    %dma_start3A_256 = arith.constant 0 : i32
    %dma_start3A_257 = arith.constant 0 : i32
    %dma_start3A_258 = tpu.memref_slice %arg2[%dma_start3A_256, %dma_start3A_257] : memref<10240x128xf32, #tpu.memory_space<hbm>> -> memref<10240x128xf32, #tpu.memory_space<hbm>>
    tpu.enqueue_indirect_dma source(%dma_start3A_258 : memref<10240x128xf32, #tpu.memory_space<hbm>>) target(%arg22 : memref<128x128xf32, #tpu.memory_space<vmem>>) offsets(%arg12 : memref<128xi32, #tpu.memory_space<vmem>>) semaphore(%arg33 : memref<!tpu.dma_semaphore, #tpu.memory_space<semaphore_mem>>)
    %dma_wait3A_259 = arith.constant 0 : i32
    %dma_wait3A_260 = arith.constant 0 : i32
    %dma_wait3A_261 = tpu.memref_slice %arg2[%dma_wait3A_259, %dma_wait3A_260] : memref<10240x128xf32, #tpu.memory_space<hbm>> -> memref<10240x128xf32, #tpu.memory_space<hbm>>
    tpu.wait_indirect_dma semaphore(%arg34 : memref<!tpu.dma_semaphore, #tpu.memory_space<semaphore_mem>>) src(%dma_wait3A_261 : memref<10240x128xf32, #tpu.memory_space<hbm>>) dst(%arg23 : memref<128x128xf32, #tpu.memory_space<vmem>>)
    "tpu.region"() ({
      %run_scoped3A = tpu.sem_alloc : memref<!tpu.dma_semaphore, #tpu.memory_space<semaphore_mem>>
      %dma_start3A_290 = arith.constant 0 : i32
      %dma_start3A_291 = arith.constant 0 : i32
      %dma_start3A_292 = tpu.memref_slice %arg24[%dma_start3A_290, %dma_start3A_291] : memref<10240x128xf32, #tpu.memory_space<vmem_shared>> -> memref<10240x128xf32, #tpu.memory_space<vmem_shared>>
      tpu.enqueue_indirect_dma source(%arg23 : memref<128x128xf32, #tpu.memory_space<vmem>>) target(%dma_start3A_292 : memref<10240x128xf32, #tpu.memory_space<vmem_shared>>) offsets(%arg19 : memref<128xi32, #tpu.memory_space<vmem>>) semaphore(%run_scoped3A : memref<!tpu.dma_semaphore, #tpu.memory_space<semaphore_mem>>) {add = true}
      %dma_wait3A_293 = arith.constant 0 : i32
      %dma_wait3A_294 = arith.constant 0 : i32
      %dma_wait3A_295 = tpu.memref_slice %arg24[%dma_wait3A_293, %dma_wait3A_294] : memref<10240x128xf32, #tpu.memory_space<vmem_shared>> -> memref<10240x128xf32, #tpu.memory_space<vmem_shared>>
      tpu.wait_indirect_dma semaphore(%run_scoped3A : memref<!tpu.dma_semaphore, #tpu.memory_space<semaphore_mem>>) src(%arg23 : memref<128x128xf32, #tpu.memory_space<vmem>>) dst(%dma_wait3A_295 : memref<10240x128xf32, #tpu.memory_space<vmem_shared>>)
      tpu.yield
    }) : () -> ()
    %dma_wait3A_262 = arith.constant 79 : i32
    %dma_wait3A_263 = arith.constant 0 : i32
    %dma_wait3A_264 = tpu.memref_slice %arg3[%add3A, %dma_wait3A_262, %dma_wait3A_263] : memref<32x80x128xi32, #tpu.memory_space<hbm>> -> memref<1x1x128xi32, #tpu.memory_space<hbm>>
    %dma_wait3A_265 = tpu.memref_squeeze %dma_wait3A_264 : memref<1x1x128xi32, #tpu.memory_space<hbm>> -> memref<128xi32, #tpu.memory_space<hbm>>
    %dma_wait3A_266 = arith.constant 0 : i32
    %dma_wait3A_267 = tpu.memref_slice %arg3[%add3A, %dma_wait3A_262, %dma_wait3A_266] : memref<32x80x128xi32, #tpu.memory_space<hbm>> -> memref<1x1x128xi32, #tpu.memory_space<hbm>>
    %dma_wait3A_268 = tpu.memref_squeeze %dma_wait3A_267 : memref<1x1x128xi32, #tpu.memory_space<hbm>> -> memref<128xi32, #tpu.memory_space<hbm>>
    tpu.wait_dma2 semaphore(%arg32 : memref<!tpu.dma_semaphore, #tpu.memory_space<semaphore_mem>>) src(%dma_wait3A_268 : memref<128xi32, #tpu.memory_space<hbm>>) dst(%arg13 : memref<128xi32, #tpu.memory_space<vmem>>)
    %dma_wait3A_269 = arith.constant 79 : i32
    %dma_wait3A_270 = arith.constant 0 : i32
    %dma_wait3A_271 = tpu.memref_slice %arg4[%add3A, %dma_wait3A_269, %dma_wait3A_270] : memref<32x80x128xi32, #tpu.memory_space<hbm>> -> memref<1x1x128xi32, #tpu.memory_space<hbm>>
    %dma_wait3A_272 = tpu.memref_squeeze %dma_wait3A_271 : memref<1x1x128xi32, #tpu.memory_space<hbm>> -> memref<128xi32, #tpu.memory_space<hbm>>
    %dma_wait3A_273 = arith.constant 0 : i32
    %dma_wait3A_274 = tpu.memref_slice %arg4[%add3A, %dma_wait3A_269, %dma_wait3A_273] : memref<32x80x128xi32, #tpu.memory_space<hbm>> -> memref<1x1x128xi32, #tpu.memory_space<hbm>>
    %dma_wait3A_275 = tpu.memref_squeeze %dma_wait3A_274 : memref<1x1x128xi32, #tpu.memory_space<hbm>> -> memref<128xi32, #tpu.memory_space<hbm>>
    tpu.wait_dma2 semaphore(%arg32 : memref<!tpu.dma_semaphore, #tpu.memory_space<semaphore_mem>>) src(%dma_wait3A_275 : memref<128xi32, #tpu.memory_space<hbm>>) dst(%arg21 : memref<128xi32, #tpu.memory_space<vmem>>)
    %dma_start3A_276 = arith.constant 0 : i32
    %dma_start3A_277 = arith.constant 0 : i32
    %dma_start3A_278 = tpu.memref_slice %arg2[%dma_start3A_276, %dma_start3A_277] : memref<10240x128xf32, #tpu.memory_space<hbm>> -> memref<10240x128xf32, #tpu.memory_space<hbm>>
    tpu.enqueue_indirect_dma source(%dma_start3A_278 : memref<10240x128xf32, #tpu.memory_space<hbm>>) target(%arg23 : memref<128x128xf32, #tpu.memory_space<vmem>>) offsets(%arg13 : memref<128xi32, #tpu.memory_space<vmem>>) semaphore(%arg34 : memref<!tpu.dma_semaphore, #tpu.memory_space<semaphore_mem>>)
    %dma_wait3A_279 = arith.constant 0 : i32
    %dma_wait3A_280 = arith.constant 0 : i32
    %dma_wait3A_281 = tpu.memref_slice %arg2[%dma_wait3A_279, %dma_wait3A_280] : memref<10240x128xf32, #tpu.memory_space<hbm>> -> memref<10240x128xf32, #tpu.memory_space<hbm>>
    tpu.wait_indirect_dma semaphore(%arg33 : memref<!tpu.dma_semaphore, #tpu.memory_space<semaphore_mem>>) src(%dma_wait3A_281 : memref<10240x128xf32, #tpu.memory_space<hbm>>) dst(%arg22 : memref<128x128xf32, #tpu.memory_space<vmem>>)
    "tpu.region"() ({
      %run_scoped3A = tpu.sem_alloc : memref<!tpu.dma_semaphore, #tpu.memory_space<semaphore_mem>>
      %dma_start3A_290 = arith.constant 0 : i32
      %dma_start3A_291 = arith.constant 0 : i32
      %dma_start3A_292 = tpu.memref_slice %arg24[%dma_start3A_290, %dma_start3A_291] : memref<10240x128xf32, #tpu.memory_space<vmem_shared>> -> memref<10240x128xf32, #tpu.memory_space<vmem_shared>>
      tpu.enqueue_indirect_dma source(%arg22 : memref<128x128xf32, #tpu.memory_space<vmem>>) target(%dma_start3A_292 : memref<10240x128xf32, #tpu.memory_space<vmem_shared>>) offsets(%arg20 : memref<128xi32, #tpu.memory_space<vmem>>) semaphore(%run_scoped3A : memref<!tpu.dma_semaphore, #tpu.memory_space<semaphore_mem>>) {add = true}
      %dma_wait3A_293 = arith.constant 0 : i32
      %dma_wait3A_294 = arith.constant 0 : i32
      %dma_wait3A_295 = tpu.memref_slice %arg24[%dma_wait3A_293, %dma_wait3A_294] : memref<10240x128xf32, #tpu.memory_space<vmem_shared>> -> memref<10240x128xf32, #tpu.memory_space<vmem_shared>>
      tpu.wait_indirect_dma semaphore(%run_scoped3A : memref<!tpu.dma_semaphore, #tpu.memory_space<semaphore_mem>>) src(%arg22 : memref<128x128xf32, #tpu.memory_space<vmem>>) dst(%dma_wait3A_295 : memref<10240x128xf32, #tpu.memory_space<vmem_shared>>)
      tpu.yield
    }) : () -> ()
    %dma_wait3A_282 = arith.constant 0 : i32
    %dma_wait3A_283 = arith.constant 0 : i32
    %dma_wait3A_284 = tpu.memref_slice %arg2[%dma_wait3A_282, %dma_wait3A_283] : memref<10240x128xf32, #tpu.memory_space<hbm>> -> memref<10240x128xf32, #tpu.memory_space<hbm>>
    tpu.wait_indirect_dma semaphore(%arg34 : memref<!tpu.dma_semaphore, #tpu.memory_space<semaphore_mem>>) src(%dma_wait3A_284 : memref<10240x128xf32, #tpu.memory_space<hbm>>) dst(%arg23 : memref<128x128xf32, #tpu.memory_space<vmem>>)
    "tpu.region"() ({
      %run_scoped3A = tpu.sem_alloc : memref<!tpu.dma_semaphore, #tpu.memory_space<semaphore_mem>>
      %dma_start3A_290 = arith.constant 0 : i32
      %dma_start3A_291 = arith.constant 0 : i32
      %dma_start3A_292 = tpu.memref_slice %arg24[%dma_start3A_290, %dma_start3A_291] : memref<10240x128xf32, #tpu.memory_space<vmem_shared>> -> memref<10240x128xf32, #tpu.memory_space<vmem_shared>>
      tpu.enqueue_indirect_dma source(%arg23 : memref<128x128xf32, #tpu.memory_space<vmem>>) target(%dma_start3A_292 : memref<10240x128xf32, #tpu.memory_space<vmem_shared>>) offsets(%arg21 : memref<128xi32, #tpu.memory_space<vmem>>) semaphore(%run_scoped3A : memref<!tpu.dma_semaphore, #tpu.memory_space<semaphore_mem>>) {add = true}
      %dma_wait3A_293 = arith.constant 0 : i32
      %dma_wait3A_294 = arith.constant 0 : i32
      %dma_wait3A_295 = tpu.memref_slice %arg24[%dma_wait3A_293, %dma_wait3A_294] : memref<10240x128xf32, #tpu.memory_space<vmem_shared>> -> memref<10240x128xf32, #tpu.memory_space<vmem_shared>>
      tpu.wait_indirect_dma semaphore(%run_scoped3A : memref<!tpu.dma_semaphore, #tpu.memory_space<semaphore_mem>>) src(%arg23 : memref<128x128xf32, #tpu.memory_space<vmem>>) dst(%dma_wait3A_295 : memref<10240x128xf32, #tpu.memory_space<vmem_shared>>)
      tpu.yield
    }) : () -> ()
    %barrier3A_285 = arith.constant 0 : index
    tpu.barrier barrier_id(%barrier3A_285)
    %mul3A_286 = arith.constant 640 : i32
    %mul3A_287 = arith.muli %arg1, %mul3A_286 : i32
    %mul3A_288 = arith.constant 640 : i32
    %mul3A_289 = arith.muli %arg1, %mul3A_288 : i32
    "tpu.region"() ({
      %run_scoped3A = tpu.sem_alloc : memref<!tpu.dma_semaphore, #tpu.memory_space<semaphore_mem>>
      %dma_start3A_290 = arith.constant 0 : i32
      %dma_start3A_291 = tpu.memref_slice %arg5[%arg0, %mul3A_289, %dma_start3A_290] : memref<2x10240x128xf32, #tpu.memory_space<hbm>> -> memref<1x640x128xf32, #tpu.memory_space<hbm>>
      %dma_start3A_292 = tpu.memref_squeeze %dma_start3A_291 : memref<1x640x128xf32, #tpu.memory_space<hbm>> -> memref<640x128xf32, #tpu.memory_space<hbm>>
      %dma_start3A_293 = arith.constant 0 : i32
      %dma_start3A_294 = tpu.memref_slice %arg24[%mul3A_287, %dma_start3A_293] : memref<10240x128xf32, #tpu.memory_space<vmem_shared>> -> memref<640x128xf32, #tpu.memory_space<vmem_shared>>
      tpu.enqueue_dma source(%dma_start3A_294 : memref<640x128xf32, #tpu.memory_space<vmem_shared>>) target(%dma_start3A_292 : memref<640x128xf32, #tpu.memory_space<hbm>>) target_semaphore(%run_scoped3A : memref<!tpu.dma_semaphore, #tpu.memory_space<semaphore_mem>>)
      %dma_wait3A_295 = arith.constant 0 : i32
      %dma_wait3A_296 = tpu.memref_slice %arg5[%arg0, %mul3A_289, %dma_wait3A_295] : memref<2x10240x128xf32, #tpu.memory_space<hbm>> -> memref<1x640x128xf32, #tpu.memory_space<hbm>>
      %dma_wait3A_297 = tpu.memref_squeeze %dma_wait3A_296 : memref<1x640x128xf32, #tpu.memory_space<hbm>> -> memref<640x128xf32, #tpu.memory_space<hbm>>
      %dma_wait3A_298 = arith.constant 0 : i32
      %dma_wait3A_299 = tpu.memref_slice %arg24[%mul3A_287, %dma_wait3A_298] : memref<10240x128xf32, #tpu.memory_space<vmem_shared>> -> memref<640x128xf32, #tpu.memory_space<vmem_shared>>
      tpu.wait_dma2 semaphore(%run_scoped3A : memref<!tpu.dma_semaphore, #tpu.memory_space<semaphore_mem>>) src(%dma_wait3A_299 : memref<640x128xf32, #tpu.memory_space<vmem_shared>>) dst(%dma_wait3A_297 : memref<640x128xf32, #tpu.memory_space<hbm>>)
      tpu.yield
    }) : () -> ()
    return
  }
}

#map = affine_map<(d0, d1) -> (0, 0, 0)>
module attributes {stable_mosaic.version = 14 : i64} {
  func.func @k(%arg0: i32, %arg1: i32, %arg2: memref<32x80x128xi32, #tpu.memory_space<hbm>>, %arg3: memref<2x10240x16xf32, #tpu.memory_space<hbm>>, %arg4: memref<128xi32, #tpu.memory_space<vmem>>, %arg5: memref<128xi32, #tpu.memory_space<vmem>>, %arg6: memref<128xi32, #tpu.memory_space<vmem>>, %arg7: memref<128xi32, #tpu.memory_space<vmem>>, %arg8: memref<128xi32, #tpu.memory_space<vmem>>, %arg9: memref<128xi32, #tpu.memory_space<vmem>>, %arg10: memref<128xi32, #tpu.memory_space<vmem>>, %arg11: memref<128xi32, #tpu.memory_space<vmem>>, %arg12: memref<128x16xf32, #tpu.memory_space<vmem>>, %arg13: memref<128x16xf32, #tpu.memory_space<vmem>>, %arg14: memref<10240x16xf32, #tpu.memory_space<vmem_shared>>, %arg15: memref<!tpu.dma_semaphore, #tpu.memory_space<semaphore_mem>>, %arg16: memref<!tpu.dma_semaphore, #tpu.memory_space<semaphore_mem>>, %arg17: memref<!tpu.dma_semaphore, #tpu.memory_space<semaphore_mem>>, %arg18: memref<!tpu.dma_semaphore, #tpu.memory_space<semaphore_mem>>, %arg19: memref<!tpu.dma_semaphore, #tpu.memory_space<semaphore_mem>>, %arg20: memref<!tpu.dma_semaphore, #tpu.memory_space<semaphore_mem>>, %arg21: memref<!tpu.dma_semaphore, #tpu.memory_space<semaphore_mem>>, %arg22: memref<!tpu.dma_semaphore, #tpu.memory_space<semaphore_mem>>, %arg23: memref<!tpu.dma_semaphore, #tpu.memory_space<semaphore_mem>>, %arg24: memref<!tpu.dma_semaphore, #tpu.memory_space<semaphore_mem>>) attributes {dimension_semantics = [#tpu.dimension_semantics<core_parallel>, #tpu.dimension_semantics<subcore_parallel>], iteration_bounds = array<i64: 2, 16>, scalar_prefetch = 0 : i64, scratch_operands = 21 : i64, tpu.core_type = #tpu.core_type<sc_vector_subcore>, window_params = [{transform_indices = #map}, {transform_indices = #map}]} {
    %mul3A = arith.constant 16 : i32
    %mul3A_0 = arith.muli %arg0, %mul3A : i32
    %add3A = arith.addi %mul3A_0, %arg1 : i32
    %dma_start3A = arith.constant 0 : i32
    %dma_start3A_1 = arith.constant 0 : i32
    %dma_start3A_2 = tpu.memref_slice %arg2[%add3A, %dma_start3A, %dma_start3A_1] : memref<32x80x128xi32, #tpu.memory_space<hbm>> -> memref<1x1x128xi32, #tpu.memory_space<hbm>>
    %dma_start3A_3 = tpu.memref_squeeze %dma_start3A_2 : memref<1x1x128xi32, #tpu.memory_space<hbm>> -> memref<128xi32, #tpu.memory_space<hbm>>
    %dma_start3A_4 = arith.constant 0 : i32
    %dma_start3A_5 = tpu.memref_slice %arg2[%add3A, %dma_start3A, %dma_start3A_4] : memref<32x80x128xi32, #tpu.memory_space<hbm>> -> memref<1x1x128xi32, #tpu.memory_space<hbm>>
    %dma_start3A_6 = tpu.memref_squeeze %dma_start3A_5 : memref<1x1x128xi32, #tpu.memory_space<hbm>> -> memref<128xi32, #tpu.memory_space<hbm>>
    tpu.enqueue_dma source(%dma_start3A_6 : memref<128xi32, #tpu.memory_space<hbm>>) target(%arg4 : memref<128xi32, #tpu.memory_space<vmem>>) target_semaphore(%arg15 : memref<!tpu.dma_semaphore, #tpu.memory_space<semaphore_mem>>)
    %dma_start3A_7 = arith.constant 1 : i32
    %dma_start3A_8 = arith.constant 0 : i32
    %dma_start3A_9 = tpu.memref_slice %arg2[%add3A, %dma_start3A_7, %dma_start3A_8] : memref<32x80x128xi32, #tpu.memory_space<hbm>> -> memref<1x1x128xi32, #tpu.memory_space<hbm>>
    %dma_start3A_10 = tpu.memref_squeeze %dma_start3A_9 : memref<1x1x128xi32, #tpu.memory_space<hbm>> -> memref<128xi32, #tpu.memory_space<hbm>>
    %dma_start3A_11 = arith.constant 0 : i32
    %dma_start3A_12 = tpu.memref_slice %arg2[%add3A, %dma_start3A_7, %dma_start3A_11] : memref<32x80x128xi32, #tpu.memory_space<hbm>> -> memref<1x1x128xi32, #tpu.memory_space<hbm>>
    %dma_start3A_13 = tpu.memref_squeeze %dma_start3A_12 : memref<1x1x128xi32, #tpu.memory_space<hbm>> -> memref<128xi32, #tpu.memory_space<hbm>>
    tpu.enqueue_dma source(%dma_start3A_13 : memref<128xi32, #tpu.memory_space<hbm>>) target(%arg5 : memref<128xi32, #tpu.memory_space<vmem>>) target_semaphore(%arg16 : memref<!tpu.dma_semaphore, #tpu.memory_space<semaphore_mem>>)
    %dma_start3A_14 = arith.constant 2 : i32
    %dma_start3A_15 = arith.constant 0 : i32
    %dma_start3A_16 = tpu.memref_slice %arg2[%add3A, %dma_start3A_14, %dma_start3A_15] : memref<32x80x128xi32, #tpu.memory_space<hbm>> -> memref<1x1x128xi32, #tpu.memory_space<hbm>>
    %dma_start3A_17 = tpu.memref_squeeze %dma_start3A_16 : memref<1x1x128xi32, #tpu.memory_space<hbm>> -> memref<128xi32, #tpu.memory_space<hbm>>
    %dma_start3A_18 = arith.constant 0 : i32
    %dma_start3A_19 = tpu.memref_slice %arg2[%add3A, %dma_start3A_14, %dma_start3A_18] : memref<32x80x128xi32, #tpu.memory_space<hbm>> -> memref<1x1x128xi32, #tpu.memory_space<hbm>>
    %dma_start3A_20 = tpu.memref_squeeze %dma_start3A_19 : memref<1x1x128xi32, #tpu.memory_space<hbm>> -> memref<128xi32, #tpu.memory_space<hbm>>
    tpu.enqueue_dma source(%dma_start3A_20 : memref<128xi32, #tpu.memory_space<hbm>>) target(%arg6 : memref<128xi32, #tpu.memory_space<vmem>>) target_semaphore(%arg17 : memref<!tpu.dma_semaphore, #tpu.memory_space<semaphore_mem>>)
    %dma_start3A_21 = arith.constant 3 : i32
    %dma_start3A_22 = arith.constant 0 : i32
    %dma_start3A_23 = tpu.memref_slice %arg2[%add3A, %dma_start3A_21, %dma_start3A_22] : memref<32x80x128xi32, #tpu.memory_space<hbm>> -> memref<1x1x128xi32, #tpu.memory_space<hbm>>
    %dma_start3A_24 = tpu.memref_squeeze %dma_start3A_23 : memref<1x1x128xi32, #tpu.memory_space<hbm>> -> memref<128xi32, #tpu.memory_space<hbm>>
    %dma_start3A_25 = arith.constant 0 : i32
    %dma_start3A_26 = tpu.memref_slice %arg2[%add3A, %dma_start3A_21, %dma_start3A_25] : memref<32x80x128xi32, #tpu.memory_space<hbm>> -> memref<1x1x128xi32, #tpu.memory_space<hbm>>
    %dma_start3A_27 = tpu.memref_squeeze %dma_start3A_26 : memref<1x1x128xi32, #tpu.memory_space<hbm>> -> memref<128xi32, #tpu.memory_space<hbm>>
    tpu.enqueue_dma source(%dma_start3A_27 : memref<128xi32, #tpu.memory_space<hbm>>) target(%arg7 : memref<128xi32, #tpu.memory_space<vmem>>) target_semaphore(%arg18 : memref<!tpu.dma_semaphore, #tpu.memory_space<semaphore_mem>>)
    %dma_start3A_28 = arith.constant 4 : i32
    %dma_start3A_29 = arith.constant 0 : i32
    %dma_start3A_30 = tpu.memref_slice %arg2[%add3A, %dma_start3A_28, %dma_start3A_29] : memref<32x80x128xi32, #tpu.memory_space<hbm>> -> memref<1x1x128xi32, #tpu.memory_space<hbm>>
    %dma_start3A_31 = tpu.memref_squeeze %dma_start3A_30 : memref<1x1x128xi32, #tpu.memory_space<hbm>> -> memref<128xi32, #tpu.memory_space<hbm>>
    %dma_start3A_32 = arith.constant 0 : i32
    %dma_start3A_33 = tpu.memref_slice %arg2[%add3A, %dma_start3A_28, %dma_start3A_32] : memref<32x80x128xi32, #tpu.memory_space<hbm>> -> memref<1x1x128xi32, #tpu.memory_space<hbm>>
    %dma_start3A_34 = tpu.memref_squeeze %dma_start3A_33 : memref<1x1x128xi32, #tpu.memory_space<hbm>> -> memref<128xi32, #tpu.memory_space<hbm>>
    tpu.enqueue_dma source(%dma_start3A_34 : memref<128xi32, #tpu.memory_space<hbm>>) target(%arg8 : memref<128xi32, #tpu.memory_space<vmem>>) target_semaphore(%arg19 : memref<!tpu.dma_semaphore, #tpu.memory_space<semaphore_mem>>)
    %dma_start3A_35 = arith.constant 5 : i32
    %dma_start3A_36 = arith.constant 0 : i32
    %dma_start3A_37 = tpu.memref_slice %arg2[%add3A, %dma_start3A_35, %dma_start3A_36] : memref<32x80x128xi32, #tpu.memory_space<hbm>> -> memref<1x1x128xi32, #tpu.memory_space<hbm>>
    %dma_start3A_38 = tpu.memref_squeeze %dma_start3A_37 : memref<1x1x128xi32, #tpu.memory_space<hbm>> -> memref<128xi32, #tpu.memory_space<hbm>>
    %dma_start3A_39 = arith.constant 0 : i32
    %dma_start3A_40 = tpu.memref_slice %arg2[%add3A, %dma_start3A_35, %dma_start3A_39] : memref<32x80x128xi32, #tpu.memory_space<hbm>> -> memref<1x1x128xi32, #tpu.memory_space<hbm>>
    %dma_start3A_41 = tpu.memref_squeeze %dma_start3A_40 : memref<1x1x128xi32, #tpu.memory_space<hbm>> -> memref<128xi32, #tpu.memory_space<hbm>>
    tpu.enqueue_dma source(%dma_start3A_41 : memref<128xi32, #tpu.memory_space<hbm>>) target(%arg9 : memref<128xi32, #tpu.memory_space<vmem>>) target_semaphore(%arg20 : memref<!tpu.dma_semaphore, #tpu.memory_space<semaphore_mem>>)
    %dma_start3A_42 = arith.constant 6 : i32
    %dma_start3A_43 = arith.constant 0 : i32
    %dma_start3A_44 = tpu.memref_slice %arg2[%add3A, %dma_start3A_42, %dma_start3A_43] : memref<32x80x128xi32, #tpu.memory_space<hbm>> -> memref<1x1x128xi32, #tpu.memory_space<hbm>>
    %dma_start3A_45 = tpu.memref_squeeze %dma_start3A_44 : memref<1x1x128xi32, #tpu.memory_space<hbm>> -> memref<128xi32, #tpu.memory_space<hbm>>
    %dma_start3A_46 = arith.constant 0 : i32
    %dma_start3A_47 = tpu.memref_slice %arg2[%add3A, %dma_start3A_42, %dma_start3A_46] : memref<32x80x128xi32, #tpu.memory_space<hbm>> -> memref<1x1x128xi32, #tpu.memory_space<hbm>>
    %dma_start3A_48 = tpu.memref_squeeze %dma_start3A_47 : memref<1x1x128xi32, #tpu.memory_space<hbm>> -> memref<128xi32, #tpu.memory_space<hbm>>
    tpu.enqueue_dma source(%dma_start3A_48 : memref<128xi32, #tpu.memory_space<hbm>>) target(%arg10 : memref<128xi32, #tpu.memory_space<vmem>>) target_semaphore(%arg21 : memref<!tpu.dma_semaphore, #tpu.memory_space<semaphore_mem>>)
    %dma_start3A_49 = arith.constant 7 : i32
    %dma_start3A_50 = arith.constant 0 : i32
    %dma_start3A_51 = tpu.memref_slice %arg2[%add3A, %dma_start3A_49, %dma_start3A_50] : memref<32x80x128xi32, #tpu.memory_space<hbm>> -> memref<1x1x128xi32, #tpu.memory_space<hbm>>
    %dma_start3A_52 = tpu.memref_squeeze %dma_start3A_51 : memref<1x1x128xi32, #tpu.memory_space<hbm>> -> memref<128xi32, #tpu.memory_space<hbm>>
    %dma_start3A_53 = arith.constant 0 : i32
    %dma_start3A_54 = tpu.memref_slice %arg2[%add3A, %dma_start3A_49, %dma_start3A_53] : memref<32x80x128xi32, #tpu.memory_space<hbm>> -> memref<1x1x128xi32, #tpu.memory_space<hbm>>
    %dma_start3A_55 = tpu.memref_squeeze %dma_start3A_54 : memref<1x1x128xi32, #tpu.memory_space<hbm>> -> memref<128xi32, #tpu.memory_space<hbm>>
    tpu.enqueue_dma source(%dma_start3A_55 : memref<128xi32, #tpu.memory_space<hbm>>) target(%arg11 : memref<128xi32, #tpu.memory_space<vmem>>) target_semaphore(%arg22 : memref<!tpu.dma_semaphore, #tpu.memory_space<semaphore_mem>>)
    %scan3A = arith.constant 0 : i32
    %scan3A_56 = arith.constant 128 : i32
    %scan3A_57 = arith.addi %scan3A, %scan3A_56 : i32
    %scan3A_58 = arith.constant 1 : i32
    scf.for %scan3A_178 = %scan3A to %scan3A_57 step %scan3A_58  : i32 {
      %mul3A_179 = arith.constant 1 : i32
      %mul3A_180 = arith.muli %scan3A_178, %mul3A_179 : i32
      %add3A_181 = arith.constant 0 : i32
      %add3A_182 = arith.addi %add3A_181, %mul3A_180 : i32
      %broadcast_in_dim3A = arith.constant 1.000000e+00 : f32
      %broadcast_in_dim3A_183 = vector.broadcast %broadcast_in_dim3A : f32 to vector<16xf32>
      %swap3A = arith.index_cast %add3A_182 : i32 to index
      %swap3A_184 = arith.constant 0 : index
      %swap3A_185 = tpu.vector_load %arg12[%swap3A, %swap3A_184] {strides = array<i32>} : memref<128x16xf32, #tpu.memory_space<vmem>>, vector<1x16xf32>,
      %swap3A_186 = vector.shape_cast %swap3A_185 : vector<1x16xf32> to vector<16xf32>
      %swap3A_187 = vector.shape_cast %broadcast_in_dim3A_183 : vector<16xf32> to vector<1x16xf32>
      tpu.vector_store %arg12[%swap3A, %swap3A_184], %swap3A_187 {strides = array<i32>} : memref<128x16xf32, #tpu.memory_space<vmem>>, vector<1x16xf32>,
      %broadcast_in_dim3A_188 = arith.constant 0.000000e+00 : f32
      %broadcast_in_dim3A_189 = vector.broadcast %broadcast_in_dim3A_188 : f32 to vector<16xf32>
      %swap3A_190 = arith.index_cast %add3A_182 : i32 to index
      %swap3A_191 = arith.constant 0 : index
      %swap3A_192 = tpu.vector_load %arg13[%swap3A_190, %swap3A_191] {strides = array<i32>} : memref<128x16xf32, #tpu.memory_space<vmem>>, vector<1x16xf32>,
      %swap3A_193 = vector.shape_cast %swap3A_192 : vector<1x16xf32> to vector<16xf32>
      %swap3A_194 = vector.shape_cast %broadcast_in_dim3A_189 : vector<16xf32> to vector<1x16xf32>
      tpu.vector_store %arg13[%swap3A_190, %swap3A_191], %swap3A_194 {strides = array<i32>} : memref<128x16xf32, #tpu.memory_space<vmem>>, vector<1x16xf32>,
    }
    %scan3A_59 = arith.constant 128 : i32
    %scan3A_60 = arith.constant 0 : i32
    %scan3A_61 = arith.constant 5 : i32
    %scan3A_62 = arith.addi %scan3A_60, %scan3A_61 : i32
    %scan3A_63 = arith.constant 1 : i32
    scf.for %scan3A_178 = %scan3A_60 to %scan3A_62 step %scan3A_63  : i32 {
      %mul3A_179 = arith.constant 1 : i32
      %mul3A_180 = arith.muli %scan3A_178, %mul3A_179 : i32
      %add3A_181 = arith.constant 0 : i32
      %add3A_182 = arith.addi %add3A_181, %mul3A_180 : i32
      %mul3A_183 = arith.constant 640 : i32
      %mul3A_184 = arith.muli %arg1, %mul3A_183 : i32
      %mul3A_185 = arith.constant 128 : i32
      %mul3A_186 = arith.muli %add3A_182, %mul3A_185 : i32
      %add3A_187 = arith.addi %mul3A_184, %mul3A_186 : i32
      "tpu.region"() ({
        %run_scoped3A = tpu.sem_alloc : memref<!tpu.dma_semaphore, #tpu.memory_space<semaphore_mem>>
        %dma_start3A_188 = arith.constant 0 : i32
        %dma_start3A_189 = tpu.memref_slice %arg14[%add3A_187, %dma_start3A_188] : memref<10240x16xf32, #tpu.memory_space<vmem_shared>> -> memref<128x16xf32, #tpu.memory_space<vmem_shared>>
        %dma_start3A_190 = arith.constant 0 : i32
        %dma_start3A_191 = tpu.memref_slice %arg14[%add3A_187, %dma_start3A_190] : memref<10240x16xf32, #tpu.memory_space<vmem_shared>> -> memref<128x16xf32, #tpu.memory_space<vmem_shared>>
        tpu.enqueue_dma source(%arg13 : memref<128x16xf32, #tpu.memory_space<vmem>>) target(%dma_start3A_191 : memref<128x16xf32, #tpu.memory_space<vmem_shared>>) target_semaphore(%run_scoped3A : memref<!tpu.dma_semaphore, #tpu.memory_space<semaphore_mem>>)
        %dma_wait3A_192 = arith.constant 0 : i32
        %dma_wait3A_193 = tpu.memref_slice %arg14[%add3A_187, %dma_wait3A_192] : memref<10240x16xf32, #tpu.memory_space<vmem_shared>> -> memref<128x16xf32, #tpu.memory_space<vmem_shared>>
        %dma_wait3A_194 = arith.constant 0 : i32
        %dma_wait3A_195 = tpu.memref_slice %arg14[%add3A_187, %dma_wait3A_194] : memref<10240x16xf32, #tpu.memory_space<vmem_shared>> -> memref<128x16xf32, #tpu.memory_space<vmem_shared>>
        tpu.wait_dma2 semaphore(%run_scoped3A : memref<!tpu.dma_semaphore, #tpu.memory_space<semaphore_mem>>) src(%arg13 : memref<128x16xf32, #tpu.memory_space<vmem>>) dst(%dma_wait3A_195 : memref<128x16xf32, #tpu.memory_space<vmem_shared>>)
        tpu.yield
      }) : () -> ()
    }
    %scan3A_64 = arith.constant 5 : i32
    %barrier3A = arith.constant 0 : index
    tpu.barrier barrier_id(%barrier3A)
    %scan3A_65 = arith.constant 0 : i32
    %scan3A_66 = arith.constant 9 : i32
    %scan3A_67 = arith.addi %scan3A_65, %scan3A_66 : i32
    %scan3A_68 = arith.constant 1 : i32
    scf.for %scan3A_178 = %scan3A_65 to %scan3A_67 step %scan3A_68  : i32 {
      %mul3A_179 = arith.constant 8 : i32
      %mul3A_180 = arith.muli %scan3A_178, %mul3A_179 : i32
      %add3A_181 = arith.constant 0 : i32
      %add3A_182 = arith.addi %add3A_181, %mul3A_180 : i32
      %add3A_183 = arith.constant 0 : i32
      %add3A_184 = arith.addi %add3A_182, %add3A_183 : i32
      %dma_wait3A_185 = arith.constant 0 : i32
      %dma_wait3A_186 = tpu.memref_slice %arg2[%add3A, %add3A_184, %dma_wait3A_185] : memref<32x80x128xi32, #tpu.memory_space<hbm>> -> memref<1x1x128xi32, #tpu.memory_space<hbm>>
      %dma_wait3A_187 = tpu.memref_squeeze %dma_wait3A_186 : memref<1x1x128xi32, #tpu.memory_space<hbm>> -> memref<128xi32, #tpu.memory_space<hbm>>
      %dma_wait3A_188 = arith.constant 0 : i32
      %dma_wait3A_189 = tpu.memref_slice %arg2[%add3A, %add3A_184, %dma_wait3A_188] : memref<32x80x128xi32, #tpu.memory_space<hbm>> -> memref<1x1x128xi32, #tpu.memory_space<hbm>>
      %dma_wait3A_190 = tpu.memref_squeeze %dma_wait3A_189 : memref<1x1x128xi32, #tpu.memory_space<hbm>> -> memref<128xi32, #tpu.memory_space<hbm>>
      tpu.wait_dma2 semaphore(%arg15 : memref<!tpu.dma_semaphore, #tpu.memory_space<semaphore_mem>>) src(%dma_wait3A_190 : memref<128xi32, #tpu.memory_space<hbm>>) dst(%arg4 : memref<128xi32, #tpu.memory_space<vmem>>)
      %dma_start3A_191 = arith.constant 0 : i32
      %dma_start3A_192 = arith.constant 0 : i32
      %dma_start3A_193 = tpu.memref_slice %arg14[%dma_start3A_191, %dma_start3A_192] : memref<10240x16xf32, #tpu.memory_space<vmem_shared>> -> memref<10240x16xf32, #tpu.memory_space<vmem_shared>>
      tpu.enqueue_indirect_dma source(%arg12 : memref<128x16xf32, #tpu.memory_space<vmem>>) target(%dma_start3A_193 : memref<10240x16xf32, #tpu.memory_space<vmem_shared>>) offsets(%arg4 : memref<128xi32, #tpu.memory_space<vmem>>) semaphore(%arg23 : memref<!tpu.dma_semaphore, #tpu.memory_space<semaphore_mem>>) {add = true}
      %add3A_194 = arith.constant 1 : i32
      %add3A_195 = arith.addi %add3A_182, %add3A_194 : i32
      %dma_wait3A_196 = arith.constant 0 : i32
      %dma_wait3A_197 = tpu.memref_slice %arg2[%add3A, %add3A_195, %dma_wait3A_196] : memref<32x80x128xi32, #tpu.memory_space<hbm>> -> memref<1x1x128xi32, #tpu.memory_space<hbm>>
      %dma_wait3A_198 = tpu.memref_squeeze %dma_wait3A_197 : memref<1x1x128xi32, #tpu.memory_space<hbm>> -> memref<128xi32, #tpu.memory_space<hbm>>
      %dma_wait3A_199 = arith.constant 0 : i32
      %dma_wait3A_200 = tpu.memref_slice %arg2[%add3A, %add3A_195, %dma_wait3A_199] : memref<32x80x128xi32, #tpu.memory_space<hbm>> -> memref<1x1x128xi32, #tpu.memory_space<hbm>>
      %dma_wait3A_201 = tpu.memref_squeeze %dma_wait3A_200 : memref<1x1x128xi32, #tpu.memory_space<hbm>> -> memref<128xi32, #tpu.memory_space<hbm>>
      tpu.wait_dma2 semaphore(%arg16 : memref<!tpu.dma_semaphore, #tpu.memory_space<semaphore_mem>>) src(%dma_wait3A_201 : memref<128xi32, #tpu.memory_space<hbm>>) dst(%arg5 : memref<128xi32, #tpu.memory_space<vmem>>)
      %dma_start3A_202 = arith.constant 0 : i32
      %dma_start3A_203 = arith.constant 0 : i32
      %dma_start3A_204 = tpu.memref_slice %arg14[%dma_start3A_202, %dma_start3A_203] : memref<10240x16xf32, #tpu.memory_space<vmem_shared>> -> memref<10240x16xf32, #tpu.memory_space<vmem_shared>>
      tpu.enqueue_indirect_dma source(%arg12 : memref<128x16xf32, #tpu.memory_space<vmem>>) target(%dma_start3A_204 : memref<10240x16xf32, #tpu.memory_space<vmem_shared>>) offsets(%arg5 : memref<128xi32, #tpu.memory_space<vmem>>) semaphore(%arg24 : memref<!tpu.dma_semaphore, #tpu.memory_space<semaphore_mem>>) {add = true}
      %dma_wait3A_205 = arith.constant 0 : i32
      %dma_wait3A_206 = arith.constant 0 : i32
      %dma_wait3A_207 = tpu.memref_slice %arg14[%dma_wait3A_205, %dma_wait3A_206] : memref<10240x16xf32, #tpu.memory_space<vmem_shared>> -> memref<10240x16xf32, #tpu.memory_space<vmem_shared>>
      tpu.wait_indirect_dma semaphore(%arg23 : memref<!tpu.dma_semaphore, #tpu.memory_space<semaphore_mem>>) src(%arg12 : memref<128x16xf32, #tpu.memory_space<vmem>>) dst(%dma_wait3A_207 : memref<10240x16xf32, #tpu.memory_space<vmem_shared>>)
      %add3A_208 = arith.constant 0 : i32
      %add3A_209 = arith.addi %add3A_182, %add3A_208 : i32
      %add3A_210 = arith.constant 8 : i32
      %add3A_211 = arith.addi %add3A_209, %add3A_210 : i32
      %dma_start3A_212 = arith.constant 0 : i32
      %dma_start3A_213 = tpu.memref_slice %arg2[%add3A, %add3A_211, %dma_start3A_212] : memref<32x80x128xi32, #tpu.memory_space<hbm>> -> memref<1x1x128xi32, #tpu.memory_space<hbm>>
      %dma_start3A_214 = tpu.memref_squeeze %dma_start3A_213 : memref<1x1x128xi32, #tpu.memory_space<hbm>> -> memref<128xi32, #tpu.memory_space<hbm>>
      %dma_start3A_215 = arith.constant 0 : i32
      %dma_start3A_216 = tpu.memref_slice %arg2[%add3A, %add3A_211, %dma_start3A_215] : memref<32x80x128xi32, #tpu.memory_space<hbm>> -> memref<1x1x128xi32, #tpu.memory_space<hbm>>
      %dma_start3A_217 = tpu.memref_squeeze %dma_start3A_216 : memref<1x1x128xi32, #tpu.memory_space<hbm>> -> memref<128xi32, #tpu.memory_space<hbm>>
      tpu.enqueue_dma source(%dma_start3A_217 : memref<128xi32, #tpu.memory_space<hbm>>) target(%arg4 : memref<128xi32, #tpu.memory_space<vmem>>) target_semaphore(%arg15 : memref<!tpu.dma_semaphore, #tpu.memory_space<semaphore_mem>>)
      %add3A_218 = arith.constant 2 : i32
      %add3A_219 = arith.addi %add3A_182, %add3A_218 : i32
      %dma_wait3A_220 = arith.constant 0 : i32
      %dma_wait3A_221 = tpu.memref_slice %arg2[%add3A, %add3A_219, %dma_wait3A_220] : memref<32x80x128xi32, #tpu.memory_space<hbm>> -> memref<1x1x128xi32, #tpu.memory_space<hbm>>
      %dma_wait3A_222 = tpu.memref_squeeze %dma_wait3A_221 : memref<1x1x128xi32, #tpu.memory_space<hbm>> -> memref<128xi32, #tpu.memory_space<hbm>>
      %dma_wait3A_223 = arith.constant 0 : i32
      %dma_wait3A_224 = tpu.memref_slice %arg2[%add3A, %add3A_219, %dma_wait3A_223] : memref<32x80x128xi32, #tpu.memory_space<hbm>> -> memref<1x1x128xi32, #tpu.memory_space<hbm>>
      %dma_wait3A_225 = tpu.memref_squeeze %dma_wait3A_224 : memref<1x1x128xi32, #tpu.memory_space<hbm>> -> memref<128xi32, #tpu.memory_space<hbm>>
      tpu.wait_dma2 semaphore(%arg17 : memref<!tpu.dma_semaphore, #tpu.memory_space<semaphore_mem>>) src(%dma_wait3A_225 : memref<128xi32, #tpu.memory_space<hbm>>) dst(%arg6 : memref<128xi32, #tpu.memory_space<vmem>>)
      %dma_start3A_226 = arith.constant 0 : i32
      %dma_start3A_227 = arith.constant 0 : i32
      %dma_start3A_228 = tpu.memref_slice %arg14[%dma_start3A_226, %dma_start3A_227] : memref<10240x16xf32, #tpu.memory_space<vmem_shared>> -> memref<10240x16xf32, #tpu.memory_space<vmem_shared>>
      tpu.enqueue_indirect_dma source(%arg12 : memref<128x16xf32, #tpu.memory_space<vmem>>) target(%dma_start3A_228 : memref<10240x16xf32, #tpu.memory_space<vmem_shared>>) offsets(%arg6 : memref<128xi32, #tpu.memory_space<vmem>>) semaphore(%arg23 : memref<!tpu.dma_semaphore, #tpu.memory_space<semaphore_mem>>) {add = true}
      %dma_wait3A_229 = arith.constant 0 : i32
      %dma_wait3A_230 = arith.constant 0 : i32
      %dma_wait3A_231 = tpu.memref_slice %arg14[%dma_wait3A_229, %dma_wait3A_230] : memref<10240x16xf32, #tpu.memory_space<vmem_shared>> -> memref<10240x16xf32, #tpu.memory_space<vmem_shared>>
      tpu.wait_indirect_dma semaphore(%arg24 : memref<!tpu.dma_semaphore, #tpu.memory_space<semaphore_mem>>) src(%arg12 : memref<128x16xf32, #tpu.memory_space<vmem>>) dst(%dma_wait3A_231 : memref<10240x16xf32, #tpu.memory_space<vmem_shared>>)
      %add3A_232 = arith.constant 1 : i32
      %add3A_233 = arith.addi %add3A_182, %add3A_232 : i32
      %add3A_234 = arith.constant 8 : i32
      %add3A_235 = arith.addi %add3A_233, %add3A_234 : i32
      %dma_start3A_236 = arith.constant 0 : i32
      %dma_start3A_237 = tpu.memref_slice %arg2[%add3A, %add3A_235, %dma_start3A_236] : memref<32x80x128xi32, #tpu.memory_space<hbm>> -> memref<1x1x128xi32, #tpu.memory_space<hbm>>
      %dma_start3A_238 = tpu.memref_squeeze %dma_start3A_237 : memref<1x1x128xi32, #tpu.memory_space<hbm>> -> memref<128xi32, #tpu.memory_space<hbm>>
      %dma_start3A_239 = arith.constant 0 : i32
      %dma_start3A_240 = tpu.memref_slice %arg2[%add3A, %add3A_235, %dma_start3A_239] : memref<32x80x128xi32, #tpu.memory_space<hbm>> -> memref<1x1x128xi32, #tpu.memory_space<hbm>>
      %dma_start3A_241 = tpu.memref_squeeze %dma_start3A_240 : memref<1x1x128xi32, #tpu.memory_space<hbm>> -> memref<128xi32, #tpu.memory_space<hbm>>
      tpu.enqueue_dma source(%dma_start3A_241 : memref<128xi32, #tpu.memory_space<hbm>>) target(%arg5 : memref<128xi32, #tpu.memory_space<vmem>>) target_semaphore(%arg16 : memref<!tpu.dma_semaphore, #tpu.memory_space<semaphore_mem>>)
      %add3A_242 = arith.constant 3 : i32
      %add3A_243 = arith.addi %add3A_182, %add3A_242 : i32
      %dma_wait3A_244 = arith.constant 0 : i32
      %dma_wait3A_245 = tpu.memref_slice %arg2[%add3A, %add3A_243, %dma_wait3A_244] : memref<32x80x128xi32, #tpu.memory_space<hbm>> -> memref<1x1x128xi32, #tpu.memory_space<hbm>>
      %dma_wait3A_246 = tpu.memref_squeeze %dma_wait3A_245 : memref<1x1x128xi32, #tpu.memory_space<hbm>> -> memref<128xi32, #tpu.memory_space<hbm>>
      %dma_wait3A_247 = arith.constant 0 : i32
      %dma_wait3A_248 = tpu.memref_slice %arg2[%add3A, %add3A_243, %dma_wait3A_247] : memref<32x80x128xi32, #tpu.memory_space<hbm>> -> memref<1x1x128xi32, #tpu.memory_space<hbm>>
      %dma_wait3A_249 = tpu.memref_squeeze %dma_wait3A_248 : memref<1x1x128xi32, #tpu.memory_space<hbm>> -> memref<128xi32, #tpu.memory_space<hbm>>
      tpu.wait_dma2 semaphore(%arg18 : memref<!tpu.dma_semaphore, #tpu.memory_space<semaphore_mem>>) src(%dma_wait3A_249 : memref<128xi32, #tpu.memory_space<hbm>>) dst(%arg7 : memref<128xi32, #tpu.memory_space<vmem>>)
      %dma_start3A_250 = arith.constant 0 : i32
      %dma_start3A_251 = arith.constant 0 : i32
      %dma_start3A_252 = tpu.memref_slice %arg14[%dma_start3A_250, %dma_start3A_251] : memref<10240x16xf32, #tpu.memory_space<vmem_shared>> -> memref<10240x16xf32, #tpu.memory_space<vmem_shared>>
      tpu.enqueue_indirect_dma source(%arg12 : memref<128x16xf32, #tpu.memory_space<vmem>>) target(%dma_start3A_252 : memref<10240x16xf32, #tpu.memory_space<vmem_shared>>) offsets(%arg7 : memref<128xi32, #tpu.memory_space<vmem>>) semaphore(%arg24 : memref<!tpu.dma_semaphore, #tpu.memory_space<semaphore_mem>>) {add = true}
      %dma_wait3A_253 = arith.constant 0 : i32
      %dma_wait3A_254 = arith.constant 0 : i32
      %dma_wait3A_255 = tpu.memref_slice %arg14[%dma_wait3A_253, %dma_wait3A_254] : memref<10240x16xf32, #tpu.memory_space<vmem_shared>> -> memref<10240x16xf32, #tpu.memory_space<vmem_shared>>
      tpu.wait_indirect_dma semaphore(%arg23 : memref<!tpu.dma_semaphore, #tpu.memory_space<semaphore_mem>>) src(%arg12 : memref<128x16xf32, #tpu.memory_space<vmem>>) dst(%dma_wait3A_255 : memref<10240x16xf32, #tpu.memory_space<vmem_shared>>)
      %add3A_256 = arith.constant 2 : i32
      %add3A_257 = arith.addi %add3A_182, %add3A_256 : i32
      %add3A_258 = arith.constant 8 : i32
      %add3A_259 = arith.addi %add3A_257, %add3A_258 : i32
      %dma_start3A_260 = arith.constant 0 : i32
      %dma_start3A_261 = tpu.memref_slice %arg2[%add3A, %add3A_259, %dma_start3A_260] : memref<32x80x128xi32, #tpu.memory_space<hbm>> -> memref<1x1x128xi32, #tpu.memory_space<hbm>>
      %dma_start3A_262 = tpu.memref_squeeze %dma_start3A_261 : memref<1x1x128xi32, #tpu.memory_space<hbm>> -> memref<128xi32, #tpu.memory_space<hbm>>
      %dma_start3A_263 = arith.constant 0 : i32
      %dma_start3A_264 = tpu.memref_slice %arg2[%add3A, %add3A_259, %dma_start3A_263] : memref<32x80x128xi32, #tpu.memory_space<hbm>> -> memref<1x1x128xi32, #tpu.memory_space<hbm>>
      %dma_start3A_265 = tpu.memref_squeeze %dma_start3A_264 : memref<1x1x128xi32, #tpu.memory_space<hbm>> -> memref<128xi32, #tpu.memory_space<hbm>>
      tpu.enqueue_dma source(%dma_start3A_265 : memref<128xi32, #tpu.memory_space<hbm>>) target(%arg6 : memref<128xi32, #tpu.memory_space<vmem>>) target_semaphore(%arg17 : memref<!tpu.dma_semaphore, #tpu.memory_space<semaphore_mem>>)
      %add3A_266 = arith.constant 4 : i32
      %add3A_267 = arith.addi %add3A_182, %add3A_266 : i32
      %dma_wait3A_268 = arith.constant 0 : i32
      %dma_wait3A_269 = tpu.memref_slice %arg2[%add3A, %add3A_267, %dma_wait3A_268] : memref<32x80x128xi32, #tpu.memory_space<hbm>> -> memref<1x1x128xi32, #tpu.memory_space<hbm>>
      %dma_wait3A_270 = tpu.memref_squeeze %dma_wait3A_269 : memref<1x1x128xi32, #tpu.memory_space<hbm>> -> memref<128xi32, #tpu.memory_space<hbm>>
      %dma_wait3A_271 = arith.constant 0 : i32
      %dma_wait3A_272 = tpu.memref_slice %arg2[%add3A, %add3A_267, %dma_wait3A_271] : memref<32x80x128xi32, #tpu.memory_space<hbm>> -> memref<1x1x128xi32, #tpu.memory_space<hbm>>
      %dma_wait3A_273 = tpu.memref_squeeze %dma_wait3A_272 : memref<1x1x128xi32, #tpu.memory_space<hbm>> -> memref<128xi32, #tpu.memory_space<hbm>>
      tpu.wait_dma2 semaphore(%arg19 : memref<!tpu.dma_semaphore, #tpu.memory_space<semaphore_mem>>) src(%dma_wait3A_273 : memref<128xi32, #tpu.memory_space<hbm>>) dst(%arg8 : memref<128xi32, #tpu.memory_space<vmem>>)
      %dma_start3A_274 = arith.constant 0 : i32
      %dma_start3A_275 = arith.constant 0 : i32
      %dma_start3A_276 = tpu.memref_slice %arg14[%dma_start3A_274, %dma_start3A_275] : memref<10240x16xf32, #tpu.memory_space<vmem_shared>> -> memref<10240x16xf32, #tpu.memory_space<vmem_shared>>
      tpu.enqueue_indirect_dma source(%arg12 : memref<128x16xf32, #tpu.memory_space<vmem>>) target(%dma_start3A_276 : memref<10240x16xf32, #tpu.memory_space<vmem_shared>>) offsets(%arg8 : memref<128xi32, #tpu.memory_space<vmem>>) semaphore(%arg23 : memref<!tpu.dma_semaphore, #tpu.memory_space<semaphore_mem>>) {add = true}
      %dma_wait3A_277 = arith.constant 0 : i32
      %dma_wait3A_278 = arith.constant 0 : i32
      %dma_wait3A_279 = tpu.memref_slice %arg14[%dma_wait3A_277, %dma_wait3A_278] : memref<10240x16xf32, #tpu.memory_space<vmem_shared>> -> memref<10240x16xf32, #tpu.memory_space<vmem_shared>>
      tpu.wait_indirect_dma semaphore(%arg24 : memref<!tpu.dma_semaphore, #tpu.memory_space<semaphore_mem>>) src(%arg12 : memref<128x16xf32, #tpu.memory_space<vmem>>) dst(%dma_wait3A_279 : memref<10240x16xf32, #tpu.memory_space<vmem_shared>>)
      %add3A_280 = arith.constant 3 : i32
      %add3A_281 = arith.addi %add3A_182, %add3A_280 : i32
      %add3A_282 = arith.constant 8 : i32
      %add3A_283 = arith.addi %add3A_281, %add3A_282 : i32
      %dma_start3A_284 = arith.constant 0 : i32
      %dma_start3A_285 = tpu.memref_slice %arg2[%add3A, %add3A_283, %dma_start3A_284] : memref<32x80x128xi32, #tpu.memory_space<hbm>> -> memref<1x1x128xi32, #tpu.memory_space<hbm>>
      %dma_start3A_286 = tpu.memref_squeeze %dma_start3A_285 : memref<1x1x128xi32, #tpu.memory_space<hbm>> -> memref<128xi32, #tpu.memory_space<hbm>>
      %dma_start3A_287 = arith.constant 0 : i32
      %dma_start3A_288 = tpu.memref_slice %arg2[%add3A, %add3A_283, %dma_start3A_287] : memref<32x80x128xi32, #tpu.memory_space<hbm>> -> memref<1x1x128xi32, #tpu.memory_space<hbm>>
      %dma_start3A_289 = tpu.memref_squeeze %dma_start3A_288 : memref<1x1x128xi32, #tpu.memory_space<hbm>> -> memref<128xi32, #tpu.memory_space<hbm>>
      tpu.enqueue_dma source(%dma_start3A_289 : memref<128xi32, #tpu.memory_space<hbm>>) target(%arg7 : memref<128xi32, #tpu.memory_space<vmem>>) target_semaphore(%arg18 : memref<!tpu.dma_semaphore, #tpu.memory_space<semaphore_mem>>)
      %add3A_290 = arith.constant 5 : i32
      %add3A_291 = arith.addi %add3A_182, %add3A_290 : i32
      %dma_wait3A_292 = arith.constant 0 : i32
      %dma_wait3A_293 = tpu.memref_slice %arg2[%add3A, %add3A_291, %dma_wait3A_292] : memref<32x80x128xi32, #tpu.memory_space<hbm>> -> memref<1x1x128xi32, #tpu.memory_space<hbm>>
      %dma_wait3A_294 = tpu.memref_squeeze %dma_wait3A_293 : memref<1x1x128xi32, #tpu.memory_space<hbm>> -> memref<128xi32, #tpu.memory_space<hbm>>
      %dma_wait3A_295 = arith.constant 0 : i32
      %dma_wait3A_296 = tpu.memref_slice %arg2[%add3A, %add3A_291, %dma_wait3A_295] : memref<32x80x128xi32, #tpu.memory_space<hbm>> -> memref<1x1x128xi32, #tpu.memory_space<hbm>>
      %dma_wait3A_297 = tpu.memref_squeeze %dma_wait3A_296 : memref<1x1x128xi32, #tpu.memory_space<hbm>> -> memref<128xi32, #tpu.memory_space<hbm>>
      tpu.wait_dma2 semaphore(%arg20 : memref<!tpu.dma_semaphore, #tpu.memory_space<semaphore_mem>>) src(%dma_wait3A_297 : memref<128xi32, #tpu.memory_space<hbm>>) dst(%arg9 : memref<128xi32, #tpu.memory_space<vmem>>)
      %dma_start3A_298 = arith.constant 0 : i32
      %dma_start3A_299 = arith.constant 0 : i32
      %dma_start3A_300 = tpu.memref_slice %arg14[%dma_start3A_298, %dma_start3A_299] : memref<10240x16xf32, #tpu.memory_space<vmem_shared>> -> memref<10240x16xf32, #tpu.memory_space<vmem_shared>>
      tpu.enqueue_indirect_dma source(%arg12 : memref<128x16xf32, #tpu.memory_space<vmem>>) target(%dma_start3A_300 : memref<10240x16xf32, #tpu.memory_space<vmem_shared>>) offsets(%arg9 : memref<128xi32, #tpu.memory_space<vmem>>) semaphore(%arg24 : memref<!tpu.dma_semaphore, #tpu.memory_space<semaphore_mem>>) {add = true}
      %dma_wait3A_301 = arith.constant 0 : i32
      %dma_wait3A_302 = arith.constant 0 : i32
      %dma_wait3A_303 = tpu.memref_slice %arg14[%dma_wait3A_301, %dma_wait3A_302] : memref<10240x16xf32, #tpu.memory_space<vmem_shared>> -> memref<10240x16xf32, #tpu.memory_space<vmem_shared>>
      tpu.wait_indirect_dma semaphore(%arg23 : memref<!tpu.dma_semaphore, #tpu.memory_space<semaphore_mem>>) src(%arg12 : memref<128x16xf32, #tpu.memory_space<vmem>>) dst(%dma_wait3A_303 : memref<10240x16xf32, #tpu.memory_space<vmem_shared>>)
      %add3A_304 = arith.constant 4 : i32
      %add3A_305 = arith.addi %add3A_182, %add3A_304 : i32
      %add3A_306 = arith.constant 8 : i32
      %add3A_307 = arith.addi %add3A_305, %add3A_306 : i32
      %dma_start3A_308 = arith.constant 0 : i32
      %dma_start3A_309 = tpu.memref_slice %arg2[%add3A, %add3A_307, %dma_start3A_308] : memref<32x80x128xi32, #tpu.memory_space<hbm>> -> memref<1x1x128xi32, #tpu.memory_space<hbm>>
      %dma_start3A_310 = tpu.memref_squeeze %dma_start3A_309 : memref<1x1x128xi32, #tpu.memory_space<hbm>> -> memref<128xi32, #tpu.memory_space<hbm>>
      %dma_start3A_311 = arith.constant 0 : i32
      %dma_start3A_312 = tpu.memref_slice %arg2[%add3A, %add3A_307, %dma_start3A_311] : memref<32x80x128xi32, #tpu.memory_space<hbm>> -> memref<1x1x128xi32, #tpu.memory_space<hbm>>
      %dma_start3A_313 = tpu.memref_squeeze %dma_start3A_312 : memref<1x1x128xi32, #tpu.memory_space<hbm>> -> memref<128xi32, #tpu.memory_space<hbm>>
      tpu.enqueue_dma source(%dma_start3A_313 : memref<128xi32, #tpu.memory_space<hbm>>) target(%arg8 : memref<128xi32, #tpu.memory_space<vmem>>) target_semaphore(%arg19 : memref<!tpu.dma_semaphore, #tpu.memory_space<semaphore_mem>>)
      %add3A_314 = arith.constant 6 : i32
      %add3A_315 = arith.addi %add3A_182, %add3A_314 : i32
      %dma_wait3A_316 = arith.constant 0 : i32
      %dma_wait3A_317 = tpu.memref_slice %arg2[%add3A, %add3A_315, %dma_wait3A_316] : memref<32x80x128xi32, #tpu.memory_space<hbm>> -> memref<1x1x128xi32, #tpu.memory_space<hbm>>
      %dma_wait3A_318 = tpu.memref_squeeze %dma_wait3A_317 : memref<1x1x128xi32, #tpu.memory_space<hbm>> -> memref<128xi32, #tpu.memory_space<hbm>>
      %dma_wait3A_319 = arith.constant 0 : i32
      %dma_wait3A_320 = tpu.memref_slice %arg2[%add3A, %add3A_315, %dma_wait3A_319] : memref<32x80x128xi32, #tpu.memory_space<hbm>> -> memref<1x1x128xi32, #tpu.memory_space<hbm>>
      %dma_wait3A_321 = tpu.memref_squeeze %dma_wait3A_320 : memref<1x1x128xi32, #tpu.memory_space<hbm>> -> memref<128xi32, #tpu.memory_space<hbm>>
      tpu.wait_dma2 semaphore(%arg21 : memref<!tpu.dma_semaphore, #tpu.memory_space<semaphore_mem>>) src(%dma_wait3A_321 : memref<128xi32, #tpu.memory_space<hbm>>) dst(%arg10 : memref<128xi32, #tpu.memory_space<vmem>>)
      %dma_start3A_322 = arith.constant 0 : i32
      %dma_start3A_323 = arith.constant 0 : i32
      %dma_start3A_324 = tpu.memref_slice %arg14[%dma_start3A_322, %dma_start3A_323] : memref<10240x16xf32, #tpu.memory_space<vmem_shared>> -> memref<10240x16xf32, #tpu.memory_space<vmem_shared>>
      tpu.enqueue_indirect_dma source(%arg12 : memref<128x16xf32, #tpu.memory_space<vmem>>) target(%dma_start3A_324 : memref<10240x16xf32, #tpu.memory_space<vmem_shared>>) offsets(%arg10 : memref<128xi32, #tpu.memory_space<vmem>>) semaphore(%arg23 : memref<!tpu.dma_semaphore, #tpu.memory_space<semaphore_mem>>) {add = true}
      %dma_wait3A_325 = arith.constant 0 : i32
      %dma_wait3A_326 = arith.constant 0 : i32
      %dma_wait3A_327 = tpu.memref_slice %arg14[%dma_wait3A_325, %dma_wait3A_326] : memref<10240x16xf32, #tpu.memory_space<vmem_shared>> -> memref<10240x16xf32, #tpu.memory_space<vmem_shared>>
      tpu.wait_indirect_dma semaphore(%arg24 : memref<!tpu.dma_semaphore, #tpu.memory_space<semaphore_mem>>) src(%arg12 : memref<128x16xf32, #tpu.memory_space<vmem>>) dst(%dma_wait3A_327 : memref<10240x16xf32, #tpu.memory_space<vmem_shared>>)
      %add3A_328 = arith.constant 5 : i32
      %add3A_329 = arith.addi %add3A_182, %add3A_328 : i32
      %add3A_330 = arith.constant 8 : i32
      %add3A_331 = arith.addi %add3A_329, %add3A_330 : i32
      %dma_start3A_332 = arith.constant 0 : i32
      %dma_start3A_333 = tpu.memref_slice %arg2[%add3A, %add3A_331, %dma_start3A_332] : memref<32x80x128xi32, #tpu.memory_space<hbm>> -> memref<1x1x128xi32, #tpu.memory_space<hbm>>
      %dma_start3A_334 = tpu.memref_squeeze %dma_start3A_333 : memref<1x1x128xi32, #tpu.memory_space<hbm>> -> memref<128xi32, #tpu.memory_space<hbm>>
      %dma_start3A_335 = arith.constant 0 : i32
      %dma_start3A_336 = tpu.memref_slice %arg2[%add3A, %add3A_331, %dma_start3A_335] : memref<32x80x128xi32, #tpu.memory_space<hbm>> -> memref<1x1x128xi32, #tpu.memory_space<hbm>>
      %dma_start3A_337 = tpu.memref_squeeze %dma_start3A_336 : memref<1x1x128xi32, #tpu.memory_space<hbm>> -> memref<128xi32, #tpu.memory_space<hbm>>
      tpu.enqueue_dma source(%dma_start3A_337 : memref<128xi32, #tpu.memory_space<hbm>>) target(%arg9 : memref<128xi32, #tpu.memory_space<vmem>>) target_semaphore(%arg20 : memref<!tpu.dma_semaphore, #tpu.memory_space<semaphore_mem>>)
      %add3A_338 = arith.constant 7 : i32
      %add3A_339 = arith.addi %add3A_182, %add3A_338 : i32
      %dma_wait3A_340 = arith.constant 0 : i32
      %dma_wait3A_341 = tpu.memref_slice %arg2[%add3A, %add3A_339, %dma_wait3A_340] : memref<32x80x128xi32, #tpu.memory_space<hbm>> -> memref<1x1x128xi32, #tpu.memory_space<hbm>>
      %dma_wait3A_342 = tpu.memref_squeeze %dma_wait3A_341 : memref<1x1x128xi32, #tpu.memory_space<hbm>> -> memref<128xi32, #tpu.memory_space<hbm>>
      %dma_wait3A_343 = arith.constant 0 : i32
      %dma_wait3A_344 = tpu.memref_slice %arg2[%add3A, %add3A_339, %dma_wait3A_343] : memref<32x80x128xi32, #tpu.memory_space<hbm>> -> memref<1x1x128xi32, #tpu.memory_space<hbm>>
      %dma_wait3A_345 = tpu.memref_squeeze %dma_wait3A_344 : memref<1x1x128xi32, #tpu.memory_space<hbm>> -> memref<128xi32, #tpu.memory_space<hbm>>
      tpu.wait_dma2 semaphore(%arg22 : memref<!tpu.dma_semaphore, #tpu.memory_space<semaphore_mem>>) src(%dma_wait3A_345 : memref<128xi32, #tpu.memory_space<hbm>>) dst(%arg11 : memref<128xi32, #tpu.memory_space<vmem>>)
      %dma_start3A_346 = arith.constant 0 : i32
      %dma_start3A_347 = arith.constant 0 : i32
      %dma_start3A_348 = tpu.memref_slice %arg14[%dma_start3A_346, %dma_start3A_347] : memref<10240x16xf32, #tpu.memory_space<vmem_shared>> -> memref<10240x16xf32, #tpu.memory_space<vmem_shared>>
      tpu.enqueue_indirect_dma source(%arg12 : memref<128x16xf32, #tpu.memory_space<vmem>>) target(%dma_start3A_348 : memref<10240x16xf32, #tpu.memory_space<vmem_shared>>) offsets(%arg11 : memref<128xi32, #tpu.memory_space<vmem>>) semaphore(%arg24 : memref<!tpu.dma_semaphore, #tpu.memory_space<semaphore_mem>>) {add = true}
      %dma_wait3A_349 = arith.constant 0 : i32
      %dma_wait3A_350 = arith.constant 0 : i32
      %dma_wait3A_351 = tpu.memref_slice %arg14[%dma_wait3A_349, %dma_wait3A_350] : memref<10240x16xf32, #tpu.memory_space<vmem_shared>> -> memref<10240x16xf32, #tpu.memory_space<vmem_shared>>
      tpu.wait_indirect_dma semaphore(%arg23 : memref<!tpu.dma_semaphore, #tpu.memory_space<semaphore_mem>>) src(%arg12 : memref<128x16xf32, #tpu.memory_space<vmem>>) dst(%dma_wait3A_351 : memref<10240x16xf32, #tpu.memory_space<vmem_shared>>)
      %add3A_352 = arith.constant 6 : i32
      %add3A_353 = arith.addi %add3A_182, %add3A_352 : i32
      %add3A_354 = arith.constant 8 : i32
      %add3A_355 = arith.addi %add3A_353, %add3A_354 : i32
      %dma_start3A_356 = arith.constant 0 : i32
      %dma_start3A_357 = tpu.memref_slice %arg2[%add3A, %add3A_355, %dma_start3A_356] : memref<32x80x128xi32, #tpu.memory_space<hbm>> -> memref<1x1x128xi32, #tpu.memory_space<hbm>>
      %dma_start3A_358 = tpu.memref_squeeze %dma_start3A_357 : memref<1x1x128xi32, #tpu.memory_space<hbm>> -> memref<128xi32, #tpu.memory_space<hbm>>
      %dma_start3A_359 = arith.constant 0 : i32
      %dma_start3A_360 = tpu.memref_slice %arg2[%add3A, %add3A_355, %dma_start3A_359] : memref<32x80x128xi32, #tpu.memory_space<hbm>> -> memref<1x1x128xi32, #tpu.memory_space<hbm>>
      %dma_start3A_361 = tpu.memref_squeeze %dma_start3A_360 : memref<1x1x128xi32, #tpu.memory_space<hbm>> -> memref<128xi32, #tpu.memory_space<hbm>>
      tpu.enqueue_dma source(%dma_start3A_361 : memref<128xi32, #tpu.memory_space<hbm>>) target(%arg10 : memref<128xi32, #tpu.memory_space<vmem>>) target_semaphore(%arg21 : memref<!tpu.dma_semaphore, #tpu.memory_space<semaphore_mem>>)
      %dma_wait3A_362 = arith.constant 0 : i32
      %dma_wait3A_363 = arith.constant 0 : i32
      %dma_wait3A_364 = tpu.memref_slice %arg14[%dma_wait3A_362, %dma_wait3A_363] : memref<10240x16xf32, #tpu.memory_space<vmem_shared>> -> memref<10240x16xf32, #tpu.memory_space<vmem_shared>>
      tpu.wait_indirect_dma semaphore(%arg24 : memref<!tpu.dma_semaphore, #tpu.memory_space<semaphore_mem>>) src(%arg12 : memref<128x16xf32, #tpu.memory_space<vmem>>) dst(%dma_wait3A_364 : memref<10240x16xf32, #tpu.memory_space<vmem_shared>>)
      %add3A_365 = arith.constant 7 : i32
      %add3A_366 = arith.addi %add3A_182, %add3A_365 : i32
      %add3A_367 = arith.constant 8 : i32
      %add3A_368 = arith.addi %add3A_366, %add3A_367 : i32
      %dma_start3A_369 = arith.constant 0 : i32
      %dma_start3A_370 = tpu.memref_slice %arg2[%add3A, %add3A_368, %dma_start3A_369] : memref<32x80x128xi32, #tpu.memory_space<hbm>> -> memref<1x1x128xi32, #tpu.memory_space<hbm>>
      %dma_start3A_371 = tpu.memref_squeeze %dma_start3A_370 : memref<1x1x128xi32, #tpu.memory_space<hbm>> -> memref<128xi32, #tpu.memory_space<hbm>>
      %dma_start3A_372 = arith.constant 0 : i32
      %dma_start3A_373 = tpu.memref_slice %arg2[%add3A, %add3A_368, %dma_start3A_372] : memref<32x80x128xi32, #tpu.memory_space<hbm>> -> memref<1x1x128xi32, #tpu.memory_space<hbm>>
      %dma_start3A_374 = tpu.memref_squeeze %dma_start3A_373 : memref<1x1x128xi32, #tpu.memory_space<hbm>> -> memref<128xi32, #tpu.memory_space<hbm>>
      tpu.enqueue_dma source(%dma_start3A_374 : memref<128xi32, #tpu.memory_space<hbm>>) target(%arg11 : memref<128xi32, #tpu.memory_space<vmem>>) target_semaphore(%arg22 : memref<!tpu.dma_semaphore, #tpu.memory_space<semaphore_mem>>)
    }
    %scan3A_69 = arith.constant 9 : i32
    %dma_wait3A = arith.constant 72 : i32
    %dma_wait3A_70 = arith.constant 0 : i32
    %dma_wait3A_71 = tpu.memref_slice %arg2[%add3A, %dma_wait3A, %dma_wait3A_70] : memref<32x80x128xi32, #tpu.memory_space<hbm>> -> memref<1x1x128xi32, #tpu.memory_space<hbm>>
    %dma_wait3A_72 = tpu.memref_squeeze %dma_wait3A_71 : memref<1x1x128xi32, #tpu.memory_space<hbm>> -> memref<128xi32, #tpu.memory_space<hbm>>
    %dma_wait3A_73 = arith.constant 0 : i32
    %dma_wait3A_74 = tpu.memref_slice %arg2[%add3A, %dma_wait3A, %dma_wait3A_73] : memref<32x80x128xi32, #tpu.memory_space<hbm>> -> memref<1x1x128xi32, #tpu.memory_space<hbm>>
    %dma_wait3A_75 = tpu.memref_squeeze %dma_wait3A_74 : memref<1x1x128xi32, #tpu.memory_space<hbm>> -> memref<128xi32, #tpu.memory_space<hbm>>
    tpu.wait_dma2 semaphore(%arg15 : memref<!tpu.dma_semaphore, #tpu.memory_space<semaphore_mem>>) src(%dma_wait3A_75 : memref<128xi32, #tpu.memory_space<hbm>>) dst(%arg4 : memref<128xi32, #tpu.memory_space<vmem>>)
    %dma_start3A_76 = arith.constant 0 : i32
    %dma_start3A_77 = arith.constant 0 : i32
    %dma_start3A_78 = tpu.memref_slice %arg14[%dma_start3A_76, %dma_start3A_77] : memref<10240x16xf32, #tpu.memory_space<vmem_shared>> -> memref<10240x16xf32, #tpu.memory_space<vmem_shared>>
    tpu.enqueue_indirect_dma source(%arg12 : memref<128x16xf32, #tpu.memory_space<vmem>>) target(%dma_start3A_78 : memref<10240x16xf32, #tpu.memory_space<vmem_shared>>) offsets(%arg4 : memref<128xi32, #tpu.memory_space<vmem>>) semaphore(%arg23 : memref<!tpu.dma_semaphore, #tpu.memory_space<semaphore_mem>>) {add = true}
    %dma_wait3A_79 = arith.constant 73 : i32
    %dma_wait3A_80 = arith.constant 0 : i32
    %dma_wait3A_81 = tpu.memref_slice %arg2[%add3A, %dma_wait3A_79, %dma_wait3A_80] : memref<32x80x128xi32, #tpu.memory_space<hbm>> -> memref<1x1x128xi32, #tpu.memory_space<hbm>>
    %dma_wait3A_82 = tpu.memref_squeeze %dma_wait3A_81 : memref<1x1x128xi32, #tpu.memory_space<hbm>> -> memref<128xi32, #tpu.memory_space<hbm>>
    %dma_wait3A_83 = arith.constant 0 : i32
    %dma_wait3A_84 = tpu.memref_slice %arg2[%add3A, %dma_wait3A_79, %dma_wait3A_83] : memref<32x80x128xi32, #tpu.memory_space<hbm>> -> memref<1x1x128xi32, #tpu.memory_space<hbm>>
    %dma_wait3A_85 = tpu.memref_squeeze %dma_wait3A_84 : memref<1x1x128xi32, #tpu.memory_space<hbm>> -> memref<128xi32, #tpu.memory_space<hbm>>
    tpu.wait_dma2 semaphore(%arg16 : memref<!tpu.dma_semaphore, #tpu.memory_space<semaphore_mem>>) src(%dma_wait3A_85 : memref<128xi32, #tpu.memory_space<hbm>>) dst(%arg5 : memref<128xi32, #tpu.memory_space<vmem>>)
    %dma_start3A_86 = arith.constant 0 : i32
    %dma_start3A_87 = arith.constant 0 : i32
    %dma_start3A_88 = tpu.memref_slice %arg14[%dma_start3A_86, %dma_start3A_87] : memref<10240x16xf32, #tpu.memory_space<vmem_shared>> -> memref<10240x16xf32, #tpu.memory_space<vmem_shared>>
    tpu.enqueue_indirect_dma source(%arg12 : memref<128x16xf32, #tpu.memory_space<vmem>>) target(%dma_start3A_88 : memref<10240x16xf32, #tpu.memory_space<vmem_shared>>) offsets(%arg5 : memref<128xi32, #tpu.memory_space<vmem>>) semaphore(%arg24 : memref<!tpu.dma_semaphore, #tpu.memory_space<semaphore_mem>>) {add = true}
    %dma_wait3A_89 = arith.constant 0 : i32
    %dma_wait3A_90 = arith.constant 0 : i32
    %dma_wait3A_91 = tpu.memref_slice %arg14[%dma_wait3A_89, %dma_wait3A_90] : memref<10240x16xf32, #tpu.memory_space<vmem_shared>> -> memref<10240x16xf32, #tpu.memory_space<vmem_shared>>
    tpu.wait_indirect_dma semaphore(%arg23 : memref<!tpu.dma_semaphore, #tpu.memory_space<semaphore_mem>>) src(%arg12 : memref<128x16xf32, #tpu.memory_space<vmem>>) dst(%dma_wait3A_91 : memref<10240x16xf32, #tpu.memory_space<vmem_shared>>)
    %dma_wait3A_92 = arith.constant 74 : i32
    %dma_wait3A_93 = arith.constant 0 : i32
    %dma_wait3A_94 = tpu.memref_slice %arg2[%add3A, %dma_wait3A_92, %dma_wait3A_93] : memref<32x80x128xi32, #tpu.memory_space<hbm>> -> memref<1x1x128xi32, #tpu.memory_space<hbm>>
    %dma_wait3A_95 = tpu.memref_squeeze %dma_wait3A_94 : memref<1x1x128xi32, #tpu.memory_space<hbm>> -> memref<128xi32, #tpu.memory_space<hbm>>
    %dma_wait3A_96 = arith.constant 0 : i32
    %dma_wait3A_97 = tpu.memref_slice %arg2[%add3A, %dma_wait3A_92, %dma_wait3A_96] : memref<32x80x128xi32, #tpu.memory_space<hbm>> -> memref<1x1x128xi32, #tpu.memory_space<hbm>>
    %dma_wait3A_98 = tpu.memref_squeeze %dma_wait3A_97 : memref<1x1x128xi32, #tpu.memory_space<hbm>> -> memref<128xi32, #tpu.memory_space<hbm>>
    tpu.wait_dma2 semaphore(%arg17 : memref<!tpu.dma_semaphore, #tpu.memory_space<semaphore_mem>>) src(%dma_wait3A_98 : memref<128xi32, #tpu.memory_space<hbm>>) dst(%arg6 : memref<128xi32, #tpu.memory_space<vmem>>)
    %dma_start3A_99 = arith.constant 0 : i32
    %dma_start3A_100 = arith.constant 0 : i32
    %dma_start3A_101 = tpu.memref_slice %arg14[%dma_start3A_99, %dma_start3A_100] : memref<10240x16xf32, #tpu.memory_space<vmem_shared>> -> memref<10240x16xf32, #tpu.memory_space<vmem_shared>>
    tpu.enqueue_indirect_dma source(%arg12 : memref<128x16xf32, #tpu.memory_space<vmem>>) target(%dma_start3A_101 : memref<10240x16xf32, #tpu.memory_space<vmem_shared>>) offsets(%arg6 : memref<128xi32, #tpu.memory_space<vmem>>) semaphore(%arg23 : memref<!tpu.dma_semaphore, #tpu.memory_space<semaphore_mem>>) {add = true}
    %dma_wait3A_102 = arith.constant 0 : i32
    %dma_wait3A_103 = arith.constant 0 : i32
    %dma_wait3A_104 = tpu.memref_slice %arg14[%dma_wait3A_102, %dma_wait3A_103] : memref<10240x16xf32, #tpu.memory_space<vmem_shared>> -> memref<10240x16xf32, #tpu.memory_space<vmem_shared>>
    tpu.wait_indirect_dma semaphore(%arg24 : memref<!tpu.dma_semaphore, #tpu.memory_space<semaphore_mem>>) src(%arg12 : memref<128x16xf32, #tpu.memory_space<vmem>>) dst(%dma_wait3A_104 : memref<10240x16xf32, #tpu.memory_space<vmem_shared>>)
    %dma_wait3A_105 = arith.constant 75 : i32
    %dma_wait3A_106 = arith.constant 0 : i32
    %dma_wait3A_107 = tpu.memref_slice %arg2[%add3A, %dma_wait3A_105, %dma_wait3A_106] : memref<32x80x128xi32, #tpu.memory_space<hbm>> -> memref<1x1x128xi32, #tpu.memory_space<hbm>>
    %dma_wait3A_108 = tpu.memref_squeeze %dma_wait3A_107 : memref<1x1x128xi32, #tpu.memory_space<hbm>> -> memref<128xi32, #tpu.memory_space<hbm>>
    %dma_wait3A_109 = arith.constant 0 : i32
    %dma_wait3A_110 = tpu.memref_slice %arg2[%add3A, %dma_wait3A_105, %dma_wait3A_109] : memref<32x80x128xi32, #tpu.memory_space<hbm>> -> memref<1x1x128xi32, #tpu.memory_space<hbm>>
    %dma_wait3A_111 = tpu.memref_squeeze %dma_wait3A_110 : memref<1x1x128xi32, #tpu.memory_space<hbm>> -> memref<128xi32, #tpu.memory_space<hbm>>
    tpu.wait_dma2 semaphore(%arg18 : memref<!tpu.dma_semaphore, #tpu.memory_space<semaphore_mem>>) src(%dma_wait3A_111 : memref<128xi32, #tpu.memory_space<hbm>>) dst(%arg7 : memref<128xi32, #tpu.memory_space<vmem>>)
    %dma_start3A_112 = arith.constant 0 : i32
    %dma_start3A_113 = arith.constant 0 : i32
    %dma_start3A_114 = tpu.memref_slice %arg14[%dma_start3A_112, %dma_start3A_113] : memref<10240x16xf32, #tpu.memory_space<vmem_shared>> -> memref<10240x16xf32, #tpu.memory_space<vmem_shared>>
    tpu.enqueue_indirect_dma source(%arg12 : memref<128x16xf32, #tpu.memory_space<vmem>>) target(%dma_start3A_114 : memref<10240x16xf32, #tpu.memory_space<vmem_shared>>) offsets(%arg7 : memref<128xi32, #tpu.memory_space<vmem>>) semaphore(%arg24 : memref<!tpu.dma_semaphore, #tpu.memory_space<semaphore_mem>>) {add = true}
    %dma_wait3A_115 = arith.constant 0 : i32
    %dma_wait3A_116 = arith.constant 0 : i32
    %dma_wait3A_117 = tpu.memref_slice %arg14[%dma_wait3A_115, %dma_wait3A_116] : memref<10240x16xf32, #tpu.memory_space<vmem_shared>> -> memref<10240x16xf32, #tpu.memory_space<vmem_shared>>
    tpu.wait_indirect_dma semaphore(%arg23 : memref<!tpu.dma_semaphore, #tpu.memory_space<semaphore_mem>>) src(%arg12 : memref<128x16xf32, #tpu.memory_space<vmem>>) dst(%dma_wait3A_117 : memref<10240x16xf32, #tpu.memory_space<vmem_shared>>)
    %dma_wait3A_118 = arith.constant 76 : i32
    %dma_wait3A_119 = arith.constant 0 : i32
    %dma_wait3A_120 = tpu.memref_slice %arg2[%add3A, %dma_wait3A_118, %dma_wait3A_119] : memref<32x80x128xi32, #tpu.memory_space<hbm>> -> memref<1x1x128xi32, #tpu.memory_space<hbm>>
    %dma_wait3A_121 = tpu.memref_squeeze %dma_wait3A_120 : memref<1x1x128xi32, #tpu.memory_space<hbm>> -> memref<128xi32, #tpu.memory_space<hbm>>
    %dma_wait3A_122 = arith.constant 0 : i32
    %dma_wait3A_123 = tpu.memref_slice %arg2[%add3A, %dma_wait3A_118, %dma_wait3A_122] : memref<32x80x128xi32, #tpu.memory_space<hbm>> -> memref<1x1x128xi32, #tpu.memory_space<hbm>>
    %dma_wait3A_124 = tpu.memref_squeeze %dma_wait3A_123 : memref<1x1x128xi32, #tpu.memory_space<hbm>> -> memref<128xi32, #tpu.memory_space<hbm>>
    tpu.wait_dma2 semaphore(%arg19 : memref<!tpu.dma_semaphore, #tpu.memory_space<semaphore_mem>>) src(%dma_wait3A_124 : memref<128xi32, #tpu.memory_space<hbm>>) dst(%arg8 : memref<128xi32, #tpu.memory_space<vmem>>)
    %dma_start3A_125 = arith.constant 0 : i32
    %dma_start3A_126 = arith.constant 0 : i32
    %dma_start3A_127 = tpu.memref_slice %arg14[%dma_start3A_125, %dma_start3A_126] : memref<10240x16xf32, #tpu.memory_space<vmem_shared>> -> memref<10240x16xf32, #tpu.memory_space<vmem_shared>>
    tpu.enqueue_indirect_dma source(%arg12 : memref<128x16xf32, #tpu.memory_space<vmem>>) target(%dma_start3A_127 : memref<10240x16xf32, #tpu.memory_space<vmem_shared>>) offsets(%arg8 : memref<128xi32, #tpu.memory_space<vmem>>) semaphore(%arg23 : memref<!tpu.dma_semaphore, #tpu.memory_space<semaphore_mem>>) {add = true}
    %dma_wait3A_128 = arith.constant 0 : i32
    %dma_wait3A_129 = arith.constant 0 : i32
    %dma_wait3A_130 = tpu.memref_slice %arg14[%dma_wait3A_128, %dma_wait3A_129] : memref<10240x16xf32, #tpu.memory_space<vmem_shared>> -> memref<10240x16xf32, #tpu.memory_space<vmem_shared>>
    tpu.wait_indirect_dma semaphore(%arg24 : memref<!tpu.dma_semaphore, #tpu.memory_space<semaphore_mem>>) src(%arg12 : memref<128x16xf32, #tpu.memory_space<vmem>>) dst(%dma_wait3A_130 : memref<10240x16xf32, #tpu.memory_space<vmem_shared>>)
    %dma_wait3A_131 = arith.constant 77 : i32
    %dma_wait3A_132 = arith.constant 0 : i32
    %dma_wait3A_133 = tpu.memref_slice %arg2[%add3A, %dma_wait3A_131, %dma_wait3A_132] : memref<32x80x128xi32, #tpu.memory_space<hbm>> -> memref<1x1x128xi32, #tpu.memory_space<hbm>>
    %dma_wait3A_134 = tpu.memref_squeeze %dma_wait3A_133 : memref<1x1x128xi32, #tpu.memory_space<hbm>> -> memref<128xi32, #tpu.memory_space<hbm>>
    %dma_wait3A_135 = arith.constant 0 : i32
    %dma_wait3A_136 = tpu.memref_slice %arg2[%add3A, %dma_wait3A_131, %dma_wait3A_135] : memref<32x80x128xi32, #tpu.memory_space<hbm>> -> memref<1x1x128xi32, #tpu.memory_space<hbm>>
    %dma_wait3A_137 = tpu.memref_squeeze %dma_wait3A_136 : memref<1x1x128xi32, #tpu.memory_space<hbm>> -> memref<128xi32, #tpu.memory_space<hbm>>
    tpu.wait_dma2 semaphore(%arg20 : memref<!tpu.dma_semaphore, #tpu.memory_space<semaphore_mem>>) src(%dma_wait3A_137 : memref<128xi32, #tpu.memory_space<hbm>>) dst(%arg9 : memref<128xi32, #tpu.memory_space<vmem>>)
    %dma_start3A_138 = arith.constant 0 : i32
    %dma_start3A_139 = arith.constant 0 : i32
    %dma_start3A_140 = tpu.memref_slice %arg14[%dma_start3A_138, %dma_start3A_139] : memref<10240x16xf32, #tpu.memory_space<vmem_shared>> -> memref<10240x16xf32, #tpu.memory_space<vmem_shared>>
    tpu.enqueue_indirect_dma source(%arg12 : memref<128x16xf32, #tpu.memory_space<vmem>>) target(%dma_start3A_140 : memref<10240x16xf32, #tpu.memory_space<vmem_shared>>) offsets(%arg9 : memref<128xi32, #tpu.memory_space<vmem>>) semaphore(%arg24 : memref<!tpu.dma_semaphore, #tpu.memory_space<semaphore_mem>>) {add = true}
    %dma_wait3A_141 = arith.constant 0 : i32
    %dma_wait3A_142 = arith.constant 0 : i32
    %dma_wait3A_143 = tpu.memref_slice %arg14[%dma_wait3A_141, %dma_wait3A_142] : memref<10240x16xf32, #tpu.memory_space<vmem_shared>> -> memref<10240x16xf32, #tpu.memory_space<vmem_shared>>
    tpu.wait_indirect_dma semaphore(%arg23 : memref<!tpu.dma_semaphore, #tpu.memory_space<semaphore_mem>>) src(%arg12 : memref<128x16xf32, #tpu.memory_space<vmem>>) dst(%dma_wait3A_143 : memref<10240x16xf32, #tpu.memory_space<vmem_shared>>)
    %dma_wait3A_144 = arith.constant 78 : i32
    %dma_wait3A_145 = arith.constant 0 : i32
    %dma_wait3A_146 = tpu.memref_slice %arg2[%add3A, %dma_wait3A_144, %dma_wait3A_145] : memref<32x80x128xi32, #tpu.memory_space<hbm>> -> memref<1x1x128xi32, #tpu.memory_space<hbm>>
    %dma_wait3A_147 = tpu.memref_squeeze %dma_wait3A_146 : memref<1x1x128xi32, #tpu.memory_space<hbm>> -> memref<128xi32, #tpu.memory_space<hbm>>
    %dma_wait3A_148 = arith.constant 0 : i32
    %dma_wait3A_149 = tpu.memref_slice %arg2[%add3A, %dma_wait3A_144, %dma_wait3A_148] : memref<32x80x128xi32, #tpu.memory_space<hbm>> -> memref<1x1x128xi32, #tpu.memory_space<hbm>>
    %dma_wait3A_150 = tpu.memref_squeeze %dma_wait3A_149 : memref<1x1x128xi32, #tpu.memory_space<hbm>> -> memref<128xi32, #tpu.memory_space<hbm>>
    tpu.wait_dma2 semaphore(%arg21 : memref<!tpu.dma_semaphore, #tpu.memory_space<semaphore_mem>>) src(%dma_wait3A_150 : memref<128xi32, #tpu.memory_space<hbm>>) dst(%arg10 : memref<128xi32, #tpu.memory_space<vmem>>)
    %dma_start3A_151 = arith.constant 0 : i32
    %dma_start3A_152 = arith.constant 0 : i32
    %dma_start3A_153 = tpu.memref_slice %arg14[%dma_start3A_151, %dma_start3A_152] : memref<10240x16xf32, #tpu.memory_space<vmem_shared>> -> memref<10240x16xf32, #tpu.memory_space<vmem_shared>>
    tpu.enqueue_indirect_dma source(%arg12 : memref<128x16xf32, #tpu.memory_space<vmem>>) target(%dma_start3A_153 : memref<10240x16xf32, #tpu.memory_space<vmem_shared>>) offsets(%arg10 : memref<128xi32, #tpu.memory_space<vmem>>) semaphore(%arg23 : memref<!tpu.dma_semaphore, #tpu.memory_space<semaphore_mem>>) {add = true}
    %dma_wait3A_154 = arith.constant 0 : i32
    %dma_wait3A_155 = arith.constant 0 : i32
    %dma_wait3A_156 = tpu.memref_slice %arg14[%dma_wait3A_154, %dma_wait3A_155] : memref<10240x16xf32, #tpu.memory_space<vmem_shared>> -> memref<10240x16xf32, #tpu.memory_space<vmem_shared>>
    tpu.wait_indirect_dma semaphore(%arg24 : memref<!tpu.dma_semaphore, #tpu.memory_space<semaphore_mem>>) src(%arg12 : memref<128x16xf32, #tpu.memory_space<vmem>>) dst(%dma_wait3A_156 : memref<10240x16xf32, #tpu.memory_space<vmem_shared>>)
    %dma_wait3A_157 = arith.constant 79 : i32
    %dma_wait3A_158 = arith.constant 0 : i32
    %dma_wait3A_159 = tpu.memref_slice %arg2[%add3A, %dma_wait3A_157, %dma_wait3A_158] : memref<32x80x128xi32, #tpu.memory_space<hbm>> -> memref<1x1x128xi32, #tpu.memory_space<hbm>>
    %dma_wait3A_160 = tpu.memref_squeeze %dma_wait3A_159 : memref<1x1x128xi32, #tpu.memory_space<hbm>> -> memref<128xi32, #tpu.memory_space<hbm>>
    %dma_wait3A_161 = arith.constant 0 : i32
    %dma_wait3A_162 = tpu.memref_slice %arg2[%add3A, %dma_wait3A_157, %dma_wait3A_161] : memref<32x80x128xi32, #tpu.memory_space<hbm>> -> memref<1x1x128xi32, #tpu.memory_space<hbm>>
    %dma_wait3A_163 = tpu.memref_squeeze %dma_wait3A_162 : memref<1x1x128xi32, #tpu.memory_space<hbm>> -> memref<128xi32, #tpu.memory_space<hbm>>
    tpu.wait_dma2 semaphore(%arg22 : memref<!tpu.dma_semaphore, #tpu.memory_space<semaphore_mem>>) src(%dma_wait3A_163 : memref<128xi32, #tpu.memory_space<hbm>>) dst(%arg11 : memref<128xi32, #tpu.memory_space<vmem>>)
    %dma_start3A_164 = arith.constant 0 : i32
    %dma_start3A_165 = arith.constant 0 : i32
    %dma_start3A_166 = tpu.memref_slice %arg14[%dma_start3A_164, %dma_start3A_165] : memref<10240x16xf32, #tpu.memory_space<vmem_shared>> -> memref<10240x16xf32, #tpu.memory_space<vmem_shared>>
    tpu.enqueue_indirect_dma source(%arg12 : memref<128x16xf32, #tpu.memory_space<vmem>>) target(%dma_start3A_166 : memref<10240x16xf32, #tpu.memory_space<vmem_shared>>) offsets(%arg11 : memref<128xi32, #tpu.memory_space<vmem>>) semaphore(%arg24 : memref<!tpu.dma_semaphore, #tpu.memory_space<semaphore_mem>>) {add = true}
    %dma_wait3A_167 = arith.constant 0 : i32
    %dma_wait3A_168 = arith.constant 0 : i32
    %dma_wait3A_169 = tpu.memref_slice %arg14[%dma_wait3A_167, %dma_wait3A_168] : memref<10240x16xf32, #tpu.memory_space<vmem_shared>> -> memref<10240x16xf32, #tpu.memory_space<vmem_shared>>
    tpu.wait_indirect_dma semaphore(%arg23 : memref<!tpu.dma_semaphore, #tpu.memory_space<semaphore_mem>>) src(%arg12 : memref<128x16xf32, #tpu.memory_space<vmem>>) dst(%dma_wait3A_169 : memref<10240x16xf32, #tpu.memory_space<vmem_shared>>)
    %dma_wait3A_170 = arith.constant 0 : i32
    %dma_wait3A_171 = arith.constant 0 : i32
    %dma_wait3A_172 = tpu.memref_slice %arg14[%dma_wait3A_170, %dma_wait3A_171] : memref<10240x16xf32, #tpu.memory_space<vmem_shared>> -> memref<10240x16xf32, #tpu.memory_space<vmem_shared>>
    tpu.wait_indirect_dma semaphore(%arg24 : memref<!tpu.dma_semaphore, #tpu.memory_space<semaphore_mem>>) src(%arg12 : memref<128x16xf32, #tpu.memory_space<vmem>>) dst(%dma_wait3A_172 : memref<10240x16xf32, #tpu.memory_space<vmem_shared>>)
    %barrier3A_173 = arith.constant 0 : index
    tpu.barrier barrier_id(%barrier3A_173)
    %mul3A_174 = arith.constant 640 : i32
    %mul3A_175 = arith.muli %arg1, %mul3A_174 : i32
    %mul3A_176 = arith.constant 640 : i32
    %mul3A_177 = arith.muli %arg1, %mul3A_176 : i32
    "tpu.region"() ({
      %run_scoped3A = tpu.sem_alloc : memref<!tpu.dma_semaphore, #tpu.memory_space<semaphore_mem>>
      %dma_start3A_178 = arith.constant 0 : i32
      %dma_start3A_179 = tpu.memref_slice %arg3[%arg0, %mul3A_177, %dma_start3A_178] : memref<2x10240x16xf32, #tpu.memory_space<hbm>> -> memref<1x640x16xf32, #tpu.memory_space<hbm>>
      %dma_start3A_180 = tpu.memref_squeeze %dma_start3A_179 : memref<1x640x16xf32, #tpu.memory_space<hbm>> -> memref<640x16xf32, #tpu.memory_space<hbm>>
      %dma_start3A_181 = arith.constant 0 : i32
      %dma_start3A_182 = tpu.memref_slice %arg14[%mul3A_175, %dma_start3A_181] : memref<10240x16xf32, #tpu.memory_space<vmem_shared>> -> memref<640x16xf32, #tpu.memory_space<vmem_shared>>
      tpu.enqueue_dma source(%dma_start3A_182 : memref<640x16xf32, #tpu.memory_space<vmem_shared>>) target(%dma_start3A_180 : memref<640x16xf32, #tpu.memory_space<hbm>>) target_semaphore(%run_scoped3A : memref<!tpu.dma_semaphore, #tpu.memory_space<semaphore_mem>>)
      %dma_wait3A_183 = arith.constant 0 : i32
      %dma_wait3A_184 = tpu.memref_slice %arg3[%arg0, %mul3A_177, %dma_wait3A_183] : memref<2x10240x16xf32, #tpu.memory_space<hbm>> -> memref<1x640x16xf32, #tpu.memory_space<hbm>>
      %dma_wait3A_185 = tpu.memref_squeeze %dma_wait3A_184 : memref<1x640x16xf32, #tpu.memory_space<hbm>> -> memref<640x16xf32, #tpu.memory_space<hbm>>
      %dma_wait3A_186 = arith.constant 0 : i32
      %dma_wait3A_187 = tpu.memref_slice %arg14[%mul3A_175, %dma_wait3A_186] : memref<10240x16xf32, #tpu.memory_space<vmem_shared>> -> memref<640x16xf32, #tpu.memory_space<vmem_shared>>
      tpu.wait_dma2 semaphore(%run_scoped3A : memref<!tpu.dma_semaphore, #tpu.memory_space<semaphore_mem>>) src(%dma_wait3A_187 : memref<640x16xf32, #tpu.memory_space<vmem_shared>>) dst(%dma_wait3A_185 : memref<640x16xf32, #tpu.memory_space<hbm>>)
      tpu.yield
    }) : () -> ()
    return
  }
}

#map = affine_map<(d0, d1) -> (0, 0)>
#map1 = affine_map<(d0, d1) -> (0, 0, 0)>
module attributes {stable_mosaic.version = 14 : i64} {
  func.func @k(%arg0: i32, %arg1: i32, %arg2: memref<10240x128xf32, #tpu.memory_space<hbm>>, %arg3: memref<32x80x128xi32, #tpu.memory_space<hbm>>, %arg4: memref<32x80x128xi32, #tpu.memory_space<hbm>>, %arg5: memref<2x10240x128xf32, #tpu.memory_space<hbm>>, %arg6: memref<128xi32, #tpu.memory_space<vmem>>, %arg7: memref<128xi32, #tpu.memory_space<vmem>>, %arg8: memref<128xi32, #tpu.memory_space<vmem>>, %arg9: memref<128xi32, #tpu.memory_space<vmem>>, %arg10: memref<128xi32, #tpu.memory_space<vmem>>, %arg11: memref<128xi32, #tpu.memory_space<vmem>>, %arg12: memref<128xi32, #tpu.memory_space<vmem>>, %arg13: memref<128xi32, #tpu.memory_space<vmem>>, %arg14: memref<128xi32, #tpu.memory_space<vmem>>, %arg15: memref<128xi32, #tpu.memory_space<vmem>>, %arg16: memref<128xi32, #tpu.memory_space<vmem>>, %arg17: memref<128xi32, #tpu.memory_space<vmem>>, %arg18: memref<128xi32, #tpu.memory_space<vmem>>, %arg19: memref<128xi32, #tpu.memory_space<vmem>>, %arg20: memref<128xi32, #tpu.memory_space<vmem>>, %arg21: memref<128xi32, #tpu.memory_space<vmem>>, %arg22: memref<128x128xf32, #tpu.memory_space<vmem>>, %arg23: memref<128x128xf32, #tpu.memory_space<vmem>>, %arg24: memref<10240x128xf32, #tpu.memory_space<vmem_shared>>, %arg25: memref<!tpu.dma_semaphore, #tpu.memory_space<semaphore_mem>>, %arg26: memref<!tpu.dma_semaphore, #tpu.memory_space<semaphore_mem>>, %arg27: memref<!tpu.dma_semaphore, #tpu.memory_space<semaphore_mem>>, %arg28: memref<!tpu.dma_semaphore, #tpu.memory_space<semaphore_mem>>, %arg29: memref<!tpu.dma_semaphore, #tpu.memory_space<semaphore_mem>>, %arg30: memref<!tpu.dma_semaphore, #tpu.memory_space<semaphore_mem>>, %arg31: memref<!tpu.dma_semaphore, #tpu.memory_space<semaphore_mem>>, %arg32: memref<!tpu.dma_semaphore, #tpu.memory_space<semaphore_mem>>, %arg33: memref<!tpu.dma_semaphore, #tpu.memory_space<semaphore_mem>>, %arg34: memref<!tpu.dma_semaphore, #tpu.memory_space<semaphore_mem>>) attributes {dimension_semantics = [#tpu.dimension_semantics<core_parallel>, #tpu.dimension_semantics<subcore_parallel>], iteration_bounds = array<i64: 2, 16>, scalar_prefetch = 0 : i64, scratch_operands = 29 : i64, tpu.core_type = #tpu.core_type<sc_vector_subcore>, window_params = [{transform_indices = #map}, {transform_indices = #map1}, {transform_indices = #map1}, {transform_indices = #map1}]} {
    %mul3A = arith.constant 16 : i32
    %mul3A_0 = arith.muli %arg0, %mul3A : i32
    %add3A = arith.addi %mul3A_0, %arg1 : i32
    %scan3A = arith.constant 0 : i32
    %scan3A_1 = arith.constant 128 : i32
    %scan3A_2 = arith.addi %scan3A, %scan3A_1 : i32
    %scan3A_3 = arith.constant 1 : i32
    scf.for %scan3A_290 = %scan3A to %scan3A_2 step %scan3A_3  : i32 {
      %mul3A_291 = arith.constant 1 : i32
      %mul3A_292 = arith.muli %scan3A_290, %mul3A_291 : i32
      %add3A_293 = arith.constant 0 : i32
      %add3A_294 = arith.addi %add3A_293, %mul3A_292 : i32
      %scan3A_295 = arith.constant 0 : i32
      %scan3A_296 = arith.constant 8 : i32
      %scan3A_297 = arith.addi %scan3A_295, %scan3A_296 : i32
      %scan3A_298 = arith.constant 1 : i32
      scf.for %scan3A_300 = %scan3A_295 to %scan3A_297 step %scan3A_298  : i32 {
        %mul3A_301 = arith.constant 1 : i32
        %mul3A_302 = arith.muli %scan3A_300, %mul3A_301 : i32
        %add3A_303 = arith.constant 0 : i32
        %add3A_304 = arith.addi %add3A_303, %mul3A_302 : i32
        %broadcast_in_dim3A = arith.constant 0.000000e+00 : f32
        %broadcast_in_dim3A_305 = vector.broadcast %broadcast_in_dim3A : f32 to vector<16xf32>
        %mul3A_306 = arith.constant 16 : i32
        %mul3A_307 = arith.muli %add3A_304, %mul3A_306 : i32
        %swap3A = arith.index_cast %add3A_294 : i32 to index
        %swap3A_308 = arith.index_cast %mul3A_307 : i32 to index
        %swap3A_309 = tpu.vector_load %arg22[%swap3A, %swap3A_308] {strides = array<i32>} : memref<128x128xf32, #tpu.memory_space<vmem>>, vector<1x16xf32>,
        %swap3A_310 = vector.shape_cast %swap3A_309 : vector<1x16xf32> to vector<16xf32>
        %swap3A_311 = vector.shape_cast %broadcast_in_dim3A_305 : vector<16xf32> to vector<1x16xf32>
        tpu.vector_store %arg22[%swap3A, %swap3A_308], %swap3A_311 {strides = array<i32>} : memref<128x128xf32, #tpu.memory_space<vmem>>, vector<1x16xf32>,
      }
      %scan3A_299 = arith.constant 8 : i32
    }
    %scan3A_4 = arith.constant 128 : i32
    %scan3A_5 = arith.constant 0 : i32
    %scan3A_6 = arith.constant 5 : i32
    %scan3A_7 = arith.addi %scan3A_5, %scan3A_6 : i32
    %scan3A_8 = arith.constant 1 : i32
    scf.for %scan3A_290 = %scan3A_5 to %scan3A_7 step %scan3A_8  : i32 {
      %mul3A_291 = arith.constant 1 : i32
      %mul3A_292 = arith.muli %scan3A_290, %mul3A_291 : i32
      %add3A_293 = arith.constant 0 : i32
      %add3A_294 = arith.addi %add3A_293, %mul3A_292 : i32
      %mul3A_295 = arith.constant 640 : i32
      %mul3A_296 = arith.muli %arg1, %mul3A_295 : i32
      %mul3A_297 = arith.constant 128 : i32
      %mul3A_298 = arith.muli %add3A_294, %mul3A_297 : i32
      %add3A_299 = arith.addi %mul3A_296, %mul3A_298 : i32
      "tpu.region"() ({
        %run_scoped3A = tpu.sem_alloc : memref<!tpu.dma_semaphore, #tpu.memory_space<semaphore_mem>>
        %dma_start3A_300 = arith.constant 0 : i32
        %dma_start3A_301 = tpu.memref_slice %arg24[%add3A_299, %dma_start3A_300] : memref<10240x128xf32, #tpu.memory_space<vmem_shared>> -> memref<128x128xf32, #tpu.memory_space<vmem_shared>>
        %dma_start3A_302 = arith.constant 0 : i32
        %dma_start3A_303 = tpu.memref_slice %arg24[%add3A_299, %dma_start3A_302] : memref<10240x128xf32, #tpu.memory_space<vmem_shared>> -> memref<128x128xf32, #tpu.memory_space<vmem_shared>>
        tpu.enqueue_dma source(%arg22 : memref<128x128xf32, #tpu.memory_space<vmem>>) target(%dma_start3A_303 : memref<128x128xf32, #tpu.memory_space<vmem_shared>>) target_semaphore(%run_scoped3A : memref<!tpu.dma_semaphore, #tpu.memory_space<semaphore_mem>>)
        %dma_wait3A_304 = arith.constant 0 : i32
        %dma_wait3A_305 = tpu.memref_slice %arg24[%add3A_299, %dma_wait3A_304] : memref<10240x128xf32, #tpu.memory_space<vmem_shared>> -> memref<128x128xf32, #tpu.memory_space<vmem_shared>>
        %dma_wait3A_306 = arith.constant 0 : i32
        %dma_wait3A_307 = tpu.memref_slice %arg24[%add3A_299, %dma_wait3A_306] : memref<10240x128xf32, #tpu.memory_space<vmem_shared>> -> memref<128x128xf32, #tpu.memory_space<vmem_shared>>
        tpu.wait_dma2 semaphore(%run_scoped3A : memref<!tpu.dma_semaphore, #tpu.memory_space<semaphore_mem>>) src(%arg22 : memref<128x128xf32, #tpu.memory_space<vmem>>) dst(%dma_wait3A_307 : memref<128x128xf32, #tpu.memory_space<vmem_shared>>)
        tpu.yield
      }) : () -> ()
    }
    %scan3A_9 = arith.constant 5 : i32
    %dma_start3A = arith.constant 0 : i32
    %dma_start3A_10 = arith.constant 0 : i32
    %dma_start3A_11 = tpu.memref_slice %arg3[%add3A, %dma_start3A, %dma_start3A_10] : memref<32x80x128xi32, #tpu.memory_space<hbm>> -> memref<1x1x128xi32, #tpu.memory_space<hbm>>
    %dma_start3A_12 = tpu.memref_squeeze %dma_start3A_11 : memref<1x1x128xi32, #tpu.memory_space<hbm>> -> memref<128xi32, #tpu.memory_space<hbm>>
    %dma_start3A_13 = arith.constant 0 : i32
    %dma_start3A_14 = tpu.memref_slice %arg3[%add3A, %dma_start3A, %dma_start3A_13] : memref<32x80x128xi32, #tpu.memory_space<hbm>> -> memref<1x1x128xi32, #tpu.memory_space<hbm>>
    %dma_start3A_15 = tpu.memref_squeeze %dma_start3A_14 : memref<1x1x128xi32, #tpu.memory_space<hbm>> -> memref<128xi32, #tpu.memory_space<hbm>>
    tpu.enqueue_dma source(%dma_start3A_15 : memref<128xi32, #tpu.memory_space<hbm>>) target(%arg6 : memref<128xi32, #tpu.memory_space<vmem>>) target_semaphore(%arg25 : memref<!tpu.dma_semaphore, #tpu.memory_space<semaphore_mem>>)
    %dma_start3A_16 = arith.constant 0 : i32
    %dma_start3A_17 = arith.constant 0 : i32
    %dma_start3A_18 = tpu.memref_slice %arg4[%add3A, %dma_start3A_16, %dma_start3A_17] : memref<32x80x128xi32, #tpu.memory_space<hbm>> -> memref<1x1x128xi32, #tpu.memory_space<hbm>>
    %dma_start3A_19 = tpu.memref_squeeze %dma_start3A_18 : memref<1x1x128xi32, #tpu.memory_space<hbm>> -> memref<128xi32, #tpu.memory_space<hbm>>
    %dma_start3A_20 = arith.constant 0 : i32
    %dma_start3A_21 = tpu.memref_slice %arg4[%add3A, %dma_start3A_16, %dma_start3A_20] : memref<32x80x128xi32, #tpu.memory_space<hbm>> -> memref<1x1x128xi32, #tpu.memory_space<hbm>>
    %dma_start3A_22 = tpu.memref_squeeze %dma_start3A_21 : memref<1x1x128xi32, #tpu.memory_space<hbm>> -> memref<128xi32, #tpu.memory_space<hbm>>
    tpu.enqueue_dma source(%dma_start3A_22 : memref<128xi32, #tpu.memory_space<hbm>>) target(%arg14 : memref<128xi32, #tpu.memory_space<vmem>>) target_semaphore(%arg25 : memref<!tpu.dma_semaphore, #tpu.memory_space<semaphore_mem>>)
    %dma_start3A_23 = arith.constant 1 : i32
    %dma_start3A_24 = arith.constant 0 : i32
    %dma_start3A_25 = tpu.memref_slice %arg3[%add3A, %dma_start3A_23, %dma_start3A_24] : memref<32x80x128xi32, #tpu.memory_space<hbm>> -> memref<1x1x128xi32, #tpu.memory_space<hbm>>
    %dma_start3A_26 = tpu.memref_squeeze %dma_start3A_25 : memref<1x1x128xi32, #tpu.memory_space<hbm>> -> memref<128xi32, #tpu.memory_space<hbm>>
    %dma_start3A_27 = arith.constant 0 : i32
    %dma_start3A_28 = tpu.memref_slice %arg3[%add3A, %dma_start3A_23, %dma_start3A_27] : memref<32x80x128xi32, #tpu.memory_space<hbm>> -> memref<1x1x128xi32, #tpu.memory_space<hbm>>
    %dma_start3A_29 = tpu.memref_squeeze %dma_start3A_28 : memref<1x1x128xi32, #tpu.memory_space<hbm>> -> memref<128xi32, #tpu.memory_space<hbm>>
    tpu.enqueue_dma source(%dma_start3A_29 : memref<128xi32, #tpu.memory_space<hbm>>) target(%arg7 : memref<128xi32, #tpu.memory_space<vmem>>) target_semaphore(%arg26 : memref<!tpu.dma_semaphore, #tpu.memory_space<semaphore_mem>>)
    %dma_start3A_30 = arith.constant 1 : i32
    %dma_start3A_31 = arith.constant 0 : i32
    %dma_start3A_32 = tpu.memref_slice %arg4[%add3A, %dma_start3A_30, %dma_start3A_31] : memref<32x80x128xi32, #tpu.memory_space<hbm>> -> memref<1x1x128xi32, #tpu.memory_space<hbm>>
    %dma_start3A_33 = tpu.memref_squeeze %dma_start3A_32 : memref<1x1x128xi32, #tpu.memory_space<hbm>> -> memref<128xi32, #tpu.memory_space<hbm>>
    %dma_start3A_34 = arith.constant 0 : i32
    %dma_start3A_35 = tpu.memref_slice %arg4[%add3A, %dma_start3A_30, %dma_start3A_34] : memref<32x80x128xi32, #tpu.memory_space<hbm>> -> memref<1x1x128xi32, #tpu.memory_space<hbm>>
    %dma_start3A_36 = tpu.memref_squeeze %dma_start3A_35 : memref<1x1x128xi32, #tpu.memory_space<hbm>> -> memref<128xi32, #tpu.memory_space<hbm>>
    tpu.enqueue_dma source(%dma_start3A_36 : memref<128xi32, #tpu.memory_space<hbm>>) target(%arg15 : memref<128xi32, #tpu.memory_space<vmem>>) target_semaphore(%arg26 : memref<!tpu.dma_semaphore, #tpu.memory_space<semaphore_mem>>)
    %dma_start3A_37 = arith.constant 2 : i32
    %dma_start3A_38 = arith.constant 0 : i32
    %dma_start3A_39 = tpu.memref_slice %arg3[%add3A, %dma_start3A_37, %dma_start3A_38] : memref<32x80x128xi32, #tpu.memory_space<hbm>> -> memref<1x1x128xi32, #tpu.memory_space<hbm>>
    %dma_start3A_40 = tpu.memref_squeeze %dma_start3A_39 : memref<1x1x128xi32, #tpu.memory_space<hbm>> -> memref<128xi32, #tpu.memory_space<hbm>>
    %dma_start3A_41 = arith.constant 0 : i32
    %dma_start3A_42 = tpu.memref_slice %arg3[%add3A, %dma_start3A_37, %dma_start3A_41] : memref<32x80x128xi32, #tpu.memory_space<hbm>> -> memref<1x1x128xi32, #tpu.memory_space<hbm>>
    %dma_start3A_43 = tpu.memref_squeeze %dma_start3A_42 : memref<1x1x128xi32, #tpu.memory_space<hbm>> -> memref<128xi32, #tpu.memory_space<hbm>>
    tpu.enqueue_dma source(%dma_start3A_43 : memref<128xi32, #tpu.memory_space<hbm>>) target(%arg8 : memref<128xi32, #tpu.memory_space<vmem>>) target_semaphore(%arg27 : memref<!tpu.dma_semaphore, #tpu.memory_space<semaphore_mem>>)
    %dma_start3A_44 = arith.constant 2 : i32
    %dma_start3A_45 = arith.constant 0 : i32
    %dma_start3A_46 = tpu.memref_slice %arg4[%add3A, %dma_start3A_44, %dma_start3A_45] : memref<32x80x128xi32, #tpu.memory_space<hbm>> -> memref<1x1x128xi32, #tpu.memory_space<hbm>>
    %dma_start3A_47 = tpu.memref_squeeze %dma_start3A_46 : memref<1x1x128xi32, #tpu.memory_space<hbm>> -> memref<128xi32, #tpu.memory_space<hbm>>
    %dma_start3A_48 = arith.constant 0 : i32
    %dma_start3A_49 = tpu.memref_slice %arg4[%add3A, %dma_start3A_44, %dma_start3A_48] : memref<32x80x128xi32, #tpu.memory_space<hbm>> -> memref<1x1x128xi32, #tpu.memory_space<hbm>>
    %dma_start3A_50 = tpu.memref_squeeze %dma_start3A_49 : memref<1x1x128xi32, #tpu.memory_space<hbm>> -> memref<128xi32, #tpu.memory_space<hbm>>
    tpu.enqueue_dma source(%dma_start3A_50 : memref<128xi32, #tpu.memory_space<hbm>>) target(%arg16 : memref<128xi32, #tpu.memory_space<vmem>>) target_semaphore(%arg27 : memref<!tpu.dma_semaphore, #tpu.memory_space<semaphore_mem>>)
    %dma_start3A_51 = arith.constant 3 : i32
    %dma_start3A_52 = arith.constant 0 : i32
    %dma_start3A_53 = tpu.memref_slice %arg3[%add3A, %dma_start3A_51, %dma_start3A_52] : memref<32x80x128xi32, #tpu.memory_space<hbm>> -> memref<1x1x128xi32, #tpu.memory_space<hbm>>
    %dma_start3A_54 = tpu.memref_squeeze %dma_start3A_53 : memref<1x1x128xi32, #tpu.memory_space<hbm>> -> memref<128xi32, #tpu.memory_space<hbm>>
    %dma_start3A_55 = arith.constant 0 : i32
    %dma_start3A_56 = tpu.memref_slice %arg3[%add3A, %dma_start3A_51, %dma_start3A_55] : memref<32x80x128xi32, #tpu.memory_space<hbm>> -> memref<1x1x128xi32, #tpu.memory_space<hbm>>
    %dma_start3A_57 = tpu.memref_squeeze %dma_start3A_56 : memref<1x1x128xi32, #tpu.memory_space<hbm>> -> memref<128xi32, #tpu.memory_space<hbm>>
    tpu.enqueue_dma source(%dma_start3A_57 : memref<128xi32, #tpu.memory_space<hbm>>) target(%arg9 : memref<128xi32, #tpu.memory_space<vmem>>) target_semaphore(%arg28 : memref<!tpu.dma_semaphore, #tpu.memory_space<semaphore_mem>>)
    %dma_start3A_58 = arith.constant 3 : i32
    %dma_start3A_59 = arith.constant 0 : i32
    %dma_start3A_60 = tpu.memref_slice %arg4[%add3A, %dma_start3A_58, %dma_start3A_59] : memref<32x80x128xi32, #tpu.memory_space<hbm>> -> memref<1x1x128xi32, #tpu.memory_space<hbm>>
    %dma_start3A_61 = tpu.memref_squeeze %dma_start3A_60 : memref<1x1x128xi32, #tpu.memory_space<hbm>> -> memref<128xi32, #tpu.memory_space<hbm>>
    %dma_start3A_62 = arith.constant 0 : i32
    %dma_start3A_63 = tpu.memref_slice %arg4[%add3A, %dma_start3A_58, %dma_start3A_62] : memref<32x80x128xi32, #tpu.memory_space<hbm>> -> memref<1x1x128xi32, #tpu.memory_space<hbm>>
    %dma_start3A_64 = tpu.memref_squeeze %dma_start3A_63 : memref<1x1x128xi32, #tpu.memory_space<hbm>> -> memref<128xi32, #tpu.memory_space<hbm>>
    tpu.enqueue_dma source(%dma_start3A_64 : memref<128xi32, #tpu.memory_space<hbm>>) target(%arg17 : memref<128xi32, #tpu.memory_space<vmem>>) target_semaphore(%arg28 : memref<!tpu.dma_semaphore, #tpu.memory_space<semaphore_mem>>)
    %dma_start3A_65 = arith.constant 4 : i32
    %dma_start3A_66 = arith.constant 0 : i32
    %dma_start3A_67 = tpu.memref_slice %arg3[%add3A, %dma_start3A_65, %dma_start3A_66] : memref<32x80x128xi32, #tpu.memory_space<hbm>> -> memref<1x1x128xi32, #tpu.memory_space<hbm>>
    %dma_start3A_68 = tpu.memref_squeeze %dma_start3A_67 : memref<1x1x128xi32, #tpu.memory_space<hbm>> -> memref<128xi32, #tpu.memory_space<hbm>>
    %dma_start3A_69 = arith.constant 0 : i32
    %dma_start3A_70 = tpu.memref_slice %arg3[%add3A, %dma_start3A_65, %dma_start3A_69] : memref<32x80x128xi32, #tpu.memory_space<hbm>> -> memref<1x1x128xi32, #tpu.memory_space<hbm>>
    %dma_start3A_71 = tpu.memref_squeeze %dma_start3A_70 : memref<1x1x128xi32, #tpu.memory_space<hbm>> -> memref<128xi32, #tpu.memory_space<hbm>>
    tpu.enqueue_dma source(%dma_start3A_71 : memref<128xi32, #tpu.memory_space<hbm>>) target(%arg10 : memref<128xi32, #tpu.memory_space<vmem>>) target_semaphore(%arg29 : memref<!tpu.dma_semaphore, #tpu.memory_space<semaphore_mem>>)
    %dma_start3A_72 = arith.constant 4 : i32
    %dma_start3A_73 = arith.constant 0 : i32
    %dma_start3A_74 = tpu.memref_slice %arg4[%add3A, %dma_start3A_72, %dma_start3A_73] : memref<32x80x128xi32, #tpu.memory_space<hbm>> -> memref<1x1x128xi32, #tpu.memory_space<hbm>>
    %dma_start3A_75 = tpu.memref_squeeze %dma_start3A_74 : memref<1x1x128xi32, #tpu.memory_space<hbm>> -> memref<128xi32, #tpu.memory_space<hbm>>
    %dma_start3A_76 = arith.constant 0 : i32
    %dma_start3A_77 = tpu.memref_slice %arg4[%add3A, %dma_start3A_72, %dma_start3A_76] : memref<32x80x128xi32, #tpu.memory_space<hbm>> -> memref<1x1x128xi32, #tpu.memory_space<hbm>>
    %dma_start3A_78 = tpu.memref_squeeze %dma_start3A_77 : memref<1x1x128xi32, #tpu.memory_space<hbm>> -> memref<128xi32, #tpu.memory_space<hbm>>
    tpu.enqueue_dma source(%dma_start3A_78 : memref<128xi32, #tpu.memory_space<hbm>>) target(%arg18 : memref<128xi32, #tpu.memory_space<vmem>>) target_semaphore(%arg29 : memref<!tpu.dma_semaphore, #tpu.memory_space<semaphore_mem>>)
    %dma_start3A_79 = arith.constant 5 : i32
    %dma_start3A_80 = arith.constant 0 : i32
    %dma_start3A_81 = tpu.memref_slice %arg3[%add3A, %dma_start3A_79, %dma_start3A_80] : memref<32x80x128xi32, #tpu.memory_space<hbm>> -> memref<1x1x128xi32, #tpu.memory_space<hbm>>
    %dma_start3A_82 = tpu.memref_squeeze %dma_start3A_81 : memref<1x1x128xi32, #tpu.memory_space<hbm>> -> memref<128xi32, #tpu.memory_space<hbm>>
    %dma_start3A_83 = arith.constant 0 : i32
    %dma_start3A_84 = tpu.memref_slice %arg3[%add3A, %dma_start3A_79, %dma_start3A_83] : memref<32x80x128xi32, #tpu.memory_space<hbm>> -> memref<1x1x128xi32, #tpu.memory_space<hbm>>
    %dma_start3A_85 = tpu.memref_squeeze %dma_start3A_84 : memref<1x1x128xi32, #tpu.memory_space<hbm>> -> memref<128xi32, #tpu.memory_space<hbm>>
    tpu.enqueue_dma source(%dma_start3A_85 : memref<128xi32, #tpu.memory_space<hbm>>) target(%arg11 : memref<128xi32, #tpu.memory_space<vmem>>) target_semaphore(%arg30 : memref<!tpu.dma_semaphore, #tpu.memory_space<semaphore_mem>>)
    %dma_start3A_86 = arith.constant 5 : i32
    %dma_start3A_87 = arith.constant 0 : i32
    %dma_start3A_88 = tpu.memref_slice %arg4[%add3A, %dma_start3A_86, %dma_start3A_87] : memref<32x80x128xi32, #tpu.memory_space<hbm>> -> memref<1x1x128xi32, #tpu.memory_space<hbm>>
    %dma_start3A_89 = tpu.memref_squeeze %dma_start3A_88 : memref<1x1x128xi32, #tpu.memory_space<hbm>> -> memref<128xi32, #tpu.memory_space<hbm>>
    %dma_start3A_90 = arith.constant 0 : i32
    %dma_start3A_91 = tpu.memref_slice %arg4[%add3A, %dma_start3A_86, %dma_start3A_90] : memref<32x80x128xi32, #tpu.memory_space<hbm>> -> memref<1x1x128xi32, #tpu.memory_space<hbm>>
    %dma_start3A_92 = tpu.memref_squeeze %dma_start3A_91 : memref<1x1x128xi32, #tpu.memory_space<hbm>> -> memref<128xi32, #tpu.memory_space<hbm>>
    tpu.enqueue_dma source(%dma_start3A_92 : memref<128xi32, #tpu.memory_space<hbm>>) target(%arg19 : memref<128xi32, #tpu.memory_space<vmem>>) target_semaphore(%arg30 : memref<!tpu.dma_semaphore, #tpu.memory_space<semaphore_mem>>)
    %dma_start3A_93 = arith.constant 6 : i32
    %dma_start3A_94 = arith.constant 0 : i32
    %dma_start3A_95 = tpu.memref_slice %arg3[%add3A, %dma_start3A_93, %dma_start3A_94] : memref<32x80x128xi32, #tpu.memory_space<hbm>> -> memref<1x1x128xi32, #tpu.memory_space<hbm>>
    %dma_start3A_96 = tpu.memref_squeeze %dma_start3A_95 : memref<1x1x128xi32, #tpu.memory_space<hbm>> -> memref<128xi32, #tpu.memory_space<hbm>>
    %dma_start3A_97 = arith.constant 0 : i32
    %dma_start3A_98 = tpu.memref_slice %arg3[%add3A, %dma_start3A_93, %dma_start3A_97] : memref<32x80x128xi32, #tpu.memory_space<hbm>> -> memref<1x1x128xi32, #tpu.memory_space<hbm>>
    %dma_start3A_99 = tpu.memref_squeeze %dma_start3A_98 : memref<1x1x128xi32, #tpu.memory_space<hbm>> -> memref<128xi32, #tpu.memory_space<hbm>>
    tpu.enqueue_dma source(%dma_start3A_99 : memref<128xi32, #tpu.memory_space<hbm>>) target(%arg12 : memref<128xi32, #tpu.memory_space<vmem>>) target_semaphore(%arg31 : memref<!tpu.dma_semaphore, #tpu.memory_space<semaphore_mem>>)
    %dma_start3A_100 = arith.constant 6 : i32
    %dma_start3A_101 = arith.constant 0 : i32
    %dma_start3A_102 = tpu.memref_slice %arg4[%add3A, %dma_start3A_100, %dma_start3A_101] : memref<32x80x128xi32, #tpu.memory_space<hbm>> -> memref<1x1x128xi32, #tpu.memory_space<hbm>>
    %dma_start3A_103 = tpu.memref_squeeze %dma_start3A_102 : memref<1x1x128xi32, #tpu.memory_space<hbm>> -> memref<128xi32, #tpu.memory_space<hbm>>
    %dma_start3A_104 = arith.constant 0 : i32
    %dma_start3A_105 = tpu.memref_slice %arg4[%add3A, %dma_start3A_100, %dma_start3A_104] : memref<32x80x128xi32, #tpu.memory_space<hbm>> -> memref<1x1x128xi32, #tpu.memory_space<hbm>>
    %dma_start3A_106 = tpu.memref_squeeze %dma_start3A_105 : memref<1x1x128xi32, #tpu.memory_space<hbm>> -> memref<128xi32, #tpu.memory_space<hbm>>
    tpu.enqueue_dma source(%dma_start3A_106 : memref<128xi32, #tpu.memory_space<hbm>>) target(%arg20 : memref<128xi32, #tpu.memory_space<vmem>>) target_semaphore(%arg31 : memref<!tpu.dma_semaphore, #tpu.memory_space<semaphore_mem>>)
    %dma_start3A_107 = arith.constant 7 : i32
    %dma_start3A_108 = arith.constant 0 : i32
    %dma_start3A_109 = tpu.memref_slice %arg3[%add3A, %dma_start3A_107, %dma_start3A_108] : memref<32x80x128xi32, #tpu.memory_space<hbm>> -> memref<1x1x128xi32, #tpu.memory_space<hbm>>
    %dma_start3A_110 = tpu.memref_squeeze %dma_start3A_109 : memref<1x1x128xi32, #tpu.memory_space<hbm>> -> memref<128xi32, #tpu.memory_space<hbm>>
    %dma_start3A_111 = arith.constant 0 : i32
    %dma_start3A_112 = tpu.memref_slice %arg3[%add3A, %dma_start3A_107, %dma_start3A_111] : memref<32x80x128xi32, #tpu.memory_space<hbm>> -> memref<1x1x128xi32, #tpu.memory_space<hbm>>
    %dma_start3A_113 = tpu.memref_squeeze %dma_start3A_112 : memref<1x1x128xi32, #tpu.memory_space<hbm>> -> memref<128xi32, #tpu.memory_space<hbm>>
    tpu.enqueue_dma source(%dma_start3A_113 : memref<128xi32, #tpu.memory_space<hbm>>) target(%arg13 : memref<128xi32, #tpu.memory_space<vmem>>) target_semaphore(%arg32 : memref<!tpu.dma_semaphore, #tpu.memory_space<semaphore_mem>>)
    %dma_start3A_114 = arith.constant 7 : i32
    %dma_start3A_115 = arith.constant 0 : i32
    %dma_start3A_116 = tpu.memref_slice %arg4[%add3A, %dma_start3A_114, %dma_start3A_115] : memref<32x80x128xi32, #tpu.memory_space<hbm>> -> memref<1x1x128xi32, #tpu.memory_space<hbm>>
    %dma_start3A_117 = tpu.memref_squeeze %dma_start3A_116 : memref<1x1x128xi32, #tpu.memory_space<hbm>> -> memref<128xi32, #tpu.memory_space<hbm>>
    %dma_start3A_118 = arith.constant 0 : i32
    %dma_start3A_119 = tpu.memref_slice %arg4[%add3A, %dma_start3A_114, %dma_start3A_118] : memref<32x80x128xi32, #tpu.memory_space<hbm>> -> memref<1x1x128xi32, #tpu.memory_space<hbm>>
    %dma_start3A_120 = tpu.memref_squeeze %dma_start3A_119 : memref<1x1x128xi32, #tpu.memory_space<hbm>> -> memref<128xi32, #tpu.memory_space<hbm>>
    tpu.enqueue_dma source(%dma_start3A_120 : memref<128xi32, #tpu.memory_space<hbm>>) target(%arg21 : memref<128xi32, #tpu.memory_space<vmem>>) target_semaphore(%arg32 : memref<!tpu.dma_semaphore, #tpu.memory_space<semaphore_mem>>)
    %barrier3A = arith.constant 0 : index
    tpu.barrier barrier_id(%barrier3A)
    %scan3A_121 = arith.constant 0 : i32
    %scan3A_122 = arith.constant 9 : i32
    %scan3A_123 = arith.addi %scan3A_121, %scan3A_122 : i32
    %scan3A_124 = arith.constant 1 : i32
    scf.for %scan3A_290 = %scan3A_121 to %scan3A_123 step %scan3A_124  : i32 {
      %mul3A_291 = arith.constant 8 : i32
      %mul3A_292 = arith.muli %scan3A_290, %mul3A_291 : i32
      %add3A_293 = arith.constant 0 : i32
      %add3A_294 = arith.addi %add3A_293, %mul3A_292 : i32
      %add3A_295 = arith.constant 0 : i32
      %add3A_296 = arith.addi %add3A_294, %add3A_295 : i32
      %dma_wait3A_297 = arith.constant 0 : i32
      %dma_wait3A_298 = tpu.memref_slice %arg3[%add3A, %add3A_296, %dma_wait3A_297] : memref<32x80x128xi32, #tpu.memory_space<hbm>> -> memref<1x1x128xi32, #tpu.memory_space<hbm>>
      %dma_wait3A_299 = tpu.memref_squeeze %dma_wait3A_298 : memref<1x1x128xi32, #tpu.memory_space<hbm>> -> memref<128xi32, #tpu.memory_space<hbm>>
      %dma_wait3A_300 = arith.constant 0 : i32
      %dma_wait3A_301 = tpu.memref_slice %arg3[%add3A, %add3A_296, %dma_wait3A_300] : memref<32x80x128xi32, #tpu.memory_space<hbm>> -> memref<1x1x128xi32, #tpu.memory_space<hbm>>
      %dma_wait3A_302 = tpu.memref_squeeze %dma_wait3A_301 : memref<1x1x128xi32, #tpu.memory_space<hbm>> -> memref<128xi32, #tpu.memory_space<hbm>>
      tpu.wait_dma2 semaphore(%arg25 : memref<!tpu.dma_semaphore, #tpu.memory_space<semaphore_mem>>) src(%dma_wait3A_302 : memref<128xi32, #tpu.memory_space<hbm>>) dst(%arg6 : memref<128xi32, #tpu.memory_space<vmem>>)
      %dma_wait3A_303 = arith.constant 0 : i32
      %dma_wait3A_304 = tpu.memref_slice %arg4[%add3A, %add3A_296, %dma_wait3A_303] : memref<32x80x128xi32, #tpu.memory_space<hbm>> -> memref<1x1x128xi32, #tpu.memory_space<hbm>>
      %dma_wait3A_305 = tpu.memref_squeeze %dma_wait3A_304 : memref<1x1x128xi32, #tpu.memory_space<hbm>> -> memref<128xi32, #tpu.memory_space<hbm>>
      %dma_wait3A_306 = arith.constant 0 : i32
      %dma_wait3A_307 = tpu.memref_slice %arg4[%add3A, %add3A_296, %dma_wait3A_306] : memref<32x80x128xi32, #tpu.memory_space<hbm>> -> memref<1x1x128xi32, #tpu.memory_space<hbm>>
      %dma_wait3A_308 = tpu.memref_squeeze %dma_wait3A_307 : memref<1x1x128xi32, #tpu.memory_space<hbm>> -> memref<128xi32, #tpu.memory_space<hbm>>
      tpu.wait_dma2 semaphore(%arg25 : memref<!tpu.dma_semaphore, #tpu.memory_space<semaphore_mem>>) src(%dma_wait3A_308 : memref<128xi32, #tpu.memory_space<hbm>>) dst(%arg14 : memref<128xi32, #tpu.memory_space<vmem>>)
      %dma_start3A_309 = arith.constant 0 : i32
      %dma_start3A_310 = arith.constant 0 : i32
      %dma_start3A_311 = tpu.memref_slice %arg2[%dma_start3A_309, %dma_start3A_310] : memref<10240x128xf32, #tpu.memory_space<hbm>> -> memref<10240x128xf32, #tpu.memory_space<hbm>>
      tpu.enqueue_indirect_dma source(%dma_start3A_311 : memref<10240x128xf32, #tpu.memory_space<hbm>>) target(%arg22 : memref<128x128xf32, #tpu.memory_space<vmem>>) offsets(%arg6 : memref<128xi32, #tpu.memory_space<vmem>>) semaphore(%arg33 : memref<!tpu.dma_semaphore, #tpu.memory_space<semaphore_mem>>)
      %add3A_312 = arith.constant 1 : i32
      %add3A_313 = arith.addi %add3A_294, %add3A_312 : i32
      %dma_wait3A_314 = arith.constant 0 : i32
      %dma_wait3A_315 = tpu.memref_slice %arg3[%add3A, %add3A_313, %dma_wait3A_314] : memref<32x80x128xi32, #tpu.memory_space<hbm>> -> memref<1x1x128xi32, #tpu.memory_space<hbm>>
      %dma_wait3A_316 = tpu.memref_squeeze %dma_wait3A_315 : memref<1x1x128xi32, #tpu.memory_space<hbm>> -> memref<128xi32, #tpu.memory_space<hbm>>
      %dma_wait3A_317 = arith.constant 0 : i32
      %dma_wait3A_318 = tpu.memref_slice %arg3[%add3A, %add3A_313, %dma_wait3A_317] : memref<32x80x128xi32, #tpu.memory_space<hbm>> -> memref<1x1x128xi32, #tpu.memory_space<hbm>>
      %dma_wait3A_319 = tpu.memref_squeeze %dma_wait3A_318 : memref<1x1x128xi32, #tpu.memory_space<hbm>> -> memref<128xi32, #tpu.memory_space<hbm>>
      tpu.wait_dma2 semaphore(%arg26 : memref<!tpu.dma_semaphore, #tpu.memory_space<semaphore_mem>>) src(%dma_wait3A_319 : memref<128xi32, #tpu.memory_space<hbm>>) dst(%arg7 : memref<128xi32, #tpu.memory_space<vmem>>)
      %dma_wait3A_320 = arith.constant 0 : i32
      %dma_wait3A_321 = tpu.memref_slice %arg4[%add3A, %add3A_313, %dma_wait3A_320] : memref<32x80x128xi32, #tpu.memory_space<hbm>> -> memref<1x1x128xi32, #tpu.memory_space<hbm>>
      %dma_wait3A_322 = tpu.memref_squeeze %dma_wait3A_321 : memref<1x1x128xi32, #tpu.memory_space<hbm>> -> memref<128xi32, #tpu.memory_space<hbm>>
      %dma_wait3A_323 = arith.constant 0 : i32
      %dma_wait3A_324 = tpu.memref_slice %arg4[%add3A, %add3A_313, %dma_wait3A_323] : memref<32x80x128xi32, #tpu.memory_space<hbm>> -> memref<1x1x128xi32, #tpu.memory_space<hbm>>
      %dma_wait3A_325 = tpu.memref_squeeze %dma_wait3A_324 : memref<1x1x128xi32, #tpu.memory_space<hbm>> -> memref<128xi32, #tpu.memory_space<hbm>>
      tpu.wait_dma2 semaphore(%arg26 : memref<!tpu.dma_semaphore, #tpu.memory_space<semaphore_mem>>) src(%dma_wait3A_325 : memref<128xi32, #tpu.memory_space<hbm>>) dst(%arg15 : memref<128xi32, #tpu.memory_space<vmem>>)
      %dma_start3A_326 = arith.constant 0 : i32
      %dma_start3A_327 = arith.constant 0 : i32
      %dma_start3A_328 = tpu.memref_slice %arg2[%dma_start3A_326, %dma_start3A_327] : memref<10240x128xf32, #tpu.memory_space<hbm>> -> memref<10240x128xf32, #tpu.memory_space<hbm>>
      tpu.enqueue_indirect_dma source(%dma_start3A_328 : memref<10240x128xf32, #tpu.memory_space<hbm>>) target(%arg23 : memref<128x128xf32, #tpu.memory_space<vmem>>) offsets(%arg7 : memref<128xi32, #tpu.memory_space<vmem>>) semaphore(%arg34 : memref<!tpu.dma_semaphore, #tpu.memory_space<semaphore_mem>>)
      %dma_wait3A_329 = arith.constant 0 : i32
      %dma_wait3A_330 = arith.constant 0 : i32
      %dma_wait3A_331 = tpu.memref_slice %arg2[%dma_wait3A_329, %dma_wait3A_330] : memref<10240x128xf32, #tpu.memory_space<hbm>> -> memref<10240x128xf32, #tpu.memory_space<hbm>>
      tpu.wait_indirect_dma semaphore(%arg33 : memref<!tpu.dma_semaphore, #tpu.memory_space<semaphore_mem>>) src(%dma_wait3A_331 : memref<10240x128xf32, #tpu.memory_space<hbm>>) dst(%arg22 : memref<128x128xf32, #tpu.memory_space<vmem>>)
      "tpu.region"() ({
        %run_scoped3A = tpu.sem_alloc : memref<!tpu.dma_semaphore, #tpu.memory_space<semaphore_mem>>
        %dma_start3A_595 = arith.constant 0 : i32
        %dma_start3A_596 = arith.constant 0 : i32
        %dma_start3A_597 = tpu.memref_slice %arg24[%dma_start3A_595, %dma_start3A_596] : memref<10240x128xf32, #tpu.memory_space<vmem_shared>> -> memref<10240x128xf32, #tpu.memory_space<vmem_shared>>
        tpu.enqueue_indirect_dma source(%arg22 : memref<128x128xf32, #tpu.memory_space<vmem>>) target(%dma_start3A_597 : memref<10240x128xf32, #tpu.memory_space<vmem_shared>>) offsets(%arg14 : memref<128xi32, #tpu.memory_space<vmem>>) semaphore(%run_scoped3A : memref<!tpu.dma_semaphore, #tpu.memory_space<semaphore_mem>>) {add = true}
        %dma_wait3A_598 = arith.constant 0 : i32
        %dma_wait3A_599 = arith.constant 0 : i32
        %dma_wait3A_600 = tpu.memref_slice %arg24[%dma_wait3A_598, %dma_wait3A_599] : memref<10240x128xf32, #tpu.memory_space<vmem_shared>> -> memref<10240x128xf32, #tpu.memory_space<vmem_shared>>
        tpu.wait_indirect_dma semaphore(%run_scoped3A : memref<!tpu.dma_semaphore, #tpu.memory_space<semaphore_mem>>) src(%arg22 : memref<128x128xf32, #tpu.memory_space<vmem>>) dst(%dma_wait3A_600 : memref<10240x128xf32, #tpu.memory_space<vmem_shared>>)
        tpu.yield
      }) : () -> ()
      %add3A_332 = arith.constant 0 : i32
      %add3A_333 = arith.addi %add3A_294, %add3A_332 : i32
      %add3A_334 = arith.constant 2 : i32
      %add3A_335 = arith.addi %add3A_333, %add3A_334 : i32
      %dma_wait3A_336 = arith.constant 0 : i32
      %dma_wait3A_337 = tpu.memref_slice %arg3[%add3A, %add3A_335, %dma_wait3A_336] : memref<32x80x128xi32, #tpu.memory_space<hbm>> -> memref<1x1x128xi32, #tpu.memory_space<hbm>>
      %dma_wait3A_338 = tpu.memref_squeeze %dma_wait3A_337 : memref<1x1x128xi32, #tpu.memory_space<hbm>> -> memref<128xi32, #tpu.memory_space<hbm>>
      %dma_wait3A_339 = arith.constant 0 : i32
      %dma_wait3A_340 = tpu.memref_slice %arg3[%add3A, %add3A_335, %dma_wait3A_339] : memref<32x80x128xi32, #tpu.memory_space<hbm>> -> memref<1x1x128xi32, #tpu.memory_space<hbm>>
      %dma_wait3A_341 = tpu.memref_squeeze %dma_wait3A_340 : memref<1x1x128xi32, #tpu.memory_space<hbm>> -> memref<128xi32, #tpu.memory_space<hbm>>
      tpu.wait_dma2 semaphore(%arg27 : memref<!tpu.dma_semaphore, #tpu.memory_space<semaphore_mem>>) src(%dma_wait3A_341 : memref<128xi32, #tpu.memory_space<hbm>>) dst(%arg8 : memref<128xi32, #tpu.memory_space<vmem>>)
      %dma_wait3A_342 = arith.constant 0 : i32
      %dma_wait3A_343 = tpu.memref_slice %arg4[%add3A, %add3A_335, %dma_wait3A_342] : memref<32x80x128xi32, #tpu.memory_space<hbm>> -> memref<1x1x128xi32, #tpu.memory_space<hbm>>
      %dma_wait3A_344 = tpu.memref_squeeze %dma_wait3A_343 : memref<1x1x128xi32, #tpu.memory_space<hbm>> -> memref<128xi32, #tpu.memory_space<hbm>>
      %dma_wait3A_345 = arith.constant 0 : i32
      %dma_wait3A_346 = tpu.memref_slice %arg4[%add3A, %add3A_335, %dma_wait3A_345] : memref<32x80x128xi32, #tpu.memory_space<hbm>> -> memref<1x1x128xi32, #tpu.memory_space<hbm>>
      %dma_wait3A_347 = tpu.memref_squeeze %dma_wait3A_346 : memref<1x1x128xi32, #tpu.memory_space<hbm>> -> memref<128xi32, #tpu.memory_space<hbm>>
      tpu.wait_dma2 semaphore(%arg27 : memref<!tpu.dma_semaphore, #tpu.memory_space<semaphore_mem>>) src(%dma_wait3A_347 : memref<128xi32, #tpu.memory_space<hbm>>) dst(%arg16 : memref<128xi32, #tpu.memory_space<vmem>>)
      %dma_start3A_348 = arith.constant 0 : i32
      %dma_start3A_349 = arith.constant 0 : i32
      %dma_start3A_350 = tpu.memref_slice %arg2[%dma_start3A_348, %dma_start3A_349] : memref<10240x128xf32, #tpu.memory_space<hbm>> -> memref<10240x128xf32, #tpu.memory_space<hbm>>
      tpu.enqueue_indirect_dma source(%dma_start3A_350 : memref<10240x128xf32, #tpu.memory_space<hbm>>) target(%arg22 : memref<128x128xf32, #tpu.memory_space<vmem>>) offsets(%arg8 : memref<128xi32, #tpu.memory_space<vmem>>) semaphore(%arg33 : memref<!tpu.dma_semaphore, #tpu.memory_space<semaphore_mem>>)
      %add3A_351 = arith.constant 0 : i32
      %add3A_352 = arith.addi %add3A_294, %add3A_351 : i32
      %add3A_353 = arith.constant 8 : i32
      %add3A_354 = arith.addi %add3A_352, %add3A_353 : i32
      %dma_start3A_355 = arith.constant 0 : i32
      %dma_start3A_356 = tpu.memref_slice %arg3[%add3A, %add3A_354, %dma_start3A_355] : memref<32x80x128xi32, #tpu.memory_space<hbm>> -> memref<1x1x128xi32, #tpu.memory_space<hbm>>
      %dma_start3A_357 = tpu.memref_squeeze %dma_start3A_356 : memref<1x1x128xi32, #tpu.memory_space<hbm>> -> memref<128xi32, #tpu.memory_space<hbm>>
      %dma_start3A_358 = arith.constant 0 : i32
      %dma_start3A_359 = tpu.memref_slice %arg3[%add3A, %add3A_354, %dma_start3A_358] : memref<32x80x128xi32, #tpu.memory_space<hbm>> -> memref<1x1x128xi32, #tpu.memory_space<hbm>>
      %dma_start3A_360 = tpu.memref_squeeze %dma_start3A_359 : memref<1x1x128xi32, #tpu.memory_space<hbm>> -> memref<128xi32, #tpu.memory_space<hbm>>
      tpu.enqueue_dma source(%dma_start3A_360 : memref<128xi32, #tpu.memory_space<hbm>>) target(%arg6 : memref<128xi32, #tpu.memory_space<vmem>>) target_semaphore(%arg25 : memref<!tpu.dma_semaphore, #tpu.memory_space<semaphore_mem>>)
      %dma_start3A_361 = arith.constant 0 : i32
      %dma_start3A_362 = tpu.memref_slice %arg4[%add3A, %add3A_354, %dma_start3A_361] : memref<32x80x128xi32, #tpu.memory_space<hbm>> -> memref<1x1x128xi32, #tpu.memory_space<hbm>>
      %dma_start3A_363 = tpu.memref_squeeze %dma_start3A_362 : memref<1x1x128xi32, #tpu.memory_space<hbm>> -> memref<128xi32, #tpu.memory_space<hbm>>
      %dma_start3A_364 = arith.constant 0 : i32
      %dma_start3A_365 = tpu.memref_slice %arg4[%add3A, %add3A_354, %dma_start3A_364] : memref<32x80x128xi32, #tpu.memory_space<hbm>> -> memref<1x1x128xi32, #tpu.memory_space<hbm>>
      %dma_start3A_366 = tpu.memref_squeeze %dma_start3A_365 : memref<1x1x128xi32, #tpu.memory_space<hbm>> -> memref<128xi32, #tpu.memory_space<hbm>>
      tpu.enqueue_dma source(%dma_start3A_366 : memref<128xi32, #tpu.memory_space<hbm>>) target(%arg14 : memref<128xi32, #tpu.memory_space<vmem>>) target_semaphore(%arg25 : memref<!tpu.dma_semaphore, #tpu.memory_space<semaphore_mem>>)
      %dma_wait3A_367 = arith.constant 0 : i32
      %dma_wait3A_368 = arith.constant 0 : i32
      %dma_wait3A_369 = tpu.memref_slice %arg2[%dma_wait3A_367, %dma_wait3A_368] : memref<10240x128xf32, #tpu.memory_space<hbm>> -> memref<10240x128xf32, #tpu.memory_space<hbm>>
      tpu.wait_indirect_dma semaphore(%arg34 : memref<!tpu.dma_semaphore, #tpu.memory_space<semaphore_mem>>) src(%dma_wait3A_369 : memref<10240x128xf32, #tpu.memory_space<hbm>>) dst(%arg23 : memref<128x128xf32, #tpu.memory_space<vmem>>)
      "tpu.region"() ({
        %run_scoped3A = tpu.sem_alloc : memref<!tpu.dma_semaphore, #tpu.memory_space<semaphore_mem>>
        %dma_start3A_595 = arith.constant 0 : i32
        %dma_start3A_596 = arith.constant 0 : i32
        %dma_start3A_597 = tpu.memref_slice %arg24[%dma_start3A_595, %dma_start3A_596] : memref<10240x128xf32, #tpu.memory_space<vmem_shared>> -> memref<10240x128xf32, #tpu.memory_space<vmem_shared>>
        tpu.enqueue_indirect_dma source(%arg23 : memref<128x128xf32, #tpu.memory_space<vmem>>) target(%dma_start3A_597 : memref<10240x128xf32, #tpu.memory_space<vmem_shared>>) offsets(%arg15 : memref<128xi32, #tpu.memory_space<vmem>>) semaphore(%run_scoped3A : memref<!tpu.dma_semaphore, #tpu.memory_space<semaphore_mem>>) {add = true}
        %dma_wait3A_598 = arith.constant 0 : i32
        %dma_wait3A_599 = arith.constant 0 : i32
        %dma_wait3A_600 = tpu.memref_slice %arg24[%dma_wait3A_598, %dma_wait3A_599] : memref<10240x128xf32, #tpu.memory_space<vmem_shared>> -> memref<10240x128xf32, #tpu.memory_space<vmem_shared>>
        tpu.wait_indirect_dma semaphore(%run_scoped3A : memref<!tpu.dma_semaphore, #tpu.memory_space<semaphore_mem>>) src(%arg23 : memref<128x128xf32, #tpu.memory_space<vmem>>) dst(%dma_wait3A_600 : memref<10240x128xf32, #tpu.memory_space<vmem_shared>>)
        tpu.yield
      }) : () -> ()
      %add3A_370 = arith.constant 1 : i32
      %add3A_371 = arith.addi %add3A_294, %add3A_370 : i32
      %add3A_372 = arith.constant 2 : i32
      %add3A_373 = arith.addi %add3A_371, %add3A_372 : i32
      %dma_wait3A_374 = arith.constant 0 : i32
      %dma_wait3A_375 = tpu.memref_slice %arg3[%add3A, %add3A_373, %dma_wait3A_374] : memref<32x80x128xi32, #tpu.memory_space<hbm>> -> memref<1x1x128xi32, #tpu.memory_space<hbm>>
      %dma_wait3A_376 = tpu.memref_squeeze %dma_wait3A_375 : memref<1x1x128xi32, #tpu.memory_space<hbm>> -> memref<128xi32, #tpu.memory_space<hbm>>
      %dma_wait3A_377 = arith.constant 0 : i32
      %dma_wait3A_378 = tpu.memref_slice %arg3[%add3A, %add3A_373, %dma_wait3A_377] : memref<32x80x128xi32, #tpu.memory_space<hbm>> -> memref<1x1x128xi32, #tpu.memory_space<hbm>>
      %dma_wait3A_379 = tpu.memref_squeeze %dma_wait3A_378 : memref<1x1x128xi32, #tpu.memory_space<hbm>> -> memref<128xi32, #tpu.memory_space<hbm>>
      tpu.wait_dma2 semaphore(%arg28 : memref<!tpu.dma_semaphore, #tpu.memory_space<semaphore_mem>>) src(%dma_wait3A_379 : memref<128xi32, #tpu.memory_space<hbm>>) dst(%arg9 : memref<128xi32, #tpu.memory_space<vmem>>)
      %dma_wait3A_380 = arith.constant 0 : i32
      %dma_wait3A_381 = tpu.memref_slice %arg4[%add3A, %add3A_373, %dma_wait3A_380] : memref<32x80x128xi32, #tpu.memory_space<hbm>> -> memref<1x1x128xi32, #tpu.memory_space<hbm>>
      %dma_wait3A_382 = tpu.memref_squeeze %dma_wait3A_381 : memref<1x1x128xi32, #tpu.memory_space<hbm>> -> memref<128xi32, #tpu.memory_space<hbm>>
      %dma_wait3A_383 = arith.constant 0 : i32
      %dma_wait3A_384 = tpu.memref_slice %arg4[%add3A, %add3A_373, %dma_wait3A_383] : memref<32x80x128xi32, #tpu.memory_space<hbm>> -> memref<1x1x128xi32, #tpu.memory_space<hbm>>
      %dma_wait3A_385 = tpu.memref_squeeze %dma_wait3A_384 : memref<1x1x128xi32, #tpu.memory_space<hbm>> -> memref<128xi32, #tpu.memory_space<hbm>>
      tpu.wait_dma2 semaphore(%arg28 : memref<!tpu.dma_semaphore, #tpu.memory_space<semaphore_mem>>) src(%dma_wait3A_385 : memref<128xi32, #tpu.memory_space<hbm>>) dst(%arg17 : memref<128xi32, #tpu.memory_space<vmem>>)
      %dma_start3A_386 = arith.constant 0 : i32
      %dma_start3A_387 = arith.constant 0 : i32
      %dma_start3A_388 = tpu.memref_slice %arg2[%dma_start3A_386, %dma_start3A_387] : memref<10240x128xf32, #tpu.memory_space<hbm>> -> memref<10240x128xf32, #tpu.memory_space<hbm>>
      tpu.enqueue_indirect_dma source(%dma_start3A_388 : memref<10240x128xf32, #tpu.memory_space<hbm>>) target(%arg23 : memref<128x128xf32, #tpu.memory_space<vmem>>) offsets(%arg9 : memref<128xi32, #tpu.memory_space<vmem>>) semaphore(%arg34 : memref<!tpu.dma_semaphore, #tpu.memory_space<semaphore_mem>>)
      %add3A_389 = arith.constant 1 : i32
      %add3A_390 = arith.addi %add3A_294, %add3A_389 : i32
      %add3A_391 = arith.constant 8 : i32
      %add3A_392 = arith.addi %add3A_390, %add3A_391 : i32
      %dma_start3A_393 = arith.constant 0 : i32
      %dma_start3A_394 = tpu.memref_slice %arg3[%add3A, %add3A_392, %dma_start3A_393] : memref<32x80x128xi32, #tpu.memory_space<hbm>> -> memref<1x1x128xi32, #tpu.memory_space<hbm>>
      %dma_start3A_395 = tpu.memref_squeeze %dma_start3A_394 : memref<1x1x128xi32, #tpu.memory_space<hbm>> -> memref<128xi32, #tpu.memory_space<hbm>>
      %dma_start3A_396 = arith.constant 0 : i32
      %dma_start3A_397 = tpu.memref_slice %arg3[%add3A, %add3A_392, %dma_start3A_396] : memref<32x80x128xi32, #tpu.memory_space<hbm>> -> memref<1x1x128xi32, #tpu.memory_space<hbm>>
      %dma_start3A_398 = tpu.memref_squeeze %dma_start3A_397 : memref<1x1x128xi32, #tpu.memory_space<hbm>> -> memref<128xi32, #tpu.memory_space<hbm>>
      tpu.enqueue_dma source(%dma_start3A_398 : memref<128xi32, #tpu.memory_space<hbm>>) target(%arg7 : memref<128xi32, #tpu.memory_space<vmem>>) target_semaphore(%arg26 : memref<!tpu.dma_semaphore, #tpu.memory_space<semaphore_mem>>)
      %dma_start3A_399 = arith.constant 0 : i32
      %dma_start3A_400 = tpu.memref_slice %arg4[%add3A, %add3A_392, %dma_start3A_399] : memref<32x80x128xi32, #tpu.memory_space<hbm>> -> memref<1x1x128xi32, #tpu.memory_space<hbm>>
      %dma_start3A_401 = tpu.memref_squeeze %dma_start3A_400 : memref<1x1x128xi32, #tpu.memory_space<hbm>> -> memref<128xi32, #tpu.memory_space<hbm>>
      %dma_start3A_402 = arith.constant 0 : i32
      %dma_start3A_403 = tpu.memref_slice %arg4[%add3A, %add3A_392, %dma_start3A_402] : memref<32x80x128xi32, #tpu.memory_space<hbm>> -> memref<1x1x128xi32, #tpu.memory_space<hbm>>
      %dma_start3A_404 = tpu.memref_squeeze %dma_start3A_403 : memref<1x1x128xi32, #tpu.memory_space<hbm>> -> memref<128xi32, #tpu.memory_space<hbm>>
      tpu.enqueue_dma source(%dma_start3A_404 : memref<128xi32, #tpu.memory_space<hbm>>) target(%arg15 : memref<128xi32, #tpu.memory_space<vmem>>) target_semaphore(%arg26 : memref<!tpu.dma_semaphore, #tpu.memory_space<semaphore_mem>>)
      %dma_wait3A_405 = arith.constant 0 : i32
      %dma_wait3A_406 = arith.constant 0 : i32
      %dma_wait3A_407 = tpu.memref_slice %arg2[%dma_wait3A_405, %dma_wait3A_406] : memref<10240x128xf32, #tpu.memory_space<hbm>> -> memref<10240x128xf32, #tpu.memory_space<hbm>>
      tpu.wait_indirect_dma semaphore(%arg33 : memref<!tpu.dma_semaphore, #tpu.memory_space<semaphore_mem>>) src(%dma_wait3A_407 : memref<10240x128xf32, #tpu.memory_space<hbm>>) dst(%arg22 : memref<128x128xf32, #tpu.memory_space<vmem>>)
      "tpu.region"() ({
        %run_scoped3A = tpu.sem_alloc : memref<!tpu.dma_semaphore, #tpu.memory_space<semaphore_mem>>
        %dma_start3A_595 = arith.constant 0 : i32
        %dma_start3A_596 = arith.constant 0 : i32
        %dma_start3A_597 = tpu.memref_slice %arg24[%dma_start3A_595, %dma_start3A_596] : memref<10240x128xf32, #tpu.memory_space<vmem_shared>> -> memref<10240x128xf32, #tpu.memory_space<vmem_shared>>
        tpu.enqueue_indirect_dma source(%arg22 : memref<128x128xf32, #tpu.memory_space<vmem>>) target(%dma_start3A_597 : memref<10240x128xf32, #tpu.memory_space<vmem_shared>>) offsets(%arg16 : memref<128xi32, #tpu.memory_space<vmem>>) semaphore(%run_scoped3A : memref<!tpu.dma_semaphore, #tpu.memory_space<semaphore_mem>>) {add = true}
        %dma_wait3A_598 = arith.constant 0 : i32
        %dma_wait3A_599 = arith.constant 0 : i32
        %dma_wait3A_600 = tpu.memref_slice %arg24[%dma_wait3A_598, %dma_wait3A_599] : memref<10240x128xf32, #tpu.memory_space<vmem_shared>> -> memref<10240x128xf32, #tpu.memory_space<vmem_shared>>
        tpu.wait_indirect_dma semaphore(%run_scoped3A : memref<!tpu.dma_semaphore, #tpu.memory_space<semaphore_mem>>) src(%arg22 : memref<128x128xf32, #tpu.memory_space<vmem>>) dst(%dma_wait3A_600 : memref<10240x128xf32, #tpu.memory_space<vmem_shared>>)
        tpu.yield
      }) : () -> ()
      %add3A_408 = arith.constant 2 : i32
      %add3A_409 = arith.addi %add3A_294, %add3A_408 : i32
      %add3A_410 = arith.constant 2 : i32
      %add3A_411 = arith.addi %add3A_409, %add3A_410 : i32
      %dma_wait3A_412 = arith.constant 0 : i32
      %dma_wait3A_413 = tpu.memref_slice %arg3[%add3A, %add3A_411, %dma_wait3A_412] : memref<32x80x128xi32, #tpu.memory_space<hbm>> -> memref<1x1x128xi32, #tpu.memory_space<hbm>>
      %dma_wait3A_414 = tpu.memref_squeeze %dma_wait3A_413 : memref<1x1x128xi32, #tpu.memory_space<hbm>> -> memref<128xi32, #tpu.memory_space<hbm>>
      %dma_wait3A_415 = arith.constant 0 : i32
      %dma_wait3A_416 = tpu.memref_slice %arg3[%add3A, %add3A_411, %dma_wait3A_415] : memref<32x80x128xi32, #tpu.memory_space<hbm>> -> memref<1x1x128xi32, #tpu.memory_space<hbm>>
      %dma_wait3A_417 = tpu.memref_squeeze %dma_wait3A_416 : memref<1x1x128xi32, #tpu.memory_space<hbm>> -> memref<128xi32, #tpu.memory_space<hbm>>
      tpu.wait_dma2 semaphore(%arg29 : memref<!tpu.dma_semaphore, #tpu.memory_space<semaphore_mem>>) src(%dma_wait3A_417 : memref<128xi32, #tpu.memory_space<hbm>>) dst(%arg10 : memref<128xi32, #tpu.memory_space<vmem>>)
      %dma_wait3A_418 = arith.constant 0 : i32
      %dma_wait3A_419 = tpu.memref_slice %arg4[%add3A, %add3A_411, %dma_wait3A_418] : memref<32x80x128xi32, #tpu.memory_space<hbm>> -> memref<1x1x128xi32, #tpu.memory_space<hbm>>
      %dma_wait3A_420 = tpu.memref_squeeze %dma_wait3A_419 : memref<1x1x128xi32, #tpu.memory_space<hbm>> -> memref<128xi32, #tpu.memory_space<hbm>>
      %dma_wait3A_421 = arith.constant 0 : i32
      %dma_wait3A_422 = tpu.memref_slice %arg4[%add3A, %add3A_411, %dma_wait3A_421] : memref<32x80x128xi32, #tpu.memory_space<hbm>> -> memref<1x1x128xi32, #tpu.memory_space<hbm>>
      %dma_wait3A_423 = tpu.memref_squeeze %dma_wait3A_422 : memref<1x1x128xi32, #tpu.memory_space<hbm>> -> memref<128xi32, #tpu.memory_space<hbm>>
      tpu.wait_dma2 semaphore(%arg29 : memref<!tpu.dma_semaphore, #tpu.memory_space<semaphore_mem>>) src(%dma_wait3A_423 : memref<128xi32, #tpu.memory_space<hbm>>) dst(%arg18 : memref<128xi32, #tpu.memory_space<vmem>>)
      %dma_start3A_424 = arith.constant 0 : i32
      %dma_start3A_425 = arith.constant 0 : i32
      %dma_start3A_426 = tpu.memref_slice %arg2[%dma_start3A_424, %dma_start3A_425] : memref<10240x128xf32, #tpu.memory_space<hbm>> -> memref<10240x128xf32, #tpu.memory_space<hbm>>
      tpu.enqueue_indirect_dma source(%dma_start3A_426 : memref<10240x128xf32, #tpu.memory_space<hbm>>) target(%arg22 : memref<128x128xf32, #tpu.memory_space<vmem>>) offsets(%arg10 : memref<128xi32, #tpu.memory_space<vmem>>) semaphore(%arg33 : memref<!tpu.dma_semaphore, #tpu.memory_space<semaphore_mem>>)
      %add3A_427 = arith.constant 2 : i32
      %add3A_428 = arith.addi %add3A_294, %add3A_427 : i32
      %add3A_429 = arith.constant 8 : i32
      %add3A_430 = arith.addi %add3A_428, %add3A_429 : i32
      %dma_start3A_431 = arith.constant 0 : i32
      %dma_start3A_432 = tpu.memref_slice %arg3[%add3A, %add3A_430, %dma_start3A_431] : memref<32x80x128xi32, #tpu.memory_space<hbm>> -> memref<1x1x128xi32, #tpu.memory_space<hbm>>
      %dma_start3A_433 = tpu.memref_squeeze %dma_start3A_432 : memref<1x1x128xi32, #tpu.memory_space<hbm>> -> memref<128xi32, #tpu.memory_space<hbm>>
      %dma_start3A_434 = arith.constant 0 : i32
      %dma_start3A_435 = tpu.memref_slice %arg3[%add3A, %add3A_430, %dma_start3A_434] : memref<32x80x128xi32, #tpu.memory_space<hbm>> -> memref<1x1x128xi32, #tpu.memory_space<hbm>>
      %dma_start3A_436 = tpu.memref_squeeze %dma_start3A_435 : memref<1x1x128xi32, #tpu.memory_space<hbm>> -> memref<128xi32, #tpu.memory_space<hbm>>
      tpu.enqueue_dma source(%dma_start3A_436 : memref<128xi32, #tpu.memory_space<hbm>>) target(%arg8 : memref<128xi32, #tpu.memory_space<vmem>>) target_semaphore(%arg27 : memref<!tpu.dma_semaphore, #tpu.memory_space<semaphore_mem>>)
      %dma_start3A_437 = arith.constant 0 : i32
      %dma_start3A_438 = tpu.memref_slice %arg4[%add3A, %add3A_430, %dma_start3A_437] : memref<32x80x128xi32, #tpu.memory_space<hbm>> -> memref<1x1x128xi32, #tpu.memory_space<hbm>>
      %dma_start3A_439 = tpu.memref_squeeze %dma_start3A_438 : memref<1x1x128xi32, #tpu.memory_space<hbm>> -> memref<128xi32, #tpu.memory_space<hbm>>
      %dma_start3A_440 = arith.constant 0 : i32
      %dma_start3A_441 = tpu.memref_slice %arg4[%add3A, %add3A_430, %dma_start3A_440] : memref<32x80x128xi32, #tpu.memory_space<hbm>> -> memref<1x1x128xi32, #tpu.memory_space<hbm>>
      %dma_start3A_442 = tpu.memref_squeeze %dma_start3A_441 : memref<1x1x128xi32, #tpu.memory_space<hbm>> -> memref<128xi32, #tpu.memory_space<hbm>>
      tpu.enqueue_dma source(%dma_start3A_442 : memref<128xi32, #tpu.memory_space<hbm>>) target(%arg16 : memref<128xi32, #tpu.memory_space<vmem>>) target_semaphore(%arg27 : memref<!tpu.dma_semaphore, #tpu.memory_space<semaphore_mem>>)
      %dma_wait3A_443 = arith.constant 0 : i32
      %dma_wait3A_444 = arith.constant 0 : i32
      %dma_wait3A_445 = tpu.memref_slice %arg2[%dma_wait3A_443, %dma_wait3A_444] : memref<10240x128xf32, #tpu.memory_space<hbm>> -> memref<10240x128xf32, #tpu.memory_space<hbm>>
      tpu.wait_indirect_dma semaphore(%arg34 : memref<!tpu.dma_semaphore, #tpu.memory_space<semaphore_mem>>) src(%dma_wait3A_445 : memref<10240x128xf32, #tpu.memory_space<hbm>>) dst(%arg23 : memref<128x128xf32, #tpu.memory_space<vmem>>)
      "tpu.region"() ({
        %run_scoped3A = tpu.sem_alloc : memref<!tpu.dma_semaphore, #tpu.memory_space<semaphore_mem>>
        %dma_start3A_595 = arith.constant 0 : i32
        %dma_start3A_596 = arith.constant 0 : i32
        %dma_start3A_597 = tpu.memref_slice %arg24[%dma_start3A_595, %dma_start3A_596] : memref<10240x128xf32, #tpu.memory_space<vmem_shared>> -> memref<10240x128xf32, #tpu.memory_space<vmem_shared>>
        tpu.enqueue_indirect_dma source(%arg23 : memref<128x128xf32, #tpu.memory_space<vmem>>) target(%dma_start3A_597 : memref<10240x128xf32, #tpu.memory_space<vmem_shared>>) offsets(%arg17 : memref<128xi32, #tpu.memory_space<vmem>>) semaphore(%run_scoped3A : memref<!tpu.dma_semaphore, #tpu.memory_space<semaphore_mem>>) {add = true}
        %dma_wait3A_598 = arith.constant 0 : i32
        %dma_wait3A_599 = arith.constant 0 : i32
        %dma_wait3A_600 = tpu.memref_slice %arg24[%dma_wait3A_598, %dma_wait3A_599] : memref<10240x128xf32, #tpu.memory_space<vmem_shared>> -> memref<10240x128xf32, #tpu.memory_space<vmem_shared>>
        tpu.wait_indirect_dma semaphore(%run_scoped3A : memref<!tpu.dma_semaphore, #tpu.memory_space<semaphore_mem>>) src(%arg23 : memref<128x128xf32, #tpu.memory_space<vmem>>) dst(%dma_wait3A_600 : memref<10240x128xf32, #tpu.memory_space<vmem_shared>>)
        tpu.yield
      }) : () -> ()
      %add3A_446 = arith.constant 3 : i32
      %add3A_447 = arith.addi %add3A_294, %add3A_446 : i32
      %add3A_448 = arith.constant 2 : i32
      %add3A_449 = arith.addi %add3A_447, %add3A_448 : i32
      %dma_wait3A_450 = arith.constant 0 : i32
      %dma_wait3A_451 = tpu.memref_slice %arg3[%add3A, %add3A_449, %dma_wait3A_450] : memref<32x80x128xi32, #tpu.memory_space<hbm>> -> memref<1x1x128xi32, #tpu.memory_space<hbm>>
      %dma_wait3A_452 = tpu.memref_squeeze %dma_wait3A_451 : memref<1x1x128xi32, #tpu.memory_space<hbm>> -> memref<128xi32, #tpu.memory_space<hbm>>
      %dma_wait3A_453 = arith.constant 0 : i32
      %dma_wait3A_454 = tpu.memref_slice %arg3[%add3A, %add3A_449, %dma_wait3A_453] : memref<32x80x128xi32, #tpu.memory_space<hbm>> -> memref<1x1x128xi32, #tpu.memory_space<hbm>>
      %dma_wait3A_455 = tpu.memref_squeeze %dma_wait3A_454 : memref<1x1x128xi32, #tpu.memory_space<hbm>> -> memref<128xi32, #tpu.memory_space<hbm>>
      tpu.wait_dma2 semaphore(%arg30 : memref<!tpu.dma_semaphore, #tpu.memory_space<semaphore_mem>>) src(%dma_wait3A_455 : memref<128xi32, #tpu.memory_space<hbm>>) dst(%arg11 : memref<128xi32, #tpu.memory_space<vmem>>)
      %dma_wait3A_456 = arith.constant 0 : i32
      %dma_wait3A_457 = tpu.memref_slice %arg4[%add3A, %add3A_449, %dma_wait3A_456] : memref<32x80x128xi32, #tpu.memory_space<hbm>> -> memref<1x1x128xi32, #tpu.memory_space<hbm>>
      %dma_wait3A_458 = tpu.memref_squeeze %dma_wait3A_457 : memref<1x1x128xi32, #tpu.memory_space<hbm>> -> memref<128xi32, #tpu.memory_space<hbm>>
      %dma_wait3A_459 = arith.constant 0 : i32
      %dma_wait3A_460 = tpu.memref_slice %arg4[%add3A, %add3A_449, %dma_wait3A_459] : memref<32x80x128xi32, #tpu.memory_space<hbm>> -> memref<1x1x128xi32, #tpu.memory_space<hbm>>
      %dma_wait3A_461 = tpu.memref_squeeze %dma_wait3A_460 : memref<1x1x128xi32, #tpu.memory_space<hbm>> -> memref<128xi32, #tpu.memory_space<hbm>>
      tpu.wait_dma2 semaphore(%arg30 : memref<!tpu.dma_semaphore, #tpu.memory_space<semaphore_mem>>) src(%dma_wait3A_461 : memref<128xi32, #tpu.memory_space<hbm>>) dst(%arg19 : memref<128xi32, #tpu.memory_space<vmem>>)
      %dma_start3A_462 = arith.constant 0 : i32
      %dma_start3A_463 = arith.constant 0 : i32
      %dma_start3A_464 = tpu.memref_slice %arg2[%dma_start3A_462, %dma_start3A_463] : memref<10240x128xf32, #tpu.memory_space<hbm>> -> memref<10240x128xf32, #tpu.memory_space<hbm>>
      tpu.enqueue_indirect_dma source(%dma_start3A_464 : memref<10240x128xf32, #tpu.memory_space<hbm>>) target(%arg23 : memref<128x128xf32, #tpu.memory_space<vmem>>) offsets(%arg11 : memref<128xi32, #tpu.memory_space<vmem>>) semaphore(%arg34 : memref<!tpu.dma_semaphore, #tpu.memory_space<semaphore_mem>>)
      %add3A_465 = arith.constant 3 : i32
      %add3A_466 = arith.addi %add3A_294, %add3A_465 : i32
      %add3A_467 = arith.constant 8 : i32
      %add3A_468 = arith.addi %add3A_466, %add3A_467 : i32
      %dma_start3A_469 = arith.constant 0 : i32
      %dma_start3A_470 = tpu.memref_slice %arg3[%add3A, %add3A_468, %dma_start3A_469] : memref<32x80x128xi32, #tpu.memory_space<hbm>> -> memref<1x1x128xi32, #tpu.memory_space<hbm>>
      %dma_start3A_471 = tpu.memref_squeeze %dma_start3A_470 : memref<1x1x128xi32, #tpu.memory_space<hbm>> -> memref<128xi32, #tpu.memory_space<hbm>>
      %dma_start3A_472 = arith.constant 0 : i32
      %dma_start3A_473 = tpu.memref_slice %arg3[%add3A, %add3A_468, %dma_start3A_472] : memref<32x80x128xi32, #tpu.memory_space<hbm>> -> memref<1x1x128xi32, #tpu.memory_space<hbm>>
      %dma_start3A_474 = tpu.memref_squeeze %dma_start3A_473 : memref<1x1x128xi32, #tpu.memory_space<hbm>> -> memref<128xi32, #tpu.memory_space<hbm>>
      tpu.enqueue_dma source(%dma_start3A_474 : memref<128xi32, #tpu.memory_space<hbm>>) target(%arg9 : memref<128xi32, #tpu.memory_space<vmem>>) target_semaphore(%arg28 : memref<!tpu.dma_semaphore, #tpu.memory_space<semaphore_mem>>)
      %dma_start3A_475 = arith.constant 0 : i32
      %dma_start3A_476 = tpu.memref_slice %arg4[%add3A, %add3A_468, %dma_start3A_475] : memref<32x80x128xi32, #tpu.memory_space<hbm>> -> memref<1x1x128xi32, #tpu.memory_space<hbm>>
      %dma_start3A_477 = tpu.memref_squeeze %dma_start3A_476 : memref<1x1x128xi32, #tpu.memory_space<hbm>> -> memref<128xi32, #tpu.memory_space<hbm>>
      %dma_start3A_478 = arith.constant 0 : i32
      %dma_start3A_479 = tpu.memref_slice %arg4[%add3A, %add3A_468, %dma_start3A_478] : memref<32x80x128xi32, #tpu.memory_space<hbm>> -> memref<1x1x128xi32, #tpu.memory_space<hbm>>
      %dma_start3A_480 = tpu.memref_squeeze %dma_start3A_479 : memref<1x1x128xi32, #tpu.memory_space<hbm>> -> memref<128xi32, #tpu.memory_space<hbm>>
      tpu.enqueue_dma source(%dma_start3A_480 : memref<128xi32, #tpu.memory_space<hbm>>) target(%arg17 : memref<128xi32, #tpu.memory_space<vmem>>) target_semaphore(%arg28 : memref<!tpu.dma_semaphore, #tpu.memory_space<semaphore_mem>>)
      %dma_wait3A_481 = arith.constant 0 : i32
      %dma_wait3A_482 = arith.constant 0 : i32
      %dma_wait3A_483 = tpu.memref_slice %arg2[%dma_wait3A_481, %dma_wait3A_482] : memref<10240x128xf32, #tpu.memory_space<hbm>> -> memref<10240x128xf32, #tpu.memory_space<hbm>>
      tpu.wait_indirect_dma semaphore(%arg33 : memref<!tpu.dma_semaphore, #tpu.memory_space<semaphore_mem>>) src(%dma_wait3A_483 : memref<10240x128xf32, #tpu.memory_space<hbm>>) dst(%arg22 : memref<128x128xf32, #tpu.memory_space<vmem>>)
      "tpu.region"() ({
        %run_scoped3A = tpu.sem_alloc : memref<!tpu.dma_semaphore, #tpu.memory_space<semaphore_mem>>
        %dma_start3A_595 = arith.constant 0 : i32
        %dma_start3A_596 = arith.constant 0 : i32
        %dma_start3A_597 = tpu.memref_slice %arg24[%dma_start3A_595, %dma_start3A_596] : memref<10240x128xf32, #tpu.memory_space<vmem_shared>> -> memref<10240x128xf32, #tpu.memory_space<vmem_shared>>
        tpu.enqueue_indirect_dma source(%arg22 : memref<128x128xf32, #tpu.memory_space<vmem>>) target(%dma_start3A_597 : memref<10240x128xf32, #tpu.memory_space<vmem_shared>>) offsets(%arg18 : memref<128xi32, #tpu.memory_space<vmem>>) semaphore(%run_scoped3A : memref<!tpu.dma_semaphore, #tpu.memory_space<semaphore_mem>>) {add = true}
        %dma_wait3A_598 = arith.constant 0 : i32
        %dma_wait3A_599 = arith.constant 0 : i32
        %dma_wait3A_600 = tpu.memref_slice %arg24[%dma_wait3A_598, %dma_wait3A_599] : memref<10240x128xf32, #tpu.memory_space<vmem_shared>> -> memref<10240x128xf32, #tpu.memory_space<vmem_shared>>
        tpu.wait_indirect_dma semaphore(%run_scoped3A : memref<!tpu.dma_semaphore, #tpu.memory_space<semaphore_mem>>) src(%arg22 : memref<128x128xf32, #tpu.memory_space<vmem>>) dst(%dma_wait3A_600 : memref<10240x128xf32, #tpu.memory_space<vmem_shared>>)
        tpu.yield
      }) : () -> ()
      %add3A_484 = arith.constant 4 : i32
      %add3A_485 = arith.addi %add3A_294, %add3A_484 : i32
      %add3A_486 = arith.constant 2 : i32
      %add3A_487 = arith.addi %add3A_485, %add3A_486 : i32
      %dma_wait3A_488 = arith.constant 0 : i32
      %dma_wait3A_489 = tpu.memref_slice %arg3[%add3A, %add3A_487, %dma_wait3A_488] : memref<32x80x128xi32, #tpu.memory_space<hbm>> -> memref<1x1x128xi32, #tpu.memory_space<hbm>>
      %dma_wait3A_490 = tpu.memref_squeeze %dma_wait3A_489 : memref<1x1x128xi32, #tpu.memory_space<hbm>> -> memref<128xi32, #tpu.memory_space<hbm>>
      %dma_wait3A_491 = arith.constant 0 : i32
      %dma_wait3A_492 = tpu.memref_slice %arg3[%add3A, %add3A_487, %dma_wait3A_491] : memref<32x80x128xi32, #tpu.memory_space<hbm>> -> memref<1x1x128xi32, #tpu.memory_space<hbm>>
      %dma_wait3A_493 = tpu.memref_squeeze %dma_wait3A_492 : memref<1x1x128xi32, #tpu.memory_space<hbm>> -> memref<128xi32, #tpu.memory_space<hbm>>
      tpu.wait_dma2 semaphore(%arg31 : memref<!tpu.dma_semaphore, #tpu.memory_space<semaphore_mem>>) src(%dma_wait3A_493 : memref<128xi32, #tpu.memory_space<hbm>>) dst(%arg12 : memref<128xi32, #tpu.memory_space<vmem>>)
      %dma_wait3A_494 = arith.constant 0 : i32
      %dma_wait3A_495 = tpu.memref_slice %arg4[%add3A, %add3A_487, %dma_wait3A_494] : memref<32x80x128xi32, #tpu.memory_space<hbm>> -> memref<1x1x128xi32, #tpu.memory_space<hbm>>
      %dma_wait3A_496 = tpu.memref_squeeze %dma_wait3A_495 : memref<1x1x128xi32, #tpu.memory_space<hbm>> -> memref<128xi32, #tpu.memory_space<hbm>>
      %dma_wait3A_497 = arith.constant 0 : i32
      %dma_wait3A_498 = tpu.memref_slice %arg4[%add3A, %add3A_487, %dma_wait3A_497] : memref<32x80x128xi32, #tpu.memory_space<hbm>> -> memref<1x1x128xi32, #tpu.memory_space<hbm>>
      %dma_wait3A_499 = tpu.memref_squeeze %dma_wait3A_498 : memref<1x1x128xi32, #tpu.memory_space<hbm>> -> memref<128xi32, #tpu.memory_space<hbm>>
      tpu.wait_dma2 semaphore(%arg31 : memref<!tpu.dma_semaphore, #tpu.memory_space<semaphore_mem>>) src(%dma_wait3A_499 : memref<128xi32, #tpu.memory_space<hbm>>) dst(%arg20 : memref<128xi32, #tpu.memory_space<vmem>>)
      %dma_start3A_500 = arith.constant 0 : i32
      %dma_start3A_501 = arith.constant 0 : i32
      %dma_start3A_502 = tpu.memref_slice %arg2[%dma_start3A_500, %dma_start3A_501] : memref<10240x128xf32, #tpu.memory_space<hbm>> -> memref<10240x128xf32, #tpu.memory_space<hbm>>
      tpu.enqueue_indirect_dma source(%dma_start3A_502 : memref<10240x128xf32, #tpu.memory_space<hbm>>) target(%arg22 : memref<128x128xf32, #tpu.memory_space<vmem>>) offsets(%arg12 : memref<128xi32, #tpu.memory_space<vmem>>) semaphore(%arg33 : memref<!tpu.dma_semaphore, #tpu.memory_space<semaphore_mem>>)
      %add3A_503 = arith.constant 4 : i32
      %add3A_504 = arith.addi %add3A_294, %add3A_503 : i32
      %add3A_505 = arith.constant 8 : i32
      %add3A_506 = arith.addi %add3A_504, %add3A_505 : i32
      %dma_start3A_507 = arith.constant 0 : i32
      %dma_start3A_508 = tpu.memref_slice %arg3[%add3A, %add3A_506, %dma_start3A_507] : memref<32x80x128xi32, #tpu.memory_space<hbm>> -> memref<1x1x128xi32, #tpu.memory_space<hbm>>
      %dma_start3A_509 = tpu.memref_squeeze %dma_start3A_508 : memref<1x1x128xi32, #tpu.memory_space<hbm>> -> memref<128xi32, #tpu.memory_space<hbm>>
      %dma_start3A_510 = arith.constant 0 : i32
      %dma_start3A_511 = tpu.memref_slice %arg3[%add3A, %add3A_506, %dma_start3A_510] : memref<32x80x128xi32, #tpu.memory_space<hbm>> -> memref<1x1x128xi32, #tpu.memory_space<hbm>>
      %dma_start3A_512 = tpu.memref_squeeze %dma_start3A_511 : memref<1x1x128xi32, #tpu.memory_space<hbm>> -> memref<128xi32, #tpu.memory_space<hbm>>
      tpu.enqueue_dma source(%dma_start3A_512 : memref<128xi32, #tpu.memory_space<hbm>>) target(%arg10 : memref<128xi32, #tpu.memory_space<vmem>>) target_semaphore(%arg29 : memref<!tpu.dma_semaphore, #tpu.memory_space<semaphore_mem>>)
      %dma_start3A_513 = arith.constant 0 : i32
      %dma_start3A_514 = tpu.memref_slice %arg4[%add3A, %add3A_506, %dma_start3A_513] : memref<32x80x128xi32, #tpu.memory_space<hbm>> -> memref<1x1x128xi32, #tpu.memory_space<hbm>>
      %dma_start3A_515 = tpu.memref_squeeze %dma_start3A_514 : memref<1x1x128xi32, #tpu.memory_space<hbm>> -> memref<128xi32, #tpu.memory_space<hbm>>
      %dma_start3A_516 = arith.constant 0 : i32
      %dma_start3A_517 = tpu.memref_slice %arg4[%add3A, %add3A_506, %dma_start3A_516] : memref<32x80x128xi32, #tpu.memory_space<hbm>> -> memref<1x1x128xi32, #tpu.memory_space<hbm>>
      %dma_start3A_518 = tpu.memref_squeeze %dma_start3A_517 : memref<1x1x128xi32, #tpu.memory_space<hbm>> -> memref<128xi32, #tpu.memory_space<hbm>>
      tpu.enqueue_dma source(%dma_start3A_518 : memref<128xi32, #tpu.memory_space<hbm>>) target(%arg18 : memref<128xi32, #tpu.memory_space<vmem>>) target_semaphore(%arg29 : memref<!tpu.dma_semaphore, #tpu.memory_space<semaphore_mem>>)
      %dma_wait3A_519 = arith.constant 0 : i32
      %dma_wait3A_520 = arith.constant 0 : i32
      %dma_wait3A_521 = tpu.memref_slice %arg2[%dma_wait3A_519, %dma_wait3A_520] : memref<10240x128xf32, #tpu.memory_space<hbm>> -> memref<10240x128xf32, #tpu.memory_space<hbm>>
      tpu.wait_indirect_dma semaphore(%arg34 : memref<!tpu.dma_semaphore, #tpu.memory_space<semaphore_mem>>) src(%dma_wait3A_521 : memref<10240x128xf32, #tpu.memory_space<hbm>>) dst(%arg23 : memref<128x128xf32, #tpu.memory_space<vmem>>)
      "tpu.region"() ({
        %run_scoped3A = tpu.sem_alloc : memref<!tpu.dma_semaphore, #tpu.memory_space<semaphore_mem>>
        %dma_start3A_595 = arith.constant 0 : i32
        %dma_start3A_596 = arith.constant 0 : i32
        %dma_start3A_597 = tpu.memref_slice %arg24[%dma_start3A_595, %dma_start3A_596] : memref<10240x128xf32, #tpu.memory_space<vmem_shared>> -> memref<10240x128xf32, #tpu.memory_space<vmem_shared>>
        tpu.enqueue_indirect_dma source(%arg23 : memref<128x128xf32, #tpu.memory_space<vmem>>) target(%dma_start3A_597 : memref<10240x128xf32, #tpu.memory_space<vmem_shared>>) offsets(%arg19 : memref<128xi32, #tpu.memory_space<vmem>>) semaphore(%run_scoped3A : memref<!tpu.dma_semaphore, #tpu.memory_space<semaphore_mem>>) {add = true}
        %dma_wait3A_598 = arith.constant 0 : i32
        %dma_wait3A_599 = arith.constant 0 : i32
        %dma_wait3A_600 = tpu.memref_slice %arg24[%dma_wait3A_598, %dma_wait3A_599] : memref<10240x128xf32, #tpu.memory_space<vmem_shared>> -> memref<10240x128xf32, #tpu.memory_space<vmem_shared>>
        tpu.wait_indirect_dma semaphore(%run_scoped3A : memref<!tpu.dma_semaphore, #tpu.memory_space<semaphore_mem>>) src(%arg23 : memref<128x128xf32, #tpu.memory_space<vmem>>) dst(%dma_wait3A_600 : memref<10240x128xf32, #tpu.memory_space<vmem_shared>>)
        tpu.yield
      }) : () -> ()
      %add3A_522 = arith.constant 5 : i32
      %add3A_523 = arith.addi %add3A_294, %add3A_522 : i32
      %add3A_524 = arith.constant 2 : i32
      %add3A_525 = arith.addi %add3A_523, %add3A_524 : i32
      %dma_wait3A_526 = arith.constant 0 : i32
      %dma_wait3A_527 = tpu.memref_slice %arg3[%add3A, %add3A_525, %dma_wait3A_526] : memref<32x80x128xi32, #tpu.memory_space<hbm>> -> memref<1x1x128xi32, #tpu.memory_space<hbm>>
      %dma_wait3A_528 = tpu.memref_squeeze %dma_wait3A_527 : memref<1x1x128xi32, #tpu.memory_space<hbm>> -> memref<128xi32, #tpu.memory_space<hbm>>
      %dma_wait3A_529 = arith.constant 0 : i32
      %dma_wait3A_530 = tpu.memref_slice %arg3[%add3A, %add3A_525, %dma_wait3A_529] : memref<32x80x128xi32, #tpu.memory_space<hbm>> -> memref<1x1x128xi32, #tpu.memory_space<hbm>>
      %dma_wait3A_531 = tpu.memref_squeeze %dma_wait3A_530 : memref<1x1x128xi32, #tpu.memory_space<hbm>> -> memref<128xi32, #tpu.memory_space<hbm>>
      tpu.wait_dma2 semaphore(%arg32 : memref<!tpu.dma_semaphore, #tpu.memory_space<semaphore_mem>>) src(%dma_wait3A_531 : memref<128xi32, #tpu.memory_space<hbm>>) dst(%arg13 : memref<128xi32, #tpu.memory_space<vmem>>)
      %dma_wait3A_532 = arith.constant 0 : i32
      %dma_wait3A_533 = tpu.memref_slice %arg4[%add3A, %add3A_525, %dma_wait3A_532] : memref<32x80x128xi32, #tpu.memory_space<hbm>> -> memref<1x1x128xi32, #tpu.memory_space<hbm>>
      %dma_wait3A_534 = tpu.memref_squeeze %dma_wait3A_533 : memref<1x1x128xi32, #tpu.memory_space<hbm>> -> memref<128xi32, #tpu.memory_space<hbm>>
      %dma_wait3A_535 = arith.constant 0 : i32
      %dma_wait3A_536 = tpu.memref_slice %arg4[%add3A, %add3A_525, %dma_wait3A_535] : memref<32x80x128xi32, #tpu.memory_space<hbm>> -> memref<1x1x128xi32, #tpu.memory_space<hbm>>
      %dma_wait3A_537 = tpu.memref_squeeze %dma_wait3A_536 : memref<1x1x128xi32, #tpu.memory_space<hbm>> -> memref<128xi32, #tpu.memory_space<hbm>>
      tpu.wait_dma2 semaphore(%arg32 : memref<!tpu.dma_semaphore, #tpu.memory_space<semaphore_mem>>) src(%dma_wait3A_537 : memref<128xi32, #tpu.memory_space<hbm>>) dst(%arg21 : memref<128xi32, #tpu.memory_space<vmem>>)
      %dma_start3A_538 = arith.constant 0 : i32
      %dma_start3A_539 = arith.constant 0 : i32
      %dma_start3A_540 = tpu.memref_slice %arg2[%dma_start3A_538, %dma_start3A_539] : memref<10240x128xf32, #tpu.memory_space<hbm>> -> memref<10240x128xf32, #tpu.memory_space<hbm>>
      tpu.enqueue_indirect_dma source(%dma_start3A_540 : memref<10240x128xf32, #tpu.memory_space<hbm>>) target(%arg23 : memref<128x128xf32, #tpu.memory_space<vmem>>) offsets(%arg13 : memref<128xi32, #tpu.memory_space<vmem>>) semaphore(%arg34 : memref<!tpu.dma_semaphore, #tpu.memory_space<semaphore_mem>>)
      %add3A_541 = arith.constant 5 : i32
      %add3A_542 = arith.addi %add3A_294, %add3A_541 : i32
      %add3A_543 = arith.constant 8 : i32
      %add3A_544 = arith.addi %add3A_542, %add3A_543 : i32
      %dma_start3A_545 = arith.constant 0 : i32
      %dma_start3A_546 = tpu.memref_slice %arg3[%add3A, %add3A_544, %dma_start3A_545] : memref<32x80x128xi32, #tpu.memory_space<hbm>> -> memref<1x1x128xi32, #tpu.memory_space<hbm>>
      %dma_start3A_547 = tpu.memref_squeeze %dma_start3A_546 : memref<1x1x128xi32, #tpu.memory_space<hbm>> -> memref<128xi32, #tpu.memory_space<hbm>>
      %dma_start3A_548 = arith.constant 0 : i32
      %dma_start3A_549 = tpu.memref_slice %arg3[%add3A, %add3A_544, %dma_start3A_548] : memref<32x80x128xi32, #tpu.memory_space<hbm>> -> memref<1x1x128xi32, #tpu.memory_space<hbm>>
      %dma_start3A_550 = tpu.memref_squeeze %dma_start3A_549 : memref<1x1x128xi32, #tpu.memory_space<hbm>> -> memref<128xi32, #tpu.memory_space<hbm>>
      tpu.enqueue_dma source(%dma_start3A_550 : memref<128xi32, #tpu.memory_space<hbm>>) target(%arg11 : memref<128xi32, #tpu.memory_space<vmem>>) target_semaphore(%arg30 : memref<!tpu.dma_semaphore, #tpu.memory_space<semaphore_mem>>)
      %dma_start3A_551 = arith.constant 0 : i32
      %dma_start3A_552 = tpu.memref_slice %arg4[%add3A, %add3A_544, %dma_start3A_551] : memref<32x80x128xi32, #tpu.memory_space<hbm>> -> memref<1x1x128xi32, #tpu.memory_space<hbm>>
      %dma_start3A_553 = tpu.memref_squeeze %dma_start3A_552 : memref<1x1x128xi32, #tpu.memory_space<hbm>> -> memref<128xi32, #tpu.memory_space<hbm>>
      %dma_start3A_554 = arith.constant 0 : i32
      %dma_start3A_555 = tpu.memref_slice %arg4[%add3A, %add3A_544, %dma_start3A_554] : memref<32x80x128xi32, #tpu.memory_space<hbm>> -> memref<1x1x128xi32, #tpu.memory_space<hbm>>
      %dma_start3A_556 = tpu.memref_squeeze %dma_start3A_555 : memref<1x1x128xi32, #tpu.memory_space<hbm>> -> memref<128xi32, #tpu.memory_space<hbm>>
      tpu.enqueue_dma source(%dma_start3A_556 : memref<128xi32, #tpu.memory_space<hbm>>) target(%arg19 : memref<128xi32, #tpu.memory_space<vmem>>) target_semaphore(%arg30 : memref<!tpu.dma_semaphore, #tpu.memory_space<semaphore_mem>>)
      %dma_wait3A_557 = arith.constant 0 : i32
      %dma_wait3A_558 = arith.constant 0 : i32
      %dma_wait3A_559 = tpu.memref_slice %arg2[%dma_wait3A_557, %dma_wait3A_558] : memref<10240x128xf32, #tpu.memory_space<hbm>> -> memref<10240x128xf32, #tpu.memory_space<hbm>>
      tpu.wait_indirect_dma semaphore(%arg33 : memref<!tpu.dma_semaphore, #tpu.memory_space<semaphore_mem>>) src(%dma_wait3A_559 : memref<10240x128xf32, #tpu.memory_space<hbm>>) dst(%arg22 : memref<128x128xf32, #tpu.memory_space<vmem>>)
      "tpu.region"() ({
        %run_scoped3A = tpu.sem_alloc : memref<!tpu.dma_semaphore, #tpu.memory_space<semaphore_mem>>
        %dma_start3A_595 = arith.constant 0 : i32
        %dma_start3A_596 = arith.constant 0 : i32
        %dma_start3A_597 = tpu.memref_slice %arg24[%dma_start3A_595, %dma_start3A_596] : memref<10240x128xf32, #tpu.memory_space<vmem_shared>> -> memref<10240x128xf32, #tpu.memory_space<vmem_shared>>
        tpu.enqueue_indirect_dma source(%arg22 : memref<128x128xf32, #tpu.memory_space<vmem>>) target(%dma_start3A_597 : memref<10240x128xf32, #tpu.memory_space<vmem_shared>>) offsets(%arg20 : memref<128xi32, #tpu.memory_space<vmem>>) semaphore(%run_scoped3A : memref<!tpu.dma_semaphore, #tpu.memory_space<semaphore_mem>>) {add = true}
        %dma_wait3A_598 = arith.constant 0 : i32
        %dma_wait3A_599 = arith.constant 0 : i32
        %dma_wait3A_600 = tpu.memref_slice %arg24[%dma_wait3A_598, %dma_wait3A_599] : memref<10240x128xf32, #tpu.memory_space<vmem_shared>> -> memref<10240x128xf32, #tpu.memory_space<vmem_shared>>
        tpu.wait_indirect_dma semaphore(%run_scoped3A : memref<!tpu.dma_semaphore, #tpu.memory_space<semaphore_mem>>) src(%arg22 : memref<128x128xf32, #tpu.memory_space<vmem>>) dst(%dma_wait3A_600 : memref<10240x128xf32, #tpu.memory_space<vmem_shared>>)
        tpu.yield
      }) : () -> ()
      %add3A_560 = arith.constant 6 : i32
      %add3A_561 = arith.addi %add3A_294, %add3A_560 : i32
      %add3A_562 = arith.constant 8 : i32
      %add3A_563 = arith.addi %add3A_561, %add3A_562 : i32
      %dma_start3A_564 = arith.constant 0 : i32
      %dma_start3A_565 = tpu.memref_slice %arg3[%add3A, %add3A_563, %dma_start3A_564] : memref<32x80x128xi32, #tpu.memory_space<hbm>> -> memref<1x1x128xi32, #tpu.memory_space<hbm>>
      %dma_start3A_566 = tpu.memref_squeeze %dma_start3A_565 : memref<1x1x128xi32, #tpu.memory_space<hbm>> -> memref<128xi32, #tpu.memory_space<hbm>>
      %dma_start3A_567 = arith.constant 0 : i32
      %dma_start3A_568 = tpu.memref_slice %arg3[%add3A, %add3A_563, %dma_start3A_567] : memref<32x80x128xi32, #tpu.memory_space<hbm>> -> memref<1x1x128xi32, #tpu.memory_space<hbm>>
      %dma_start3A_569 = tpu.memref_squeeze %dma_start3A_568 : memref<1x1x128xi32, #tpu.memory_space<hbm>> -> memref<128xi32, #tpu.memory_space<hbm>>
      tpu.enqueue_dma source(%dma_start3A_569 : memref<128xi32, #tpu.memory_space<hbm>>) target(%arg12 : memref<128xi32, #tpu.memory_space<vmem>>) target_semaphore(%arg31 : memref<!tpu.dma_semaphore, #tpu.memory_space<semaphore_mem>>)
      %dma_start3A_570 = arith.constant 0 : i32
      %dma_start3A_571 = tpu.memref_slice %arg4[%add3A, %add3A_563, %dma_start3A_570] : memref<32x80x128xi32, #tpu.memory_space<hbm>> -> memref<1x1x128xi32, #tpu.memory_space<hbm>>
      %dma_start3A_572 = tpu.memref_squeeze %dma_start3A_571 : memref<1x1x128xi32, #tpu.memory_space<hbm>> -> memref<128xi32, #tpu.memory_space<hbm>>
      %dma_start3A_573 = arith.constant 0 : i32
      %dma_start3A_574 = tpu.memref_slice %arg4[%add3A, %add3A_563, %dma_start3A_573] : memref<32x80x128xi32, #tpu.memory_space<hbm>> -> memref<1x1x128xi32, #tpu.memory_space<hbm>>
      %dma_start3A_575 = tpu.memref_squeeze %dma_start3A_574 : memref<1x1x128xi32, #tpu.memory_space<hbm>> -> memref<128xi32, #tpu.memory_space<hbm>>
      tpu.enqueue_dma source(%dma_start3A_575 : memref<128xi32, #tpu.memory_space<hbm>>) target(%arg20 : memref<128xi32, #tpu.memory_space<vmem>>) target_semaphore(%arg31 : memref<!tpu.dma_semaphore, #tpu.memory_space<semaphore_mem>>)
      %dma_wait3A_576 = arith.constant 0 : i32
      %dma_wait3A_577 = arith.constant 0 : i32
      %dma_wait3A_578 = tpu.memref_slice %arg2[%dma_wait3A_576, %dma_wait3A_577] : memref<10240x128xf32, #tpu.memory_space<hbm>> -> memref<10240x128xf32, #tpu.memory_space<hbm>>
      tpu.wait_indirect_dma semaphore(%arg34 : memref<!tpu.dma_semaphore, #tpu.memory_space<semaphore_mem>>) src(%dma_wait3A_578 : memref<10240x128xf32, #tpu.memory_space<hbm>>) dst(%arg23 : memref<128x128xf32, #tpu.memory_space<vmem>>)
      "tpu.region"() ({
        %run_scoped3A = tpu.sem_alloc : memref<!tpu.dma_semaphore, #tpu.memory_space<semaphore_mem>>
        %dma_start3A_595 = arith.constant 0 : i32
        %dma_start3A_596 = arith.constant 0 : i32
        %dma_start3A_597 = tpu.memref_slice %arg24[%dma_start3A_595, %dma_start3A_596] : memref<10240x128xf32, #tpu.memory_space<vmem_shared>> -> memref<10240x128xf32, #tpu.memory_space<vmem_shared>>
        tpu.enqueue_indirect_dma source(%arg23 : memref<128x128xf32, #tpu.memory_space<vmem>>) target(%dma_start3A_597 : memref<10240x128xf32, #tpu.memory_space<vmem_shared>>) offsets(%arg21 : memref<128xi32, #tpu.memory_space<vmem>>) semaphore(%run_scoped3A : memref<!tpu.dma_semaphore, #tpu.memory_space<semaphore_mem>>) {add = true}
        %dma_wait3A_598 = arith.constant 0 : i32
        %dma_wait3A_599 = arith.constant 0 : i32
        %dma_wait3A_600 = tpu.memref_slice %arg24[%dma_wait3A_598, %dma_wait3A_599] : memref<10240x128xf32, #tpu.memory_space<vmem_shared>> -> memref<10240x128xf32, #tpu.memory_space<vmem_shared>>
        tpu.wait_indirect_dma semaphore(%run_scoped3A : memref<!tpu.dma_semaphore, #tpu.memory_space<semaphore_mem>>) src(%arg23 : memref<128x128xf32, #tpu.memory_space<vmem>>) dst(%dma_wait3A_600 : memref<10240x128xf32, #tpu.memory_space<vmem_shared>>)
        tpu.yield
      }) : () -> ()
      %add3A_579 = arith.constant 7 : i32
      %add3A_580 = arith.addi %add3A_294, %add3A_579 : i32
      %add3A_581 = arith.constant 8 : i32
      %add3A_582 = arith.addi %add3A_580, %add3A_581 : i32
      %dma_start3A_583 = arith.constant 0 : i32
      %dma_start3A_584 = tpu.memref_slice %arg3[%add3A, %add3A_582, %dma_start3A_583] : memref<32x80x128xi32, #tpu.memory_space<hbm>> -> memref<1x1x128xi32, #tpu.memory_space<hbm>>
      %dma_start3A_585 = tpu.memref_squeeze %dma_start3A_584 : memref<1x1x128xi32, #tpu.memory_space<hbm>> -> memref<128xi32, #tpu.memory_space<hbm>>
      %dma_start3A_586 = arith.constant 0 : i32
      %dma_start3A_587 = tpu.memref_slice %arg3[%add3A, %add3A_582, %dma_start3A_586] : memref<32x80x128xi32, #tpu.memory_space<hbm>> -> memref<1x1x128xi32, #tpu.memory_space<hbm>>
      %dma_start3A_588 = tpu.memref_squeeze %dma_start3A_587 : memref<1x1x128xi32, #tpu.memory_space<hbm>> -> memref<128xi32, #tpu.memory_space<hbm>>
      tpu.enqueue_dma source(%dma_start3A_588 : memref<128xi32, #tpu.memory_space<hbm>>) target(%arg13 : memref<128xi32, #tpu.memory_space<vmem>>) target_semaphore(%arg32 : memref<!tpu.dma_semaphore, #tpu.memory_space<semaphore_mem>>)
      %dma_start3A_589 = arith.constant 0 : i32
      %dma_start3A_590 = tpu.memref_slice %arg4[%add3A, %add3A_582, %dma_start3A_589] : memref<32x80x128xi32, #tpu.memory_space<hbm>> -> memref<1x1x128xi32, #tpu.memory_space<hbm>>
      %dma_start3A_591 = tpu.memref_squeeze %dma_start3A_590 : memref<1x1x128xi32, #tpu.memory_space<hbm>> -> memref<128xi32, #tpu.memory_space<hbm>>
      %dma_start3A_592 = arith.constant 0 : i32
      %dma_start3A_593 = tpu.memref_slice %arg4[%add3A, %add3A_582, %dma_start3A_592] : memref<32x80x128xi32, #tpu.memory_space<hbm>> -> memref<1x1x128xi32, #tpu.memory_space<hbm>>
      %dma_start3A_594 = tpu.memref_squeeze %dma_start3A_593 : memref<1x1x128xi32, #tpu.memory_space<hbm>> -> memref<128xi32, #tpu.memory_space<hbm>>
      tpu.enqueue_dma source(%dma_start3A_594 : memref<128xi32, #tpu.memory_space<hbm>>) target(%arg21 : memref<128xi32, #tpu.memory_space<vmem>>) target_semaphore(%arg32 : memref<!tpu.dma_semaphore, #tpu.memory_space<semaphore_mem>>)
    }
    %scan3A_125 = arith.constant 9 : i32
    %dma_wait3A = arith.constant 72 : i32
    %dma_wait3A_126 = arith.constant 0 : i32
    %dma_wait3A_127 = tpu.memref_slice %arg3[%add3A, %dma_wait3A, %dma_wait3A_126] : memref<32x80x128xi32, #tpu.memory_space<hbm>> -> memref<1x1x128xi32, #tpu.memory_space<hbm>>
    %dma_wait3A_128 = tpu.memref_squeeze %dma_wait3A_127 : memref<1x1x128xi32, #tpu.memory_space<hbm>> -> memref<128xi32, #tpu.memory_space<hbm>>
    %dma_wait3A_129 = arith.constant 0 : i32
    %dma_wait3A_130 = tpu.memref_slice %arg3[%add3A, %dma_wait3A, %dma_wait3A_129] : memref<32x80x128xi32, #tpu.memory_space<hbm>> -> memref<1x1x128xi32, #tpu.memory_space<hbm>>
    %dma_wait3A_131 = tpu.memref_squeeze %dma_wait3A_130 : memref<1x1x128xi32, #tpu.memory_space<hbm>> -> memref<128xi32, #tpu.memory_space<hbm>>
    tpu.wait_dma2 semaphore(%arg25 : memref<!tpu.dma_semaphore, #tpu.memory_space<semaphore_mem>>) src(%dma_wait3A_131 : memref<128xi32, #tpu.memory_space<hbm>>) dst(%arg6 : memref<128xi32, #tpu.memory_space<vmem>>)
    %dma_wait3A_132 = arith.constant 72 : i32
    %dma_wait3A_133 = arith.constant 0 : i32
    %dma_wait3A_134 = tpu.memref_slice %arg4[%add3A, %dma_wait3A_132, %dma_wait3A_133] : memref<32x80x128xi32, #tpu.memory_space<hbm>> -> memref<1x1x128xi32, #tpu.memory_space<hbm>>
    %dma_wait3A_135 = tpu.memref_squeeze %dma_wait3A_134 : memref<1x1x128xi32, #tpu.memory_space<hbm>> -> memref<128xi32, #tpu.memory_space<hbm>>
    %dma_wait3A_136 = arith.constant 0 : i32
    %dma_wait3A_137 = tpu.memref_slice %arg4[%add3A, %dma_wait3A_132, %dma_wait3A_136] : memref<32x80x128xi32, #tpu.memory_space<hbm>> -> memref<1x1x128xi32, #tpu.memory_space<hbm>>
    %dma_wait3A_138 = tpu.memref_squeeze %dma_wait3A_137 : memref<1x1x128xi32, #tpu.memory_space<hbm>> -> memref<128xi32, #tpu.memory_space<hbm>>
    tpu.wait_dma2 semaphore(%arg25 : memref<!tpu.dma_semaphore, #tpu.memory_space<semaphore_mem>>) src(%dma_wait3A_138 : memref<128xi32, #tpu.memory_space<hbm>>) dst(%arg14 : memref<128xi32, #tpu.memory_space<vmem>>)
    %dma_start3A_139 = arith.constant 0 : i32
    %dma_start3A_140 = arith.constant 0 : i32
    %dma_start3A_141 = tpu.memref_slice %arg2[%dma_start3A_139, %dma_start3A_140] : memref<10240x128xf32, #tpu.memory_space<hbm>> -> memref<10240x128xf32, #tpu.memory_space<hbm>>
    tpu.enqueue_indirect_dma source(%dma_start3A_141 : memref<10240x128xf32, #tpu.memory_space<hbm>>) target(%arg22 : memref<128x128xf32, #tpu.memory_space<vmem>>) offsets(%arg6 : memref<128xi32, #tpu.memory_space<vmem>>) semaphore(%arg33 : memref<!tpu.dma_semaphore, #tpu.memory_space<semaphore_mem>>)
    %dma_wait3A_142 = arith.constant 73 : i32
    %dma_wait3A_143 = arith.constant 0 : i32
    %dma_wait3A_144 = tpu.memref_slice %arg3[%add3A, %dma_wait3A_142, %dma_wait3A_143] : memref<32x80x128xi32, #tpu.memory_space<hbm>> -> memref<1x1x128xi32, #tpu.memory_space<hbm>>
    %dma_wait3A_145 = tpu.memref_squeeze %dma_wait3A_144 : memref<1x1x128xi32, #tpu.memory_space<hbm>> -> memref<128xi32, #tpu.memory_space<hbm>>
    %dma_wait3A_146 = arith.constant 0 : i32
    %dma_wait3A_147 = tpu.memref_slice %arg3[%add3A, %dma_wait3A_142, %dma_wait3A_146] : memref<32x80x128xi32, #tpu.memory_space<hbm>> -> memref<1x1x128xi32, #tpu.memory_space<hbm>>
    %dma_wait3A_148 = tpu.memref_squeeze %dma_wait3A_147 : memref<1x1x128xi32, #tpu.memory_space<hbm>> -> memref<128xi32, #tpu.memory_space<hbm>>
    tpu.wait_dma2 semaphore(%arg26 : memref<!tpu.dma_semaphore, #tpu.memory_space<semaphore_mem>>) src(%dma_wait3A_148 : memref<128xi32, #tpu.memory_space<hbm>>) dst(%arg7 : memref<128xi32, #tpu.memory_space<vmem>>)
    %dma_wait3A_149 = arith.constant 73 : i32
    %dma_wait3A_150 = arith.constant 0 : i32
    %dma_wait3A_151 = tpu.memref_slice %arg4[%add3A, %dma_wait3A_149, %dma_wait3A_150] : memref<32x80x128xi32, #tpu.memory_space<hbm>> -> memref<1x1x128xi32, #tpu.memory_space<hbm>>
    %dma_wait3A_152 = tpu.memref_squeeze %dma_wait3A_151 : memref<1x1x128xi32, #tpu.memory_space<hbm>> -> memref<128xi32, #tpu.memory_space<hbm>>
    %dma_wait3A_153 = arith.constant 0 : i32
    %dma_wait3A_154 = tpu.memref_slice %arg4[%add3A, %dma_wait3A_149, %dma_wait3A_153] : memref<32x80x128xi32, #tpu.memory_space<hbm>> -> memref<1x1x128xi32, #tpu.memory_space<hbm>>
    %dma_wait3A_155 = tpu.memref_squeeze %dma_wait3A_154 : memref<1x1x128xi32, #tpu.memory_space<hbm>> -> memref<128xi32, #tpu.memory_space<hbm>>
    tpu.wait_dma2 semaphore(%arg26 : memref<!tpu.dma_semaphore, #tpu.memory_space<semaphore_mem>>) src(%dma_wait3A_155 : memref<128xi32, #tpu.memory_space<hbm>>) dst(%arg15 : memref<128xi32, #tpu.memory_space<vmem>>)
    %dma_start3A_156 = arith.constant 0 : i32
    %dma_start3A_157 = arith.constant 0 : i32
    %dma_start3A_158 = tpu.memref_slice %arg2[%dma_start3A_156, %dma_start3A_157] : memref<10240x128xf32, #tpu.memory_space<hbm>> -> memref<10240x128xf32, #tpu.memory_space<hbm>>
    tpu.enqueue_indirect_dma source(%dma_start3A_158 : memref<10240x128xf32, #tpu.memory_space<hbm>>) target(%arg23 : memref<128x128xf32, #tpu.memory_space<vmem>>) offsets(%arg7 : memref<128xi32, #tpu.memory_space<vmem>>) semaphore(%arg34 : memref<!tpu.dma_semaphore, #tpu.memory_space<semaphore_mem>>)
    %dma_wait3A_159 = arith.constant 0 : i32
    %dma_wait3A_160 = arith.constant 0 : i32
    %dma_wait3A_161 = tpu.memref_slice %arg2[%dma_wait3A_159, %dma_wait3A_160] : memref<10240x128xf32, #tpu.memory_space<hbm>> -> memref<10240x128xf32, #tpu.memory_space<hbm>>
    tpu.wait_indirect_dma semaphore(%arg33 : memref<!tpu.dma_semaphore, #tpu.memory_space<semaphore_mem>>) src(%dma_wait3A_161 : memref<10240x128xf32, #tpu.memory_space<hbm>>) dst(%arg22 : memref<128x128xf32, #tpu.memory_space<vmem>>)
    "tpu.region"() ({
      %run_scoped3A = tpu.sem_alloc : memref<!tpu.dma_semaphore, #tpu.memory_space<semaphore_mem>>
      %dma_start3A_290 = arith.constant 0 : i32
      %dma_start3A_291 = arith.constant 0 : i32
      %dma_start3A_292 = tpu.memref_slice %arg24[%dma_start3A_290, %dma_start3A_291] : memref<10240x128xf32, #tpu.memory_space<vmem_shared>> -> memref<10240x128xf32, #tpu.memory_space<vmem_shared>>
      tpu.enqueue_indirect_dma source(%arg22 : memref<128x128xf32, #tpu.memory_space<vmem>>) target(%dma_start3A_292 : memref<10240x128xf32, #tpu.memory_space<vmem_shared>>) offsets(%arg14 : memref<128xi32, #tpu.memory_space<vmem>>) semaphore(%run_scoped3A : memref<!tpu.dma_semaphore, #tpu.memory_space<semaphore_mem>>) {add = true}
      %dma_wait3A_293 = arith.constant 0 : i32
      %dma_wait3A_294 = arith.constant 0 : i32
      %dma_wait3A_295 = tpu.memref_slice %arg24[%dma_wait3A_293, %dma_wait3A_294] : memref<10240x128xf32, #tpu.memory_space<vmem_shared>> -> memref<10240x128xf32, #tpu.memory_space<vmem_shared>>
      tpu.wait_indirect_dma semaphore(%run_scoped3A : memref<!tpu.dma_semaphore, #tpu.memory_space<semaphore_mem>>) src(%arg22 : memref<128x128xf32, #tpu.memory_space<vmem>>) dst(%dma_wait3A_295 : memref<10240x128xf32, #tpu.memory_space<vmem_shared>>)
      tpu.yield
    }) : () -> ()
    %dma_wait3A_162 = arith.constant 74 : i32
    %dma_wait3A_163 = arith.constant 0 : i32
    %dma_wait3A_164 = tpu.memref_slice %arg3[%add3A, %dma_wait3A_162, %dma_wait3A_163] : memref<32x80x128xi32, #tpu.memory_space<hbm>> -> memref<1x1x128xi32, #tpu.memory_space<hbm>>
    %dma_wait3A_165 = tpu.memref_squeeze %dma_wait3A_164 : memref<1x1x128xi32, #tpu.memory_space<hbm>> -> memref<128xi32, #tpu.memory_space<hbm>>
    %dma_wait3A_166 = arith.constant 0 : i32
    %dma_wait3A_167 = tpu.memref_slice %arg3[%add3A, %dma_wait3A_162, %dma_wait3A_166] : memref<32x80x128xi32, #tpu.memory_space<hbm>> -> memref<1x1x128xi32, #tpu.memory_space<hbm>>
    %dma_wait3A_168 = tpu.memref_squeeze %dma_wait3A_167 : memref<1x1x128xi32, #tpu.memory_space<hbm>> -> memref<128xi32, #tpu.memory_space<hbm>>
    tpu.wait_dma2 semaphore(%arg27 : memref<!tpu.dma_semaphore, #tpu.memory_space<semaphore_mem>>) src(%dma_wait3A_168 : memref<128xi32, #tpu.memory_space<hbm>>) dst(%arg8 : memref<128xi32, #tpu.memory_space<vmem>>)
    %dma_wait3A_169 = arith.constant 74 : i32
    %dma_wait3A_170 = arith.constant 0 : i32
    %dma_wait3A_171 = tpu.memref_slice %arg4[%add3A, %dma_wait3A_169, %dma_wait3A_170] : memref<32x80x128xi32, #tpu.memory_space<hbm>> -> memref<1x1x128xi32, #tpu.memory_space<hbm>>
    %dma_wait3A_172 = tpu.memref_squeeze %dma_wait3A_171 : memref<1x1x128xi32, #tpu.memory_space<hbm>> -> memref<128xi32, #tpu.memory_space<hbm>>
    %dma_wait3A_173 = arith.constant 0 : i32
    %dma_wait3A_174 = tpu.memref_slice %arg4[%add3A, %dma_wait3A_169, %dma_wait3A_173] : memref<32x80x128xi32, #tpu.memory_space<hbm>> -> memref<1x1x128xi32, #tpu.memory_space<hbm>>
    %dma_wait3A_175 = tpu.memref_squeeze %dma_wait3A_174 : memref<1x1x128xi32, #tpu.memory_space<hbm>> -> memref<128xi32, #tpu.memory_space<hbm>>
    tpu.wait_dma2 semaphore(%arg27 : memref<!tpu.dma_semaphore, #tpu.memory_space<semaphore_mem>>) src(%dma_wait3A_175 : memref<128xi32, #tpu.memory_space<hbm>>) dst(%arg16 : memref<128xi32, #tpu.memory_space<vmem>>)
    %dma_start3A_176 = arith.constant 0 : i32
    %dma_start3A_177 = arith.constant 0 : i32
    %dma_start3A_178 = tpu.memref_slice %arg2[%dma_start3A_176, %dma_start3A_177] : memref<10240x128xf32, #tpu.memory_space<hbm>> -> memref<10240x128xf32, #tpu.memory_space<hbm>>
    tpu.enqueue_indirect_dma source(%dma_start3A_178 : memref<10240x128xf32, #tpu.memory_space<hbm>>) target(%arg22 : memref<128x128xf32, #tpu.memory_space<vmem>>) offsets(%arg8 : memref<128xi32, #tpu.memory_space<vmem>>) semaphore(%arg33 : memref<!tpu.dma_semaphore, #tpu.memory_space<semaphore_mem>>)
    %dma_wait3A_179 = arith.constant 0 : i32
    %dma_wait3A_180 = arith.constant 0 : i32
    %dma_wait3A_181 = tpu.memref_slice %arg2[%dma_wait3A_179, %dma_wait3A_180] : memref<10240x128xf32, #tpu.memory_space<hbm>> -> memref<10240x128xf32, #tpu.memory_space<hbm>>
    tpu.wait_indirect_dma semaphore(%arg34 : memref<!tpu.dma_semaphore, #tpu.memory_space<semaphore_mem>>) src(%dma_wait3A_181 : memref<10240x128xf32, #tpu.memory_space<hbm>>) dst(%arg23 : memref<128x128xf32, #tpu.memory_space<vmem>>)
    "tpu.region"() ({
      %run_scoped3A = tpu.sem_alloc : memref<!tpu.dma_semaphore, #tpu.memory_space<semaphore_mem>>
      %dma_start3A_290 = arith.constant 0 : i32
      %dma_start3A_291 = arith.constant 0 : i32
      %dma_start3A_292 = tpu.memref_slice %arg24[%dma_start3A_290, %dma_start3A_291] : memref<10240x128xf32, #tpu.memory_space<vmem_shared>> -> memref<10240x128xf32, #tpu.memory_space<vmem_shared>>
      tpu.enqueue_indirect_dma source(%arg23 : memref<128x128xf32, #tpu.memory_space<vmem>>) target(%dma_start3A_292 : memref<10240x128xf32, #tpu.memory_space<vmem_shared>>) offsets(%arg15 : memref<128xi32, #tpu.memory_space<vmem>>) semaphore(%run_scoped3A : memref<!tpu.dma_semaphore, #tpu.memory_space<semaphore_mem>>) {add = true}
      %dma_wait3A_293 = arith.constant 0 : i32
      %dma_wait3A_294 = arith.constant 0 : i32
      %dma_wait3A_295 = tpu.memref_slice %arg24[%dma_wait3A_293, %dma_wait3A_294] : memref<10240x128xf32, #tpu.memory_space<vmem_shared>> -> memref<10240x128xf32, #tpu.memory_space<vmem_shared>>
      tpu.wait_indirect_dma semaphore(%run_scoped3A : memref<!tpu.dma_semaphore, #tpu.memory_space<semaphore_mem>>) src(%arg23 : memref<128x128xf32, #tpu.memory_space<vmem>>) dst(%dma_wait3A_295 : memref<10240x128xf32, #tpu.memory_space<vmem_shared>>)
      tpu.yield
    }) : () -> ()
    %dma_wait3A_182 = arith.constant 75 : i32
    %dma_wait3A_183 = arith.constant 0 : i32
    %dma_wait3A_184 = tpu.memref_slice %arg3[%add3A, %dma_wait3A_182, %dma_wait3A_183] : memref<32x80x128xi32, #tpu.memory_space<hbm>> -> memref<1x1x128xi32, #tpu.memory_space<hbm>>
    %dma_wait3A_185 = tpu.memref_squeeze %dma_wait3A_184 : memref<1x1x128xi32, #tpu.memory_space<hbm>> -> memref<128xi32, #tpu.memory_space<hbm>>
    %dma_wait3A_186 = arith.constant 0 : i32
    %dma_wait3A_187 = tpu.memref_slice %arg3[%add3A, %dma_wait3A_182, %dma_wait3A_186] : memref<32x80x128xi32, #tpu.memory_space<hbm>> -> memref<1x1x128xi32, #tpu.memory_space<hbm>>
    %dma_wait3A_188 = tpu.memref_squeeze %dma_wait3A_187 : memref<1x1x128xi32, #tpu.memory_space<hbm>> -> memref<128xi32, #tpu.memory_space<hbm>>
    tpu.wait_dma2 semaphore(%arg28 : memref<!tpu.dma_semaphore, #tpu.memory_space<semaphore_mem>>) src(%dma_wait3A_188 : memref<128xi32, #tpu.memory_space<hbm>>) dst(%arg9 : memref<128xi32, #tpu.memory_space<vmem>>)
    %dma_wait3A_189 = arith.constant 75 : i32
    %dma_wait3A_190 = arith.constant 0 : i32
    %dma_wait3A_191 = tpu.memref_slice %arg4[%add3A, %dma_wait3A_189, %dma_wait3A_190] : memref<32x80x128xi32, #tpu.memory_space<hbm>> -> memref<1x1x128xi32, #tpu.memory_space<hbm>>
    %dma_wait3A_192 = tpu.memref_squeeze %dma_wait3A_191 : memref<1x1x128xi32, #tpu.memory_space<hbm>> -> memref<128xi32, #tpu.memory_space<hbm>>
    %dma_wait3A_193 = arith.constant 0 : i32
    %dma_wait3A_194 = tpu.memref_slice %arg4[%add3A, %dma_wait3A_189, %dma_wait3A_193] : memref<32x80x128xi32, #tpu.memory_space<hbm>> -> memref<1x1x128xi32, #tpu.memory_space<hbm>>
    %dma_wait3A_195 = tpu.memref_squeeze %dma_wait3A_194 : memref<1x1x128xi32, #tpu.memory_space<hbm>> -> memref<128xi32, #tpu.memory_space<hbm>>
    tpu.wait_dma2 semaphore(%arg28 : memref<!tpu.dma_semaphore, #tpu.memory_space<semaphore_mem>>) src(%dma_wait3A_195 : memref<128xi32, #tpu.memory_space<hbm>>) dst(%arg17 : memref<128xi32, #tpu.memory_space<vmem>>)
    %dma_start3A_196 = arith.constant 0 : i32
    %dma_start3A_197 = arith.constant 0 : i32
    %dma_start3A_198 = tpu.memref_slice %arg2[%dma_start3A_196, %dma_start3A_197] : memref<10240x128xf32, #tpu.memory_space<hbm>> -> memref<10240x128xf32, #tpu.memory_space<hbm>>
    tpu.enqueue_indirect_dma source(%dma_start3A_198 : memref<10240x128xf32, #tpu.memory_space<hbm>>) target(%arg23 : memref<128x128xf32, #tpu.memory_space<vmem>>) offsets(%arg9 : memref<128xi32, #tpu.memory_space<vmem>>) semaphore(%arg34 : memref<!tpu.dma_semaphore, #tpu.memory_space<semaphore_mem>>)
    %dma_wait3A_199 = arith.constant 0 : i32
    %dma_wait3A_200 = arith.constant 0 : i32
    %dma_wait3A_201 = tpu.memref_slice %arg2[%dma_wait3A_199, %dma_wait3A_200] : memref<10240x128xf32, #tpu.memory_space<hbm>> -> memref<10240x128xf32, #tpu.memory_space<hbm>>
    tpu.wait_indirect_dma semaphore(%arg33 : memref<!tpu.dma_semaphore, #tpu.memory_space<semaphore_mem>>) src(%dma_wait3A_201 : memref<10240x128xf32, #tpu.memory_space<hbm>>) dst(%arg22 : memref<128x128xf32, #tpu.memory_space<vmem>>)
    "tpu.region"() ({
      %run_scoped3A = tpu.sem_alloc : memref<!tpu.dma_semaphore, #tpu.memory_space<semaphore_mem>>
      %dma_start3A_290 = arith.constant 0 : i32
      %dma_start3A_291 = arith.constant 0 : i32
      %dma_start3A_292 = tpu.memref_slice %arg24[%dma_start3A_290, %dma_start3A_291] : memref<10240x128xf32, #tpu.memory_space<vmem_shared>> -> memref<10240x128xf32, #tpu.memory_space<vmem_shared>>
      tpu.enqueue_indirect_dma source(%arg22 : memref<128x128xf32, #tpu.memory_space<vmem>>) target(%dma_start3A_292 : memref<10240x128xf32, #tpu.memory_space<vmem_shared>>) offsets(%arg16 : memref<128xi32, #tpu.memory_space<vmem>>) semaphore(%run_scoped3A : memref<!tpu.dma_semaphore, #tpu.memory_space<semaphore_mem>>) {add = true}
      %dma_wait3A_293 = arith.constant 0 : i32
      %dma_wait3A_294 = arith.constant 0 : i32
      %dma_wait3A_295 = tpu.memref_slice %arg24[%dma_wait3A_293, %dma_wait3A_294] : memref<10240x128xf32, #tpu.memory_space<vmem_shared>> -> memref<10240x128xf32, #tpu.memory_space<vmem_shared>>
      tpu.wait_indirect_dma semaphore(%run_scoped3A : memref<!tpu.dma_semaphore, #tpu.memory_space<semaphore_mem>>) src(%arg22 : memref<128x128xf32, #tpu.memory_space<vmem>>) dst(%dma_wait3A_295 : memref<10240x128xf32, #tpu.memory_space<vmem_shared>>)
      tpu.yield
    }) : () -> ()
    %dma_wait3A_202 = arith.constant 76 : i32
    %dma_wait3A_203 = arith.constant 0 : i32
    %dma_wait3A_204 = tpu.memref_slice %arg3[%add3A, %dma_wait3A_202, %dma_wait3A_203] : memref<32x80x128xi32, #tpu.memory_space<hbm>> -> memref<1x1x128xi32, #tpu.memory_space<hbm>>
    %dma_wait3A_205 = tpu.memref_squeeze %dma_wait3A_204 : memref<1x1x128xi32, #tpu.memory_space<hbm>> -> memref<128xi32, #tpu.memory_space<hbm>>
    %dma_wait3A_206 = arith.constant 0 : i32
    %dma_wait3A_207 = tpu.memref_slice %arg3[%add3A, %dma_wait3A_202, %dma_wait3A_206] : memref<32x80x128xi32, #tpu.memory_space<hbm>> -> memref<1x1x128xi32, #tpu.memory_space<hbm>>
    %dma_wait3A_208 = tpu.memref_squeeze %dma_wait3A_207 : memref<1x1x128xi32, #tpu.memory_space<hbm>> -> memref<128xi32, #tpu.memory_space<hbm>>
    tpu.wait_dma2 semaphore(%arg29 : memref<!tpu.dma_semaphore, #tpu.memory_space<semaphore_mem>>) src(%dma_wait3A_208 : memref<128xi32, #tpu.memory_space<hbm>>) dst(%arg10 : memref<128xi32, #tpu.memory_space<vmem>>)
    %dma_wait3A_209 = arith.constant 76 : i32
    %dma_wait3A_210 = arith.constant 0 : i32
    %dma_wait3A_211 = tpu.memref_slice %arg4[%add3A, %dma_wait3A_209, %dma_wait3A_210] : memref<32x80x128xi32, #tpu.memory_space<hbm>> -> memref<1x1x128xi32, #tpu.memory_space<hbm>>
    %dma_wait3A_212 = tpu.memref_squeeze %dma_wait3A_211 : memref<1x1x128xi32, #tpu.memory_space<hbm>> -> memref<128xi32, #tpu.memory_space<hbm>>
    %dma_wait3A_213 = arith.constant 0 : i32
    %dma_wait3A_214 = tpu.memref_slice %arg4[%add3A, %dma_wait3A_209, %dma_wait3A_213] : memref<32x80x128xi32, #tpu.memory_space<hbm>> -> memref<1x1x128xi32, #tpu.memory_space<hbm>>
    %dma_wait3A_215 = tpu.memref_squeeze %dma_wait3A_214 : memref<1x1x128xi32, #tpu.memory_space<hbm>> -> memref<128xi32, #tpu.memory_space<hbm>>
    tpu.wait_dma2 semaphore(%arg29 : memref<!tpu.dma_semaphore, #tpu.memory_space<semaphore_mem>>) src(%dma_wait3A_215 : memref<128xi32, #tpu.memory_space<hbm>>) dst(%arg18 : memref<128xi32, #tpu.memory_space<vmem>>)
    %dma_start3A_216 = arith.constant 0 : i32
    %dma_start3A_217 = arith.constant 0 : i32
    %dma_start3A_218 = tpu.memref_slice %arg2[%dma_start3A_216, %dma_start3A_217] : memref<10240x128xf32, #tpu.memory_space<hbm>> -> memref<10240x128xf32, #tpu.memory_space<hbm>>
    tpu.enqueue_indirect_dma source(%dma_start3A_218 : memref<10240x128xf32, #tpu.memory_space<hbm>>) target(%arg22 : memref<128x128xf32, #tpu.memory_space<vmem>>) offsets(%arg10 : memref<128xi32, #tpu.memory_space<vmem>>) semaphore(%arg33 : memref<!tpu.dma_semaphore, #tpu.memory_space<semaphore_mem>>)
    %dma_wait3A_219 = arith.constant 0 : i32
    %dma_wait3A_220 = arith.constant 0 : i32
    %dma_wait3A_221 = tpu.memref_slice %arg2[%dma_wait3A_219, %dma_wait3A_220] : memref<10240x128xf32, #tpu.memory_space<hbm>> -> memref<10240x128xf32, #tpu.memory_space<hbm>>
    tpu.wait_indirect_dma semaphore(%arg34 : memref<!tpu.dma_semaphore, #tpu.memory_space<semaphore_mem>>) src(%dma_wait3A_221 : memref<10240x128xf32, #tpu.memory_space<hbm>>) dst(%arg23 : memref<128x128xf32, #tpu.memory_space<vmem>>)
    "tpu.region"() ({
      %run_scoped3A = tpu.sem_alloc : memref<!tpu.dma_semaphore, #tpu.memory_space<semaphore_mem>>
      %dma_start3A_290 = arith.constant 0 : i32
      %dma_start3A_291 = arith.constant 0 : i32
      %dma_start3A_292 = tpu.memref_slice %arg24[%dma_start3A_290, %dma_start3A_291] : memref<10240x128xf32, #tpu.memory_space<vmem_shared>> -> memref<10240x128xf32, #tpu.memory_space<vmem_shared>>
      tpu.enqueue_indirect_dma source(%arg23 : memref<128x128xf32, #tpu.memory_space<vmem>>) target(%dma_start3A_292 : memref<10240x128xf32, #tpu.memory_space<vmem_shared>>) offsets(%arg17 : memref<128xi32, #tpu.memory_space<vmem>>) semaphore(%run_scoped3A : memref<!tpu.dma_semaphore, #tpu.memory_space<semaphore_mem>>) {add = true}
      %dma_wait3A_293 = arith.constant 0 : i32
      %dma_wait3A_294 = arith.constant 0 : i32
      %dma_wait3A_295 = tpu.memref_slice %arg24[%dma_wait3A_293, %dma_wait3A_294] : memref<10240x128xf32, #tpu.memory_space<vmem_shared>> -> memref<10240x128xf32, #tpu.memory_space<vmem_shared>>
      tpu.wait_indirect_dma semaphore(%run_scoped3A : memref<!tpu.dma_semaphore, #tpu.memory_space<semaphore_mem>>) src(%arg23 : memref<128x128xf32, #tpu.memory_space<vmem>>) dst(%dma_wait3A_295 : memref<10240x128xf32, #tpu.memory_space<vmem_shared>>)
      tpu.yield
    }) : () -> ()
    %dma_wait3A_222 = arith.constant 77 : i32
    %dma_wait3A_223 = arith.constant 0 : i32
    %dma_wait3A_224 = tpu.memref_slice %arg3[%add3A, %dma_wait3A_222, %dma_wait3A_223] : memref<32x80x128xi32, #tpu.memory_space<hbm>> -> memref<1x1x128xi32, #tpu.memory_space<hbm>>
    %dma_wait3A_225 = tpu.memref_squeeze %dma_wait3A_224 : memref<1x1x128xi32, #tpu.memory_space<hbm>> -> memref<128xi32, #tpu.memory_space<hbm>>
    %dma_wait3A_226 = arith.constant 0 : i32
    %dma_wait3A_227 = tpu.memref_slice %arg3[%add3A, %dma_wait3A_222, %dma_wait3A_226] : memref<32x80x128xi32, #tpu.memory_space<hbm>> -> memref<1x1x128xi32, #tpu.memory_space<hbm>>
    %dma_wait3A_228 = tpu.memref_squeeze %dma_wait3A_227 : memref<1x1x128xi32, #tpu.memory_space<hbm>> -> memref<128xi32, #tpu.memory_space<hbm>>
    tpu.wait_dma2 semaphore(%arg30 : memref<!tpu.dma_semaphore, #tpu.memory_space<semaphore_mem>>) src(%dma_wait3A_228 : memref<128xi32, #tpu.memory_space<hbm>>) dst(%arg11 : memref<128xi32, #tpu.memory_space<vmem>>)
    %dma_wait3A_229 = arith.constant 77 : i32
    %dma_wait3A_230 = arith.constant 0 : i32
    %dma_wait3A_231 = tpu.memref_slice %arg4[%add3A, %dma_wait3A_229, %dma_wait3A_230] : memref<32x80x128xi32, #tpu.memory_space<hbm>> -> memref<1x1x128xi32, #tpu.memory_space<hbm>>
    %dma_wait3A_232 = tpu.memref_squeeze %dma_wait3A_231 : memref<1x1x128xi32, #tpu.memory_space<hbm>> -> memref<128xi32, #tpu.memory_space<hbm>>
    %dma_wait3A_233 = arith.constant 0 : i32
    %dma_wait3A_234 = tpu.memref_slice %arg4[%add3A, %dma_wait3A_229, %dma_wait3A_233] : memref<32x80x128xi32, #tpu.memory_space<hbm>> -> memref<1x1x128xi32, #tpu.memory_space<hbm>>
    %dma_wait3A_235 = tpu.memref_squeeze %dma_wait3A_234 : memref<1x1x128xi32, #tpu.memory_space<hbm>> -> memref<128xi32, #tpu.memory_space<hbm>>
    tpu.wait_dma2 semaphore(%arg30 : memref<!tpu.dma_semaphore, #tpu.memory_space<semaphore_mem>>) src(%dma_wait3A_235 : memref<128xi32, #tpu.memory_space<hbm>>) dst(%arg19 : memref<128xi32, #tpu.memory_space<vmem>>)
    %dma_start3A_236 = arith.constant 0 : i32
    %dma_start3A_237 = arith.constant 0 : i32
    %dma_start3A_238 = tpu.memref_slice %arg2[%dma_start3A_236, %dma_start3A_237] : memref<10240x128xf32, #tpu.memory_space<hbm>> -> memref<10240x128xf32, #tpu.memory_space<hbm>>
    tpu.enqueue_indirect_dma source(%dma_start3A_238 : memref<10240x128xf32, #tpu.memory_space<hbm>>) target(%arg23 : memref<128x128xf32, #tpu.memory_space<vmem>>) offsets(%arg11 : memref<128xi32, #tpu.memory_space<vmem>>) semaphore(%arg34 : memref<!tpu.dma_semaphore, #tpu.memory_space<semaphore_mem>>)
    %dma_wait3A_239 = arith.constant 0 : i32
    %dma_wait3A_240 = arith.constant 0 : i32
    %dma_wait3A_241 = tpu.memref_slice %arg2[%dma_wait3A_239, %dma_wait3A_240] : memref<10240x128xf32, #tpu.memory_space<hbm>> -> memref<10240x128xf32, #tpu.memory_space<hbm>>
    tpu.wait_indirect_dma semaphore(%arg33 : memref<!tpu.dma_semaphore, #tpu.memory_space<semaphore_mem>>) src(%dma_wait3A_241 : memref<10240x128xf32, #tpu.memory_space<hbm>>) dst(%arg22 : memref<128x128xf32, #tpu.memory_space<vmem>>)
    "tpu.region"() ({
      %run_scoped3A = tpu.sem_alloc : memref<!tpu.dma_semaphore, #tpu.memory_space<semaphore_mem>>
      %dma_start3A_290 = arith.constant 0 : i32
      %dma_start3A_291 = arith.constant 0 : i32
      %dma_start3A_292 = tpu.memref_slice %arg24[%dma_start3A_290, %dma_start3A_291] : memref<10240x128xf32, #tpu.memory_space<vmem_shared>> -> memref<10240x128xf32, #tpu.memory_space<vmem_shared>>
      tpu.enqueue_indirect_dma source(%arg22 : memref<128x128xf32, #tpu.memory_space<vmem>>) target(%dma_start3A_292 : memref<10240x128xf32, #tpu.memory_space<vmem_shared>>) offsets(%arg18 : memref<128xi32, #tpu.memory_space<vmem>>) semaphore(%run_scoped3A : memref<!tpu.dma_semaphore, #tpu.memory_space<semaphore_mem>>) {add = true}
      %dma_wait3A_293 = arith.constant 0 : i32
      %dma_wait3A_294 = arith.constant 0 : i32
      %dma_wait3A_295 = tpu.memref_slice %arg24[%dma_wait3A_293, %dma_wait3A_294] : memref<10240x128xf32, #tpu.memory_space<vmem_shared>> -> memref<10240x128xf32, #tpu.memory_space<vmem_shared>>
      tpu.wait_indirect_dma semaphore(%run_scoped3A : memref<!tpu.dma_semaphore, #tpu.memory_space<semaphore_mem>>) src(%arg22 : memref<128x128xf32, #tpu.memory_space<vmem>>) dst(%dma_wait3A_295 : memref<10240x128xf32, #tpu.memory_space<vmem_shared>>)
      tpu.yield
    }) : () -> ()
    %dma_wait3A_242 = arith.constant 78 : i32
    %dma_wait3A_243 = arith.constant 0 : i32
    %dma_wait3A_244 = tpu.memref_slice %arg3[%add3A, %dma_wait3A_242, %dma_wait3A_243] : memref<32x80x128xi32, #tpu.memory_space<hbm>> -> memref<1x1x128xi32, #tpu.memory_space<hbm>>
    %dma_wait3A_245 = tpu.memref_squeeze %dma_wait3A_244 : memref<1x1x128xi32, #tpu.memory_space<hbm>> -> memref<128xi32, #tpu.memory_space<hbm>>
    %dma_wait3A_246 = arith.constant 0 : i32
    %dma_wait3A_247 = tpu.memref_slice %arg3[%add3A, %dma_wait3A_242, %dma_wait3A_246] : memref<32x80x128xi32, #tpu.memory_space<hbm>> -> memref<1x1x128xi32, #tpu.memory_space<hbm>>
    %dma_wait3A_248 = tpu.memref_squeeze %dma_wait3A_247 : memref<1x1x128xi32, #tpu.memory_space<hbm>> -> memref<128xi32, #tpu.memory_space<hbm>>
    tpu.wait_dma2 semaphore(%arg31 : memref<!tpu.dma_semaphore, #tpu.memory_space<semaphore_mem>>) src(%dma_wait3A_248 : memref<128xi32, #tpu.memory_space<hbm>>) dst(%arg12 : memref<128xi32, #tpu.memory_space<vmem>>)
    %dma_wait3A_249 = arith.constant 78 : i32
    %dma_wait3A_250 = arith.constant 0 : i32
    %dma_wait3A_251 = tpu.memref_slice %arg4[%add3A, %dma_wait3A_249, %dma_wait3A_250] : memref<32x80x128xi32, #tpu.memory_space<hbm>> -> memref<1x1x128xi32, #tpu.memory_space<hbm>>
    %dma_wait3A_252 = tpu.memref_squeeze %dma_wait3A_251 : memref<1x1x128xi32, #tpu.memory_space<hbm>> -> memref<128xi32, #tpu.memory_space<hbm>>
    %dma_wait3A_253 = arith.constant 0 : i32
    %dma_wait3A_254 = tpu.memref_slice %arg4[%add3A, %dma_wait3A_249, %dma_wait3A_253] : memref<32x80x128xi32, #tpu.memory_space<hbm>> -> memref<1x1x128xi32, #tpu.memory_space<hbm>>
    %dma_wait3A_255 = tpu.memref_squeeze %dma_wait3A_254 : memref<1x1x128xi32, #tpu.memory_space<hbm>> -> memref<128xi32, #tpu.memory_space<hbm>>
    tpu.wait_dma2 semaphore(%arg31 : memref<!tpu.dma_semaphore, #tpu.memory_space<semaphore_mem>>) src(%dma_wait3A_255 : memref<128xi32, #tpu.memory_space<hbm>>) dst(%arg20 : memref<128xi32, #tpu.memory_space<vmem>>)
    %dma_start3A_256 = arith.constant 0 : i32
    %dma_start3A_257 = arith.constant 0 : i32
    %dma_start3A_258 = tpu.memref_slice %arg2[%dma_start3A_256, %dma_start3A_257] : memref<10240x128xf32, #tpu.memory_space<hbm>> -> memref<10240x128xf32, #tpu.memory_space<hbm>>
    tpu.enqueue_indirect_dma source(%dma_start3A_258 : memref<10240x128xf32, #tpu.memory_space<hbm>>) target(%arg22 : memref<128x128xf32, #tpu.memory_space<vmem>>) offsets(%arg12 : memref<128xi32, #tpu.memory_space<vmem>>) semaphore(%arg33 : memref<!tpu.dma_semaphore, #tpu.memory_space<semaphore_mem>>)
    %dma_wait3A_259 = arith.constant 0 : i32
    %dma_wait3A_260 = arith.constant 0 : i32
    %dma_wait3A_261 = tpu.memref_slice %arg2[%dma_wait3A_259, %dma_wait3A_260] : memref<10240x128xf32, #tpu.memory_space<hbm>> -> memref<10240x128xf32, #tpu.memory_space<hbm>>
    tpu.wait_indirect_dma semaphore(%arg34 : memref<!tpu.dma_semaphore, #tpu.memory_space<semaphore_mem>>) src(%dma_wait3A_261 : memref<10240x128xf32, #tpu.memory_space<hbm>>) dst(%arg23 : memref<128x128xf32, #tpu.memory_space<vmem>>)
    "tpu.region"() ({
      %run_scoped3A = tpu.sem_alloc : memref<!tpu.dma_semaphore, #tpu.memory_space<semaphore_mem>>
      %dma_start3A_290 = arith.constant 0 : i32
      %dma_start3A_291 = arith.constant 0 : i32
      %dma_start3A_292 = tpu.memref_slice %arg24[%dma_start3A_290, %dma_start3A_291] : memref<10240x128xf32, #tpu.memory_space<vmem_shared>> -> memref<10240x128xf32, #tpu.memory_space<vmem_shared>>
      tpu.enqueue_indirect_dma source(%arg23 : memref<128x128xf32, #tpu.memory_space<vmem>>) target(%dma_start3A_292 : memref<10240x128xf32, #tpu.memory_space<vmem_shared>>) offsets(%arg19 : memref<128xi32, #tpu.memory_space<vmem>>) semaphore(%run_scoped3A : memref<!tpu.dma_semaphore, #tpu.memory_space<semaphore_mem>>) {add = true}
      %dma_wait3A_293 = arith.constant 0 : i32
      %dma_wait3A_294 = arith.constant 0 : i32
      %dma_wait3A_295 = tpu.memref_slice %arg24[%dma_wait3A_293, %dma_wait3A_294] : memref<10240x128xf32, #tpu.memory_space<vmem_shared>> -> memref<10240x128xf32, #tpu.memory_space<vmem_shared>>
      tpu.wait_indirect_dma semaphore(%run_scoped3A : memref<!tpu.dma_semaphore, #tpu.memory_space<semaphore_mem>>) src(%arg23 : memref<128x128xf32, #tpu.memory_space<vmem>>) dst(%dma_wait3A_295 : memref<10240x128xf32, #tpu.memory_space<vmem_shared>>)
      tpu.yield
    }) : () -> ()
    %dma_wait3A_262 = arith.constant 79 : i32
    %dma_wait3A_263 = arith.constant 0 : i32
    %dma_wait3A_264 = tpu.memref_slice %arg3[%add3A, %dma_wait3A_262, %dma_wait3A_263] : memref<32x80x128xi32, #tpu.memory_space<hbm>> -> memref<1x1x128xi32, #tpu.memory_space<hbm>>
    %dma_wait3A_265 = tpu.memref_squeeze %dma_wait3A_264 : memref<1x1x128xi32, #tpu.memory_space<hbm>> -> memref<128xi32, #tpu.memory_space<hbm>>
    %dma_wait3A_266 = arith.constant 0 : i32
    %dma_wait3A_267 = tpu.memref_slice %arg3[%add3A, %dma_wait3A_262, %dma_wait3A_266] : memref<32x80x128xi32, #tpu.memory_space<hbm>> -> memref<1x1x128xi32, #tpu.memory_space<hbm>>
    %dma_wait3A_268 = tpu.memref_squeeze %dma_wait3A_267 : memref<1x1x128xi32, #tpu.memory_space<hbm>> -> memref<128xi32, #tpu.memory_space<hbm>>
    tpu.wait_dma2 semaphore(%arg32 : memref<!tpu.dma_semaphore, #tpu.memory_space<semaphore_mem>>) src(%dma_wait3A_268 : memref<128xi32, #tpu.memory_space<hbm>>) dst(%arg13 : memref<128xi32, #tpu.memory_space<vmem>>)
    %dma_wait3A_269 = arith.constant 79 : i32
    %dma_wait3A_270 = arith.constant 0 : i32
    %dma_wait3A_271 = tpu.memref_slice %arg4[%add3A, %dma_wait3A_269, %dma_wait3A_270] : memref<32x80x128xi32, #tpu.memory_space<hbm>> -> memref<1x1x128xi32, #tpu.memory_space<hbm>>
    %dma_wait3A_272 = tpu.memref_squeeze %dma_wait3A_271 : memref<1x1x128xi32, #tpu.memory_space<hbm>> -> memref<128xi32, #tpu.memory_space<hbm>>
    %dma_wait3A_273 = arith.constant 0 : i32
    %dma_wait3A_274 = tpu.memref_slice %arg4[%add3A, %dma_wait3A_269, %dma_wait3A_273] : memref<32x80x128xi32, #tpu.memory_space<hbm>> -> memref<1x1x128xi32, #tpu.memory_space<hbm>>
    %dma_wait3A_275 = tpu.memref_squeeze %dma_wait3A_274 : memref<1x1x128xi32, #tpu.memory_space<hbm>> -> memref<128xi32, #tpu.memory_space<hbm>>
    tpu.wait_dma2 semaphore(%arg32 : memref<!tpu.dma_semaphore, #tpu.memory_space<semaphore_mem>>) src(%dma_wait3A_275 : memref<128xi32, #tpu.memory_space<hbm>>) dst(%arg21 : memref<128xi32, #tpu.memory_space<vmem>>)
    %dma_start3A_276 = arith.constant 0 : i32
    %dma_start3A_277 = arith.constant 0 : i32
    %dma_start3A_278 = tpu.memref_slice %arg2[%dma_start3A_276, %dma_start3A_277] : memref<10240x128xf32, #tpu.memory_space<hbm>> -> memref<10240x128xf32, #tpu.memory_space<hbm>>
    tpu.enqueue_indirect_dma source(%dma_start3A_278 : memref<10240x128xf32, #tpu.memory_space<hbm>>) target(%arg23 : memref<128x128xf32, #tpu.memory_space<vmem>>) offsets(%arg13 : memref<128xi32, #tpu.memory_space<vmem>>) semaphore(%arg34 : memref<!tpu.dma_semaphore, #tpu.memory_space<semaphore_mem>>)
    %dma_wait3A_279 = arith.constant 0 : i32
    %dma_wait3A_280 = arith.constant 0 : i32
    %dma_wait3A_281 = tpu.memref_slice %arg2[%dma_wait3A_279, %dma_wait3A_280] : memref<10240x128xf32, #tpu.memory_space<hbm>> -> memref<10240x128xf32, #tpu.memory_space<hbm>>
    tpu.wait_indirect_dma semaphore(%arg33 : memref<!tpu.dma_semaphore, #tpu.memory_space<semaphore_mem>>) src(%dma_wait3A_281 : memref<10240x128xf32, #tpu.memory_space<hbm>>) dst(%arg22 : memref<128x128xf32, #tpu.memory_space<vmem>>)
    "tpu.region"() ({
      %run_scoped3A = tpu.sem_alloc : memref<!tpu.dma_semaphore, #tpu.memory_space<semaphore_mem>>
      %dma_start3A_290 = arith.constant 0 : i32
      %dma_start3A_291 = arith.constant 0 : i32
      %dma_start3A_292 = tpu.memref_slice %arg24[%dma_start3A_290, %dma_start3A_291] : memref<10240x128xf32, #tpu.memory_space<vmem_shared>> -> memref<10240x128xf32, #tpu.memory_space<vmem_shared>>
      tpu.enqueue_indirect_dma source(%arg22 : memref<128x128xf32, #tpu.memory_space<vmem>>) target(%dma_start3A_292 : memref<10240x128xf32, #tpu.memory_space<vmem_shared>>) offsets(%arg20 : memref<128xi32, #tpu.memory_space<vmem>>) semaphore(%run_scoped3A : memref<!tpu.dma_semaphore, #tpu.memory_space<semaphore_mem>>) {add = true}
      %dma_wait3A_293 = arith.constant 0 : i32
      %dma_wait3A_294 = arith.constant 0 : i32
      %dma_wait3A_295 = tpu.memref_slice %arg24[%dma_wait3A_293, %dma_wait3A_294] : memref<10240x128xf32, #tpu.memory_space<vmem_shared>> -> memref<10240x128xf32, #tpu.memory_space<vmem_shared>>
      tpu.wait_indirect_dma semaphore(%run_scoped3A : memref<!tpu.dma_semaphore, #tpu.memory_space<semaphore_mem>>) src(%arg22 : memref<128x128xf32, #tpu.memory_space<vmem>>) dst(%dma_wait3A_295 : memref<10240x128xf32, #tpu.memory_space<vmem_shared>>)
      tpu.yield
    }) : () -> ()
    %dma_wait3A_282 = arith.constant 0 : i32
    %dma_wait3A_283 = arith.constant 0 : i32
    %dma_wait3A_284 = tpu.memref_slice %arg2[%dma_wait3A_282, %dma_wait3A_283] : memref<10240x128xf32, #tpu.memory_space<hbm>> -> memref<10240x128xf32, #tpu.memory_space<hbm>>
    tpu.wait_indirect_dma semaphore(%arg34 : memref<!tpu.dma_semaphore, #tpu.memory_space<semaphore_mem>>) src(%dma_wait3A_284 : memref<10240x128xf32, #tpu.memory_space<hbm>>) dst(%arg23 : memref<128x128xf32, #tpu.memory_space<vmem>>)
    "tpu.region"() ({
      %run_scoped3A = tpu.sem_alloc : memref<!tpu.dma_semaphore, #tpu.memory_space<semaphore_mem>>
      %dma_start3A_290 = arith.constant 0 : i32
      %dma_start3A_291 = arith.constant 0 : i32
      %dma_start3A_292 = tpu.memref_slice %arg24[%dma_start3A_290, %dma_start3A_291] : memref<10240x128xf32, #tpu.memory_space<vmem_shared>> -> memref<10240x128xf32, #tpu.memory_space<vmem_shared>>
      tpu.enqueue_indirect_dma source(%arg23 : memref<128x128xf32, #tpu.memory_space<vmem>>) target(%dma_start3A_292 : memref<10240x128xf32, #tpu.memory_space<vmem_shared>>) offsets(%arg21 : memref<128xi32, #tpu.memory_space<vmem>>) semaphore(%run_scoped3A : memref<!tpu.dma_semaphore, #tpu.memory_space<semaphore_mem>>) {add = true}
      %dma_wait3A_293 = arith.constant 0 : i32
      %dma_wait3A_294 = arith.constant 0 : i32
      %dma_wait3A_295 = tpu.memref_slice %arg24[%dma_wait3A_293, %dma_wait3A_294] : memref<10240x128xf32, #tpu.memory_space<vmem_shared>> -> memref<10240x128xf32, #tpu.memory_space<vmem_shared>>
      tpu.wait_indirect_dma semaphore(%run_scoped3A : memref<!tpu.dma_semaphore, #tpu.memory_space<semaphore_mem>>) src(%arg23 : memref<128x128xf32, #tpu.memory_space<vmem>>) dst(%dma_wait3A_295 : memref<10240x128xf32, #tpu.memory_space<vmem_shared>>)
      tpu.yield
    }) : () -> ()
    %barrier3A_285 = arith.constant 0 : index
    tpu.barrier barrier_id(%barrier3A_285)
    %mul3A_286 = arith.constant 640 : i32
    %mul3A_287 = arith.muli %arg1, %mul3A_286 : i32
    %mul3A_288 = arith.constant 640 : i32
    %mul3A_289 = arith.muli %arg1, %mul3A_288 : i32
    "tpu.region"() ({
      %run_scoped3A = tpu.sem_alloc : memref<!tpu.dma_semaphore, #tpu.memory_space<semaphore_mem>>
      %dma_start3A_290 = arith.constant 0 : i32
      %dma_start3A_291 = tpu.memref_slice %arg5[%arg0, %mul3A_289, %dma_start3A_290] : memref<2x10240x128xf32, #tpu.memory_space<hbm>> -> memref<1x640x128xf32, #tpu.memory_space<hbm>>
      %dma_start3A_292 = tpu.memref_squeeze %dma_start3A_291 : memref<1x640x128xf32, #tpu.memory_space<hbm>> -> memref<640x128xf32, #tpu.memory_space<hbm>>
      %dma_start3A_293 = arith.constant 0 : i32
      %dma_start3A_294 = tpu.memref_slice %arg24[%mul3A_287, %dma_start3A_293] : memref<10240x128xf32, #tpu.memory_space<vmem_shared>> -> memref<640x128xf32, #tpu.memory_space<vmem_shared>>
      tpu.enqueue_dma source(%dma_start3A_294 : memref<640x128xf32, #tpu.memory_space<vmem_shared>>) target(%dma_start3A_292 : memref<640x128xf32, #tpu.memory_space<hbm>>) target_semaphore(%run_scoped3A : memref<!tpu.dma_semaphore, #tpu.memory_space<semaphore_mem>>)
      %dma_wait3A_295 = arith.constant 0 : i32
      %dma_wait3A_296 = tpu.memref_slice %arg5[%arg0, %mul3A_289, %dma_wait3A_295] : memref<2x10240x128xf32, #tpu.memory_space<hbm>> -> memref<1x640x128xf32, #tpu.memory_space<hbm>>
      %dma_wait3A_297 = tpu.memref_squeeze %dma_wait3A_296 : memref<1x640x128xf32, #tpu.memory_space<hbm>> -> memref<640x128xf32, #tpu.memory_space<hbm>>
      %dma_wait3A_298 = arith.constant 0 : i32
      %dma_wait3A_299 = tpu.memref_slice %arg24[%mul3A_287, %dma_wait3A_298] : memref<10240x128xf32, #tpu.memory_space<vmem_shared>> -> memref<640x128xf32, #tpu.memory_space<vmem_shared>>
      tpu.wait_dma2 semaphore(%run_scoped3A : memref<!tpu.dma_semaphore, #tpu.memory_space<semaphore_mem>>) src(%dma_wait3A_299 : memref<640x128xf32, #tpu.memory_space<vmem_shared>>) dst(%dma_wait3A_297 : memref<640x128xf32, #tpu.memory_space<hbm>>)
      tpu.yield
    }) : () -> ()
    return
  }
}

module attributes {stable_mosaic.version = 14 : i64} {
  func.func @body(%arg0: i32, %arg1: memref<1024x128xf32, #tpu.memory_space<vmem>>, %arg2: memref<128x128xf32, #tpu.memory_space<vmem>>, %arg3: memref<1024x128xf32, #tpu.memory_space<vmem>>) attributes {dimension_semantics = [#tpu.dimension_semantics<arbitrary>], iteration_bounds = array<i64: 10>, scalar_prefetch = 0 : i64, scratch_operands = 0 : i64, tpu.core_type = #tpu.core_type<tc>, window_params = [{transform_indices = @transform_0, window_bounds = array<i64: 1024, 128>}, {pipeline_mode = #tpu.pipeline_mode<synchronous>, transform_indices = @transform_1, window_bounds = array<i64: 128, 128>}, {transform_indices = @transform_2, window_bounds = array<i64: 1024, 128>}]} {
    %get3A = arith.constant 0 : index
    %get3A_0 = arith.constant 0 : index
    %get3A_1 = vector.load %arg1[%get3A, %get3A_0] : memref<1024x128xf32, #tpu.memory_space<vmem>>, vector<1024x128xf32>
    %get3A_2 = arith.constant 0 : index
    %get3A_3 = arith.constant 0 : index
    %get3A_4 = vector.load %arg2[%get3A_2, %get3A_3] : memref<128x128xf32, #tpu.memory_space<vmem>>, vector<128x128xf32>
    %dot_general3A = arith.constant dense<0.000000e+00> : vector<1024x128xf32>
    %dot_general3A_5 = tpu.matmul %get3A_1, %get3A_4, %dot_general3A {dimension_numbers = #tpu.dot_dimension_numbers<[1], [0], [0], [1], [0, 0, 1, 1], [], []>, transpose_lhs_hint = false} : vector<1024x128xf32>, vector<128x128xf32>, vector<1024x128xf32> -> vector<1024x128xf32>
    %swap3A = arith.constant 0 : index
    %swap3A_6 = arith.constant 0 : index
    %swap3A_7 = vector.load %arg3[%swap3A, %swap3A_6] : memref<1024x128xf32, #tpu.memory_space<vmem>>, vector<1024x128xf32>
    tpu.vector_store %arg3[%swap3A, %swap3A_6], %dot_general3A_5 {strides = array<i32>} : memref<1024x128xf32, #tpu.memory_space<vmem>>, vector<1024x128xf32>,
    return
  }
  func.func @transform_0(%arg0: i32) -> (i32, i32) {
    %c0_i32 = arith.constant 0 : i32
    %c0_i32_0 = arith.constant 0 : i32
    return %arg0, %c0_i32 : i32, i32
  }
  func.func @transform_1(%arg0: i32) -> (i32, i32) {
    %c0_i32 = arith.constant 0 : i32
    %c0_i32_0 = arith.constant 0 : i32
    %c0_i32_1 = arith.constant 0 : i32
    return %c0_i32, %c0_i32_0 : i32, i32
  }
  func.func @transform_2(%arg0: i32) -> (i32, i32) {
    %c0_i32 = arith.constant 0 : i32
    %c0_i32_0 = arith.constant 0 : i32
    return %arg0, %c0_i32 : i32, i32
  }
}

module attributes {stable_mosaic.version = 14 : i64} {
  func.func @body(%arg0: i32, %arg1: memref<2x1024x16xf32, #tpu.memory_space<vmem>>, %arg2: memref<1024x128xf32, #tpu.memory_space<vmem>>, %arg3: memref<1024x128xf32, #tpu.memory_space<vmem>>, %arg4: memref<1024x128xf32, #tpu.memory_space<vmem>>) attributes {dimension_semantics = [#tpu.dimension_semantics<arbitrary>], iteration_bounds = array<i64: 10>, scalar_prefetch = 0 : i64, scratch_operands = 0 : i64, tpu.core_type = #tpu.core_type<tc>, window_params = [{transform_indices = @transform_0, window_bounds = array<i64: 2, 1024, 16>}, {transform_indices = @transform_1, window_bounds = array<i64: 1024, 128>}, {transform_indices = @transform_2, window_bounds = array<i64: 1024, 128>}, {transform_indices = @transform_3, window_bounds = array<i64: 1024, 128>}]} {
    %get3A = arith.constant 0 : index
    %get3A_0 = arith.constant 0 : index
    %get3A_1 = arith.constant 0 : index
    %get3A_2 = vector.load %arg1[%get3A, %get3A_0, %get3A_1] : memref<2x1024x16xf32, #tpu.memory_space<vmem>>, vector<1x1024x1xf32>
    %get3A_3 = vector.shape_cast %get3A_2 : vector<1x1024x1xf32> to vector<1024x1xf32>
    %get3A_4 = arith.constant 1 : index
    %get3A_5 = arith.constant 0 : index
    %get3A_6 = arith.constant 0 : index
    %get3A_7 = vector.load %arg1[%get3A_4, %get3A_5, %get3A_6] : memref<2x1024x16xf32, #tpu.memory_space<vmem>>, vector<1x1024x1xf32>
    %get3A_8 = vector.shape_cast %get3A_7 : vector<1x1024x1xf32> to vector<1024x1xf32>
    %add3A = arith.addf %get3A_3, %get3A_8 : vector<1024x1xf32>
    %add3A_9 = arith.constant 1.000000e+00 : f32
    %add3A_10 = vector.broadcast %add3A_9 : f32 to vector<1024x1xf32>
    %add3A_11 = arith.addf %add3A, %add3A_10 : vector<1024x1xf32>
    %rsqrt3A = math.rsqrt %add3A_11 : vector<1024x1xf32>
    %broadcast_in_dim3A = vector.shape_cast %rsqrt3A : vector<1024x1xf32> to vector<1024x1xf32>
    %broadcast_in_dim3A_12 = vector.broadcast %broadcast_in_dim3A : vector<1024x1xf32> to vector<1024x128xf32>
    %swap3A = arith.constant 0 : index
    %swap3A_13 = arith.constant 0 : index
    %swap3A_14 = vector.load %arg3[%swap3A, %swap3A_13] : memref<1024x128xf32, #tpu.memory_space<vmem>>, vector<1024x128xf32>
    tpu.vector_store %arg3[%swap3A, %swap3A_13], %broadcast_in_dim3A_12 {strides = array<i32>} : memref<1024x128xf32, #tpu.memory_space<vmem>>, vector<1024x128xf32>,
    %get3A_15 = arith.constant 0 : index
    %get3A_16 = arith.constant 0 : index
    %get3A_17 = vector.load %arg2[%get3A_15, %get3A_16] : memref<1024x128xf32, #tpu.memory_space<vmem>>, vector<1024x128xf32>
    %mul3A = arith.mulf %broadcast_in_dim3A_12, %get3A_17 : vector<1024x128xf32>
    %swap3A_18 = arith.constant 0 : index
    %swap3A_19 = arith.constant 0 : index
    %swap3A_20 = vector.load %arg4[%swap3A_18, %swap3A_19] : memref<1024x128xf32, #tpu.memory_space<vmem>>, vector<1024x128xf32>
    tpu.vector_store %arg4[%swap3A_18, %swap3A_19], %mul3A {strides = array<i32>} : memref<1024x128xf32, #tpu.memory_space<vmem>>, vector<1024x128xf32>,
    return
  }
  func.func @transform_0(%arg0: i32) -> (i32, i32, i32) {
    %c0_i32 = arith.constant 0 : i32
    %c0_i32_0 = arith.constant 0 : i32
    %c0_i32_1 = arith.constant 0 : i32
    return %c0_i32, %arg0, %c0_i32_0 : i32, i32, i32
  }
  func.func @transform_1(%arg0: i32) -> (i32, i32) {
    %c0_i32 = arith.constant 0 : i32
    %c0_i32_0 = arith.constant 0 : i32
    return %arg0, %c0_i32 : i32, i32
  }
  func.func @transform_2(%arg0: i32) -> (i32, i32) {
    %c0_i32 = arith.constant 0 : i32
    %c0_i32_0 = arith.constant 0 : i32
    return %arg0, %c0_i32 : i32, i32
  }
  func.func @transform_3(%arg0: i32) -> (i32, i32) {
    %c0_i32 = arith.constant 0 : i32
    %c0_i32_0 = arith.constant 0 : i32
    return %arg0, %c0_i32 : i32, i32
  }
}

module attributes {stable_mosaic.version = 14 : i64} {
  func.func @body(%arg0: i32, %arg1: memref<2x1024x128xf32, #tpu.memory_space<vmem>>, %arg2: memref<1024x128xf32, #tpu.memory_space<vmem>>, %arg3: memref<1024x128xf32, #tpu.memory_space<vmem>>, %arg4: memref<1x128xf32, #tpu.memory_space<vmem>>, %arg5: memref<128x128xf32, #tpu.memory_space<vmem>>, %arg6: memref<1x128xf32, #tpu.memory_space<vmem>>, %arg7: memref<1024x128xf32, #tpu.memory_space<vmem>>) attributes {dimension_semantics = [#tpu.dimension_semantics<arbitrary>], iteration_bounds = array<i64: 10>, scalar_prefetch = 0 : i64, scratch_operands = 0 : i64, tpu.core_type = #tpu.core_type<tc>, window_params = [{transform_indices = @transform_0, window_bounds = array<i64: 2, 1024, 128>}, {transform_indices = @transform_1, window_bounds = array<i64: 1024, 128>}, {transform_indices = @transform_2, window_bounds = array<i64: 1024, 128>}, {pipeline_mode = #tpu.pipeline_mode<synchronous>, transform_indices = @transform_3, window_bounds = array<i64: 1, 128>}, {pipeline_mode = #tpu.pipeline_mode<synchronous>, transform_indices = @transform_4, window_bounds = array<i64: 128, 128>}, {pipeline_mode = #tpu.pipeline_mode<synchronous>, transform_indices = @transform_5, window_bounds = array<i64: 1, 128>}, {transform_indices = @transform_6, window_bounds = array<i64: 1024, 128>}]} {
    %get3A = arith.constant 0 : index
    %get3A_0 = arith.constant 0 : index
    %get3A_1 = vector.load %arg3[%get3A, %get3A_0] : memref<1024x128xf32, #tpu.memory_space<vmem>>, vector<1024x128xf32>
    %get3A_2 = arith.constant 0 : index
    %get3A_3 = arith.constant 0 : index
    %get3A_4 = arith.constant 0 : index
    %get3A_5 = vector.load %arg1[%get3A_2, %get3A_3, %get3A_4] : memref<2x1024x128xf32, #tpu.memory_space<vmem>>, vector<1x1024x128xf32>
    %get3A_6 = vector.shape_cast %get3A_5 : vector<1x1024x128xf32> to vector<1024x128xf32>
    %get3A_7 = arith.constant 1 : index
    %get3A_8 = arith.constant 0 : index
    %get3A_9 = arith.constant 0 : index
    %get3A_10 = vector.load %arg1[%get3A_7, %get3A_8, %get3A_9] : memref<2x1024x128xf32, #tpu.memory_space<vmem>>, vector<1x1024x128xf32>
    %get3A_11 = vector.shape_cast %get3A_10 : vector<1x1024x128xf32> to vector<1024x128xf32>
    %add3A = arith.addf %get3A_6, %get3A_11 : vector<1024x128xf32>
    %get3A_12 = arith.constant 0 : index
    %get3A_13 = arith.constant 0 : index
    %get3A_14 = vector.load %arg2[%get3A_12, %get3A_13] : memref<1024x128xf32, #tpu.memory_space<vmem>>, vector<1024x128xf32>
    %add3A_15 = arith.addf %add3A, %get3A_14 : vector<1024x128xf32>
    %mul3A = arith.mulf %get3A_1, %add3A_15 : vector<1024x128xf32>
    %get3A_16 = arith.constant 0 : index
    %get3A_17 = arith.constant 0 : index
    %get3A_18 = vector.load %arg4[%get3A_16, %get3A_17] : memref<1x128xf32, #tpu.memory_space<vmem>>, vector<1x128xf32>
    %add3A_19 = vector.broadcast %get3A_18 : vector<1x128xf32> to vector<1024x128xf32>
    %add3A_20 = arith.addf %mul3A, %add3A_19 : vector<1024x128xf32>
    %max3A = arith.constant 0.000000e+00 : f32
    %max3A_21 = vector.broadcast %max3A : f32 to vector<1024x128xf32>
    %max3A_22 = arith.maximumf %add3A_20, %max3A_21 : vector<1024x128xf32>
    %get3A_23 = arith.constant 0 : index
    %get3A_24 = arith.constant 0 : index
    %get3A_25 = vector.load %arg5[%get3A_23, %get3A_24] : memref<128x128xf32, #tpu.memory_space<vmem>>, vector<128x128xf32>
    %dot_general3A = arith.constant dense<0.000000e+00> : vector<1024x128xf32>
    %dot_general3A_26 = tpu.matmul %max3A_22, %get3A_25, %dot_general3A {dimension_numbers = #tpu.dot_dimension_numbers<[1], [0], [0], [1], [0, 0, 1, 1], [], []>, transpose_lhs_hint = false} : vector<1024x128xf32>, vector<128x128xf32>, vector<1024x128xf32> -> vector<1024x128xf32>
    %get3A_27 = arith.constant 0 : index
    %get3A_28 = arith.constant 0 : index
    %get3A_29 = vector.load %arg3[%get3A_27, %get3A_28] : memref<1024x128xf32, #tpu.memory_space<vmem>>, vector<1024x128xf32>
    %mul3A_30 = arith.mulf %get3A_29, %dot_general3A_26 : vector<1024x128xf32>
    %get3A_31 = arith.constant 0 : index
    %get3A_32 = arith.constant 0 : index
    %get3A_33 = vector.load %arg6[%get3A_31, %get3A_32] : memref<1x128xf32, #tpu.memory_space<vmem>>, vector<1x128xf32>
    %add3A_34 = vector.broadcast %get3A_33 : vector<1x128xf32> to vector<1024x128xf32>
    %add3A_35 = arith.addf %mul3A_30, %add3A_34 : vector<1024x128xf32>
    %swap3A = arith.constant 0 : index
    %swap3A_36 = arith.constant 0 : index
    %swap3A_37 = vector.load %arg7[%swap3A, %swap3A_36] : memref<1024x128xf32, #tpu.memory_space<vmem>>, vector<1024x128xf32>
    tpu.vector_store %arg7[%swap3A, %swap3A_36], %add3A_35 {strides = array<i32>} : memref<1024x128xf32, #tpu.memory_space<vmem>>, vector<1024x128xf32>,
    return
  }
  func.func @transform_0(%arg0: i32) -> (i32, i32, i32) {
    %c0_i32 = arith.constant 0 : i32
    %c0_i32_0 = arith.constant 0 : i32
    %c0_i32_1 = arith.constant 0 : i32
    return %c0_i32, %arg0, %c0_i32_0 : i32, i32, i32
  }
  func.func @transform_1(%arg0: i32) -> (i32, i32) {
    %c0_i32 = arith.constant 0 : i32
    %c0_i32_0 = arith.constant 0 : i32
    return %arg0, %c0_i32 : i32, i32
  }
  func.func @transform_2(%arg0: i32) -> (i32, i32) {
    %c0_i32 = arith.constant 0 : i32
    %c0_i32_0 = arith.constant 0 : i32
    return %arg0, %c0_i32 : i32, i32
  }
  func.func @transform_3(%arg0: i32) -> (i32, i32) {
    %c0_i32 = arith.constant 0 : i32
    %c0_i32_0 = arith.constant 0 : i32
    %c0_i32_1 = arith.constant 0 : i32
    return %c0_i32, %c0_i32_0 : i32, i32
  }
  func.func @transform_4(%arg0: i32) -> (i32, i32) {
    %c0_i32 = arith.constant 0 : i32
    %c0_i32_0 = arith.constant 0 : i32
    %c0_i32_1 = arith.constant 0 : i32
    return %c0_i32, %c0_i32_0 : i32, i32
  }
  func.func @transform_5(%arg0: i32) -> (i32, i32) {
    %c0_i32 = arith.constant 0 : i32
    %c0_i32_0 = arith.constant 0 : i32
    %c0_i32_1 = arith.constant 0 : i32
    return %c0_i32, %c0_i32_0 : i32, i32
  }
  func.func @transform_6(%arg0: i32) -> (i32, i32) {
    %c0_i32 = arith.constant 0 : i32
    %c0_i32_0 = arith.constant 0 : i32
    return %arg0, %c0_i32 : i32, i32
  }
}

module attributes {stable_mosaic.version = 14 : i64} {
  func.func @body(%arg0: i32, %arg1: memref<2x1024x128xf32, #tpu.memory_space<vmem>>, %arg2: memref<1024x128xf32, #tpu.memory_space<vmem>>, %arg3: memref<1024x128xf32, #tpu.memory_space<vmem>>, %arg4: memref<1x128xf32, #tpu.memory_space<vmem>>, %arg5: memref<128x128xf32, #tpu.memory_space<vmem>>, %arg6: memref<1x128xf32, #tpu.memory_space<vmem>>, %arg7: memref<1024x128xf32, #tpu.memory_space<vmem>>) attributes {dimension_semantics = [#tpu.dimension_semantics<arbitrary>], iteration_bounds = array<i64: 10>, scalar_prefetch = 0 : i64, scratch_operands = 0 : i64, tpu.core_type = #tpu.core_type<tc>, window_params = [{transform_indices = @transform_0, window_bounds = array<i64: 2, 1024, 128>}, {transform_indices = @transform_1, window_bounds = array<i64: 1024, 128>}, {transform_indices = @transform_2, window_bounds = array<i64: 1024, 128>}, {pipeline_mode = #tpu.pipeline_mode<synchronous>, transform_indices = @transform_3, window_bounds = array<i64: 1, 128>}, {pipeline_mode = #tpu.pipeline_mode<synchronous>, transform_indices = @transform_4, window_bounds = array<i64: 128, 128>}, {pipeline_mode = #tpu.pipeline_mode<synchronous>, transform_indices = @transform_5, window_bounds = array<i64: 1, 128>}, {transform_indices = @transform_6, window_bounds = array<i64: 1024, 128>}]} {
    %get3A = arith.constant 0 : index
    %get3A_0 = arith.constant 0 : index
    %get3A_1 = vector.load %arg3[%get3A, %get3A_0] : memref<1024x128xf32, #tpu.memory_space<vmem>>, vector<1024x128xf32>
    %get3A_2 = arith.constant 0 : index
    %get3A_3 = arith.constant 0 : index
    %get3A_4 = arith.constant 0 : index
    %get3A_5 = vector.load %arg1[%get3A_2, %get3A_3, %get3A_4] : memref<2x1024x128xf32, #tpu.memory_space<vmem>>, vector<1x1024x128xf32>
    %get3A_6 = vector.shape_cast %get3A_5 : vector<1x1024x128xf32> to vector<1024x128xf32>
    %get3A_7 = arith.constant 1 : index
    %get3A_8 = arith.constant 0 : index
    %get3A_9 = arith.constant 0 : index
    %get3A_10 = vector.load %arg1[%get3A_7, %get3A_8, %get3A_9] : memref<2x1024x128xf32, #tpu.memory_space<vmem>>, vector<1x1024x128xf32>
    %get3A_11 = vector.shape_cast %get3A_10 : vector<1x1024x128xf32> to vector<1024x128xf32>
    %add3A = arith.addf %get3A_6, %get3A_11 : vector<1024x128xf32>
    %get3A_12 = arith.constant 0 : index
    %get3A_13 = arith.constant 0 : index
    %get3A_14 = vector.load %arg2[%get3A_12, %get3A_13] : memref<1024x128xf32, #tpu.memory_space<vmem>>, vector<1024x128xf32>
    %add3A_15 = arith.addf %add3A, %get3A_14 : vector<1024x128xf32>
    %mul3A = arith.mulf %get3A_1, %add3A_15 : vector<1024x128xf32>
    %get3A_16 = arith.constant 0 : index
    %get3A_17 = arith.constant 0 : index
    %get3A_18 = vector.load %arg4[%get3A_16, %get3A_17] : memref<1x128xf32, #tpu.memory_space<vmem>>, vector<1x128xf32>
    %add3A_19 = vector.broadcast %get3A_18 : vector<1x128xf32> to vector<1024x128xf32>
    %add3A_20 = arith.addf %mul3A, %add3A_19 : vector<1024x128xf32>
    %max3A = arith.constant 0.000000e+00 : f32
    %max3A_21 = vector.broadcast %max3A : f32 to vector<1024x128xf32>
    %max3A_22 = arith.maximumf %add3A_20, %max3A_21 : vector<1024x128xf32>
    %get3A_23 = arith.constant 0 : index
    %get3A_24 = arith.constant 0 : index
    %get3A_25 = vector.load %arg5[%get3A_23, %get3A_24] : memref<128x128xf32, #tpu.memory_space<vmem>>, vector<128x128xf32>
    %dot_general3A = arith.constant dense<0.000000e+00> : vector<1024x128xf32>
    %dot_general3A_26 = tpu.matmul %max3A_22, %get3A_25, %dot_general3A {dimension_numbers = #tpu.dot_dimension_numbers<[1], [0], [0], [1], [0, 0, 1, 1], [], []>, transpose_lhs_hint = false} : vector<1024x128xf32>, vector<128x128xf32>, vector<1024x128xf32> -> vector<1024x128xf32>
    %get3A_27 = arith.constant 0 : index
    %get3A_28 = arith.constant 0 : index
    %get3A_29 = vector.load %arg6[%get3A_27, %get3A_28] : memref<1x128xf32, #tpu.memory_space<vmem>>, vector<1x128xf32>
    %add3A_30 = vector.broadcast %get3A_29 : vector<1x128xf32> to vector<1024x128xf32>
    %add3A_31 = arith.addf %dot_general3A_26, %add3A_30 : vector<1024x128xf32>
    %swap3A = arith.constant 0 : index
    %swap3A_32 = arith.constant 0 : index
    %swap3A_33 = vector.load %arg7[%swap3A, %swap3A_32] : memref<1024x128xf32, #tpu.memory_space<vmem>>, vector<1024x128xf32>
    tpu.vector_store %arg7[%swap3A, %swap3A_32], %add3A_31 {strides = array<i32>} : memref<1024x128xf32, #tpu.memory_space<vmem>>, vector<1024x128xf32>,
    return
  }
  func.func @transform_0(%arg0: i32) -> (i32, i32, i32) {
    %c0_i32 = arith.constant 0 : i32
    %c0_i32_0 = arith.constant 0 : i32
    %c0_i32_1 = arith.constant 0 : i32
    return %c0_i32, %arg0, %c0_i32_0 : i32, i32, i32
  }
  func.func @transform_1(%arg0: i32) -> (i32, i32) {
    %c0_i32 = arith.constant 0 : i32
    %c0_i32_0 = arith.constant 0 : i32
    return %arg0, %c0_i32 : i32, i32
  }
  func.func @transform_2(%arg0: i32) -> (i32, i32) {
    %c0_i32 = arith.constant 0 : i32
    %c0_i32_0 = arith.constant 0 : i32
    return %arg0, %c0_i32 : i32, i32
  }
  func.func @transform_3(%arg0: i32) -> (i32, i32) {
    %c0_i32 = arith.constant 0 : i32
    %c0_i32_0 = arith.constant 0 : i32
    %c0_i32_1 = arith.constant 0 : i32
    return %c0_i32, %c0_i32_0 : i32, i32
  }
  func.func @transform_4(%arg0: i32) -> (i32, i32) {
    %c0_i32 = arith.constant 0 : i32
    %c0_i32_0 = arith.constant 0 : i32
    %c0_i32_1 = arith.constant 0 : i32
    return %c0_i32, %c0_i32_0 : i32, i32
  }
  func.func @transform_5(%arg0: i32) -> (i32, i32) {
    %c0_i32 = arith.constant 0 : i32
    %c0_i32_0 = arith.constant 0 : i32
    %c0_i32_1 = arith.constant 0 : i32
    return %c0_i32, %c0_i32_0 : i32, i32
  }
  func.func @transform_6(%arg0: i32) -> (i32, i32) {
    %c0_i32 = arith.constant 0 : i32
    %c0_i32_0 = arith.constant 0 : i32
    return %arg0, %c0_i32 : i32, i32
  }
}

</mosaic_0001>

<sc_bundles>
// kernel: kernel.12.cloned.1.call-start
scs
__scs_entry_jumppad:
0x0: {  	(pc) =	sbr.rel $0x88, $3  }
0x1: {  	(tag) =	ssettag $0x0;
	lr =	simm.s32 $0x1  }
0x2: {  	[smem:$0x3F97] =	sst lr;
	_ =	strace $0xD0000000  }
0x3: {  	_ = 	snop  }
0x4: {  	_ = 	snop  }
0x5: {  	_ = 	snop  }
0x6: {  	_ = 	snop  }
0x7: {  	_ = 	snop  }
__scs_overlays_trampoline_lowered:
0x8: {  	[smem:$0x3FA6] =	sst s0  }
0x9: {  	[smem:$0x3FA7] =	sst s1  }
0xa: {  	[smem:$0x3FA8] =	sst s2  }
0xb: {  	[smem:$0x3FA9] =	sst s3  }
0xc: {  	[smem:$0x3FAA] =	sst s4  }
0xd: {  	[smem:$0x3FAB] =	sst s5  }
0xe: {  	[smem:$0x3FAC] =	sst s6  }
0xf: {  	[smem:$0x3FAD] =	sst s7  }
0x10: {  	[smem:$0x3FAE] =	sst s8  }
0x11: {  	[smem:$0x3FAF] =	sst s9;
	s0 =	simm.s32 @!p0 $0x0  }
0x12: {  	s1 =	sld [smem:$0x3F95];
	s0 =	simm.s32 @p0 $0x1  }
0x13: {  	[smem:$0x3FB0] =	sst s0;
	s0 =	simm.s32 @!p1 $0x0  }
0x14: {  	s2 =	sld [smem:$0x3F94];
	s0 =	simm.s32 @p1 $0x1  }
0x15: {  	[smem:$0x3FB1] =	sst s0;
	s0 =	simm.s32 @!p2 $0x0  }
0x16: {  	s3 =	sld [smem:$0x3FDB];
	s0 =	simm.s32 @p2 $0x1  }
0x17: {  	s4 =	simm.s32 $0x1BF5;
	[smem:$0x3FB3] =	sst s0  }
0x18: {  	s0 =	sld [smem:$0x3F96];
	_ =	swait.ge [sflag:s4], $0x0  }
0x19: {  	s7 =	sld [smem:$0x3F97]  }
0x1a: {  	s8 =	sadd.s32 $0xFFFFE003, lr  }
0x1b: {  	s9 =	sadd.s32 $0xFFFFFEF7, lr;
	s5 =	simm.s32 $0xFFFFFFFF;
	p2 =	slt.u32 s8, $0xFFFFF086  }
0x1c: {  	p1 =	slt.u32 s9, $0xF7A;
	s5 =	simm.s32 @!p2 $0x0  }
0x1d: {  	s5 =	simm.s32 @p1 $0x1;
	p0 =	seq.s32 s7, s2  }
0x1e: {  	s7 =	smul.u32 @!p0 $0xF7A, s2;
	p2 =	seq.s32 @!p0 s5, $0x0  }
0x1f: {  	s9 =	smul.u32 $0xF7A, s1;
	s8 =	simm.s32 @!p0 $0x1BF5;
	p2 =	por !p2, p0  }
0x20: {  	[sflag:s8] =	ssyncset.s32 @!p0 $0xFFFFF086;
	s6 =	sadd.s32 @!p0 s3, s7;
	s7 =	simm.s32 @!p0 $0x108  }
0x21: {  	s3 =	sadd.s32 s3, s9;
	s6 =	sadd.s32 @!p0 $0x88, s6;
	s7 =	simm.s32 @p2 $0x1082  }
0x22: {  	[simem:s7], [sflag:s8] =	dma.local @!p0 [hbm:s6], $0xF7A  }
0x23: {  	s9 =	sor.u32 $0xD0000000, s2;
	s6 =	simm.s32 $0x108;
	_ =	swait.ge @!p0 [sflag:s8], $0x0  }
0x24: {  	s3 =	sadd.s32 $0x88, s3;
	s6 =	simm.s32 @!p1 $0x1082;
	[sflag:s4] =	ssyncset.s32 $0xFFFFF086  }
0x25: {  	[simem:s6], [sflag:s4] =	dma.local [hbm:s3], $0xF7A  }
0x26: {  	[smem:$0x3F97] =	sst s1;
	(tag) =	ssettag s2;
	_ =	strace s9  }
0x27: {  	s1 =	sld [smem:$0x3FA7]  }
0x28: {  	s2 =	sld [smem:$0x3FA8]  }
0x29: {  	s4 =	sld [smem:$0x3FAA]  }
0x2a: {  	p0 =	seq.s32 s5, $0x0;
	s5 =	sld [smem:$0x3FAB]  }
0x2b: {  	s6 =	sld [smem:$0x3FAC]  }
0x2c: {  	s7 =	sld [smem:$0x3FAD]  }
0x2d: {  	s3 =	simm.s32 $0x108;
	s8 =	sld [smem:$0x3FAE]  }
0x2e: {  	s3 =	simm.s32 @!p0 $0x1082;
	s9 =	sld [smem:$0x3FAF]  }
0x2f: {  	lr =	sadd.s32 s0, s3;
	s0 =	sld [smem:$0x3FA6]  }
0x30: {  	s3 =	sld [smem:$0x3FA9]  }
0x31: {  	[smem:$0x3FB2] =	sst s10  }
0x32: {  	s10 =	sld [smem:$0x3FB0];
	_ =	sdelay $0x3  }
0x33: {  	p0 =	seq.s32 s10, $0x1;
	s10 =	sld [smem:$0x3FB2];
	_ =	sdelay $0x3  }
0x34: {  	[smem:$0x3FB2] =	sst s10  }
0x35: {  	s10 =	sld [smem:$0x3FB1];
	_ =	sdelay $0x3  }
0x36: {  	p1 =	seq.s32 s10, $0x1;
	s10 =	sld [smem:$0x3FB2];
	_ =	sdelay $0x3  }
0x37: {  	[smem:$0x3FB2] =	sst s10  }
0x38: {  	s10 =	sld [smem:$0x3FB3]  }
0x39: {  	_ = 	snop;
	(pc) =	sbr.ind lr, $3  }
0x3a: {  	_ = 	snop  }
0x3b: {  	_ = 	snop  }
0x3c: {  	p2 =	seq.s32 s10, $0x1;
	s10 =	sld [smem:$0x3FB2]  }
0x3d: {  	_ =	shalt  }
0x3e: {  	_ =	shalt  }
0x3f: {  	_ =	shalt  }
0x40: {  	_ =	shalt  }
0x41: {  	_ =	shalt  }
0x42: {  	_ =	shalt  }
0x43: {  	_ =	shalt  }
0x44: {  	_ =	shalt  }
0x45: {  	_ =	shalt  }
0x46: {  	_ =	shalt  }
0x47: {  	_ =	shalt  }
0x48: {  	_ =	shalt  }
0x49: {  	_ =	shalt  }
0x4a: {  	_ =	shalt  }
0x4b: {  	_ =	shalt  }
0x4c: {  	_ =	shalt  }
0x4d: {  	_ =	shalt  }
0x4e: {  	_ =	shalt  }
0x4f: {  	_ =	shalt  }
0x50: {  	_ =	shalt  }
0x51: {  	_ =	shalt  }
0x52: {  	_ =	shalt  }
0x53: {  	_ =	shalt  }
0x54: {  	_ =	shalt  }
0x55: {  	_ =	shalt  }
0x56: {  	_ =	shalt  }
0x57: {  	_ =	shalt  }
0x58: {  	_ =	shalt  }
0x59: {  	_ =	shalt  }
0x5a: {  	_ =	shalt  }
0x5b: {  	_ =	shalt  }
0x5c: {  	_ =	shalt  }
0x5d: {  	_ =	shalt  }
0x5e: {  	_ =	shalt  }
0x5f: {  	_ =	shalt  }
0x60: {  	_ =	shalt  }
0x61: {  	_ =	shalt  }
0x62: {  	_ =	shalt  }
0x63: {  	_ =	shalt  }
0x64: {  	_ =	shalt  }
0x65: {  	_ =	shalt  }
0x66: {  	_ =	shalt  }
0x67: {  	_ =	shalt  }
0x68: {  	_ =	shalt  }
0x69: {  	_ =	shalt  }
0x6a: {  	_ =	shalt  }
0x6b: {  	_ =	shalt  }
0x6c: {  	_ =	shalt  }
0x6d: {  	_ =	shalt  }
0x6e: {  	_ =	shalt  }
0x6f: {  	_ =	shalt  }
0x70: {  	_ =	shalt  }
0x71: {  	_ =	shalt  }
0x72: {  	_ =	shalt  }
0x73: {  	_ =	shalt  }
0x74: {  	_ =	shalt  }
0x75: {  	_ =	shalt  }
0x76: {  	_ =	shalt  }
0x77: {  	_ =	shalt  }
0x78: {  	_ =	shalt  }
0x79: {  	_ =	shalt  }
0x7a: {  	_ =	shalt  }
0x7b: {  	_ =	shalt  }
0x7c: {  	_ =	shalt  }
0x7d: {  	_ =	shalt  }
0x7e: {  	_ =	shalt  }
0x7f: {  	_ =	shalt  }
0x80: {  	_ =	shalt  }
0x81: {  	_ =	shalt  }
0x82: {  	_ =	shalt  }
0x83: {  	_ =	shalt  }
0x84: {  	_ =	shalt  }
0x85: {  	_ =	shalt  }
0x86: {  	_ =	shalt  }
0x87: {  	_ =	shalt  }
.Lfunc_end0:
.L_simem_size_0:
called_computation.1_lowered:
.L_overlay_start_0:
0x88: {  	s2 =	sld [smem:$0x3FD9]  }
0x89: {  	s3 =	sld [smem:$0x3FFE];
	_ =	sdelay $0x1  }
0x8a: {  	s1 =	srdreg.scid  }
0x8b: {  	s0 =	sand.u32 $0x1, s1  }
0x8c: {  	s16 =	sshll.u32 s0, $0xA;
	s2 =	sadd.s32 s3, s2  }
0x8d: {  	s2 =	sadd.s32 s2, s16  }
0x8e: {  	[smem:$0x3FBE] =	sst s2  }
0x8f: {  	_ = 	snop  }
0x90: {  	(tm) =	ssettm $0x1  }
0x91: {  	s17 =	sld [smem:$0x3FFB];
	_ =	sdelay $0x3  }
0x92: {  	_ =	strace s17  }
0x93: {  	s2 =	sld [smem:$0x3FFC];
	_ =	sdelay $0x3  }
0x94: {  	_ =	strace s2  }
0x95: {  	s2 =	sld [smem:$0x3FFD];
	_ =	sdelay $0x3  }
0x96: {  	_ =	strace s2  }
0x97: {  	_ =	strace $0x8FFFFFFF  }
0x98: {  	s18 =	sld [smem:$0x3FDB];
	_ =	sdelay $0x1  }
0x99: {  	s19 =	simm.s32 $_scs_section_size  }
0x9a: {  	s4 =	simm.s32 $_size__tile_overlayer_lowered;
	s5 =	simm.s32 $_tile_overlayer_lowered  }
0x9b: {  	s22 =	simm.s32 $0x1BFF;
	s21 =	sshll.u32 s5, $0x1;
	s2 =	sadd.s32 s19, s18  }
0x9c: {  	s6 =	simm.s32 $0x0;
	s20 =	sshll.u32 s4, $0x1;
	s4 =	sadd.s32 s21, s2  }
0x9d: {  	[timem:s6], [sflag:s22] =	dma.local [hbm:s4], s20  }
0x9e: {  	_ =	swait.ge [sflag:s22], s20  }
0x9f: {  	s3 =	ssub.s32 $0x0, s20;
	[sflag:s22] =	ssyncset.done $0x0  }
0xa0: {  	[sflag:s22] =	ssyncadd.s32 s3;
	_ =	sdelay $0x1  }
0xa1: {  	s23 =	simm.s32 $0x1B8B  }
0xa2: {  	_ =	swait.ge [sflag:s23], $0x1  }
0xa3: {  	[sflag:s23] =	ssyncset.done $0x0  }
0xa4: {  	s25 =	simm.s32 $0x1B8E;
	s24 =	sld [smem:$0x3FFE];
	[sflag:s23] =	ssyncadd.s32 $0xFFFFFFFF  }
0xa5: {  	s26 =	simm.s32 $execute0_lowered;
	[smem:$0x3FD2] =	sst s25  }
0xa6: {  	s4 =	sshll.u32 s26, $0x1;
	_ =	strace $0x80000049;
	[dreg:$0x1] =	wrdreg $0xFFFFFFFF  }
0xa7: {  	s28 =	simm.s32 $_size_execute0_lowered;
	s2 =	sadd.s32 s2, s4;
	[dreg:$0x0] =	wrdreg $0x0  }
0xa8: {  	s4 =	sshll.u32 s28, $0x1;
	[dreg:$0x2] =	wrdreg s2  }
0xa9: {  	[dreg:$0x3] =	wrdreg s4  }
0xaa: {  	[dreg:$0x4] =	wrdreg $0xC0  }
0xab: {  	_ =	task [dreg:s6], $0x5FFFF  }
0xac: {  	[dreg:$0x1] =	wrdreg $0xFFFFFFFF  }
0xad: {  	[dreg:$0x0] =	wrdreg $0x60  }
0xae: {  	[dreg:$0x2] =	wrdreg s24  }
0xaf: {  	[dreg:$0x3] =	wrdreg $0x88000  }
0xb0: {  	[dreg:$0x4] =	wrdreg $0x9  }
0xb1: {  	_ =	task.clear_ibuf [dreg:s6], $0x5FFFF;
	_ =	strace $0x90000049  }
0xb2: {  	s29 =	simm.s32 $0x9;
	_ =	strace $0x8000004B  }
0xb3: {  	_ =	swait.ge [sflag:s29], $0x1  }
0xb4: {  	[sflag:s29] =	ssyncadd.s32 $0xFFFFFFFF  }
0xb5: {  	_ =	strace $0x9000004B  }
0xb6: {  	_ =	sfence  }
0xb7: {  	s30 =	sld [smem:$0x0];
	_ =	sdelay $0x2  }
0xb8: {  	s31 =	sshll.u32 s1, $0xD;
	s1 =	sshrl.u32 s1, $0x2  }
0xb9: {  	s3 =	sand.u32 $0x4000, s31;
	s1 =	sadd.s32 s1, s30  }
0xba: {  	s0 =	sor.u32 s3, s0;
	s1 =	sshll.u32 s1, $0x11  }
0xbb: {  	s0 =	sor.u32 s1, s0  }
0xbc: {  	s0 =	sadd.s32 $0x8F2B, s0  }
0xbd: {  	[sflag:s0] =	ssyncadd.remote.s32 $0x1  }
0xbe: {  	_ =	sfence.sel $0xFFFF  }
0xbf: {  	[dreg:$0x0] =	wrdreg $0xFFFFFFFF;
	(pc) =	sbr.abs _section_cstart, $3  }
0xc0: {  	[dreg:$0x1] =	wrdreg $0xFFFFFFFF  }
0xc1: {  	_ =	task.clear_ibuf [dreg:s6], $0x2FFFF;
	_ =	strace $0x9FFFFFFF  }
0xc2: {  	(tm) =	ssettm $0x7FFFFFFF  }
0xc3: {  	_ =	shalt  }
tec
execute0_lowered:
.L_overlay_start_1:
0x0: {  	(tag) =	ssettag $0x1  }
0x1: {  	s0 =	rddreg [dreg:$0x0]  }
0x2: {  	s29 =	rddreg [dreg:$0x1]  }
0x3: {  	s2 =	srdreg.scid;
	s3 =	simm.s32 $0x0;
	s11 =	stileid.u32  }
0x4: {  	s2 =	sand.u32 $0x1, s2;
	[smem:$0x7FF] =	sst s3;
	s6 =	smul.u32 $0x14000, s11  }
0x5: {  	s4 =	sadd.s32 $0x16000, s0;
	s20 =	smul.u32 $0x50000, s11;
	s8 =	sadd.s32 $0x2000, s0  }
0x6: {  	s9 =	sadd.s32 $0xC000, s0;
	s5 =	smul.u32 $0x140000, s2;
	s7 =	sshll.u32 s2, $0x4  }
0x7: {  	s21 =	ssub.s32 $0x2, s2;
	s2 =	smul.u32 $0x28000, s2;
	s19 =	sor.u32 s11, s7  }
0x8: {  	_ =	strace $0x8000004A;
	s5 =	sadd.s32 s6, s5;
	s6 =	smul.u32 $0x2800, s19  }
0x9: {  	s10 =	sshrl.u32 s21, $0x1;
	s7 =	sshrl.u32 s20, $0x2;
	s11 =	smul.u32 $0x2800, s11  }
0xa: {  	s31 =	sadd.s32 s7, s29;
	s5 =	sshrl.u32 s5, $0x3;
	s6 =	sshrl.u32 s6, $0x3  }
0xb: {  	s2 =	sadd.s32 s11, s2;
	[dreg:$0x5] =	wrdreg s31;
	s22 =	sadd.s32 s8, s6  }
0xc: {  	s0 =	sadd.s32 s5, s0;
	s23 =	sadd.s32 s9, s6;
	[dreg:$0x6] =	wrdreg s22  }
0xd: {  	s24 =	sor.u32 $0x10, s6;
	s0 =	sadd.s32 $0x3E000, s0;
	[dreg:$0x7] =	wrdreg s23  }
0xe: {  	s5 =	ssub.s32 s21, s10;
	s25 =	sadd.s32 s8, s24;
	[dreg:$0x16] =	wrdreg s0  }
0xf: {  	s26 =	sor.u32 $0x20, s6;
	s7 =	sadd.s32 s9, s24;
	[dreg:$0x8] =	wrdreg s25  }
0x10: {  	s2 =	sor.u32 $0x400, s2;
	s28 =	sadd.s32 s8, s26;
	[dreg:$0x9] =	wrdreg s7  }
0x11: {  	s1 =	sor.u32 $0x30, s6;
	s10 =	sadd.s32 s9, s26;
	[dreg:$0xa] =	wrdreg s28  }
0x12: {  	s13 =	sor.u32 $0x40, s6;
	s12 =	sadd.s32 s8, s1;
	[dreg:$0xb] =	wrdreg s10  }
0x13: {  	s15 =	sor.u32 $0x50, s6;
	s14 =	sadd.s32 s8, s13;
	[dreg:$0xc] =	wrdreg s12  }
0x14: {  	s2 =	sshrl.u32 s2, $0x3;
	s16 =	sadd.s32 s8, s15;
	[dreg:$0xe] =	wrdreg s14  }
0x15: {  	s18 =	sor.u32 $0x60, s6;
	s17 =	sadd.s32 s2, s8;
	[dreg:$0x10] =	wrdreg s16  }
0x16: {  	s30 =	simm.s32 $0xB;
	s19 =	sadd.s32 s8, s18;
	[dreg:$0x3] =	wrdreg s17  }
0x17: {  	s6 =	sor.u32 $0x70, s6;
	s20 =	sadd.s32 s9, s18;
	[dreg:$0x12] =	wrdreg s19  }
0x18: {  	s21 =	sadd.s32 s8, s6;
	s6 =	sadd.s32 s9, s6;
	[dreg:$0x13] =	wrdreg s20  }
0x19: {  	s22 =	smax.u32 s5, $0x1;
	s23 =	sadd.s32 s2, s9;
	[dreg:$0x14] =	wrdreg s21  }
0x1a: {  	s24 =	sadd.s32 $0x4000, s31;
	s26 =	sadd.s32 $0xC000, s31;
	[dreg:$0x15] =	wrdreg s6  }
0x1b: {  	s0 =	simm.s32 $0x80;
	s8 =	simm.s32 $0x480;
	[dreg:$0x17] =	wrdreg s22  }
0x1c: {  	s5 =	simm.s32 $0x7;
	s18 =	simm.s32 $0x8;
	[dreg:$0x18] =	wrdreg s24  }
0x1d: {  	s7 =	sadd.s32 s9, s1;
	s10 =	sadd.s32 s9, s15;
	[dreg:$0x4] =	wrdreg s23  }
0x1e: {  	s25 =	sadd.s32 $0x8000, s31;
	[dreg:$0x1a] =	wrdreg s26;
	s28 =	sadd.s32 $0x10000, s31  }
0x1f: {  	s1 =	simm.s32 $0x800;
	s19 =	simm.s32 $0x4800;
	[dreg:$0xd] =	wrdreg s7  }
0x20: {  	s21 =	simm.s32 $0x9;
	s23 =	simm.s32 $0xA;
	[dreg:$0x11] =	wrdreg s10  }
0x21: {  	s17 =	simm.s32 $0x6;
	s6 =	simm.s32 $0x0;
	[dreg:$0x19] =	wrdreg s25  }
0x22: {  	s20 =	simm.s32 $0x800;
	s7 =	sadd.s32 s9, s13;
	[dreg:$0x1b] =	wrdreg s28  }
0x23: {  	v0 =	vimm.f32 $0.0e+00;
	s26 =	simm.s32 $0x5;
	s25 =	simm.s32 $0x4;
	[dreg:$0xf] =	wrdreg s7  }
.LBB2_1:
0x24: {  	[dreg:$0x1c] =	wrdreg s6;
	s2 =	simm.s32 $0x0;
	s6 =	simm.s32 $0x200  }
.LBB2_2:
0x25: {  	p0 =	sne.s32 s6, $0xFE00;
	[tilespmem:s2+$0x870] =	vst v0  }
0x26: {  	[tilespmem:s2+$0x800] =	vst v0  }
0x27: {  	[tilespmem:s2+$0x810] =	vst v0  }
.Ltmp0:
0x28: {  	[tilespmem:s2+$0x820] =	vst v0;
	(pc) =	sbr.rel @p0 .LBB2_2-.Ltmp0, $4  }
0x29: {  	[tilespmem:s2+$0x830] =	vst v0  }
0x2a: {  	[tilespmem:s2+$0x840] =	vst v0  }
0x2b: {  	[tilespmem:s2+$0x850] =	vst v0  }
0x2c: {  	[tilespmem:s2+$0x860] =	vst v0;
	s2 =	sshra.s32 s6, $0x2;
	s6 =	sadd.s32 $0x200, s6  }
0x2d: {  	[tilespmem:s2+$0x870] =	vst v0  }
0x2e: {  	[tilespmem:s2+$0x800] =	vst v0  }
0x2f: {  	[tilespmem:s2+$0x810] =	vst v0  }
0x30: {  	[tilespmem:s2+$0x820] =	vst v0  }
0x31: {  	[tilespmem:s2+$0x830] =	vst v0  }
0x32: {  	[tilespmem:s2+$0x840] =	vst v0  }
0x33: {  	[tilespmem:s2+$0x850] =	vst v0  }
0x34: {  	[tilespmem:s2+$0x860] =	vst v0  }
0x35: {  	[spmem:s31] =	stream.linear.scatter [tilespmem:s1], [sflag:$0xB], $0x4000, $0x38;
	[tilespmem:$0x1C800] =	vst v63  }
0x36: {  	_ =	swait.ge [sflag:s30], $0x4000  }
0x37: {  	[sflag:s30] =	ssyncset.done $0x0  }
0x38: {  	s12 =	rddreg [dreg:$0x18];
	[sflag:s30] =	ssyncadd.s32 $0xFFFFC000  }
0x39: {  	[spmem:s12] =	stream.linear.scatter [tilespmem:s1], [sflag:$0xB], $0x4000, $0x38;
	[tilespmem:$0x1C800] =	vst v63  }
0x3a: {  	_ =	swait.ge [sflag:s30], $0x4000  }
0x3b: {  	[sflag:s30] =	ssyncset.done $0x0  }
0x3c: {  	s13 =	rddreg [dreg:$0x19];
	[sflag:s30] =	ssyncadd.s32 $0xFFFFC000  }
0x3d: {  	[spmem:s13] =	stream.linear.scatter [tilespmem:s1], [sflag:$0xB], $0x4000, $0x38;
	[tilespmem:$0x1C800] =	vst v63  }
0x3e: {  	_ =	swait.ge [sflag:s30], $0x4000  }
0x3f: {  	[sflag:s30] =	ssyncset.done $0x0  }
0x40: {  	s14 =	rddreg [dreg:$0x1a];
	[sflag:s30] =	ssyncadd.s32 $0xFFFFC000  }
0x41: {  	[spmem:s14] =	stream.linear.scatter [tilespmem:s1], [sflag:$0xB], $0x4000, $0x38;
	[tilespmem:$0x1C800] =	vst v63  }
0x42: {  	_ =	swait.ge [sflag:s30], $0x4000  }
0x43: {  	[sflag:s30] =	ssyncset.done $0x0  }
0x44: {  	s15 =	rddreg [dreg:$0x1b];
	[sflag:s30] =	ssyncadd.s32 $0xFFFFC000  }
0x45: {  	[spmem:s15] =	stream.linear.scatter [tilespmem:s1], [sflag:$0xB], $0x4000, $0x38;
	[tilespmem:$0x1C800] =	vst v63  }
0x46: {  	_ =	swait.ge [sflag:s30], $0x4000  }
0x47: {  	[sflag:s30] =	ssyncset.done $0x0  }
0x48: {  	s2 =	simm.s32 $0x0;
	s6 =	rddreg [dreg:$0x6];
	[sflag:s30] =	ssyncadd.s32 $0xFFFFC000  }
0x49: {  	[tilespmem:s2], [sflag:$0x1] =	stream.linear.gather [hbm4b:s6+s2], $0x80, $0x38;
	[tilespmem:$0x1C800] =	vst v63  }
0x4a: {  	s7 =	simm.s32 $0x400;
	s16 =	rddreg [dreg:$0x7]  }
0x4b: {  	[tilespmem:s7], [sflag:$0x1] =	stream.linear.gather [hbm4b:s16+s2], $0x80, $0x38;
	[tilespmem:$0x1C800] =	vst v63  }
0x4c: {  	s22 =	rddreg [dreg:$0x8]  }
0x4d: {  	[tilespmem:s0], [sflag:$0x2] =	stream.linear.gather [hbm4b:s22+s2], $0x80, $0x38;
	[tilespmem:$0x1C800] =	vst v63  }
0x4e: {  	s24 =	rddreg [dreg:$0x9]  }
0x4f: {  	[tilespmem:s8], [sflag:$0x2] =	stream.linear.gather [hbm4b:s24+s2], $0x80, $0x38;
	[tilespmem:$0x1C800] =	vst v63  }
0x50: {  	s1 =	rddreg [dreg:$0xa];
	s24 =	simm.s32 $0x100  }
0x51: {  	[tilespmem:s24], [sflag:$0x3] =	stream.linear.gather [hbm4b:s1+s2], $0x80, $0x38;
	[tilespmem:$0x1C800] =	vst v63  }
0x52: {  	s9 =	rddreg [dreg:$0xb];
	s1 =	simm.s32 $0x500  }
0x53: {  	[tilespmem:s1], [sflag:$0x3] =	stream.linear.gather [hbm4b:s9+s2], $0x80, $0x38;
	[tilespmem:$0x1C800] =	vst v63  }
0x54: {  	s10 =	rddreg [dreg:$0xc];
	s22 =	simm.s32 $0x180  }
0x55: {  	[tilespmem:s22], [sflag:$0x4] =	stream.linear.gather [hbm4b:s10+s2], $0x80, $0x38;
	[tilespmem:$0x1C800] =	vst v63  }
0x56: {  	s11 =	rddreg [dreg:$0xd];
	s9 =	simm.s32 $0x580  }
0x57: {  	[tilespmem:s9], [sflag:$0x4] =	stream.linear.gather [hbm4b:s11+s2], $0x80, $0x38;
	[tilespmem:$0x1C800] =	vst v63  }
0x58: {  	s12 =	rddreg [dreg:$0xe];
	s11 =	simm.s32 $0x200  }
0x59: {  	[tilespmem:s11], [sflag:$0x5] =	stream.linear.gather [hbm4b:s12+s2], $0x80, $0x38;
	[tilespmem:$0x1C800] =	vst v63  }
0x5a: {  	s13 =	rddreg [dreg:$0xf];
	s10 =	simm.s32 $0x600  }
0x5b: {  	[tilespmem:s10], [sflag:$0x5] =	stream.linear.gather [hbm4b:s13+s2], $0x80, $0x38;
	[tilespmem:$0x1C800] =	vst v63  }
0x5c: {  	s14 =	rddreg [dreg:$0x10];
	s13 =	simm.s32 $0x280  }
0x5d: {  	[tilespmem:s13], [sflag:$0x6] =	stream.linear.gather [hbm4b:s14+s2], $0x80, $0x38;
	[tilespmem:$0x1C800] =	vst v63  }
0x5e: {  	s15 =	rddreg [dreg:$0x11];
	s12 =	simm.s32 $0x680  }
0x5f: {  	[tilespmem:s12], [sflag:$0x6] =	stream.linear.gather [hbm4b:s15+s2], $0x80, $0x38;
	[tilespmem:$0x1C800] =	vst v63  }
0x60: {  	s16 =	rddreg [dreg:$0x12];
	s15 =	simm.s32 $0x300  }
0x61: {  	[tilespmem:s15], [sflag:$0x7] =	stream.linear.gather [hbm4b:s16+s2], $0x80, $0x38;
	[tilespmem:$0x1C800] =	vst v63  }
0x62: {  	s14 =	rddreg [dreg:$0x13];
	s16 =	simm.s32 $0x700  }
0x63: {  	[tilespmem:s16], [sflag:$0x7] =	stream.linear.gather [hbm4b:s14+s2], $0x80, $0x38;
	[tilespmem:$0x1C800] =	vst v63  }
0x64: {  	s6 =	rddreg [dreg:$0x14];
	s14 =	simm.s32 $0x380  }
0x65: {  	[tilespmem:s14], [sflag:$0x8] =	stream.linear.gather [hbm4b:s6+s2], $0x80, $0x38;
	[tilespmem:$0x1C800] =	vst v63  }
0x66: {  	s28 =	simm.s32 $0x780;
	s6 =	rddreg [dreg:$0x15]  }
0x67: {  	[tilespmem:s28], [sflag:$0x8] =	stream.linear.gather [hbm4b:s6+s2], $0x80, $0x38;
	[tilespmem:$0x1C800] =	vst v63  }
0x68: {  	s6 =	simm.s32 $0x1;
	[bflag:$0x0] =	sbarrier.arrive $0xFFFF  }
0x69: {  	_ =	swait.ge [sflag:s6], $0x80  }
0x6a: {  	[sflag:s6] =	ssyncset.done $0x0  }
0x6b: {  	[sflag:s6] =	ssyncadd.s32 $0xFFFFFF80  }
0x6c: {  	_ =	swait.ge [sflag:s6], $0x80  }
0x6d: {  	[sflag:s6] =	ssyncset.done $0x0  }
0x6e: {  	[sflag:s6] =	ssyncadd.s32 $0xFFFFFF80;
	s6 =	simm.s32 $0x2  }
0x6f: {  	[tilespmem:s20], [sflag:$0x9] =	stream.indirect.gather [hbm4b:s4+s0], $0x80, s3, s0, $0xb8;
	[tilespmem:$0x1C800] =	vst v63  }
0x70: {  	_ =	swait.ge [sflag:s6], $0x80  }
0x71: {  	[sflag:s6] =	ssyncset.done $0x0  }
0x72: {  	[sflag:s6] =	ssyncadd.s32 $0xFFFFFF80  }
0x73: {  	_ =	swait.ge [sflag:s6], $0x80  }
0x74: {  	[sflag:s6] =	ssyncset.done $0x0  }
0x75: {  	[sflag:s6] =	ssyncadd.s32 $0xFFFFFF80  }
0x76: {  	[tilespmem:s19], [sflag:$0xA] =	stream.indirect.gather [hbm4b:s4+s0], $0x80, s0, s0, $0xb8;
	[tilespmem:$0x1C800] =	vst v63  }
0x77: {  	_ =	swait.ge [sflag:s21], $0x4000  }
0x78: {  	[sflag:s21] =	ssyncset.done $0x0  }
0x79: {  	[sflag:s21] =	ssyncadd.s32 $0xFFFFC000  }
0x7a: {  	[spmem:s29] =	stream.indirect.scatter.add.f32 [tilespmem:s20], [sflag:$0xB], $0x80, s7, s0, $0xb8;
	[tilespmem:$0x1C800] =	vst v63  }
0x7b: {  	_ =	swait.ge [sflag:s30], $0x4000  }
0x7c: {  	[sflag:s30] =	ssyncset.done $0x0  }
0x7d: {  	s6 =	simm.s32 $0x3;
	[sflag:s30] =	ssyncadd.s32 $0xFFFFC000  }
0x7e: {  	_ =	swait.ge [sflag:s6], $0x80  }
0x7f: {  	[sflag:s6] =	ssyncset.done $0x0  }
0x80: {  	[sflag:s6] =	ssyncadd.s32 $0xFFFFFF80  }
0x81: {  	_ =	swait.ge [sflag:s6], $0x80  }
0x82: {  	[sflag:s6] =	ssyncset.done $0x0  }
0x83: {  	s2 =	rddreg [dreg:$0x3];
	[sflag:s6] =	ssyncadd.s32 $0xFFFFFF80  }
0x84: {  	[tilespmem:s20], [sflag:$0x9] =	stream.indirect.gather [hbm4b:s4+s0], $0x80, s24, s0, $0xb8;
	[tilespmem:$0x1C800] =	vst v63  }
0x85: {  	s31 =	rddreg [dreg:$0x4];
	s6 =	sadd.s32 $0x0, s2  }
0x86: {  	[tilespmem:s3], [sflag:$0x1] =	stream.linear.gather [hbm4b:s6+s3], $0x80, $0x38;
	[tilespmem:$0x1C800] =	vst v63  }
0x87: {  	s2 =	sadd.s32 $0x0, s31  }
0x88: {  	[tilespmem:s7], [sflag:$0x1] =	stream.linear.gather [hbm4b:s2+s3], $0x80, $0x38;
	[tilespmem:$0x1C800] =	vst v63  }
0x89: {  	_ =	swait.ge [sflag:s23], $0x4000  }
0x8a: {  	[sflag:s23] =	ssyncset.done $0x0  }
0x8b: {  	[sflag:s23] =	ssyncadd.s32 $0xFFFFC000  }
0x8c: {  	[spmem:s29] =	stream.indirect.scatter.add.f32 [tilespmem:s19], [sflag:$0xB], $0x80, s8, s0, $0xb8;
	[tilespmem:$0x1C800] =	vst v63  }
0x8d: {  	_ =	swait.ge [sflag:s30], $0x4000  }
0x8e: {  	[sflag:s30] =	ssyncset.done $0x0  }
0x8f: {  	[sflag:s30] =	ssyncadd.s32 $0xFFFFC000  }
0x90: {  	_ =	swait.ge [sflag:s25], $0x80  }
0x91: {  	[sflag:s25] =	ssyncset.done $0x0  }
0x92: {  	[sflag:s25] =	ssyncadd.s32 $0xFFFFFF80  }
0x93: {  	_ =	swait.ge [sflag:s25], $0x80  }
0x94: {  	[sflag:s25] =	ssyncset.done $0x0  }
0x95: {  	[sflag:s25] =	ssyncadd.s32 $0xFFFFFF80  }
0x96: {  	[tilespmem:s19], [sflag:$0xA] =	stream.indirect.gather [hbm4b:s4+s0], $0x80, s22, s0, $0xb8;
	[tilespmem:$0x1C800] =	vst v63  }
0x97: {  	s31 =	sadd.s32 $0x10, s6  }
0x98: {  	[tilespmem:s0], [sflag:$0x2] =	stream.linear.gather [hbm4b:s31+s3], $0x80, $0x38;
	[tilespmem:$0x1C800] =	vst v63  }
0x99: {  	s31 =	sadd.s32 $0x10, s2  }
0x9a: {  	[tilespmem:s8], [sflag:$0x2] =	stream.linear.gather [hbm4b:s31+s3], $0x80, $0x38;
	[tilespmem:$0x1C800] =	vst v63  }
0x9b: {  	_ =	swait.ge [sflag:s21], $0x4000  }
0x9c: {  	[sflag:s21] =	ssyncset.done $0x0  }
0x9d: {  	[sflag:s21] =	ssyncadd.s32 $0xFFFFC000  }
0x9e: {  	[spmem:s29] =	stream.indirect.scatter.add.f32 [tilespmem:s20], [sflag:$0xB], $0x80, s1, s0, $0xb8;
	[tilespmem:$0x1C800] =	vst v63  }
0x9f: {  	_ =	swait.ge [sflag:s30], $0x4000  }
0xa0: {  	[sflag:s30] =	ssyncset.done $0x0  }
0xa1: {  	[sflag:s30] =	ssyncadd.s32 $0xFFFFC000  }
0xa2: {  	_ =	swait.ge [sflag:s26], $0x80  }
0xa3: {  	[sflag:s26] =	ssyncset.done $0x0  }
0xa4: {  	[sflag:s26] =	ssyncadd.s32 $0xFFFFFF80  }
0xa5: {  	_ =	swait.ge [sflag:s26], $0x80  }
0xa6: {  	[sflag:s26] =	ssyncset.done $0x0  }
0xa7: {  	[sflag:s26] =	ssyncadd.s32 $0xFFFFFF80  }
0xa8: {  	[tilespmem:s20], [sflag:$0x9] =	stream.indirect.gather [hbm4b:s4+s0], $0x80, s11, s0, $0xb8;
	[tilespmem:$0x1C800] =	vst v63  }
0xa9: {  	s31 =	sadd.s32 $0x20, s6  }
0xaa: {  	[tilespmem:s24], [sflag:$0x3] =	stream.linear.gather [hbm4b:s31+s3], $0x80, $0x38;
	[tilespmem:$0x1C800] =	vst v63  }
0xab: {  	s31 =	sadd.s32 $0x20, s2  }
0xac: {  	[tilespmem:s1], [sflag:$0x3] =	stream.linear.gather [hbm4b:s31+s3], $0x80, $0x38;
	[tilespmem:$0x1C800] =	vst v63  }
0xad: {  	_ =	swait.ge [sflag:s23], $0x4000  }
0xae: {  	[sflag:s23] =	ssyncset.done $0x0  }
0xaf: {  	[sflag:s23] =	ssyncadd.s32 $0xFFFFC000  }
0xb0: {  	[spmem:s29] =	stream.indirect.scatter.add.f32 [tilespmem:s19], [sflag:$0xB], $0x80, s9, s0, $0xb8;
	[tilespmem:$0x1C800] =	vst v63  }
0xb1: {  	_ =	swait.ge [sflag:s30], $0x4000  }
0xb2: {  	[sflag:s30] =	ssyncset.done $0x0  }
0xb3: {  	[sflag:s30] =	ssyncadd.s32 $0xFFFFC000  }
0xb4: {  	_ =	swait.ge [sflag:s17], $0x80  }
0xb5: {  	[sflag:s17] =	ssyncset.done $0x0  }
0xb6: {  	[sflag:s17] =	ssyncadd.s32 $0xFFFFFF80  }
0xb7: {  	_ =	swait.ge [sflag:s17], $0x80  }
0xb8: {  	[sflag:s17] =	ssyncset.done $0x0  }
0xb9: {  	[sflag:s17] =	ssyncadd.s32 $0xFFFFFF80  }
0xba: {  	[tilespmem:s19], [sflag:$0xA] =	stream.indirect.gather [hbm4b:s4+s0], $0x80, s13, s0, $0xb8;
	[tilespmem:$0x1C800] =	vst v63  }
0xbb: {  	s31 =	sadd.s32 $0x30, s6  }
0xbc: {  	[tilespmem:s22], [sflag:$0x4] =	stream.linear.gather [hbm4b:s31+s3], $0x80, $0x38;
	[tilespmem:$0x1C800] =	vst v63  }
0xbd: {  	s31 =	sadd.s32 $0x30, s2  }
0xbe: {  	[tilespmem:s9], [sflag:$0x4] =	stream.linear.gather [hbm4b:s31+s3], $0x80, $0x38;
	[tilespmem:$0x1C800] =	vst v63  }
0xbf: {  	_ =	swait.ge [sflag:s21], $0x4000  }
0xc0: {  	[sflag:s21] =	ssyncset.done $0x0  }
0xc1: {  	[sflag:s21] =	ssyncadd.s32 $0xFFFFC000  }
0xc2: {  	[spmem:s29] =	stream.indirect.scatter.add.f32 [tilespmem:s20], [sflag:$0xB], $0x80, s10, s0, $0xb8;
	[tilespmem:$0x1C800] =	vst v63  }
0xc3: {  	_ =	swait.ge [sflag:s30], $0x4000  }
0xc4: {  	[sflag:s30] =	ssyncset.done $0x0  }
0xc5: {  	[sflag:s30] =	ssyncadd.s32 $0xFFFFC000  }
0xc6: {  	_ =	swait.ge [sflag:s5], $0x80  }
0xc7: {  	[sflag:s5] =	ssyncset.done $0x0  }
0xc8: {  	[sflag:s5] =	ssyncadd.s32 $0xFFFFFF80  }
0xc9: {  	_ =	swait.ge [sflag:s5], $0x80  }
0xca: {  	[sflag:s5] =	ssyncset.done $0x0  }
0xcb: {  	[sflag:s5] =	ssyncadd.s32 $0xFFFFFF80  }
0xcc: {  	[tilespmem:s20], [sflag:$0x9] =	stream.indirect.gather [hbm4b:s4+s0], $0x80, s15, s0, $0xb8;
	[tilespmem:$0x1C800] =	vst v63  }
0xcd: {  	s31 =	sadd.s32 $0x40, s6  }
0xce: {  	[tilespmem:s11], [sflag:$0x5] =	stream.linear.gather [hbm4b:s31+s3], $0x80, $0x38;
	[tilespmem:$0x1C800] =	vst v63  }
0xcf: {  	s31 =	sadd.s32 $0x40, s2  }
0xd0: {  	[tilespmem:s10], [sflag:$0x5] =	stream.linear.gather [hbm4b:s31+s3], $0x80, $0x38;
	[tilespmem:$0x1C800] =	vst v63  }
0xd1: {  	_ =	swait.ge [sflag:s23], $0x4000  }
0xd2: {  	[sflag:s23] =	ssyncset.done $0x0  }
0xd3: {  	[sflag:s23] =	ssyncadd.s32 $0xFFFFC000  }
0xd4: {  	[spmem:s29] =	stream.indirect.scatter.add.f32 [tilespmem:s19], [sflag:$0xB], $0x80, s12, s0, $0xb8;
	[tilespmem:$0x1C800] =	vst v63  }
0xd5: {  	_ =	swait.ge [sflag:s30], $0x4000  }
0xd6: {  	[sflag:s30] =	ssyncset.done $0x0  }
0xd7: {  	[sflag:s30] =	ssyncadd.s32 $0xFFFFC000  }
0xd8: {  	_ =	swait.ge [sflag:s18], $0x80  }
0xd9: {  	[sflag:s18] =	ssyncset.done $0x0  }
0xda: {  	[sflag:s18] =	ssyncadd.s32 $0xFFFFFF80  }
0xdb: {  	_ =	swait.ge [sflag:s18], $0x80  }
0xdc: {  	[sflag:s18] =	ssyncset.done $0x0  }
0xdd: {  	[sflag:s18] =	ssyncadd.s32 $0xFFFFFF80  }
0xde: {  	[tilespmem:s19], [sflag:$0xA] =	stream.indirect.gather [hbm4b:s4+s0], $0x80, s14, s0, $0xb8;
	[tilespmem:$0x1C800] =	vst v63  }
0xdf: {  	s31 =	sadd.s32 $0x50, s6  }
0xe0: {  	[tilespmem:s13], [sflag:$0x6] =	stream.linear.gather [hbm4b:s31+s3], $0x80, $0x38;
	[tilespmem:$0x1C800] =	vst v63  }
0xe1: {  	s31 =	sadd.s32 $0x50, s2  }
0xe2: {  	[tilespmem:s12], [sflag:$0x6] =	stream.linear.gather [hbm4b:s31+s3], $0x80, $0x38;
	[tilespmem:$0x1C800] =	vst v63  }
0xe3: {  	_ =	swait.ge [sflag:s21], $0x4000  }
0xe4: {  	[sflag:s21] =	ssyncset.done $0x0  }
0xe5: {  	[sflag:s21] =	ssyncadd.s32 $0xFFFFC000  }
0xe6: {  	[spmem:s29] =	stream.indirect.scatter.add.f32 [tilespmem:s20], [sflag:$0xB], $0x80, s16, s0, $0xb8;
	[tilespmem:$0x1C800] =	vst v63  }
0xe7: {  	_ =	swait.ge [sflag:s30], $0x4000  }
0xe8: {  	[sflag:s30] =	ssyncset.done $0x0  }
0xe9: {  	s31 =	sadd.s32 $0x60, s6;
	[sflag:s30] =	ssyncadd.s32 $0xFFFFC000  }
0xea: {  	[tilespmem:s15], [sflag:$0x7] =	stream.linear.gather [hbm4b:s31+s3], $0x80, $0x38;
	[tilespmem:$0x1C800] =	vst v63  }
0xeb: {  	s31 =	sadd.s32 $0x60, s2  }
0xec: {  	[tilespmem:s16], [sflag:$0x7] =	stream.linear.gather [hbm4b:s31+s3], $0x80, $0x38;
	[tilespmem:$0x1C800] =	vst v63  }
0xed: {  	_ =	swait.ge [sflag:s23], $0x4000  }
0xee: {  	[sflag:s23] =	ssyncset.done $0x0  }
0xef: {  	s5 =	simm.s32 $0x7;
	[sflag:s23] =	ssyncadd.s32 $0xFFFFC000  }
0xf0: {  	[spmem:s29] =	stream.indirect.scatter.add.f32 [tilespmem:s19], [sflag:$0xB], $0x80, s28, s0, $0xb8;
	[tilespmem:$0x1C800] =	vst v63  }
0xf1: {  	s6 =	sadd.s32 $0x70, s6;
	s2 =	sadd.s32 $0x70, s2;
	_ =	swait.ge [sflag:s30], $0x4000  }
0xf2: {  	s31 =	simm.s32 $0x80;
	s16 =	simm.s32 $0x8;
	[sflag:s30] =	ssyncset.done $0x0  }
0xf3: {  	s19 =	simm.s32 $0x4800;
	s28 =	simm.s32 $0x6;
	[sflag:s30] =	ssyncadd.s32 $0xFFFFC000  }
0xf4: {  	[tilespmem:s14], [sflag:$0x8] =	stream.linear.gather [hbm4b:s6+s3], $0x80, $0x38;
	[tilespmem:$0x1C800] =	vst v63  }
.LBB2_4:
0xf5: {  	s1 =	simm.s32 $0x780;
	s9 =	simm.s32 $0x1  }
0xf6: {  	[tilespmem:s1], [sflag:$0x8] =	stream.linear.gather [hbm4b:s2+s3], $0x80, $0x38;
	[tilespmem:$0x1C800] =	vst v63  }
0xf7: {  	_ =	swait.ge [sflag:s9], $0x80  }
0xf8: {  	[sflag:s9] =	ssyncset.done $0x0  }
0xf9: {  	[sflag:s9] =	ssyncadd.s32 $0xFFFFFF80  }
0xfa: {  	_ =	swait.ge [sflag:s9], $0x80  }
0xfb: {  	[sflag:s9] =	ssyncset.done $0x0  }
0xfc: {  	s10 =	simm.s32 $0x2;
	[sflag:s9] =	ssyncadd.s32 $0xFFFFFF80  }
0xfd: {  	[tilespmem:s20], [sflag:$0x9] =	stream.indirect.gather [hbm4b:s4+s0], $0x80, s3, s0, $0xb8;
	[tilespmem:$0x1C800] =	vst v63  }
0xfe: {  	_ =	swait.ge [sflag:s10], $0x80  }
0xff: {  	[sflag:s10] =	ssyncset.done $0x0  }
0x100: {  	[sflag:s10] =	ssyncadd.s32 $0xFFFFFF80  }
0x101: {  	_ =	swait.ge [sflag:s10], $0x80  }
0x102: {  	[sflag:s10] =	ssyncset.done $0x0  }
0x103: {  	[sflag:s10] =	ssyncadd.s32 $0xFFFFFF80  }
0x104: {  	[tilespmem:s19], [sflag:$0xA] =	stream.indirect.gather [hbm4b:s4+s0], $0x80, s0, s0, $0xb8;
	[tilespmem:$0x1C800] =	vst v63  }
0x105: {  	_ =	swait.ge [sflag:s21], $0x4000  }
0x106: {  	[sflag:s21] =	ssyncset.done $0x0  }
0x107: {  	[sflag:s21] =	ssyncadd.s32 $0xFFFFC000  }
0x108: {  	[spmem:s29] =	stream.indirect.scatter.add.f32 [tilespmem:s20], [sflag:$0xB], $0x80, s7, s0, $0xb8;
	[tilespmem:$0x1C800] =	vst v63  }
0x109: {  	_ =	swait.ge [sflag:s30], $0x4000  }
0x10a: {  	[sflag:s30] =	ssyncset.done $0x0  }
0x10b: {  	s11 =	simm.s32 $0x3;
	[sflag:s30] =	ssyncadd.s32 $0xFFFFC000  }
0x10c: {  	_ =	swait.ge [sflag:s11], $0x80  }
0x10d: {  	[sflag:s11] =	ssyncset.done $0x0  }
0x10e: {  	[sflag:s11] =	ssyncadd.s32 $0xFFFFFF80  }
0x10f: {  	_ =	swait.ge [sflag:s11], $0x80  }
0x110: {  	s6 =	smov.u32 s31;
	[sflag:s11] =	ssyncset.done $0x0  }
0x111: {  	s14 =	simm.s32 $0x100;
	s12 =	rddreg [dreg:$0x3];
	[sflag:s11] =	ssyncadd.s32 $0xFFFFFF80  }
0x112: {  	[tilespmem:s20], [sflag:$0x9] =	stream.indirect.gather [hbm4b:s4+s0], $0x80, s14, s0, $0xb8;
	[tilespmem:$0x1C800] =	vst v63  }
0x113: {  	s13 =	rddreg [dreg:$0x4];
	s2 =	sadd.s32 s6, s12  }
0x114: {  	[tilespmem:s3], [sflag:$0x1] =	stream.linear.gather [hbm4b:s2+s3], $0x80, $0x38;
	[tilespmem:$0x1C800] =	vst v63  }
0x115: {  	s8 =	simm.s32 $0x400;
	s6 =	sadd.s32 s6, s13  }
0x116: {  	[tilespmem:s8], [sflag:$0x1] =	stream.linear.gather [hbm4b:s6+s3], $0x80, $0x38;
	[tilespmem:$0x1C800] =	vst v63  }
0x117: {  	_ =	swait.ge [sflag:s23], $0x4000  }
0x118: {  	[sflag:s23] =	ssyncset.done $0x0  }
0x119: {  	s8 =	simm.s32 $0x480;
	[sflag:s23] =	ssyncadd.s32 $0xFFFFC000  }
0x11a: {  	[spmem:s29] =	stream.indirect.scatter.add.f32 [tilespmem:s19], [sflag:$0xB], $0x80, s8, s0, $0xb8;
	[tilespmem:$0x1C800] =	vst v63  }
0x11b: {  	_ =	swait.ge [sflag:s30], $0x4000  }
0x11c: {  	[sflag:s30] =	ssyncset.done $0x0  }
0x11d: {  	[sflag:s30] =	ssyncadd.s32 $0xFFFFC000  }
0x11e: {  	_ =	swait.ge [sflag:s25], $0x80  }
0x11f: {  	[sflag:s25] =	ssyncset.done $0x0  }
0x120: {  	[sflag:s25] =	ssyncadd.s32 $0xFFFFFF80  }
0x121: {  	_ =	swait.ge [sflag:s25], $0x80  }
0x122: {  	[sflag:s25] =	ssyncset.done $0x0  }
0x123: {  	s12 =	simm.s32 $0x180;
	[sflag:s25] =	ssyncadd.s32 $0xFFFFFF80  }
0x124: {  	[tilespmem:s19], [sflag:$0xA] =	stream.indirect.gather [hbm4b:s4+s0], $0x80, s12, s0, $0xb8;
	[tilespmem:$0x1C800] =	vst v63  }
0x125: {  	s15 =	sadd.s32 $0x10, s2  }
0x126: {  	[tilespmem:s0], [sflag:$0x2] =	stream.linear.gather [hbm4b:s15+s3], $0x80, $0x38;
	[tilespmem:$0x1C800] =	vst v63  }
0x127: {  	s17 =	sadd.s32 $0x10, s6  }
0x128: {  	[tilespmem:s8], [sflag:$0x2] =	stream.linear.gather [hbm4b:s17+s3], $0x80, $0x38;
	[tilespmem:$0x1C800] =	vst v63  }
0x129: {  	_ =	swait.ge [sflag:s21], $0x4000  }
0x12a: {  	[sflag:s21] =	ssyncset.done $0x0  }
0x12b: {  	s9 =	simm.s32 $0x500;
	[sflag:s21] =	ssyncadd.s32 $0xFFFFC000  }
0x12c: {  	[spmem:s29] =	stream.indirect.scatter.add.f32 [tilespmem:s20], [sflag:$0xB], $0x80, s9, s0, $0xb8;
	[tilespmem:$0x1C800] =	vst v63  }
0x12d: {  	_ =	swait.ge [sflag:s30], $0x4000  }
0x12e: {  	[sflag:s30] =	ssyncset.done $0x0  }
0x12f: {  	[sflag:s30] =	ssyncadd.s32 $0xFFFFC000  }
0x130: {  	_ =	swait.ge [sflag:s26], $0x80  }
0x131: {  	[sflag:s26] =	ssyncset.done $0x0  }
0x132: {  	[sflag:s26] =	ssyncadd.s32 $0xFFFFFF80  }
0x133: {  	_ =	swait.ge [sflag:s26], $0x80  }
0x134: {  	[sflag:s26] =	ssyncset.done $0x0  }
0x135: {  	s11 =	simm.s32 $0x200;
	[sflag:s26] =	ssyncadd.s32 $0xFFFFFF80  }
0x136: {  	[tilespmem:s20], [sflag:$0x9] =	stream.indirect.gather [hbm4b:s4+s0], $0x80, s11, s0, $0xb8;
	[tilespmem:$0x1C800] =	vst v63  }
0x137: {  	s18 =	sadd.s32 $0x20, s2  }
0x138: {  	[tilespmem:s14], [sflag:$0x3] =	stream.linear.gather [hbm4b:s18+s3], $0x80, $0x38;
	[tilespmem:$0x1C800] =	vst v63  }
0x139: {  	s22 =	sadd.s32 $0x20, s6  }
0x13a: {  	[tilespmem:s9], [sflag:$0x3] =	stream.linear.gather [hbm4b:s22+s3], $0x80, $0x38;
	[tilespmem:$0x1C800] =	vst v63  }
0x13b: {  	_ =	swait.ge [sflag:s23], $0x4000  }
0x13c: {  	[sflag:s23] =	ssyncset.done $0x0  }
0x13d: {  	s10 =	simm.s32 $0x580;
	[sflag:s23] =	ssyncadd.s32 $0xFFFFC000  }
0x13e: {  	[spmem:s29] =	stream.indirect.scatter.add.f32 [tilespmem:s19], [sflag:$0xB], $0x80, s10, s0, $0xb8;
	[tilespmem:$0x1C800] =	vst v63  }
0x13f: {  	_ =	swait.ge [sflag:s30], $0x4000  }
0x140: {  	[sflag:s30] =	ssyncset.done $0x0  }
0x141: {  	[sflag:s30] =	ssyncadd.s32 $0xFFFFC000  }
0x142: {  	_ =	swait.ge [sflag:s28], $0x80  }
0x143: {  	[sflag:s28] =	ssyncset.done $0x0  }
0x144: {  	[sflag:s28] =	ssyncadd.s32 $0xFFFFFF80  }
0x145: {  	_ =	swait.ge [sflag:s28], $0x80  }
0x146: {  	[sflag:s28] =	ssyncset.done $0x0  }
0x147: {  	s13 =	simm.s32 $0x280;
	[sflag:s28] =	ssyncadd.s32 $0xFFFFFF80  }
0x148: {  	[tilespmem:s19], [sflag:$0xA] =	stream.indirect.gather [hbm4b:s4+s0], $0x80, s13, s0, $0xb8;
	[tilespmem:$0x1C800] =	vst v63  }
0x149: {  	s9 =	sadd.s32 $0x30, s2  }
0x14a: {  	[tilespmem:s12], [sflag:$0x4] =	stream.linear.gather [hbm4b:s9+s3], $0x80, $0x38;
	[tilespmem:$0x1C800] =	vst v63  }
0x14b: {  	s14 =	sadd.s32 $0x30, s6  }
0x14c: {  	[tilespmem:s10], [sflag:$0x4] =	stream.linear.gather [hbm4b:s14+s3], $0x80, $0x38;
	[tilespmem:$0x1C800] =	vst v63  }
0x14d: {  	_ =	swait.ge [sflag:s21], $0x4000  }
0x14e: {  	[sflag:s21] =	ssyncset.done $0x0  }
0x14f: {  	s15 =	simm.s32 $0x600;
	[sflag:s21] =	ssyncadd.s32 $0xFFFFC000  }
0x150: {  	[spmem:s29] =	stream.indirect.scatter.add.f32 [tilespmem:s20], [sflag:$0xB], $0x80, s15, s0, $0xb8;
	[tilespmem:$0x1C800] =	vst v63  }
0x151: {  	_ =	swait.ge [sflag:s30], $0x4000  }
0x152: {  	[sflag:s30] =	ssyncset.done $0x0  }
0x153: {  	[sflag:s30] =	ssyncadd.s32 $0xFFFFC000  }
0x154: {  	_ =	swait.ge [sflag:s5], $0x80  }
0x155: {  	[sflag:s5] =	ssyncset.done $0x0  }
0x156: {  	[sflag:s5] =	ssyncadd.s32 $0xFFFFFF80  }
0x157: {  	_ =	swait.ge [sflag:s5], $0x80  }
0x158: {  	[sflag:s5] =	ssyncset.done $0x0  }
0x159: {  	s17 =	simm.s32 $0x300;
	[sflag:s5] =	ssyncadd.s32 $0xFFFFFF80  }
0x15a: {  	[tilespmem:s20], [sflag:$0x9] =	stream.indirect.gather [hbm4b:s4+s0], $0x80, s17, s0, $0xb8;
	[tilespmem:$0x1C800] =	vst v63  }
0x15b: {  	s10 =	sadd.s32 $0x40, s2  }
0x15c: {  	[tilespmem:s11], [sflag:$0x5] =	stream.linear.gather [hbm4b:s10+s3], $0x80, $0x38;
	[tilespmem:$0x1C800] =	vst v63  }
0x15d: {  	s11 =	sadd.s32 $0x40, s6  }
0x15e: {  	[tilespmem:s15], [sflag:$0x5] =	stream.linear.gather [hbm4b:s11+s3], $0x80, $0x38;
	[tilespmem:$0x1C800] =	vst v63  }
0x15f: {  	_ =	swait.ge [sflag:s23], $0x4000  }
0x160: {  	[sflag:s23] =	ssyncset.done $0x0  }
0x161: {  	s14 =	simm.s32 $0x680;
	[sflag:s23] =	ssyncadd.s32 $0xFFFFC000  }
0x162: {  	[spmem:s29] =	stream.indirect.scatter.add.f32 [tilespmem:s19], [sflag:$0xB], $0x80, s14, s0, $0xb8;
	[tilespmem:$0x1C800] =	vst v63  }
0x163: {  	_ =	swait.ge [sflag:s30], $0x4000  }
0x164: {  	[sflag:s30] =	ssyncset.done $0x0  }
0x165: {  	[sflag:s30] =	ssyncadd.s32 $0xFFFFC000  }
0x166: {  	_ =	swait.ge [sflag:s16], $0x80  }
0x167: {  	[sflag:s16] =	ssyncset.done $0x0  }
0x168: {  	[sflag:s16] =	ssyncadd.s32 $0xFFFFFF80  }
0x169: {  	_ =	swait.ge [sflag:s16], $0x80  }
0x16a: {  	[sflag:s16] =	ssyncset.done $0x0  }
0x16b: {  	s15 =	simm.s32 $0x380;
	[sflag:s16] =	ssyncadd.s32 $0xFFFFFF80  }
0x16c: {  	[tilespmem:s19], [sflag:$0xA] =	stream.indirect.gather [hbm4b:s4+s0], $0x80, s15, s0, $0xb8;
	[tilespmem:$0x1C800] =	vst v63  }
0x16d: {  	s12 =	sadd.s32 $0x50, s2  }
0x16e: {  	[tilespmem:s13], [sflag:$0x6] =	stream.linear.gather [hbm4b:s12+s3], $0x80, $0x38;
	[tilespmem:$0x1C800] =	vst v63  }
0x16f: {  	s13 =	sadd.s32 $0x50, s6  }
0x170: {  	[tilespmem:s14], [sflag:$0x6] =	stream.linear.gather [hbm4b:s13+s3], $0x80, $0x38;
	[tilespmem:$0x1C800] =	vst v63  }
0x171: {  	_ =	swait.ge [sflag:s21], $0x4000  }
0x172: {  	[sflag:s21] =	ssyncset.done $0x0  }
0x173: {  	s14 =	simm.s32 $0x700;
	[sflag:s21] =	ssyncadd.s32 $0xFFFFC000  }
0x174: {  	[spmem:s29] =	stream.indirect.scatter.add.f32 [tilespmem:s20], [sflag:$0xB], $0x80, s14, s0, $0xb8;
	[tilespmem:$0x1C800] =	vst v63  }
0x175: {  	_ =	swait.ge [sflag:s30], $0x4000  }
0x176: {  	[sflag:s30] =	ssyncset.done $0x0  }
0x177: {  	p0 =	sne.s32 s31, $0x400;
	s7 =	sadd.s32 $0x60, s2;
	[sflag:s30] =	ssyncadd.s32 $0xFFFFC000  }
0x178: {  	[tilespmem:s17], [sflag:$0x7] =	stream.linear.gather [hbm4b:s7+s3], $0x80, $0x38;
	[tilespmem:$0x1C800] =	vst v63  }
0x179: {  	s31 =	sadd.s32 $0x80, s31;
	s24 =	simm.s32 $0x100;
	s7 =	sadd.s32 $0x60, s6  }
0x17a: {  	[tilespmem:s14], [sflag:$0x7] =	stream.linear.gather [hbm4b:s7+s3], $0x80, $0x38;
	[tilespmem:$0x1C800] =	vst v63  }
0x17b: {  	s1 =	simm.s32 $0x500;
	s18 =	simm.s32 $0x200;
	_ =	swait.ge [sflag:s23], $0x4000  }
0x17c: {  	s22 =	simm.s32 $0x180;
	s9 =	simm.s32 $0x580;
	[sflag:s23] =	ssyncset.done $0x0  }
0x17d: {  	s2 =	sadd.s32 $0x70, s2;
	s14 =	simm.s32 $0x780;
	[sflag:s23] =	ssyncadd.s32 $0xFFFFC000  }
0x17e: {  	[spmem:s29] =	stream.indirect.scatter.add.f32 [tilespmem:s19], [sflag:$0xB], $0x80, s14, s0, $0xb8;
	[tilespmem:$0x1C800] =	vst v63  }
.Ltmp1:
0x17f: {  	s10 =	simm.s32 $0x600;
	_ =	swait.ge [sflag:s30], $0x4000;
	(pc) =	sbr.rel @p0 .LBB2_4-.Ltmp1, $4  }
0x180: {  	s11 =	simm.s32 $0x280;
	s12 =	simm.s32 $0x680;
	[sflag:s30] =	ssyncset.done $0x0  }
0x181: {  	s13 =	simm.s32 $0x300;
	s17 =	simm.s32 $0x700;
	[sflag:s30] =	ssyncadd.s32 $0xFFFFC000  }
0x182: {  	[tilespmem:s15], [sflag:$0x8] =	stream.linear.gather [hbm4b:s2+s3], $0x80, $0x38;
	[tilespmem:$0x1C800] =	vst v63  }
0x183: {  	s7 =	simm.s32 $0x400;
	s14 =	simm.s32 $0x380;
	s2 =	sadd.s32 $0x70, s6  }
0x184: {  	s6 =	simm.s32 $0x780;
	s15 =	simm.s32 $0x1  }
0x185: {  	[tilespmem:s6], [sflag:$0x8] =	stream.linear.gather [hbm4b:s2+s3], $0x80, $0x38;
	[tilespmem:$0x1C800] =	vst v63  }
0x186: {  	_ =	swait.ge [sflag:s15], $0x80  }
0x187: {  	[sflag:s15] =	ssyncset.done $0x0  }
0x188: {  	[sflag:s15] =	ssyncadd.s32 $0xFFFFFF80  }
0x189: {  	_ =	swait.ge [sflag:s15], $0x80  }
0x18a: {  	[sflag:s15] =	ssyncset.done $0x0  }
0x18b: {  	[sflag:s15] =	ssyncadd.s32 $0xFFFFFF80;
	s15 =	simm.s32 $0x2  }
0x18c: {  	[tilespmem:s20], [sflag:$0x9] =	stream.indirect.gather [hbm4b:s4+s0], $0x80, s3, s0, $0xb8;
	[tilespmem:$0x1C800] =	vst v63  }
0x18d: {  	_ =	swait.ge [sflag:s15], $0x80  }
0x18e: {  	[sflag:s15] =	ssyncset.done $0x0  }
0x18f: {  	[sflag:s15] =	ssyncadd.s32 $0xFFFFFF80  }
0x190: {  	_ =	swait.ge [sflag:s15], $0x80  }
0x191: {  	[sflag:s15] =	ssyncset.done $0x0  }
0x192: {  	[sflag:s15] =	ssyncadd.s32 $0xFFFFFF80  }
0x193: {  	[tilespmem:s19], [sflag:$0xA] =	stream.indirect.gather [hbm4b:s4+s0], $0x80, s0, s0, $0xb8;
	[tilespmem:$0x1C800] =	vst v63  }
0x194: {  	_ =	swait.ge [sflag:s21], $0x4000  }
0x195: {  	[sflag:s21] =	ssyncset.done $0x0  }
0x196: {  	[sflag:s21] =	ssyncadd.s32 $0xFFFFC000  }
0x197: {  	[spmem:s29] =	stream.indirect.scatter.add.f32 [tilespmem:s20], [sflag:$0xB], $0x80, s7, s0, $0xb8;
	[tilespmem:$0x1C800] =	vst v63  }
0x198: {  	_ =	swait.ge [sflag:s30], $0x4000  }
0x199: {  	[sflag:s30] =	ssyncset.done $0x0  }
0x19a: {  	s15 =	simm.s32 $0x3;
	[sflag:s30] =	ssyncadd.s32 $0xFFFFC000  }
0x19b: {  	_ =	swait.ge [sflag:s15], $0x80  }
0x19c: {  	[sflag:s15] =	ssyncset.done $0x0  }
0x19d: {  	[sflag:s15] =	ssyncadd.s32 $0xFFFFFF80  }
0x19e: {  	_ =	swait.ge [sflag:s15], $0x80  }
0x19f: {  	[sflag:s15] =	ssyncset.done $0x0  }
0x1a0: {  	[sflag:s15] =	ssyncadd.s32 $0xFFFFFF80  }
0x1a1: {  	[tilespmem:s20], [sflag:$0x9] =	stream.indirect.gather [hbm4b:s4+s0], $0x80, s24, s0, $0xb8;
	[tilespmem:$0x1C800] =	vst v63  }
0x1a2: {  	_ =	swait.ge [sflag:s23], $0x4000  }
0x1a3: {  	[sflag:s23] =	ssyncset.done $0x0  }
0x1a4: {  	[sflag:s23] =	ssyncadd.s32 $0xFFFFC000  }
0x1a5: {  	[spmem:s29] =	stream.indirect.scatter.add.f32 [tilespmem:s19], [sflag:$0xB], $0x80, s8, s0, $0xb8;
	[tilespmem:$0x1C800] =	vst v63  }
0x1a6: {  	_ =	swait.ge [sflag:s30], $0x4000  }
0x1a7: {  	[sflag:s30] =	ssyncset.done $0x0  }
0x1a8: {  	[sflag:s30] =	ssyncadd.s32 $0xFFFFC000  }
0x1a9: {  	_ =	swait.ge [sflag:s25], $0x80  }
0x1aa: {  	[sflag:s25] =	ssyncset.done $0x0  }
0x1ab: {  	[sflag:s25] =	ssyncadd.s32 $0xFFFFFF80  }
0x1ac: {  	_ =	swait.ge [sflag:s25], $0x80  }
0x1ad: {  	[sflag:s25] =	ssyncset.done $0x0  }
0x1ae: {  	[sflag:s25] =	ssyncadd.s32 $0xFFFFFF80  }
0x1af: {  	[tilespmem:s19], [sflag:$0xA] =	stream.indirect.gather [hbm4b:s4+s0], $0x80, s22, s0, $0xb8;
	[tilespmem:$0x1C800] =	vst v63  }
0x1b0: {  	_ =	swait.ge [sflag:s21], $0x4000  }
0x1b1: {  	[sflag:s21] =	ssyncset.done $0x0  }
0x1b2: {  	[sflag:s21] =	ssyncadd.s32 $0xFFFFC000  }
0x1b3: {  	[spmem:s29] =	stream.indirect.scatter.add.f32 [tilespmem:s20], [sflag:$0xB], $0x80, s1, s0, $0xb8;
	[tilespmem:$0x1C800] =	vst v63  }
0x1b4: {  	_ =	swait.ge [sflag:s30], $0x4000  }
0x1b5: {  	[sflag:s30] =	ssyncset.done $0x0  }
0x1b6: {  	[sflag:s30] =	ssyncadd.s32 $0xFFFFC000  }
0x1b7: {  	_ =	swait.ge [sflag:s26], $0x80  }
0x1b8: {  	[sflag:s26] =	ssyncset.done $0x0  }
0x1b9: {  	[sflag:s26] =	ssyncadd.s32 $0xFFFFFF80  }
0x1ba: {  	_ =	swait.ge [sflag:s26], $0x80  }
0x1bb: {  	[sflag:s26] =	ssyncset.done $0x0  }
0x1bc: {  	[sflag:s26] =	ssyncadd.s32 $0xFFFFFF80  }
0x1bd: {  	[tilespmem:s20], [sflag:$0x9] =	stream.indirect.gather [hbm4b:s4+s0], $0x80, s18, s0, $0xb8;
	[tilespmem:$0x1C800] =	vst v63  }
0x1be: {  	_ =	swait.ge [sflag:s23], $0x4000  }
0x1bf: {  	[sflag:s23] =	ssyncset.done $0x0  }
0x1c0: {  	[sflag:s23] =	ssyncadd.s32 $0xFFFFC000  }
0x1c1: {  	[spmem:s29] =	stream.indirect.scatter.add.f32 [tilespmem:s19], [sflag:$0xB], $0x80, s9, s0, $0xb8;
	[tilespmem:$0x1C800] =	vst v63  }
0x1c2: {  	_ =	swait.ge [sflag:s30], $0x4000  }
0x1c3: {  	[sflag:s30] =	ssyncset.done $0x0  }
0x1c4: {  	[sflag:s30] =	ssyncadd.s32 $0xFFFFC000  }
0x1c5: {  	_ =	swait.ge [sflag:s28], $0x80  }
0x1c6: {  	[sflag:s28] =	ssyncset.done $0x0  }
0x1c7: {  	[sflag:s28] =	ssyncadd.s32 $0xFFFFFF80  }
0x1c8: {  	_ =	swait.ge [sflag:s28], $0x80  }
0x1c9: {  	[sflag:s28] =	ssyncset.done $0x0  }
0x1ca: {  	[sflag:s28] =	ssyncadd.s32 $0xFFFFFF80  }
0x1cb: {  	[tilespmem:s19], [sflag:$0xA] =	stream.indirect.gather [hbm4b:s4+s0], $0x80, s11, s0, $0xb8;
	[tilespmem:$0x1C800] =	vst v63  }
0x1cc: {  	_ =	swait.ge [sflag:s21], $0x4000  }
0x1cd: {  	[sflag:s21] =	ssyncset.done $0x0  }
0x1ce: {  	[sflag:s21] =	ssyncadd.s32 $0xFFFFC000  }
0x1cf: {  	[spmem:s29] =	stream.indirect.scatter.add.f32 [tilespmem:s20], [sflag:$0xB], $0x80, s10, s0, $0xb8;
	[tilespmem:$0x1C800] =	vst v63  }
0x1d0: {  	_ =	swait.ge [sflag:s30], $0x4000  }
0x1d1: {  	[sflag:s30] =	ssyncset.done $0x0  }
0x1d2: {  	[sflag:s30] =	ssyncadd.s32 $0xFFFFC000  }
0x1d3: {  	_ =	swait.ge [sflag:s5], $0x80  }
0x1d4: {  	[sflag:s5] =	ssyncset.done $0x0  }
0x1d5: {  	[sflag:s5] =	ssyncadd.s32 $0xFFFFFF80  }
0x1d6: {  	_ =	swait.ge [sflag:s5], $0x80  }
0x1d7: {  	[sflag:s5] =	ssyncset.done $0x0  }
0x1d8: {  	[sflag:s5] =	ssyncadd.s32 $0xFFFFFF80  }
0x1d9: {  	[tilespmem:s20], [sflag:$0x9] =	stream.indirect.gather [hbm4b:s4+s0], $0x80, s13, s0, $0xb8;
	[tilespmem:$0x1C800] =	vst v63  }
0x1da: {  	_ =	swait.ge [sflag:s23], $0x4000  }
0x1db: {  	[sflag:s23] =	ssyncset.done $0x0  }
0x1dc: {  	[sflag:s23] =	ssyncadd.s32 $0xFFFFC000  }
0x1dd: {  	[spmem:s29] =	stream.indirect.scatter.add.f32 [tilespmem:s19], [sflag:$0xB], $0x80, s12, s0, $0xb8;
	[tilespmem:$0x1C800] =	vst v63  }
0x1de: {  	_ =	swait.ge [sflag:s30], $0x4000  }
0x1df: {  	[sflag:s30] =	ssyncset.done $0x0  }
0x1e0: {  	[sflag:s30] =	ssyncadd.s32 $0xFFFFC000  }
0x1e1: {  	_ =	swait.ge [sflag:s16], $0x80  }
0x1e2: {  	[sflag:s16] =	ssyncset.done $0x0  }
0x1e3: {  	[sflag:s16] =	ssyncadd.s32 $0xFFFFFF80  }
0x1e4: {  	_ =	swait.ge [sflag:s16], $0x80  }
0x1e5: {  	[sflag:s16] =	ssyncset.done $0x0  }
0x1e6: {  	[sflag:s16] =	ssyncadd.s32 $0xFFFFFF80  }
0x1e7: {  	[tilespmem:s19], [sflag:$0xA] =	stream.indirect.gather [hbm4b:s4+s0], $0x80, s14, s0, $0xb8;
	[tilespmem:$0x1C800] =	vst v63  }
0x1e8: {  	_ =	swait.ge [sflag:s21], $0x4000  }
0x1e9: {  	[sflag:s21] =	ssyncset.done $0x0  }
0x1ea: {  	[sflag:s21] =	ssyncadd.s32 $0xFFFFC000  }
0x1eb: {  	[spmem:s29] =	stream.indirect.scatter.add.f32 [tilespmem:s20], [sflag:$0xB], $0x80, s17, s0, $0xb8;
	[tilespmem:$0x1C800] =	vst v63  }
0x1ec: {  	_ =	swait.ge [sflag:s30], $0x4000  }
0x1ed: {  	[sflag:s30] =	ssyncset.done $0x0  }
0x1ee: {  	[sflag:s30] =	ssyncadd.s32 $0xFFFFC000  }
0x1ef: {  	_ =	swait.ge [sflag:s23], $0x4000  }
0x1f0: {  	[sflag:s23] =	ssyncset.done $0x0  }
0x1f1: {  	[sflag:s23] =	ssyncadd.s32 $0xFFFFC000  }
0x1f2: {  	[spmem:s29] =	stream.indirect.scatter.add.f32 [tilespmem:s19], [sflag:$0xB], $0x80, s6, s0, $0xb8;
	[tilespmem:$0x1C800] =	vst v63  }
0x1f3: {  	_ =	swait.ge [sflag:s30], $0x4000  }
0x1f4: {  	[sflag:s30] =	ssyncset.done $0x0  }
0x1f5: {  	[sflag:s30] =	ssyncadd.s32 $0xFFFFC000  }
0x1f6: {  	s18 =	stileid.u32;
	[bflag:$0x0] =	sbarrier.arrive $0xFFFF  }
0x1f7: {  	s2 =	sshll.u32 s18, $0x6;
	s31 =	rddreg [dreg:$0x5]  }
0x1f8: {  	s2 =	sor.u32 $0x1C0B, s2;
	s22 =	rddreg [dreg:$0x16];
	s19 =	sshrl.u32 s31, $0x3  }
0x1f9: {  	[hbm:s22], [sflag:s2] =	dma.local [spmem:s19], $0x2800  }
0x1fa: {  	_ =	swait.ge [sflag:s30], $0x2800  }
0x1fb: {  	s24 =	rddreg [dreg:$0x1c]  }
0x1fc: {  	s28 =	rddreg [dreg:$0x17];
	s6 =	sadd.s32 $0x1, s24  }
0x1fd: {  	p0 =	sne.s32 s6, s28  }
.Ltmp2:
0x1fe: {  	_ = 	snop;
	(pc) =	sbr.rel @p0 .LBB2_1-.Ltmp2, $4  }
0x1ff: {  	_ = 	snop  }
0x200: {  	s1 =	simm.s32 $0x800  }
0x201: {  	s18 =	simm.s32 $0x8;
	s5 =	simm.s32 $0x7;
	[sflag:s30] =	ssyncset.done $0x0  }
0x202: {  	s17 =	simm.s32 $0x6;
	s19 =	simm.s32 $0x4800;
	[sflag:s30] =	ssyncadd.s32 $0xFFFFD800  }
0x203: {  	_ =	sfence.sel $0x180000  }
0x204: {  	[bflag:$0x0] =	sbarrier.arrive $0xFFFF  }
0x205: {  	_ =	strace $0x9000004A  }
0x206: {  	s0 =	stileid.u32;
	[bflag:$0x2] =	sbarrier.arrive $0xFFFF  }
0x207: {  	p0 =	sne.s32 s0, $0x0;
	s0 =	rddreg [dreg:$0x2]  }
0x208: {  	s0 =	sadd.s32 @!p0 $0x100000, s0  }
0x209: {  	[sflag:s0] =	ssyncadd.tile.s32 @!p0 $0x1;
	_ =	shalt  }
.Lfunc_end2:
_tile_overlayer_lowered:
.L_overlay_start_2:
0x20a: {  	(tag) =	ssettag $0x2  }
0x20b: {  	s0 =	rddreg [dreg:$0x0];
	s2 =	stileid.u32  }
0x20c: {  	s1 =	rddreg [dreg:$0x1];
	p0 =	sne.s32 s2, $0x0  }
0x20d: {  	s3 =	rddreg [dreg:$0x2];
	[bflag:$0x3] =	sbarrier.arrive $0xFFFF;
	s2 =	simm.s32 @!p0 $0x1C0B  }
0x20e: {  	[timem:s3], [sflag:s2] =	dma.local @!p0 [hbm:s0], s1  }
0x20f: {  	s0 =	simm.s32 @!p0 $0xB  }
0x210: {  	_ =	swait.ge @!p0 [sflag:s0], s1  }
0x211: {  	s1 =	ssub.s32 @!p0 $0x0, s1;
	[sflag:s0] =	ssyncset.done @!p0 $0x0  }
0x212: {  	[sflag:s0] =	ssyncadd.s32 @!p0 s1  }
0x213: {  	[bflag:$0x3] =	sbarrier.arrive $0xFFFF  }
0x214: {  	_ =	shalt  }

// kernel: kernel.15.cloned.1.call-start
scs
__scs_entry_jumppad:
0x0: {  	(pc) =	sbr.rel $0x88, $3  }
0x1: {  	(tag) =	ssettag $0x0;
	lr =	simm.s32 $0x1  }
0x2: {  	[smem:$0x3F97] =	sst lr;
	_ =	strace $0xD0000000  }
0x3: {  	_ = 	snop  }
0x4: {  	_ = 	snop  }
0x5: {  	_ = 	snop  }
0x6: {  	_ = 	snop  }
0x7: {  	_ = 	snop  }
__scs_overlays_trampoline_lowered:
0x8: {  	[smem:$0x3FA6] =	sst s0  }
0x9: {  	[smem:$0x3FA7] =	sst s1  }
0xa: {  	[smem:$0x3FA8] =	sst s2  }
0xb: {  	[smem:$0x3FA9] =	sst s3  }
0xc: {  	[smem:$0x3FAA] =	sst s4  }
0xd: {  	[smem:$0x3FAB] =	sst s5  }
0xe: {  	[smem:$0x3FAC] =	sst s6  }
0xf: {  	[smem:$0x3FAD] =	sst s7  }
0x10: {  	[smem:$0x3FAE] =	sst s8  }
0x11: {  	[smem:$0x3FAF] =	sst s9;
	s0 =	simm.s32 @!p0 $0x0  }
0x12: {  	s1 =	sld [smem:$0x3F95];
	s0 =	simm.s32 @p0 $0x1  }
0x13: {  	[smem:$0x3FB0] =	sst s0;
	s0 =	simm.s32 @!p1 $0x0  }
0x14: {  	s2 =	sld [smem:$0x3F94];
	s0 =	simm.s32 @p1 $0x1  }
0x15: {  	[smem:$0x3FB1] =	sst s0;
	s0 =	simm.s32 @!p2 $0x0  }
0x16: {  	s3 =	sld [smem:$0x3FDB];
	s0 =	simm.s32 @p2 $0x1  }
0x17: {  	s4 =	simm.s32 $0x1BF5;
	[smem:$0x3FB3] =	sst s0  }
0x18: {  	s0 =	sld [smem:$0x3F96];
	_ =	swait.ge [sflag:s4], $0x0  }
0x19: {  	s7 =	sld [smem:$0x3F97]  }
0x1a: {  	s8 =	sadd.s32 $0xFFFFE003, lr  }
0x1b: {  	s9 =	sadd.s32 $0xFFFFFEF7, lr;
	s5 =	simm.s32 $0xFFFFFFFF;
	p2 =	slt.u32 s8, $0xFFFFF086  }
0x1c: {  	p1 =	slt.u32 s9, $0xF7A;
	s5 =	simm.s32 @!p2 $0x0  }
0x1d: {  	s5 =	simm.s32 @p1 $0x1;
	p0 =	seq.s32 s7, s2  }
0x1e: {  	s7 =	smul.u32 @!p0 $0xF7A, s2;
	p2 =	seq.s32 @!p0 s5, $0x0  }
0x1f: {  	s9 =	smul.u32 $0xF7A, s1;
	s8 =	simm.s32 @!p0 $0x1BF5;
	p2 =	por !p2, p0  }
0x20: {  	[sflag:s8] =	ssyncset.s32 @!p0 $0xFFFFF086;
	s6 =	sadd.s32 @!p0 s3, s7;
	s7 =	simm.s32 @!p0 $0x108  }
0x21: {  	s3 =	sadd.s32 s3, s9;
	s6 =	sadd.s32 @!p0 $0x88, s6;
	s7 =	simm.s32 @p2 $0x1082  }
0x22: {  	[simem:s7], [sflag:s8] =	dma.local @!p0 [hbm:s6], $0xF7A  }
0x23: {  	s9 =	sor.u32 $0xD0000000, s2;
	s6 =	simm.s32 $0x108;
	_ =	swait.ge @!p0 [sflag:s8], $0x0  }
0x24: {  	s3 =	sadd.s32 $0x88, s3;
	s6 =	simm.s32 @!p1 $0x1082;
	[sflag:s4] =	ssyncset.s32 $0xFFFFF086  }
0x25: {  	[simem:s6], [sflag:s4] =	dma.local [hbm:s3], $0xF7A  }
0x26: {  	[smem:$0x3F97] =	sst s1;
	(tag) =	ssettag s2;
	_ =	strace s9  }
0x27: {  	s1 =	sld [smem:$0x3FA7]  }
0x28: {  	s2 =	sld [smem:$0x3FA8]  }
0x29: {  	s4 =	sld [smem:$0x3FAA]  }
0x2a: {  	p0 =	seq.s32 s5, $0x0;
	s5 =	sld [smem:$0x3FAB]  }
0x2b: {  	s6 =	sld [smem:$0x3FAC]  }
0x2c: {  	s7 =	sld [smem:$0x3FAD]  }
0x2d: {  	s3 =	simm.s32 $0x108;
	s8 =	sld [smem:$0x3FAE]  }
0x2e: {  	s3 =	simm.s32 @!p0 $0x1082;
	s9 =	sld [smem:$0x3FAF]  }
0x2f: {  	lr =	sadd.s32 s0, s3;
	s0 =	sld [smem:$0x3FA6]  }
0x30: {  	s3 =	sld [smem:$0x3FA9]  }
0x31: {  	[smem:$0x3FB2] =	sst s10  }
0x32: {  	s10 =	sld [smem:$0x3FB0];
	_ =	sdelay $0x3  }
0x33: {  	p0 =	seq.s32 s10, $0x1;
	s10 =	sld [smem:$0x3FB2];
	_ =	sdelay $0x3  }
0x34: {  	[smem:$0x3FB2] =	sst s10  }
0x35: {  	s10 =	sld [smem:$0x3FB1];
	_ =	sdelay $0x3  }
0x36: {  	p1 =	seq.s32 s10, $0x1;
	s10 =	sld [smem:$0x3FB2];
	_ =	sdelay $0x3  }
0x37: {  	[smem:$0x3FB2] =	sst s10  }
0x38: {  	s10 =	sld [smem:$0x3FB3]  }
0x39: {  	_ = 	snop;
	(pc) =	sbr.ind lr, $3  }
0x3a: {  	_ = 	snop  }
0x3b: {  	_ = 	snop  }
0x3c: {  	p2 =	seq.s32 s10, $0x1;
	s10 =	sld [smem:$0x3FB2]  }
0x3d: {  	_ =	shalt  }
0x3e: {  	_ =	shalt  }
0x3f: {  	_ =	shalt  }
0x40: {  	_ =	shalt  }
0x41: {  	_ =	shalt  }
0x42: {  	_ =	shalt  }
0x43: {  	_ =	shalt  }
0x44: {  	_ =	shalt  }
0x45: {  	_ =	shalt  }
0x46: {  	_ =	shalt  }
0x47: {  	_ =	shalt  }
0x48: {  	_ =	shalt  }
0x49: {  	_ =	shalt  }
0x4a: {  	_ =	shalt  }
0x4b: {  	_ =	shalt  }
0x4c: {  	_ =	shalt  }
0x4d: {  	_ =	shalt  }
0x4e: {  	_ =	shalt  }
0x4f: {  	_ =	shalt  }
0x50: {  	_ =	shalt  }
0x51: {  	_ =	shalt  }
0x52: {  	_ =	shalt  }
0x53: {  	_ =	shalt  }
0x54: {  	_ =	shalt  }
0x55: {  	_ =	shalt  }
0x56: {  	_ =	shalt  }
0x57: {  	_ =	shalt  }
0x58: {  	_ =	shalt  }
0x59: {  	_ =	shalt  }
0x5a: {  	_ =	shalt  }
0x5b: {  	_ =	shalt  }
0x5c: {  	_ =	shalt  }
0x5d: {  	_ =	shalt  }
0x5e: {  	_ =	shalt  }
0x5f: {  	_ =	shalt  }
0x60: {  	_ =	shalt  }
0x61: {  	_ =	shalt  }
0x62: {  	_ =	shalt  }
0x63: {  	_ =	shalt  }
0x64: {  	_ =	shalt  }
0x65: {  	_ =	shalt  }
0x66: {  	_ =	shalt  }
0x67: {  	_ =	shalt  }
0x68: {  	_ =	shalt  }
0x69: {  	_ =	shalt  }
0x6a: {  	_ =	shalt  }
0x6b: {  	_ =	shalt  }
0x6c: {  	_ =	shalt  }
0x6d: {  	_ =	shalt  }
0x6e: {  	_ =	shalt  }
0x6f: {  	_ =	shalt  }
0x70: {  	_ =	shalt  }
0x71: {  	_ =	shalt  }
0x72: {  	_ =	shalt  }
0x73: {  	_ =	shalt  }
0x74: {  	_ =	shalt  }
0x75: {  	_ =	shalt  }
0x76: {  	_ =	shalt  }
0x77: {  	_ =	shalt  }
0x78: {  	_ =	shalt  }
0x79: {  	_ =	shalt  }
0x7a: {  	_ =	shalt  }
0x7b: {  	_ =	shalt  }
0x7c: {  	_ =	shalt  }
0x7d: {  	_ =	shalt  }
0x7e: {  	_ =	shalt  }
0x7f: {  	_ =	shalt  }
0x80: {  	_ =	shalt  }
0x81: {  	_ =	shalt  }
0x82: {  	_ =	shalt  }
0x83: {  	_ =	shalt  }
0x84: {  	_ =	shalt  }
0x85: {  	_ =	shalt  }
0x86: {  	_ =	shalt  }
0x87: {  	_ =	shalt  }
.Lfunc_end0:
.L_simem_size_0:
called_computation.2_lowered:
.L_overlay_start_0:
0x88: {  	s2 =	sld [smem:$0x3FD9]  }
0x89: {  	s3 =	sld [smem:$0x3FFE];
	_ =	sdelay $0x1  }
0x8a: {  	s1 =	srdreg.scid  }
0x8b: {  	s0 =	sand.u32 $0x1, s1  }
0x8c: {  	s16 =	sshll.u32 s0, $0xA;
	s2 =	sadd.s32 s3, s2  }
0x8d: {  	s2 =	sadd.s32 s2, s16  }
0x8e: {  	[smem:$0x3FBE] =	sst s2  }
0x8f: {  	_ = 	snop  }
0x90: {  	(tm) =	ssettm $0x1  }
0x91: {  	s17 =	sld [smem:$0x3FFB];
	_ =	sdelay $0x3  }
0x92: {  	_ =	strace s17  }
0x93: {  	s2 =	sld [smem:$0x3FFC];
	_ =	sdelay $0x3  }
0x94: {  	_ =	strace s2  }
0x95: {  	s2 =	sld [smem:$0x3FFD];
	_ =	sdelay $0x3  }
0x96: {  	_ =	strace s2  }
0x97: {  	_ =	strace $0x8FFFFFFF  }
0x98: {  	s18 =	sld [smem:$0x3FDB];
	_ =	sdelay $0x1  }
0x99: {  	s19 =	simm.s32 $_scs_section_size  }
0x9a: {  	s4 =	simm.s32 $_size__tile_overlayer_lowered;
	s5 =	simm.s32 $_tile_overlayer_lowered  }
0x9b: {  	s22 =	simm.s32 $0x1BFF;
	s21 =	sshll.u32 s5, $0x1;
	s2 =	sadd.s32 s19, s18  }
0x9c: {  	s6 =	simm.s32 $0x0;
	s20 =	sshll.u32 s4, $0x1;
	s4 =	sadd.s32 s21, s2  }
0x9d: {  	[timem:s6], [sflag:s22] =	dma.local [hbm:s4], s20  }
0x9e: {  	_ =	swait.ge [sflag:s22], s20  }
0x9f: {  	s3 =	ssub.s32 $0x0, s20;
	[sflag:s22] =	ssyncset.done $0x0  }
0xa0: {  	[sflag:s22] =	ssyncadd.s32 s3;
	_ =	sdelay $0x1  }
0xa1: {  	s23 =	simm.s32 $0x1B8B  }
0xa2: {  	_ =	swait.ge [sflag:s23], $0x1  }
0xa3: {  	[sflag:s23] =	ssyncset.done $0x0  }
0xa4: {  	s25 =	simm.s32 $0x1B8E;
	s24 =	sld [smem:$0x3FFE];
	[sflag:s23] =	ssyncadd.s32 $0xFFFFFFFF  }
0xa5: {  	s26 =	simm.s32 $execute0_lowered;
	[smem:$0x3FD2] =	sst s25  }
0xa6: {  	s4 =	sshll.u32 s26, $0x1;
	_ =	strace $0x8000004C;
	[dreg:$0x1] =	wrdreg $0xFFFFFFFF  }
0xa7: {  	s28 =	simm.s32 $_size_execute0_lowered;
	s2 =	sadd.s32 s2, s4;
	[dreg:$0x0] =	wrdreg $0x0  }
0xa8: {  	s4 =	sshll.u32 s28, $0x1;
	[dreg:$0x2] =	wrdreg s2  }
0xa9: {  	[dreg:$0x3] =	wrdreg s4  }
0xaa: {  	[dreg:$0x4] =	wrdreg $0xC0  }
0xab: {  	_ =	task [dreg:s6], $0x5FFFF  }
0xac: {  	[dreg:$0x1] =	wrdreg $0xFFFFFFFF  }
0xad: {  	[dreg:$0x0] =	wrdreg $0x60  }
0xae: {  	[dreg:$0x2] =	wrdreg s24  }
0xaf: {  	[dreg:$0x3] =	wrdreg $0x88000  }
0xb0: {  	[dreg:$0x4] =	wrdreg $0x9  }
0xb1: {  	_ =	task.clear_ibuf [dreg:s6], $0x5FFFF;
	_ =	strace $0x9000004C  }
0xb2: {  	s29 =	simm.s32 $0x9;
	_ =	strace $0x8000004E  }
0xb3: {  	_ =	swait.ge [sflag:s29], $0x1  }
0xb4: {  	[sflag:s29] =	ssyncadd.s32 $0xFFFFFFFF  }
0xb5: {  	_ =	strace $0x9000004E  }
0xb6: {  	_ =	sfence  }
0xb7: {  	s30 =	sld [smem:$0x0];
	_ =	sdelay $0x2  }
0xb8: {  	s31 =	sshll.u32 s1, $0xD;
	s1 =	sshrl.u32 s1, $0x2  }
0xb9: {  	s3 =	sand.u32 $0x4000, s31;
	s1 =	sadd.s32 s1, s30  }
0xba: {  	s0 =	sor.u32 s3, s0;
	s1 =	sshll.u32 s1, $0x11  }
0xbb: {  	s0 =	sor.u32 s1, s0  }
0xbc: {  	s0 =	sadd.s32 $0x8F2B, s0  }
0xbd: {  	[sflag:s0] =	ssyncadd.remote.s32 $0x1  }
0xbe: {  	_ =	sfence.sel $0xFFFF  }
0xbf: {  	[dreg:$0x0] =	wrdreg $0xFFFFFFFF;
	(pc) =	sbr.abs _section_cstart, $3  }
0xc0: {  	[dreg:$0x1] =	wrdreg $0xFFFFFFFF  }
0xc1: {  	_ =	task.clear_ibuf [dreg:s6], $0x2FFFF;
	_ =	strace $0x9FFFFFFF  }
0xc2: {  	(tm) =	ssettm $0x7FFFFFFF  }
0xc3: {  	_ =	shalt  }
tec
execute0_lowered:
.L_overlay_start_1:
0x0: {  	(tag) =	ssettag $0x1  }
0x1: {  	s0 =	rddreg [dreg:$0x0]  }
0x2: {  	s29 =	rddreg [dreg:$0x1]  }
0x3: {  	s2 =	srdreg.scid;
	s3 =	simm.s32 $0x0;
	s11 =	stileid.u32  }
0x4: {  	s2 =	sand.u32 $0x1, s2;
	[smem:$0x7FF] =	sst s3;
	s6 =	smul.u32 $0x14000, s11  }
0x5: {  	s4 =	sadd.s32 $0x16000, s0;
	s20 =	smul.u32 $0x50000, s11;
	s8 =	sadd.s32 $0x2000, s0  }
0x6: {  	s9 =	sadd.s32 $0xC000, s0;
	s5 =	smul.u32 $0x140000, s2;
	s7 =	sshll.u32 s2, $0x4  }
0x7: {  	s21 =	ssub.s32 $0x2, s2;
	s2 =	smul.u32 $0x28000, s2;
	s19 =	sor.u32 s11, s7  }
0x8: {  	_ =	strace $0x8000004D;
	s5 =	sadd.s32 s6, s5;
	s6 =	smul.u32 $0x2800, s19  }
0x9: {  	s10 =	sshrl.u32 s21, $0x1;
	s7 =	sshrl.u32 s20, $0x2;
	s11 =	smul.u32 $0x2800, s11  }
0xa: {  	s31 =	sadd.s32 s7, s29;
	s5 =	sshrl.u32 s5, $0x3;
	s6 =	sshrl.u32 s6, $0x3  }
0xb: {  	s2 =	sadd.s32 s11, s2;
	[dreg:$0x5] =	wrdreg s31;
	s22 =	sadd.s32 s8, s6  }
0xc: {  	s0 =	sadd.s32 s5, s0;
	s23 =	sadd.s32 s9, s6;
	[dreg:$0x6] =	wrdreg s22  }
0xd: {  	s24 =	sor.u32 $0x10, s6;
	s0 =	sadd.s32 $0x3E000, s0;
	[dreg:$0x7] =	wrdreg s23  }
0xe: {  	s5 =	ssub.s32 s21, s10;
	s25 =	sadd.s32 s8, s24;
	[dreg:$0x16] =	wrdreg s0  }
0xf: {  	s26 =	sor.u32 $0x20, s6;
	s7 =	sadd.s32 s9, s24;
	[dreg:$0x8] =	wrdreg s25  }
0x10: {  	s2 =	sor.u32 $0x400, s2;
	s28 =	sadd.s32 s8, s26;
	[dreg:$0x9] =	wrdreg s7  }
0x11: {  	s1 =	sor.u32 $0x30, s6;
	s10 =	sadd.s32 s9, s26;
	[dreg:$0xa] =	wrdreg s28  }
0x12: {  	s13 =	sor.u32 $0x40, s6;
	s12 =	sadd.s32 s8, s1;
	[dreg:$0xb] =	wrdreg s10  }
0x13: {  	s15 =	sor.u32 $0x50, s6;
	s14 =	sadd.s32 s8, s13;
	[dreg:$0xc] =	wrdreg s12  }
0x14: {  	s2 =	sshrl.u32 s2, $0x3;
	s16 =	sadd.s32 s8, s15;
	[dreg:$0xe] =	wrdreg s14  }
0x15: {  	s18 =	sor.u32 $0x60, s6;
	s17 =	sadd.s32 s2, s8;
	[dreg:$0x10] =	wrdreg s16  }
0x16: {  	s30 =	simm.s32 $0xB;
	s19 =	sadd.s32 s8, s18;
	[dreg:$0x3] =	wrdreg s17  }
0x17: {  	s6 =	sor.u32 $0x70, s6;
	s20 =	sadd.s32 s9, s18;
	[dreg:$0x12] =	wrdreg s19  }
0x18: {  	s21 =	sadd.s32 s8, s6;
	s6 =	sadd.s32 s9, s6;
	[dreg:$0x13] =	wrdreg s20  }
0x19: {  	s22 =	smax.u32 s5, $0x1;
	s23 =	sadd.s32 s2, s9;
	[dreg:$0x14] =	wrdreg s21  }
0x1a: {  	s24 =	sadd.s32 $0x4000, s31;
	s26 =	sadd.s32 $0xC000, s31;
	[dreg:$0x15] =	wrdreg s6  }
0x1b: {  	s0 =	simm.s32 $0x80;
	s8 =	simm.s32 $0x480;
	[dreg:$0x17] =	wrdreg s22  }
0x1c: {  	s5 =	simm.s32 $0x7;
	s18 =	simm.s32 $0x8;
	[dreg:$0x18] =	wrdreg s24  }
0x1d: {  	s7 =	sadd.s32 s9, s1;
	s10 =	sadd.s32 s9, s15;
	[dreg:$0x4] =	wrdreg s23  }
0x1e: {  	s25 =	sadd.s32 $0x8000, s31;
	[dreg:$0x1a] =	wrdreg s26;
	s28 =	sadd.s32 $0x10000, s31  }
0x1f: {  	s1 =	simm.s32 $0x800;
	s19 =	simm.s32 $0x4800;
	[dreg:$0xd] =	wrdreg s7  }
0x20: {  	s21 =	simm.s32 $0x9;
	s23 =	simm.s32 $0xA;
	[dreg:$0x11] =	wrdreg s10  }
0x21: {  	s17 =	simm.s32 $0x6;
	s6 =	simm.s32 $0x0;
	[dreg:$0x19] =	wrdreg s25  }
0x22: {  	s20 =	simm.s32 $0x800;
	s7 =	sadd.s32 s9, s13;
	[dreg:$0x1b] =	wrdreg s28  }
0x23: {  	v0 =	vimm.f32 $0.0e+00;
	s26 =	simm.s32 $0x5;
	s25 =	simm.s32 $0x4;
	[dreg:$0xf] =	wrdreg s7  }
.LBB2_1:
0x24: {  	[dreg:$0x1c] =	wrdreg s6;
	s2 =	simm.s32 $0x0;
	s6 =	simm.s32 $0x200  }
.LBB2_2:
0x25: {  	p0 =	sne.s32 s6, $0xFE00;
	[tilespmem:s2+$0x870] =	vst v0  }
0x26: {  	[tilespmem:s2+$0x800] =	vst v0  }
0x27: {  	[tilespmem:s2+$0x810] =	vst v0  }
.Ltmp0:
0x28: {  	[tilespmem:s2+$0x820] =	vst v0;
	(pc) =	sbr.rel @p0 .LBB2_2-.Ltmp0, $4  }
0x29: {  	[tilespmem:s2+$0x830] =	vst v0  }
0x2a: {  	[tilespmem:s2+$0x840] =	vst v0  }
0x2b: {  	[tilespmem:s2+$0x850] =	vst v0  }
0x2c: {  	[tilespmem:s2+$0x860] =	vst v0;
	s2 =	sshra.s32 s6, $0x2;
	s6 =	sadd.s32 $0x200, s6  }
0x2d: {  	[tilespmem:s2+$0x870] =	vst v0  }
0x2e: {  	[tilespmem:s2+$0x800] =	vst v0  }
0x2f: {  	[tilespmem:s2+$0x810] =	vst v0  }
0x30: {  	[tilespmem:s2+$0x820] =	vst v0  }
0x31: {  	[tilespmem:s2+$0x830] =	vst v0  }
0x32: {  	[tilespmem:s2+$0x840] =	vst v0  }
0x33: {  	[tilespmem:s2+$0x850] =	vst v0  }
0x34: {  	[tilespmem:s2+$0x860] =	vst v0  }
0x35: {  	[spmem:s31] =	stream.linear.scatter [tilespmem:s1], [sflag:$0xB], $0x4000, $0x38;
	[tilespmem:$0x1C800] =	vst v63  }
0x36: {  	_ =	swait.ge [sflag:s30], $0x4000  }
0x37: {  	[sflag:s30] =	ssyncset.done $0x0  }
0x38: {  	s12 =	rddreg [dreg:$0x18];
	[sflag:s30] =	ssyncadd.s32 $0xFFFFC000  }
0x39: {  	[spmem:s12] =	stream.linear.scatter [tilespmem:s1], [sflag:$0xB], $0x4000, $0x38;
	[tilespmem:$0x1C800] =	vst v63  }
0x3a: {  	_ =	swait.ge [sflag:s30], $0x4000  }
0x3b: {  	[sflag:s30] =	ssyncset.done $0x0  }
0x3c: {  	s13 =	rddreg [dreg:$0x19];
	[sflag:s30] =	ssyncadd.s32 $0xFFFFC000  }
0x3d: {  	[spmem:s13] =	stream.linear.scatter [tilespmem:s1], [sflag:$0xB], $0x4000, $0x38;
	[tilespmem:$0x1C800] =	vst v63  }
0x3e: {  	_ =	swait.ge [sflag:s30], $0x4000  }
0x3f: {  	[sflag:s30] =	ssyncset.done $0x0  }
0x40: {  	s14 =	rddreg [dreg:$0x1a];
	[sflag:s30] =	ssyncadd.s32 $0xFFFFC000  }
0x41: {  	[spmem:s14] =	stream.linear.scatter [tilespmem:s1], [sflag:$0xB], $0x4000, $0x38;
	[tilespmem:$0x1C800] =	vst v63  }
0x42: {  	_ =	swait.ge [sflag:s30], $0x4000  }
0x43: {  	[sflag:s30] =	ssyncset.done $0x0  }
0x44: {  	s15 =	rddreg [dreg:$0x1b];
	[sflag:s30] =	ssyncadd.s32 $0xFFFFC000  }
0x45: {  	[spmem:s15] =	stream.linear.scatter [tilespmem:s1], [sflag:$0xB], $0x4000, $0x38;
	[tilespmem:$0x1C800] =	vst v63  }
0x46: {  	_ =	swait.ge [sflag:s30], $0x4000  }
0x47: {  	[sflag:s30] =	ssyncset.done $0x0  }
0x48: {  	s2 =	simm.s32 $0x0;
	s6 =	rddreg [dreg:$0x6];
	[sflag:s30] =	ssyncadd.s32 $0xFFFFC000  }
0x49: {  	[tilespmem:s2], [sflag:$0x1] =	stream.linear.gather [hbm4b:s6+s2], $0x80, $0x38;
	[tilespmem:$0x1C800] =	vst v63  }
0x4a: {  	s7 =	simm.s32 $0x400;
	s16 =	rddreg [dreg:$0x7]  }
0x4b: {  	[tilespmem:s7], [sflag:$0x1] =	stream.linear.gather [hbm4b:s16+s2], $0x80, $0x38;
	[tilespmem:$0x1C800] =	vst v63  }
0x4c: {  	s22 =	rddreg [dreg:$0x8]  }
0x4d: {  	[tilespmem:s0], [sflag:$0x2] =	stream.linear.gather [hbm4b:s22+s2], $0x80, $0x38;
	[tilespmem:$0x1C800] =	vst v63  }
0x4e: {  	s24 =	rddreg [dreg:$0x9]  }
0x4f: {  	[tilespmem:s8], [sflag:$0x2] =	stream.linear.gather [hbm4b:s24+s2], $0x80, $0x38;
	[tilespmem:$0x1C800] =	vst v63  }
0x50: {  	s1 =	rddreg [dreg:$0xa];
	s24 =	simm.s32 $0x100  }
0x51: {  	[tilespmem:s24], [sflag:$0x3] =	stream.linear.gather [hbm4b:s1+s2], $0x80, $0x38;
	[tilespmem:$0x1C800] =	vst v63  }
0x52: {  	s9 =	rddreg [dreg:$0xb];
	s1 =	simm.s32 $0x500  }
0x53: {  	[tilespmem:s1], [sflag:$0x3] =	stream.linear.gather [hbm4b:s9+s2], $0x80, $0x38;
	[tilespmem:$0x1C800] =	vst v63  }
0x54: {  	s10 =	rddreg [dreg:$0xc];
	s22 =	simm.s32 $0x180  }
0x55: {  	[tilespmem:s22], [sflag:$0x4] =	stream.linear.gather [hbm4b:s10+s2], $0x80, $0x38;
	[tilespmem:$0x1C800] =	vst v63  }
0x56: {  	s11 =	rddreg [dreg:$0xd];
	s9 =	simm.s32 $0x580  }
0x57: {  	[tilespmem:s9], [sflag:$0x4] =	stream.linear.gather [hbm4b:s11+s2], $0x80, $0x38;
	[tilespmem:$0x1C800] =	vst v63  }
0x58: {  	s12 =	rddreg [dreg:$0xe];
	s11 =	simm.s32 $0x200  }
0x59: {  	[tilespmem:s11], [sflag:$0x5] =	stream.linear.gather [hbm4b:s12+s2], $0x80, $0x38;
	[tilespmem:$0x1C800] =	vst v63  }
0x5a: {  	s13 =	rddreg [dreg:$0xf];
	s10 =	simm.s32 $0x600  }
0x5b: {  	[tilespmem:s10], [sflag:$0x5] =	stream.linear.gather [hbm4b:s13+s2], $0x80, $0x38;
	[tilespmem:$0x1C800] =	vst v63  }
0x5c: {  	s14 =	rddreg [dreg:$0x10];
	s13 =	simm.s32 $0x280  }
0x5d: {  	[tilespmem:s13], [sflag:$0x6] =	stream.linear.gather [hbm4b:s14+s2], $0x80, $0x38;
	[tilespmem:$0x1C800] =	vst v63  }
0x5e: {  	s15 =	rddreg [dreg:$0x11];
	s12 =	simm.s32 $0x680  }
0x5f: {  	[tilespmem:s12], [sflag:$0x6] =	stream.linear.gather [hbm4b:s15+s2], $0x80, $0x38;
	[tilespmem:$0x1C800] =	vst v63  }
0x60: {  	s16 =	rddreg [dreg:$0x12];
	s15 =	simm.s32 $0x300  }
0x61: {  	[tilespmem:s15], [sflag:$0x7] =	stream.linear.gather [hbm4b:s16+s2], $0x80, $0x38;
	[tilespmem:$0x1C800] =	vst v63  }
0x62: {  	s14 =	rddreg [dreg:$0x13];
	s16 =	simm.s32 $0x700  }
0x63: {  	[tilespmem:s16], [sflag:$0x7] =	stream.linear.gather [hbm4b:s14+s2], $0x80, $0x38;
	[tilespmem:$0x1C800] =	vst v63  }
0x64: {  	s6 =	rddreg [dreg:$0x14];
	s14 =	simm.s32 $0x380  }
0x65: {  	[tilespmem:s14], [sflag:$0x8] =	stream.linear.gather [hbm4b:s6+s2], $0x80, $0x38;
	[tilespmem:$0x1C800] =	vst v63  }
0x66: {  	s28 =	simm.s32 $0x780;
	s6 =	rddreg [dreg:$0x15]  }
0x67: {  	[tilespmem:s28], [sflag:$0x8] =	stream.linear.gather [hbm4b:s6+s2], $0x80, $0x38;
	[tilespmem:$0x1C800] =	vst v63  }
0x68: {  	s6 =	simm.s32 $0x1;
	[bflag:$0x0] =	sbarrier.arrive $0xFFFF  }
0x69: {  	_ =	swait.ge [sflag:s6], $0x80  }
0x6a: {  	[sflag:s6] =	ssyncset.done $0x0  }
0x6b: {  	[sflag:s6] =	ssyncadd.s32 $0xFFFFFF80  }
0x6c: {  	_ =	swait.ge [sflag:s6], $0x80  }
0x6d: {  	[sflag:s6] =	ssyncset.done $0x0  }
0x6e: {  	[sflag:s6] =	ssyncadd.s32 $0xFFFFFF80;
	s6 =	simm.s32 $0x2  }
0x6f: {  	[tilespmem:s20], [sflag:$0x9] =	stream.indirect.gather [hbm4b:s4+s0], $0x80, s3, s0, $0xb8;
	[tilespmem:$0x1C800] =	vst v63  }
0x70: {  	_ =	swait.ge [sflag:s6], $0x80  }
0x71: {  	[sflag:s6] =	ssyncset.done $0x0  }
0x72: {  	[sflag:s6] =	ssyncadd.s32 $0xFFFFFF80  }
0x73: {  	_ =	swait.ge [sflag:s6], $0x80  }
0x74: {  	[sflag:s6] =	ssyncset.done $0x0  }
0x75: {  	[sflag:s6] =	ssyncadd.s32 $0xFFFFFF80  }
0x76: {  	[tilespmem:s19], [sflag:$0xA] =	stream.indirect.gather [hbm4b:s4+s0], $0x80, s0, s0, $0xb8;
	[tilespmem:$0x1C800] =	vst v63  }
0x77: {  	_ =	swait.ge [sflag:s21], $0x4000  }
0x78: {  	[sflag:s21] =	ssyncset.done $0x0  }
0x79: {  	[sflag:s21] =	ssyncadd.s32 $0xFFFFC000  }
0x7a: {  	[spmem:s29] =	stream.indirect.scatter.add.f32 [tilespmem:s20], [sflag:$0xB], $0x80, s7, s0, $0xb8;
	[tilespmem:$0x1C800] =	vst v63  }
0x7b: {  	_ =	swait.ge [sflag:s30], $0x4000  }
0x7c: {  	[sflag:s30] =	ssyncset.done $0x0  }
0x7d: {  	s6 =	simm.s32 $0x3;
	[sflag:s30] =	ssyncadd.s32 $0xFFFFC000  }
0x7e: {  	_ =	swait.ge [sflag:s6], $0x80  }
0x7f: {  	[sflag:s6] =	ssyncset.done $0x0  }
0x80: {  	[sflag:s6] =	ssyncadd.s32 $0xFFFFFF80  }
0x81: {  	_ =	swait.ge [sflag:s6], $0x80  }
0x82: {  	[sflag:s6] =	ssyncset.done $0x0  }
0x83: {  	s2 =	rddreg [dreg:$0x3];
	[sflag:s6] =	ssyncadd.s32 $0xFFFFFF80  }
0x84: {  	[tilespmem:s20], [sflag:$0x9] =	stream.indirect.gather [hbm4b:s4+s0], $0x80, s24, s0, $0xb8;
	[tilespmem:$0x1C800] =	vst v63  }
0x85: {  	s31 =	rddreg [dreg:$0x4];
	s6 =	sadd.s32 $0x0, s2  }
0x86: {  	[tilespmem:s3], [sflag:$0x1] =	stream.linear.gather [hbm4b:s6+s3], $0x80, $0x38;
	[tilespmem:$0x1C800] =	vst v63  }
0x87: {  	s2 =	sadd.s32 $0x0, s31  }
0x88: {  	[tilespmem:s7], [sflag:$0x1] =	stream.linear.gather [hbm4b:s2+s3], $0x80, $0x38;
	[tilespmem:$0x1C800] =	vst v63  }
0x89: {  	_ =	swait.ge [sflag:s23], $0x4000  }
0x8a: {  	[sflag:s23] =	ssyncset.done $0x0  }
0x8b: {  	[sflag:s23] =	ssyncadd.s32 $0xFFFFC000  }
0x8c: {  	[spmem:s29] =	stream.indirect.scatter.add.f32 [tilespmem:s19], [sflag:$0xB], $0x80, s8, s0, $0xb8;
	[tilespmem:$0x1C800] =	vst v63  }
0x8d: {  	_ =	swait.ge [sflag:s30], $0x4000  }
0x8e: {  	[sflag:s30] =	ssyncset.done $0x0  }
0x8f: {  	[sflag:s30] =	ssyncadd.s32 $0xFFFFC000  }
0x90: {  	_ =	swait.ge [sflag:s25], $0x80  }
0x91: {  	[sflag:s25] =	ssyncset.done $0x0  }
0x92: {  	[sflag:s25] =	ssyncadd.s32 $0xFFFFFF80  }
0x93: {  	_ =	swait.ge [sflag:s25], $0x80  }
0x94: {  	[sflag:s25] =	ssyncset.done $0x0  }
0x95: {  	[sflag:s25] =	ssyncadd.s32 $0xFFFFFF80  }
0x96: {  	[tilespmem:s19], [sflag:$0xA] =	stream.indirect.gather [hbm4b:s4+s0], $0x80, s22, s0, $0xb8;
	[tilespmem:$0x1C800] =	vst v63  }
0x97: {  	s31 =	sadd.s32 $0x10, s6  }
0x98: {  	[tilespmem:s0], [sflag:$0x2] =	stream.linear.gather [hbm4b:s31+s3], $0x80, $0x38;
	[tilespmem:$0x1C800] =	vst v63  }
0x99: {  	s31 =	sadd.s32 $0x10, s2  }
0x9a: {  	[tilespmem:s8], [sflag:$0x2] =	stream.linear.gather [hbm4b:s31+s3], $0x80, $0x38;
	[tilespmem:$0x1C800] =	vst v63  }
0x9b: {  	_ =	swait.ge [sflag:s21], $0x4000  }
0x9c: {  	[sflag:s21] =	ssyncset.done $0x0  }
0x9d: {  	[sflag:s21] =	ssyncadd.s32 $0xFFFFC000  }
0x9e: {  	[spmem:s29] =	stream.indirect.scatter.add.f32 [tilespmem:s20], [sflag:$0xB], $0x80, s1, s0, $0xb8;
	[tilespmem:$0x1C800] =	vst v63  }
0x9f: {  	_ =	swait.ge [sflag:s30], $0x4000  }
0xa0: {  	[sflag:s30] =	ssyncset.done $0x0  }
0xa1: {  	[sflag:s30] =	ssyncadd.s32 $0xFFFFC000  }
0xa2: {  	_ =	swait.ge [sflag:s26], $0x80  }
0xa3: {  	[sflag:s26] =	ssyncset.done $0x0  }
0xa4: {  	[sflag:s26] =	ssyncadd.s32 $0xFFFFFF80  }
0xa5: {  	_ =	swait.ge [sflag:s26], $0x80  }
0xa6: {  	[sflag:s26] =	ssyncset.done $0x0  }
0xa7: {  	[sflag:s26] =	ssyncadd.s32 $0xFFFFFF80  }
0xa8: {  	[tilespmem:s20], [sflag:$0x9] =	stream.indirect.gather [hbm4b:s4+s0], $0x80, s11, s0, $0xb8;
	[tilespmem:$0x1C800] =	vst v63  }
0xa9: {  	s31 =	sadd.s32 $0x20, s6  }
0xaa: {  	[tilespmem:s24], [sflag:$0x3] =	stream.linear.gather [hbm4b:s31+s3], $0x80, $0x38;
	[tilespmem:$0x1C800] =	vst v63  }
0xab: {  	s31 =	sadd.s32 $0x20, s2  }
0xac: {  	[tilespmem:s1], [sflag:$0x3] =	stream.linear.gather [hbm4b:s31+s3], $0x80, $0x38;
	[tilespmem:$0x1C800] =	vst v63  }
0xad: {  	_ =	swait.ge [sflag:s23], $0x4000  }
0xae: {  	[sflag:s23] =	ssyncset.done $0x0  }
0xaf: {  	[sflag:s23] =	ssyncadd.s32 $0xFFFFC000  }
0xb0: {  	[spmem:s29] =	stream.indirect.scatter.add.f32 [tilespmem:s19], [sflag:$0xB], $0x80, s9, s0, $0xb8;
	[tilespmem:$0x1C800] =	vst v63  }
0xb1: {  	_ =	swait.ge [sflag:s30], $0x4000  }
0xb2: {  	[sflag:s30] =	ssyncset.done $0x0  }
0xb3: {  	[sflag:s30] =	ssyncadd.s32 $0xFFFFC000  }
0xb4: {  	_ =	swait.ge [sflag:s17], $0x80  }
0xb5: {  	[sflag:s17] =	ssyncset.done $0x0  }
0xb6: {  	[sflag:s17] =	ssyncadd.s32 $0xFFFFFF80  }
0xb7: {  	_ =	swait.ge [sflag:s17], $0x80  }
0xb8: {  	[sflag:s17] =	ssyncset.done $0x0  }
0xb9: {  	[sflag:s17] =	ssyncadd.s32 $0xFFFFFF80  }
0xba: {  	[tilespmem:s19], [sflag:$0xA] =	stream.indirect.gather [hbm4b:s4+s0], $0x80, s13, s0, $0xb8;
	[tilespmem:$0x1C800] =	vst v63  }
0xbb: {  	s31 =	sadd.s32 $0x30, s6  }
0xbc: {  	[tilespmem:s22], [sflag:$0x4] =	stream.linear.gather [hbm4b:s31+s3], $0x80, $0x38;
	[tilespmem:$0x1C800] =	vst v63  }
0xbd: {  	s31 =	sadd.s32 $0x30, s2  }
0xbe: {  	[tilespmem:s9], [sflag:$0x4] =	stream.linear.gather [hbm4b:s31+s3], $0x80, $0x38;
	[tilespmem:$0x1C800] =	vst v63  }
0xbf: {  	_ =	swait.ge [sflag:s21], $0x4000  }
0xc0: {  	[sflag:s21] =	ssyncset.done $0x0  }
0xc1: {  	[sflag:s21] =	ssyncadd.s32 $0xFFFFC000  }
0xc2: {  	[spmem:s29] =	stream.indirect.scatter.add.f32 [tilespmem:s20], [sflag:$0xB], $0x80, s10, s0, $0xb8;
	[tilespmem:$0x1C800] =	vst v63  }
0xc3: {  	_ =	swait.ge [sflag:s30], $0x4000  }
0xc4: {  	[sflag:s30] =	ssyncset.done $0x0  }
0xc5: {  	[sflag:s30] =	ssyncadd.s32 $0xFFFFC000  }
0xc6: {  	_ =	swait.ge [sflag:s5], $0x80  }
0xc7: {  	[sflag:s5] =	ssyncset.done $0x0  }
0xc8: {  	[sflag:s5] =	ssyncadd.s32 $0xFFFFFF80  }
0xc9: {  	_ =	swait.ge [sflag:s5], $0x80  }
0xca: {  	[sflag:s5] =	ssyncset.done $0x0  }
0xcb: {  	[sflag:s5] =	ssyncadd.s32 $0xFFFFFF80  }
0xcc: {  	[tilespmem:s20], [sflag:$0x9] =	stream.indirect.gather [hbm4b:s4+s0], $0x80, s15, s0, $0xb8;
	[tilespmem:$0x1C800] =	vst v63  }
0xcd: {  	s31 =	sadd.s32 $0x40, s6  }
0xce: {  	[tilespmem:s11], [sflag:$0x5] =	stream.linear.gather [hbm4b:s31+s3], $0x80, $0x38;
	[tilespmem:$0x1C800] =	vst v63  }
0xcf: {  	s31 =	sadd.s32 $0x40, s2  }
0xd0: {  	[tilespmem:s10], [sflag:$0x5] =	stream.linear.gather [hbm4b:s31+s3], $0x80, $0x38;
	[tilespmem:$0x1C800] =	vst v63  }
0xd1: {  	_ =	swait.ge [sflag:s23], $0x4000  }
0xd2: {  	[sflag:s23] =	ssyncset.done $0x0  }
0xd3: {  	[sflag:s23] =	ssyncadd.s32 $0xFFFFC000  }
0xd4: {  	[spmem:s29] =	stream.indirect.scatter.add.f32 [tilespmem:s19], [sflag:$0xB], $0x80, s12, s0, $0xb8;
	[tilespmem:$0x1C800] =	vst v63  }
0xd5: {  	_ =	swait.ge [sflag:s30], $0x4000  }
0xd6: {  	[sflag:s30] =	ssyncset.done $0x0  }
0xd7: {  	[sflag:s30] =	ssyncadd.s32 $0xFFFFC000  }
0xd8: {  	_ =	swait.ge [sflag:s18], $0x80  }
0xd9: {  	[sflag:s18] =	ssyncset.done $0x0  }
0xda: {  	[sflag:s18] =	ssyncadd.s32 $0xFFFFFF80  }
0xdb: {  	_ =	swait.ge [sflag:s18], $0x80  }
0xdc: {  	[sflag:s18] =	ssyncset.done $0x0  }
0xdd: {  	[sflag:s18] =	ssyncadd.s32 $0xFFFFFF80  }
0xde: {  	[tilespmem:s19], [sflag:$0xA] =	stream.indirect.gather [hbm4b:s4+s0], $0x80, s14, s0, $0xb8;
	[tilespmem:$0x1C800] =	vst v63  }
0xdf: {  	s31 =	sadd.s32 $0x50, s6  }
0xe0: {  	[tilespmem:s13], [sflag:$0x6] =	stream.linear.gather [hbm4b:s31+s3], $0x80, $0x38;
	[tilespmem:$0x1C800] =	vst v63  }
0xe1: {  	s31 =	sadd.s32 $0x50, s2  }
0xe2: {  	[tilespmem:s12], [sflag:$0x6] =	stream.linear.gather [hbm4b:s31+s3], $0x80, $0x38;
	[tilespmem:$0x1C800] =	vst v63  }
0xe3: {  	_ =	swait.ge [sflag:s21], $0x4000  }
0xe4: {  	[sflag:s21] =	ssyncset.done $0x0  }
0xe5: {  	[sflag:s21] =	ssyncadd.s32 $0xFFFFC000  }
0xe6: {  	[spmem:s29] =	stream.indirect.scatter.add.f32 [tilespmem:s20], [sflag:$0xB], $0x80, s16, s0, $0xb8;
	[tilespmem:$0x1C800] =	vst v63  }
0xe7: {  	_ =	swait.ge [sflag:s30], $0x4000  }
0xe8: {  	[sflag:s30] =	ssyncset.done $0x0  }
0xe9: {  	s31 =	sadd.s32 $0x60, s6;
	[sflag:s30] =	ssyncadd.s32 $0xFFFFC000  }
0xea: {  	[tilespmem:s15], [sflag:$0x7] =	stream.linear.gather [hbm4b:s31+s3], $0x80, $0x38;
	[tilespmem:$0x1C800] =	vst v63  }
0xeb: {  	s31 =	sadd.s32 $0x60, s2  }
0xec: {  	[tilespmem:s16], [sflag:$0x7] =	stream.linear.gather [hbm4b:s31+s3], $0x80, $0x38;
	[tilespmem:$0x1C800] =	vst v63  }
0xed: {  	_ =	swait.ge [sflag:s23], $0x4000  }
0xee: {  	[sflag:s23] =	ssyncset.done $0x0  }
0xef: {  	s5 =	simm.s32 $0x7;
	[sflag:s23] =	ssyncadd.s32 $0xFFFFC000  }
0xf0: {  	[spmem:s29] =	stream.indirect.scatter.add.f32 [tilespmem:s19], [sflag:$0xB], $0x80, s28, s0, $0xb8;
	[tilespmem:$0x1C800] =	vst v63  }
0xf1: {  	s6 =	sadd.s32 $0x70, s6;
	s2 =	sadd.s32 $0x70, s2;
	_ =	swait.ge [sflag:s30], $0x4000  }
0xf2: {  	s31 =	simm.s32 $0x80;
	s16 =	simm.s32 $0x8;
	[sflag:s30] =	ssyncset.done $0x0  }
0xf3: {  	s19 =	simm.s32 $0x4800;
	s28 =	simm.s32 $0x6;
	[sflag:s30] =	ssyncadd.s32 $0xFFFFC000  }
0xf4: {  	[tilespmem:s14], [sflag:$0x8] =	stream.linear.gather [hbm4b:s6+s3], $0x80, $0x38;
	[tilespmem:$0x1C800] =	vst v63  }
.LBB2_4:
0xf5: {  	s1 =	simm.s32 $0x780;
	s9 =	simm.s32 $0x1  }
0xf6: {  	[tilespmem:s1], [sflag:$0x8] =	stream.linear.gather [hbm4b:s2+s3], $0x80, $0x38;
	[tilespmem:$0x1C800] =	vst v63  }
0xf7: {  	_ =	swait.ge [sflag:s9], $0x80  }
0xf8: {  	[sflag:s9] =	ssyncset.done $0x0  }
0xf9: {  	[sflag:s9] =	ssyncadd.s32 $0xFFFFFF80  }
0xfa: {  	_ =	swait.ge [sflag:s9], $0x80  }
0xfb: {  	[sflag:s9] =	ssyncset.done $0x0  }
0xfc: {  	s10 =	simm.s32 $0x2;
	[sflag:s9] =	ssyncadd.s32 $0xFFFFFF80  }
0xfd: {  	[tilespmem:s20], [sflag:$0x9] =	stream.indirect.gather [hbm4b:s4+s0], $0x80, s3, s0, $0xb8;
	[tilespmem:$0x1C800] =	vst v63  }
0xfe: {  	_ =	swait.ge [sflag:s10], $0x80  }
0xff: {  	[sflag:s10] =	ssyncset.done $0x0  }
0x100: {  	[sflag:s10] =	ssyncadd.s32 $0xFFFFFF80  }
0x101: {  	_ =	swait.ge [sflag:s10], $0x80  }
0x102: {  	[sflag:s10] =	ssyncset.done $0x0  }
0x103: {  	[sflag:s10] =	ssyncadd.s32 $0xFFFFFF80  }
0x104: {  	[tilespmem:s19], [sflag:$0xA] =	stream.indirect.gather [hbm4b:s4+s0], $0x80, s0, s0, $0xb8;
	[tilespmem:$0x1C800] =	vst v63  }
0x105: {  	_ =	swait.ge [sflag:s21], $0x4000  }
0x106: {  	[sflag:s21] =	ssyncset.done $0x0  }
0x107: {  	[sflag:s21] =	ssyncadd.s32 $0xFFFFC000  }
0x108: {  	[spmem:s29] =	stream.indirect.scatter.add.f32 [tilespmem:s20], [sflag:$0xB], $0x80, s7, s0, $0xb8;
	[tilespmem:$0x1C800] =	vst v63  }
0x109: {  	_ =	swait.ge [sflag:s30], $0x4000  }
0x10a: {  	[sflag:s30] =	ssyncset.done $0x0  }
0x10b: {  	s11 =	simm.s32 $0x3;
	[sflag:s30] =	ssyncadd.s32 $0xFFFFC000  }
0x10c: {  	_ =	swait.ge [sflag:s11], $0x80  }
0x10d: {  	[sflag:s11] =	ssyncset.done $0x0  }
0x10e: {  	[sflag:s11] =	ssyncadd.s32 $0xFFFFFF80  }
0x10f: {  	_ =	swait.ge [sflag:s11], $0x80  }
0x110: {  	s6 =	smov.u32 s31;
	[sflag:s11] =	ssyncset.done $0x0  }
0x111: {  	s14 =	simm.s32 $0x100;
	s12 =	rddreg [dreg:$0x3];
	[sflag:s11] =	ssyncadd.s32 $0xFFFFFF80  }
0x112: {  	[tilespmem:s20], [sflag:$0x9] =	stream.indirect.gather [hbm4b:s4+s0], $0x80, s14, s0, $0xb8;
	[tilespmem:$0x1C800] =	vst v63  }
0x113: {  	s13 =	rddreg [dreg:$0x4];
	s2 =	sadd.s32 s6, s12  }
0x114: {  	[tilespmem:s3], [sflag:$0x1] =	stream.linear.gather [hbm4b:s2+s3], $0x80, $0x38;
	[tilespmem:$0x1C800] =	vst v63  }
0x115: {  	s8 =	simm.s32 $0x400;
	s6 =	sadd.s32 s6, s13  }
0x116: {  	[tilespmem:s8], [sflag:$0x1] =	stream.linear.gather [hbm4b:s6+s3], $0x80, $0x38;
	[tilespmem:$0x1C800] =	vst v63  }
0x117: {  	_ =	swait.ge [sflag:s23], $0x4000  }
0x118: {  	[sflag:s23] =	ssyncset.done $0x0  }
0x119: {  	s8 =	simm.s32 $0x480;
	[sflag:s23] =	ssyncadd.s32 $0xFFFFC000  }
0x11a: {  	[spmem:s29] =	stream.indirect.scatter.add.f32 [tilespmem:s19], [sflag:$0xB], $0x80, s8, s0, $0xb8;
	[tilespmem:$0x1C800] =	vst v63  }
0x11b: {  	_ =	swait.ge [sflag:s30], $0x4000  }
0x11c: {  	[sflag:s30] =	ssyncset.done $0x0  }
0x11d: {  	[sflag:s30] =	ssyncadd.s32 $0xFFFFC000  }
0x11e: {  	_ =	swait.ge [sflag:s25], $0x80  }
0x11f: {  	[sflag:s25] =	ssyncset.done $0x0  }
0x120: {  	[sflag:s25] =	ssyncadd.s32 $0xFFFFFF80  }
0x121: {  	_ =	swait.ge [sflag:s25], $0x80  }
0x122: {  	[sflag:s25] =	ssyncset.done $0x0  }
0x123: {  	s12 =	simm.s32 $0x180;
	[sflag:s25] =	ssyncadd.s32 $0xFFFFFF80  }
0x124: {  	[tilespmem:s19], [sflag:$0xA] =	stream.indirect.gather [hbm4b:s4+s0], $0x80, s12, s0, $0xb8;
	[tilespmem:$0x1C800] =	vst v63  }
0x125: {  	s15 =	sadd.s32 $0x10, s2  }
0x126: {  	[tilespmem:s0], [sflag:$0x2] =	stream.linear.gather [hbm4b:s15+s3], $0x80, $0x38;
	[tilespmem:$0x1C800] =	vst v63  }
0x127: {  	s17 =	sadd.s32 $0x10, s6  }
0x128: {  	[tilespmem:s8], [sflag:$0x2] =	stream.linear.gather [hbm4b:s17+s3], $0x80, $0x38;
	[tilespmem:$0x1C800] =	vst v63  }
0x129: {  	_ =	swait.ge [sflag:s21], $0x4000  }
0x12a: {  	[sflag:s21] =	ssyncset.done $0x0  }
0x12b: {  	s9 =	simm.s32 $0x500;
	[sflag:s21] =	ssyncadd.s32 $0xFFFFC000  }
0x12c: {  	[spmem:s29] =	stream.indirect.scatter.add.f32 [tilespmem:s20], [sflag:$0xB], $0x80, s9, s0, $0xb8;
	[tilespmem:$0x1C800] =	vst v63  }
0x12d: {  	_ =	swait.ge [sflag:s30], $0x4000  }
0x12e: {  	[sflag:s30] =	ssyncset.done $0x0  }
0x12f: {  	[sflag:s30] =	ssyncadd.s32 $0xFFFFC000  }
0x130: {  	_ =	swait.ge [sflag:s26], $0x80  }
0x131: {  	[sflag:s26] =	ssyncset.done $0x0  }
0x132: {  	[sflag:s26] =	ssyncadd.s32 $0xFFFFFF80  }
0x133: {  	_ =	swait.ge [sflag:s26], $0x80  }
0x134: {  	[sflag:s26] =	ssyncset.done $0x0  }
0x135: {  	s11 =	simm.s32 $0x200;
	[sflag:s26] =	ssyncadd.s32 $0xFFFFFF80  }
0x136: {  	[tilespmem:s20], [sflag:$0x9] =	stream.indirect.gather [hbm4b:s4+s0], $0x80, s11, s0, $0xb8;
	[tilespmem:$0x1C800] =	vst v63  }
0x137: {  	s18 =	sadd.s32 $0x20, s2  }
0x138: {  	[tilespmem:s14], [sflag:$0x3] =	stream.linear.gather [hbm4b:s18+s3], $0x80, $0x38;
	[tilespmem:$0x1C800] =	vst v63  }
0x139: {  	s22 =	sadd.s32 $0x20, s6  }
0x13a: {  	[tilespmem:s9], [sflag:$0x3] =	stream.linear.gather [hbm4b:s22+s3], $0x80, $0x38;
	[tilespmem:$0x1C800] =	vst v63  }
0x13b: {  	_ =	swait.ge [sflag:s23], $0x4000  }
0x13c: {  	[sflag:s23] =	ssyncset.done $0x0  }
0x13d: {  	s10 =	simm.s32 $0x580;
	[sflag:s23] =	ssyncadd.s32 $0xFFFFC000  }
0x13e: {  	[spmem:s29] =	stream.indirect.scatter.add.f32 [tilespmem:s19], [sflag:$0xB], $0x80, s10, s0, $0xb8;
	[tilespmem:$0x1C800] =	vst v63  }
0x13f: {  	_ =	swait.ge [sflag:s30], $0x4000  }
0x140: {  	[sflag:s30] =	ssyncset.done $0x0  }
0x141: {  	[sflag:s30] =	ssyncadd.s32 $0xFFFFC000  }
0x142: {  	_ =	swait.ge [sflag:s28], $0x80  }
0x143: {  	[sflag:s28] =	ssyncset.done $0x0  }
0x144: {  	[sflag:s28] =	ssyncadd.s32 $0xFFFFFF80  }
0x145: {  	_ =	swait.ge [sflag:s28], $0x80  }
0x146: {  	[sflag:s28] =	ssyncset.done $0x0  }
0x147: {  	s13 =	simm.s32 $0x280;
	[sflag:s28] =	ssyncadd.s32 $0xFFFFFF80  }
0x148: {  	[tilespmem:s19], [sflag:$0xA] =	stream.indirect.gather [hbm4b:s4+s0], $0x80, s13, s0, $0xb8;
	[tilespmem:$0x1C800] =	vst v63  }
0x149: {  	s9 =	sadd.s32 $0x30, s2  }
0x14a: {  	[tilespmem:s12], [sflag:$0x4] =	stream.linear.gather [hbm4b:s9+s3], $0x80, $0x38;
	[tilespmem:$0x1C800] =	vst v63  }
0x14b: {  	s14 =	sadd.s32 $0x30, s6  }
0x14c: {  	[tilespmem:s10], [sflag:$0x4] =	stream.linear.gather [hbm4b:s14+s3], $0x80, $0x38;
	[tilespmem:$0x1C800] =	vst v63  }
0x14d: {  	_ =	swait.ge [sflag:s21], $0x4000  }
0x14e: {  	[sflag:s21] =	ssyncset.done $0x0  }
0x14f: {  	s15 =	simm.s32 $0x600;
	[sflag:s21] =	ssyncadd.s32 $0xFFFFC000  }
0x150: {  	[spmem:s29] =	stream.indirect.scatter.add.f32 [tilespmem:s20], [sflag:$0xB], $0x80, s15, s0, $0xb8;
	[tilespmem:$0x1C800] =	vst v63  }
0x151: {  	_ =	swait.ge [sflag:s30], $0x4000  }
0x152: {  	[sflag:s30] =	ssyncset.done $0x0  }
0x153: {  	[sflag:s30] =	ssyncadd.s32 $0xFFFFC000  }
0x154: {  	_ =	swait.ge [sflag:s5], $0x80  }
0x155: {  	[sflag:s5] =	ssyncset.done $0x0  }
0x156: {  	[sflag:s5] =	ssyncadd.s32 $0xFFFFFF80  }
0x157: {  	_ =	swait.ge [sflag:s5], $0x80  }
0x158: {  	[sflag:s5] =	ssyncset.done $0x0  }
0x159: {  	s17 =	simm.s32 $0x300;
	[sflag:s5] =	ssyncadd.s32 $0xFFFFFF80  }
0x15a: {  	[tilespmem:s20], [sflag:$0x9] =	stream.indirect.gather [hbm4b:s4+s0], $0x80, s17, s0, $0xb8;
	[tilespmem:$0x1C800] =	vst v63  }
0x15b: {  	s10 =	sadd.s32 $0x40, s2  }
0x15c: {  	[tilespmem:s11], [sflag:$0x5] =	stream.linear.gather [hbm4b:s10+s3], $0x80, $0x38;
	[tilespmem:$0x1C800] =	vst v63  }
0x15d: {  	s11 =	sadd.s32 $0x40, s6  }
0x15e: {  	[tilespmem:s15], [sflag:$0x5] =	stream.linear.gather [hbm4b:s11+s3], $0x80, $0x38;
	[tilespmem:$0x1C800] =	vst v63  }
0x15f: {  	_ =	swait.ge [sflag:s23], $0x4000  }
0x160: {  	[sflag:s23] =	ssyncset.done $0x0  }
0x161: {  	s14 =	simm.s32 $0x680;
	[sflag:s23] =	ssyncadd.s32 $0xFFFFC000  }
0x162: {  	[spmem:s29] =	stream.indirect.scatter.add.f32 [tilespmem:s19], [sflag:$0xB], $0x80, s14, s0, $0xb8;
	[tilespmem:$0x1C800] =	vst v63  }
0x163: {  	_ =	swait.ge [sflag:s30], $0x4000  }
0x164: {  	[sflag:s30] =	ssyncset.done $0x0  }
0x165: {  	[sflag:s30] =	ssyncadd.s32 $0xFFFFC000  }
0x166: {  	_ =	swait.ge [sflag:s16], $0x80  }
0x167: {  	[sflag:s16] =	ssyncset.done $0x0  }
0x168: {  	[sflag:s16] =	ssyncadd.s32 $0xFFFFFF80  }
0x169: {  	_ =	swait.ge [sflag:s16], $0x80  }
0x16a: {  	[sflag:s16] =	ssyncset.done $0x0  }
0x16b: {  	s15 =	simm.s32 $0x380;
	[sflag:s16] =	ssyncadd.s32 $0xFFFFFF80  }
0x16c: {  	[tilespmem:s19], [sflag:$0xA] =	stream.indirect.gather [hbm4b:s4+s0], $0x80, s15, s0, $0xb8;
	[tilespmem:$0x1C800] =	vst v63  }
0x16d: {  	s12 =	sadd.s32 $0x50, s2  }
0x16e: {  	[tilespmem:s13], [sflag:$0x6] =	stream.linear.gather [hbm4b:s12+s3], $0x80, $0x38;
	[tilespmem:$0x1C800] =	vst v63  }
0x16f: {  	s13 =	sadd.s32 $0x50, s6  }
0x170: {  	[tilespmem:s14], [sflag:$0x6] =	stream.linear.gather [hbm4b:s13+s3], $0x80, $0x38;
	[tilespmem:$0x1C800] =	vst v63  }
0x171: {  	_ =	swait.ge [sflag:s21], $0x4000  }
0x172: {  	[sflag:s21] =	ssyncset.done $0x0  }
0x173: {  	s14 =	simm.s32 $0x700;
	[sflag:s21] =	ssyncadd.s32 $0xFFFFC000  }
0x174: {  	[spmem:s29] =	stream.indirect.scatter.add.f32 [tilespmem:s20], [sflag:$0xB], $0x80, s14, s0, $0xb8;
	[tilespmem:$0x1C800] =	vst v63  }
0x175: {  	_ =	swait.ge [sflag:s30], $0x4000  }
0x176: {  	[sflag:s30] =	ssyncset.done $0x0  }
0x177: {  	p0 =	sne.s32 s31, $0x400;
	s7 =	sadd.s32 $0x60, s2;
	[sflag:s30] =	ssyncadd.s32 $0xFFFFC000  }
0x178: {  	[tilespmem:s17], [sflag:$0x7] =	stream.linear.gather [hbm4b:s7+s3], $0x80, $0x38;
	[tilespmem:$0x1C800] =	vst v63  }
0x179: {  	s31 =	sadd.s32 $0x80, s31;
	s24 =	simm.s32 $0x100;
	s7 =	sadd.s32 $0x60, s6  }
0x17a: {  	[tilespmem:s14], [sflag:$0x7] =	stream.linear.gather [hbm4b:s7+s3], $0x80, $0x38;
	[tilespmem:$0x1C800] =	vst v63  }
0x17b: {  	s1 =	simm.s32 $0x500;
	s18 =	simm.s32 $0x200;
	_ =	swait.ge [sflag:s23], $0x4000  }
0x17c: {  	s22 =	simm.s32 $0x180;
	s9 =	simm.s32 $0x580;
	[sflag:s23] =	ssyncset.done $0x0  }
0x17d: {  	s2 =	sadd.s32 $0x70, s2;
	s14 =	simm.s32 $0x780;
	[sflag:s23] =	ssyncadd.s32 $0xFFFFC000  }
0x17e: {  	[spmem:s29] =	stream.indirect.scatter.add.f32 [tilespmem:s19], [sflag:$0xB], $0x80, s14, s0, $0xb8;
	[tilespmem:$0x1C800] =	vst v63  }
.Ltmp1:
0x17f: {  	s10 =	simm.s32 $0x600;
	_ =	swait.ge [sflag:s30], $0x4000;
	(pc) =	sbr.rel @p0 .LBB2_4-.Ltmp1, $4  }
0x180: {  	s11 =	simm.s32 $0x280;
	s12 =	simm.s32 $0x680;
	[sflag:s30] =	ssyncset.done $0x0  }
0x181: {  	s13 =	simm.s32 $0x300;
	s17 =	simm.s32 $0x700;
	[sflag:s30] =	ssyncadd.s32 $0xFFFFC000  }
0x182: {  	[tilespmem:s15], [sflag:$0x8] =	stream.linear.gather [hbm4b:s2+s3], $0x80, $0x38;
	[tilespmem:$0x1C800] =	vst v63  }
0x183: {  	s7 =	simm.s32 $0x400;
	s14 =	simm.s32 $0x380;
	s2 =	sadd.s32 $0x70, s6  }
0x184: {  	s6 =	simm.s32 $0x780;
	s15 =	simm.s32 $0x1  }
0x185: {  	[tilespmem:s6], [sflag:$0x8] =	stream.linear.gather [hbm4b:s2+s3], $0x80, $0x38;
	[tilespmem:$0x1C800] =	vst v63  }
0x186: {  	_ =	swait.ge [sflag:s15], $0x80  }
0x187: {  	[sflag:s15] =	ssyncset.done $0x0  }
0x188: {  	[sflag:s15] =	ssyncadd.s32 $0xFFFFFF80  }
0x189: {  	_ =	swait.ge [sflag:s15], $0x80  }
0x18a: {  	[sflag:s15] =	ssyncset.done $0x0  }
0x18b: {  	[sflag:s15] =	ssyncadd.s32 $0xFFFFFF80;
	s15 =	simm.s32 $0x2  }
0x18c: {  	[tilespmem:s20], [sflag:$0x9] =	stream.indirect.gather [hbm4b:s4+s0], $0x80, s3, s0, $0xb8;
	[tilespmem:$0x1C800] =	vst v63  }
0x18d: {  	_ =	swait.ge [sflag:s15], $0x80  }
0x18e: {  	[sflag:s15] =	ssyncset.done $0x0  }
0x18f: {  	[sflag:s15] =	ssyncadd.s32 $0xFFFFFF80  }
0x190: {  	_ =	swait.ge [sflag:s15], $0x80  }
0x191: {  	[sflag:s15] =	ssyncset.done $0x0  }
0x192: {  	[sflag:s15] =	ssyncadd.s32 $0xFFFFFF80  }
0x193: {  	[tilespmem:s19], [sflag:$0xA] =	stream.indirect.gather [hbm4b:s4+s0], $0x80, s0, s0, $0xb8;
	[tilespmem:$0x1C800] =	vst v63  }
0x194: {  	_ =	swait.ge [sflag:s21], $0x4000  }
0x195: {  	[sflag:s21] =	ssyncset.done $0x0  }
0x196: {  	[sflag:s21] =	ssyncadd.s32 $0xFFFFC000  }
0x197: {  	[spmem:s29] =	stream.indirect.scatter.add.f32 [tilespmem:s20], [sflag:$0xB], $0x80, s7, s0, $0xb8;
	[tilespmem:$0x1C800] =	vst v63  }
0x198: {  	_ =	swait.ge [sflag:s30], $0x4000  }
0x199: {  	[sflag:s30] =	ssyncset.done $0x0  }
0x19a: {  	s15 =	simm.s32 $0x3;
	[sflag:s30] =	ssyncadd.s32 $0xFFFFC000  }
0x19b: {  	_ =	swait.ge [sflag:s15], $0x80  }
0x19c: {  	[sflag:s15] =	ssyncset.done $0x0  }
0x19d: {  	[sflag:s15] =	ssyncadd.s32 $0xFFFFFF80  }
0x19e: {  	_ =	swait.ge [sflag:s15], $0x80  }
0x19f: {  	[sflag:s15] =	ssyncset.done $0x0  }
0x1a0: {  	[sflag:s15] =	ssyncadd.s32 $0xFFFFFF80  }
0x1a1: {  	[tilespmem:s20], [sflag:$0x9] =	stream.indirect.gather [hbm4b:s4+s0], $0x80, s24, s0, $0xb8;
	[tilespmem:$0x1C800] =	vst v63  }
0x1a2: {  	_ =	swait.ge [sflag:s23], $0x4000  }
0x1a3: {  	[sflag:s23] =	ssyncset.done $0x0  }
0x1a4: {  	[sflag:s23] =	ssyncadd.s32 $0xFFFFC000  }
0x1a5: {  	[spmem:s29] =	stream.indirect.scatter.add.f32 [tilespmem:s19], [sflag:$0xB], $0x80, s8, s0, $0xb8;
	[tilespmem:$0x1C800] =	vst v63  }
0x1a6: {  	_ =	swait.ge [sflag:s30], $0x4000  }
0x1a7: {  	[sflag:s30] =	ssyncset.done $0x0  }
0x1a8: {  	[sflag:s30] =	ssyncadd.s32 $0xFFFFC000  }
0x1a9: {  	_ =	swait.ge [sflag:s25], $0x80  }
0x1aa: {  	[sflag:s25] =	ssyncset.done $0x0  }
0x1ab: {  	[sflag:s25] =	ssyncadd.s32 $0xFFFFFF80  }
0x1ac: {  	_ =	swait.ge [sflag:s25], $0x80  }
0x1ad: {  	[sflag:s25] =	ssyncset.done $0x0  }
0x1ae: {  	[sflag:s25] =	ssyncadd.s32 $0xFFFFFF80  }
0x1af: {  	[tilespmem:s19], [sflag:$0xA] =	stream.indirect.gather [hbm4b:s4+s0], $0x80, s22, s0, $0xb8;
	[tilespmem:$0x1C800] =	vst v63  }
0x1b0: {  	_ =	swait.ge [sflag:s21], $0x4000  }
0x1b1: {  	[sflag:s21] =	ssyncset.done $0x0  }
0x1b2: {  	[sflag:s21] =	ssyncadd.s32 $0xFFFFC000  }
0x1b3: {  	[spmem:s29] =	stream.indirect.scatter.add.f32 [tilespmem:s20], [sflag:$0xB], $0x80, s1, s0, $0xb8;
	[tilespmem:$0x1C800] =	vst v63  }
0x1b4: {  	_ =	swait.ge [sflag:s30], $0x4000  }
0x1b5: {  	[sflag:s30] =	ssyncset.done $0x0  }
0x1b6: {  	[sflag:s30] =	ssyncadd.s32 $0xFFFFC000  }
0x1b7: {  	_ =	swait.ge [sflag:s26], $0x80  }
0x1b8: {  	[sflag:s26] =	ssyncset.done $0x0  }
0x1b9: {  	[sflag:s26] =	ssyncadd.s32 $0xFFFFFF80  }
0x1ba: {  	_ =	swait.ge [sflag:s26], $0x80  }
0x1bb: {  	[sflag:s26] =	ssyncset.done $0x0  }
0x1bc: {  	[sflag:s26] =	ssyncadd.s32 $0xFFFFFF80  }
0x1bd: {  	[tilespmem:s20], [sflag:$0x9] =	stream.indirect.gather [hbm4b:s4+s0], $0x80, s18, s0, $0xb8;
	[tilespmem:$0x1C800] =	vst v63  }
0x1be: {  	_ =	swait.ge [sflag:s23], $0x4000  }
0x1bf: {  	[sflag:s23] =	ssyncset.done $0x0  }
0x1c0: {  	[sflag:s23] =	ssyncadd.s32 $0xFFFFC000  }
0x1c1: {  	[spmem:s29] =	stream.indirect.scatter.add.f32 [tilespmem:s19], [sflag:$0xB], $0x80, s9, s0, $0xb8;
	[tilespmem:$0x1C800] =	vst v63  }
0x1c2: {  	_ =	swait.ge [sflag:s30], $0x4000  }
0x1c3: {  	[sflag:s30] =	ssyncset.done $0x0  }
0x1c4: {  	[sflag:s30] =	ssyncadd.s32 $0xFFFFC000  }
0x1c5: {  	_ =	swait.ge [sflag:s28], $0x80  }
0x1c6: {  	[sflag:s28] =	ssyncset.done $0x0  }
0x1c7: {  	[sflag:s28] =	ssyncadd.s32 $0xFFFFFF80  }
0x1c8: {  	_ =	swait.ge [sflag:s28], $0x80  }
0x1c9: {  	[sflag:s28] =	ssyncset.done $0x0  }
0x1ca: {  	[sflag:s28] =	ssyncadd.s32 $0xFFFFFF80  }
0x1cb: {  	[tilespmem:s19], [sflag:$0xA] =	stream.indirect.gather [hbm4b:s4+s0], $0x80, s11, s0, $0xb8;
	[tilespmem:$0x1C800] =	vst v63  }
0x1cc: {  	_ =	swait.ge [sflag:s21], $0x4000  }
0x1cd: {  	[sflag:s21] =	ssyncset.done $0x0  }
0x1ce: {  	[sflag:s21] =	ssyncadd.s32 $0xFFFFC000  }
0x1cf: {  	[spmem:s29] =	stream.indirect.scatter.add.f32 [tilespmem:s20], [sflag:$0xB], $0x80, s10, s0, $0xb8;
	[tilespmem:$0x1C800] =	vst v63  }
0x1d0: {  	_ =	swait.ge [sflag:s30], $0x4000  }
0x1d1: {  	[sflag:s30] =	ssyncset.done $0x0  }
0x1d2: {  	[sflag:s30] =	ssyncadd.s32 $0xFFFFC000  }
0x1d3: {  	_ =	swait.ge [sflag:s5], $0x80  }
0x1d4: {  	[sflag:s5] =	ssyncset.done $0x0  }
0x1d5: {  	[sflag:s5] =	ssyncadd.s32 $0xFFFFFF80  }
0x1d6: {  	_ =	swait.ge [sflag:s5], $0x80  }
0x1d7: {  	[sflag:s5] =	ssyncset.done $0x0  }
0x1d8: {  	[sflag:s5] =	ssyncadd.s32 $0xFFFFFF80  }
0x1d9: {  	[tilespmem:s20], [sflag:$0x9] =	stream.indirect.gather [hbm4b:s4+s0], $0x80, s13, s0, $0xb8;
	[tilespmem:$0x1C800] =	vst v63  }
0x1da: {  	_ =	swait.ge [sflag:s23], $0x4000  }
0x1db: {  	[sflag:s23] =	ssyncset.done $0x0  }
0x1dc: {  	[sflag:s23] =	ssyncadd.s32 $0xFFFFC000  }
0x1dd: {  	[spmem:s29] =	stream.indirect.scatter.add.f32 [tilespmem:s19], [sflag:$0xB], $0x80, s12, s0, $0xb8;
	[tilespmem:$0x1C800] =	vst v63  }
0x1de: {  	_ =	swait.ge [sflag:s30], $0x4000  }
0x1df: {  	[sflag:s30] =	ssyncset.done $0x0  }
0x1e0: {  	[sflag:s30] =	ssyncadd.s32 $0xFFFFC000  }
0x1e1: {  	_ =	swait.ge [sflag:s16], $0x80  }
0x1e2: {  	[sflag:s16] =	ssyncset.done $0x0  }
0x1e3: {  	[sflag:s16] =	ssyncadd.s32 $0xFFFFFF80  }
0x1e4: {  	_ =	swait.ge [sflag:s16], $0x80  }
0x1e5: {  	[sflag:s16] =	ssyncset.done $0x0  }
0x1e6: {  	[sflag:s16] =	ssyncadd.s32 $0xFFFFFF80  }
0x1e7: {  	[tilespmem:s19], [sflag:$0xA] =	stream.indirect.gather [hbm4b:s4+s0], $0x80, s14, s0, $0xb8;
	[tilespmem:$0x1C800] =	vst v63  }
0x1e8: {  	_ =	swait.ge [sflag:s21], $0x4000  }
0x1e9: {  	[sflag:s21] =	ssyncset.done $0x0  }
0x1ea: {  	[sflag:s21] =	ssyncadd.s32 $0xFFFFC000  }
0x1eb: {  	[spmem:s29] =	stream.indirect.scatter.add.f32 [tilespmem:s20], [sflag:$0xB], $0x80, s17, s0, $0xb8;
	[tilespmem:$0x1C800] =	vst v63  }
0x1ec: {  	_ =	swait.ge [sflag:s30], $0x4000  }
0x1ed: {  	[sflag:s30] =	ssyncset.done $0x0  }
0x1ee: {  	[sflag:s30] =	ssyncadd.s32 $0xFFFFC000  }
0x1ef: {  	_ =	swait.ge [sflag:s23], $0x4000  }
0x1f0: {  	[sflag:s23] =	ssyncset.done $0x0  }
0x1f1: {  	[sflag:s23] =	ssyncadd.s32 $0xFFFFC000  }
0x1f2: {  	[spmem:s29] =	stream.indirect.scatter.add.f32 [tilespmem:s19], [sflag:$0xB], $0x80, s6, s0, $0xb8;
	[tilespmem:$0x1C800] =	vst v63  }
0x1f3: {  	_ =	swait.ge [sflag:s30], $0x4000  }
0x1f4: {  	[sflag:s30] =	ssyncset.done $0x0  }
0x1f5: {  	[sflag:s30] =	ssyncadd.s32 $0xFFFFC000  }
0x1f6: {  	s18 =	stileid.u32;
	[bflag:$0x0] =	sbarrier.arrive $0xFFFF  }
0x1f7: {  	s2 =	sshll.u32 s18, $0x6;
	s31 =	rddreg [dreg:$0x5]  }
0x1f8: {  	s2 =	sor.u32 $0x1C0B, s2;
	s22 =	rddreg [dreg:$0x16];
	s19 =	sshrl.u32 s31, $0x3  }
0x1f9: {  	[hbm:s22], [sflag:s2] =	dma.local [spmem:s19], $0x2800  }
0x1fa: {  	_ =	swait.ge [sflag:s30], $0x2800  }
0x1fb: {  	s24 =	rddreg [dreg:$0x1c]  }
0x1fc: {  	s28 =	rddreg [dreg:$0x17];
	s6 =	sadd.s32 $0x1, s24  }
0x1fd: {  	p0 =	sne.s32 s6, s28  }
.Ltmp2:
0x1fe: {  	_ = 	snop;
	(pc) =	sbr.rel @p0 .LBB2_1-.Ltmp2, $4  }
0x1ff: {  	_ = 	snop  }
0x200: {  	s1 =	simm.s32 $0x800  }
0x201: {  	s18 =	simm.s32 $0x8;
	s5 =	simm.s32 $0x7;
	[sflag:s30] =	ssyncset.done $0x0  }
0x202: {  	s17 =	simm.s32 $0x6;
	s19 =	simm.s32 $0x4800;
	[sflag:s30] =	ssyncadd.s32 $0xFFFFD800  }
0x203: {  	_ =	sfence.sel $0x180000  }
0x204: {  	[bflag:$0x0] =	sbarrier.arrive $0xFFFF  }
0x205: {  	_ =	strace $0x9000004D  }
0x206: {  	s0 =	stileid.u32;
	[bflag:$0x2] =	sbarrier.arrive $0xFFFF  }
0x207: {  	p0 =	sne.s32 s0, $0x0;
	s0 =	rddreg [dreg:$0x2]  }
0x208: {  	s0 =	sadd.s32 @!p0 $0x100000, s0  }
0x209: {  	[sflag:s0] =	ssyncadd.tile.s32 @!p0 $0x1;
	_ =	shalt  }
.Lfunc_end2:
_tile_overlayer_lowered:
.L_overlay_start_2:
0x20a: {  	(tag) =	ssettag $0x2  }
0x20b: {  	s0 =	rddreg [dreg:$0x0];
	s2 =	stileid.u32  }
0x20c: {  	s1 =	rddreg [dreg:$0x1];
	p0 =	sne.s32 s2, $0x0  }
0x20d: {  	s3 =	rddreg [dreg:$0x2];
	[bflag:$0x3] =	sbarrier.arrive $0xFFFF;
	s2 =	simm.s32 @!p0 $0x1C0B  }
0x20e: {  	[timem:s3], [sflag:s2] =	dma.local @!p0 [hbm:s0], s1  }
0x20f: {  	s0 =	simm.s32 @!p0 $0xB  }
0x210: {  	_ =	swait.ge @!p0 [sflag:s0], s1  }
0x211: {  	s1 =	ssub.s32 @!p0 $0x0, s1;
	[sflag:s0] =	ssyncset.done @!p0 $0x0  }
0x212: {  	[sflag:s0] =	ssyncadd.s32 @!p0 s1  }
0x213: {  	[bflag:$0x3] =	sbarrier.arrive $0xFFFF  }
0x214: {  	_ =	shalt  }

// kernel: kernel.9.cloned.1.call-start
scs
__scs_entry_jumppad:
0x0: {  	(pc) =	sbr.rel $0x88, $3  }
0x1: {  	(tag) =	ssettag $0x0;
	lr =	simm.s32 $0x1  }
0x2: {  	[smem:$0x3F97] =	sst lr;
	_ =	strace $0xD0000000  }
0x3: {  	_ = 	snop  }
0x4: {  	_ = 	snop  }
0x5: {  	_ = 	snop  }
0x6: {  	_ = 	snop  }
0x7: {  	_ = 	snop  }
__scs_overlays_trampoline_lowered:
0x8: {  	[smem:$0x3FA6] =	sst s0  }
0x9: {  	[smem:$0x3FA7] =	sst s1  }
0xa: {  	[smem:$0x3FA8] =	sst s2  }
0xb: {  	[smem:$0x3FA9] =	sst s3  }
0xc: {  	[smem:$0x3FAA] =	sst s4  }
0xd: {  	[smem:$0x3FAB] =	sst s5  }
0xe: {  	[smem:$0x3FAC] =	sst s6  }
0xf: {  	[smem:$0x3FAD] =	sst s7  }
0x10: {  	[smem:$0x3FAE] =	sst s8  }
0x11: {  	[smem:$0x3FAF] =	sst s9;
	s0 =	simm.s32 @!p0 $0x0  }
0x12: {  	s1 =	sld [smem:$0x3F95];
	s0 =	simm.s32 @p0 $0x1  }
0x13: {  	[smem:$0x3FB0] =	sst s0;
	s0 =	simm.s32 @!p1 $0x0  }
0x14: {  	s2 =	sld [smem:$0x3F94];
	s0 =	simm.s32 @p1 $0x1  }
0x15: {  	[smem:$0x3FB1] =	sst s0;
	s0 =	simm.s32 @!p2 $0x0  }
0x16: {  	s3 =	sld [smem:$0x3FDB];
	s0 =	simm.s32 @p2 $0x1  }
0x17: {  	s4 =	simm.s32 $0x1BF5;
	[smem:$0x3FB3] =	sst s0  }
0x18: {  	s0 =	sld [smem:$0x3F96];
	_ =	swait.ge [sflag:s4], $0x0  }
0x19: {  	s7 =	sld [smem:$0x3F97]  }
0x1a: {  	s8 =	sadd.s32 $0xFFFFE003, lr  }
0x1b: {  	s9 =	sadd.s32 $0xFFFFFEF7, lr;
	s5 =	simm.s32 $0xFFFFFFFF;
	p2 =	slt.u32 s8, $0xFFFFF086  }
0x1c: {  	p1 =	slt.u32 s9, $0xF7A;
	s5 =	simm.s32 @!p2 $0x0  }
0x1d: {  	s5 =	simm.s32 @p1 $0x1;
	p0 =	seq.s32 s7, s2  }
0x1e: {  	s7 =	smul.u32 @!p0 $0xF7A, s2;
	p2 =	seq.s32 @!p0 s5, $0x0  }
0x1f: {  	s9 =	smul.u32 $0xF7A, s1;
	s8 =	simm.s32 @!p0 $0x1BF5;
	p2 =	por !p2, p0  }
0x20: {  	[sflag:s8] =	ssyncset.s32 @!p0 $0xFFFFF086;
	s6 =	sadd.s32 @!p0 s3, s7;
	s7 =	simm.s32 @!p0 $0x108  }
0x21: {  	s3 =	sadd.s32 s3, s9;
	s6 =	sadd.s32 @!p0 $0x88, s6;
	s7 =	simm.s32 @p2 $0x1082  }
0x22: {  	[simem:s7], [sflag:s8] =	dma.local @!p0 [hbm:s6], $0xF7A  }
0x23: {  	s9 =	sor.u32 $0xD0000000, s2;
	s6 =	simm.s32 $0x108;
	_ =	swait.ge @!p0 [sflag:s8], $0x0  }
0x24: {  	s3 =	sadd.s32 $0x88, s3;
	s6 =	simm.s32 @!p1 $0x1082;
	[sflag:s4] =	ssyncset.s32 $0xFFFFF086  }
0x25: {  	[simem:s6], [sflag:s4] =	dma.local [hbm:s3], $0xF7A  }
0x26: {  	[smem:$0x3F97] =	sst s1;
	(tag) =	ssettag s2;
	_ =	strace s9  }
0x27: {  	s1 =	sld [smem:$0x3FA7]  }
0x28: {  	s2 =	sld [smem:$0x3FA8]  }
0x29: {  	s4 =	sld [smem:$0x3FAA]  }
0x2a: {  	p0 =	seq.s32 s5, $0x0;
	s5 =	sld [smem:$0x3FAB]  }
0x2b: {  	s6 =	sld [smem:$0x3FAC]  }
0x2c: {  	s7 =	sld [smem:$0x3FAD]  }
0x2d: {  	s3 =	simm.s32 $0x108;
	s8 =	sld [smem:$0x3FAE]  }
0x2e: {  	s3 =	simm.s32 @!p0 $0x1082;
	s9 =	sld [smem:$0x3FAF]  }
0x2f: {  	lr =	sadd.s32 s0, s3;
	s0 =	sld [smem:$0x3FA6]  }
0x30: {  	s3 =	sld [smem:$0x3FA9]  }
0x31: {  	[smem:$0x3FB2] =	sst s10  }
0x32: {  	s10 =	sld [smem:$0x3FB0];
	_ =	sdelay $0x3  }
0x33: {  	p0 =	seq.s32 s10, $0x1;
	s10 =	sld [smem:$0x3FB2];
	_ =	sdelay $0x3  }
0x34: {  	[smem:$0x3FB2] =	sst s10  }
0x35: {  	s10 =	sld [smem:$0x3FB1];
	_ =	sdelay $0x3  }
0x36: {  	p1 =	seq.s32 s10, $0x1;
	s10 =	sld [smem:$0x3FB2];
	_ =	sdelay $0x3  }
0x37: {  	[smem:$0x3FB2] =	sst s10  }
0x38: {  	s10 =	sld [smem:$0x3FB3]  }
0x39: {  	_ = 	snop;
	(pc) =	sbr.ind lr, $3  }
0x3a: {  	_ = 	snop  }
0x3b: {  	_ = 	snop  }
0x3c: {  	p2 =	seq.s32 s10, $0x1;
	s10 =	sld [smem:$0x3FB2]  }
0x3d: {  	_ =	shalt  }
0x3e: {  	_ =	shalt  }
0x3f: {  	_ =	shalt  }
0x40: {  	_ =	shalt  }
0x41: {  	_ =	shalt  }
0x42: {  	_ =	shalt  }
0x43: {  	_ =	shalt  }
0x44: {  	_ =	shalt  }
0x45: {  	_ =	shalt  }
0x46: {  	_ =	shalt  }
0x47: {  	_ =	shalt  }
0x48: {  	_ =	shalt  }
0x49: {  	_ =	shalt  }
0x4a: {  	_ =	shalt  }
0x4b: {  	_ =	shalt  }
0x4c: {  	_ =	shalt  }
0x4d: {  	_ =	shalt  }
0x4e: {  	_ =	shalt  }
0x4f: {  	_ =	shalt  }
0x50: {  	_ =	shalt  }
0x51: {  	_ =	shalt  }
0x52: {  	_ =	shalt  }
0x53: {  	_ =	shalt  }
0x54: {  	_ =	shalt  }
0x55: {  	_ =	shalt  }
0x56: {  	_ =	shalt  }
0x57: {  	_ =	shalt  }
0x58: {  	_ =	shalt  }
0x59: {  	_ =	shalt  }
0x5a: {  	_ =	shalt  }
0x5b: {  	_ =	shalt  }
0x5c: {  	_ =	shalt  }
0x5d: {  	_ =	shalt  }
0x5e: {  	_ =	shalt  }
0x5f: {  	_ =	shalt  }
0x60: {  	_ =	shalt  }
0x61: {  	_ =	shalt  }
0x62: {  	_ =	shalt  }
0x63: {  	_ =	shalt  }
0x64: {  	_ =	shalt  }
0x65: {  	_ =	shalt  }
0x66: {  	_ =	shalt  }
0x67: {  	_ =	shalt  }
0x68: {  	_ =	shalt  }
0x69: {  	_ =	shalt  }
0x6a: {  	_ =	shalt  }
0x6b: {  	_ =	shalt  }
0x6c: {  	_ =	shalt  }
0x6d: {  	_ =	shalt  }
0x6e: {  	_ =	shalt  }
0x6f: {  	_ =	shalt  }
0x70: {  	_ =	shalt  }
0x71: {  	_ =	shalt  }
0x72: {  	_ =	shalt  }
0x73: {  	_ =	shalt  }
0x74: {  	_ =	shalt  }
0x75: {  	_ =	shalt  }
0x76: {  	_ =	shalt  }
0x77: {  	_ =	shalt  }
0x78: {  	_ =	shalt  }
0x79: {  	_ =	shalt  }
0x7a: {  	_ =	shalt  }
0x7b: {  	_ =	shalt  }
0x7c: {  	_ =	shalt  }
0x7d: {  	_ =	shalt  }
0x7e: {  	_ =	shalt  }
0x7f: {  	_ =	shalt  }
0x80: {  	_ =	shalt  }
0x81: {  	_ =	shalt  }
0x82: {  	_ =	shalt  }
0x83: {  	_ =	shalt  }
0x84: {  	_ =	shalt  }
0x85: {  	_ =	shalt  }
0x86: {  	_ =	shalt  }
0x87: {  	_ =	shalt  }
.Lfunc_end0:
.L_simem_size_0:
called_computation_lowered:
.L_overlay_start_0:
0x88: {  	s2 =	sld [smem:$0x3FD9]  }
0x89: {  	s3 =	sld [smem:$0x3FFE];
	_ =	sdelay $0x1  }
0x8a: {  	s1 =	srdreg.scid  }
0x8b: {  	s0 =	sand.u32 $0x1, s1  }
0x8c: {  	s16 =	sshll.u32 s0, $0xA;
	s2 =	sadd.s32 s3, s2  }
0x8d: {  	s2 =	sadd.s32 s2, s16  }
0x8e: {  	[smem:$0x3FBE] =	sst s2  }
0x8f: {  	_ = 	snop  }
0x90: {  	(tm) =	ssettm $0x1  }
0x91: {  	s17 =	sld [smem:$0x3FFB];
	_ =	sdelay $0x3  }
0x92: {  	_ =	strace s17  }
0x93: {  	s2 =	sld [smem:$0x3FFC];
	_ =	sdelay $0x3  }
0x94: {  	_ =	strace s2  }
0x95: {  	s2 =	sld [smem:$0x3FFD];
	_ =	sdelay $0x3  }
0x96: {  	_ =	strace s2  }
0x97: {  	_ =	strace $0x8FFFFFFF  }
0x98: {  	s18 =	sld [smem:$0x3FDB];
	_ =	sdelay $0x1  }
0x99: {  	s19 =	simm.s32 $_scs_section_size  }
0x9a: {  	s4 =	simm.s32 $_size__tile_overlayer_lowered;
	s5 =	simm.s32 $_tile_overlayer_lowered  }
0x9b: {  	s22 =	simm.s32 $0x1BFF;
	s21 =	sshll.u32 s5, $0x1;
	s2 =	sadd.s32 s19, s18  }
0x9c: {  	s6 =	simm.s32 $0x0;
	s20 =	sshll.u32 s4, $0x1;
	s4 =	sadd.s32 s21, s2  }
0x9d: {  	[timem:s6], [sflag:s22] =	dma.local [hbm:s4], s20  }
0x9e: {  	_ =	swait.ge [sflag:s22], s20  }
0x9f: {  	s3 =	ssub.s32 $0x0, s20;
	[sflag:s22] =	ssyncset.done $0x0  }
0xa0: {  	[sflag:s22] =	ssyncadd.s32 s3;
	_ =	sdelay $0x1  }
0xa1: {  	s23 =	simm.s32 $0x1B8B  }
0xa2: {  	_ =	swait.ge [sflag:s23], $0x1  }
0xa3: {  	[sflag:s23] =	ssyncset.done $0x0  }
0xa4: {  	s25 =	simm.s32 $0x1B8E;
	s24 =	sld [smem:$0x3FFE];
	[sflag:s23] =	ssyncadd.s32 $0xFFFFFFFF  }
0xa5: {  	s26 =	simm.s32 $execute0_lowered;
	[smem:$0x3FD2] =	sst s25  }
0xa6: {  	s4 =	sshll.u32 s26, $0x1;
	_ =	strace $0x80000046;
	[dreg:$0x1] =	wrdreg $0xFFFFFFFF  }
0xa7: {  	s28 =	simm.s32 $_size_execute0_lowered;
	s2 =	sadd.s32 s2, s4;
	[dreg:$0x0] =	wrdreg $0x0  }
0xa8: {  	s4 =	sshll.u32 s28, $0x1;
	[dreg:$0x2] =	wrdreg s2  }
0xa9: {  	[dreg:$0x3] =	wrdreg s4  }
0xaa: {  	[dreg:$0x4] =	wrdreg $0xC0  }
0xab: {  	_ =	task [dreg:s6], $0x5FFFF  }
0xac: {  	[dreg:$0x1] =	wrdreg $0xFFFFFFFF  }
0xad: {  	[dreg:$0x0] =	wrdreg $0x60  }
0xae: {  	[dreg:$0x2] =	wrdreg s24  }
0xaf: {  	[dreg:$0x3] =	wrdreg $0x84000  }
0xb0: {  	[dreg:$0x4] =	wrdreg $0x9  }
0xb1: {  	_ =	task.clear_ibuf [dreg:s6], $0x5FFFF;
	_ =	strace $0x90000046  }
0xb2: {  	s29 =	simm.s32 $0x9;
	_ =	strace $0x80000048  }
0xb3: {  	_ =	swait.ge [sflag:s29], $0x1  }
0xb4: {  	[sflag:s29] =	ssyncadd.s32 $0xFFFFFFFF  }
0xb5: {  	_ =	strace $0x90000048  }
0xb6: {  	_ =	sfence  }
0xb7: {  	s30 =	sld [smem:$0x0];
	_ =	sdelay $0x2  }
0xb8: {  	s31 =	sshll.u32 s1, $0xD;
	s1 =	sshrl.u32 s1, $0x2  }
0xb9: {  	s3 =	sand.u32 $0x4000, s31;
	s1 =	sadd.s32 s1, s30  }
0xba: {  	s0 =	sor.u32 s3, s0;
	s1 =	sshll.u32 s1, $0x11  }
0xbb: {  	s0 =	sor.u32 s1, s0  }
0xbc: {  	s0 =	sadd.s32 $0x8F2B, s0  }
0xbd: {  	[sflag:s0] =	ssyncadd.remote.s32 $0x1  }
0xbe: {  	_ =	sfence.sel $0xFFFF  }
0xbf: {  	[dreg:$0x0] =	wrdreg $0xFFFFFFFF;
	(pc) =	sbr.abs _section_cstart, $3  }
0xc0: {  	[dreg:$0x1] =	wrdreg $0xFFFFFFFF  }
0xc1: {  	_ =	task.clear_ibuf [dreg:s6], $0x2FFFF;
	_ =	strace $0x9FFFFFFF  }
0xc2: {  	(tm) =	ssettm $0x7FFFFFFF  }
0xc3: {  	_ =	shalt  }
tec
execute0_lowered:
.L_overlay_start_1:
0x0: {  	(tag) =	ssettag $0x1  }
0x1: {  	s0 =	rddreg [dreg:$0x0]  }
0x2: {  	s2 =	rddreg [dreg:$0x1]  }
0x3: {  	s1 =	srdreg.scid;
	s8 =	stileid.u32  }
0x4: {  	s3 =	simm.s32 $0x0;
	s28 =	simm.s32 $0x4400;
	s29 =	simm.s32 $0xB  }
0x5: {  	s30 =	simm.s32 $0x1;
	s31 =	simm.s32 $0x400;
	s10 =	simm.s32 $0x7  }
0x6: {  	s11 =	simm.s32 $0x8;
	s1 =	sand.u32 $0x1, s1;
	s5 =	smul.u32 $0x14000, s8  }
0x7: {  	[smem:$0x7FF] =	sst s3;
	s14 =	sadd.s32 $0xC000, s0;
	s16 =	smul.u32 $0x50000, s8  }
0x8: {  	s4 =	smul.u32 $0x140000, s1;
	s6 =	sshll.u32 s1, $0x4;
	_ =	strace $0x80000047  }
0x9: {  	s7 =	ssub.s32 $0x2, s1;
	s1 =	smul.u32 $0x28000, s1;
	s6 =	sor.u32 s8, s6  }
0xa: {  	s15 =	sshrl.u32 s7, $0x1;
	s8 =	smul.u32 $0x2800, s8;
	s4 =	sadd.s32 s5, s4  }
0xb: {  	s13 =	smul.u32 $0x2800, s6;
	s7 =	ssub.s32 s7, s15;
	s6 =	simm.s32 $0xA  }
0xc: {  	s4 =	sshrl.u32 s4, $0x3;
	s1 =	sadd.s32 s8, s1;
	s23 =	smax.u32 s7, $0x1  }
0xd: {  	s7 =	simm.s32 $0x4;
	s8 =	simm.s32 $0x5;
	s0 =	sadd.s32 s4, s0  }
0xe: {  	s5 =	sshrl.u32 s13, $0x3;
	[dreg:$0xb] =	wrdreg s23;
	s24 =	sor.u32 $0x400, s1  }
0xf: {  	s23 =	simm.s32 $0x200;
	s4 =	sadd.s32 s14, s5;
	s0 =	sadd.s32 $0x16000, s0  }
0x10: {  	s1 =	simm.s32 $0x9;
	s9 =	sadd.s32 $0x10, s4;
	[dreg:$0xa] =	wrdreg s0  }
0x11: {  	s13 =	simm.s32 $0x0;
	s17 =	sadd.s32 $0x20, s4;
	[dreg:$0x3] =	wrdreg s9  }
0x12: {  	s5 =	sshrl.u32 s16, $0x2;
	s18 =	sadd.s32 $0x30, s4;
	[dreg:$0x4] =	wrdreg s17  }
0x13: {  	s19 =	sadd.s32 $0x40, s4;
	s20 =	sadd.s32 $0x50, s4;
	[dreg:$0x5] =	wrdreg s18  }
0x14: {  	s21 =	sadd.s32 $0x60, s4;
	s22 =	sadd.s32 $0x70, s4;
	[dreg:$0x6] =	wrdreg s19  }
0x15: {  	s12 =	sadd.s32 s5, s2;
	s0 =	sshrl.u32 s24, $0x3;
	[dreg:$0x7] =	wrdreg s20  }
0x16: {  	s24 =	simm.s32 $0x280;
	s5 =	simm.s32 $0x3;
	[dreg:$0x8] =	wrdreg s21  }
0x17: {  	[dreg:$0x9] =	wrdreg s22;
	s25 =	sadd.s32 $0x4000, s12;
	s26 =	sadd.s32 $0x8000, s12  }
0x18: {  	s17 =	sadd.s32 $0xC000, s12;
	s18 =	sadd.s32 $0x10000, s12;
	s19 =	sadd.s32 s0, s14  }
0x19: {  	s20 =	simm.s32 $0x80;
	s21 =	simm.s32 $0x100;
	s22 =	simm.s32 $0x180  }
0x1a: {  	s0 =	simm.s32 $0x2;
	s9 =	simm.s32 $0x6;
	[dreg:$0xc] =	wrdreg s25  }
0x1b: {  	v0 =	vimm.f32 $1.000000000e+00;
	v1 =	vimm.f32 $0.0e+00;
	[dreg:$0xd] =	wrdreg s26;
	s25 =	simm.s32 $0x300;
	s26 =	simm.s32 $0x380  }
.LBB2_1:
0x1c: {  	[tilespmem:s3], [sflag:$0x1] =	stream.linear.gather [hbm4b:s4+s3], $0x80, $0x38;
	[tilespmem:$0xAC00] =	vst v63  }
0x1d: {  	s14 =	rddreg [dreg:$0x3]  }
0x1e: {  	[tilespmem:s20], [sflag:$0x2] =	stream.linear.gather [hbm4b:s14+s3], $0x80, $0x38;
	[tilespmem:$0xAC00] =	vst v63  }
0x1f: {  	s15 =	rddreg [dreg:$0x4]  }
0x20: {  	[tilespmem:s21], [sflag:$0x3] =	stream.linear.gather [hbm4b:s15+s3], $0x80, $0x38;
	[tilespmem:$0xAC00] =	vst v63  }
0x21: {  	s16 =	rddreg [dreg:$0x5]  }
0x22: {  	[tilespmem:s22], [sflag:$0x4] =	stream.linear.gather [hbm4b:s16+s3], $0x80, $0x38;
	[tilespmem:$0xAC00] =	vst v63  }
0x23: {  	s15 =	rddreg [dreg:$0x6]  }
0x24: {  	[tilespmem:s23], [sflag:$0x5] =	stream.linear.gather [hbm4b:s15+s3], $0x80, $0x38;
	[tilespmem:$0xAC00] =	vst v63  }
0x25: {  	s16 =	rddreg [dreg:$0x7]  }
0x26: {  	[tilespmem:s24], [sflag:$0x6] =	stream.linear.gather [hbm4b:s16+s3], $0x80, $0x38;
	[tilespmem:$0xAC00] =	vst v63  }
0x27: {  	s15 =	rddreg [dreg:$0x8]  }
0x28: {  	[tilespmem:s25], [sflag:$0x7] =	stream.linear.gather [hbm4b:s15+s3], $0x80, $0x38;
	[tilespmem:$0xAC00] =	vst v63  }
0x29: {  	s14 =	simm.s32 $0x200;
	s16 =	rddreg [dreg:$0x9];
	s15 =	simm.s32 $0x0  }
0x2a: {  	[tilespmem:s26], [sflag:$0x8] =	stream.linear.gather [hbm4b:s16+s3], $0x80, $0x38;
	[tilespmem:$0xAC00] =	vst v63  }
.LBB2_2:
0x2b: {  	p0 =	sne.s32 s14, $0xFE00;
	[tilespmem:s15+$0x400] =	vst v0;
	s16 =	smov.u32 s14;
	s14 =	sadd.s32 $0x200, s14  }
.Ltmp0:
0x2c: {  	[tilespmem:s15+$0x4400] =	vst v1;
	(pc) =	sbr.rel @p0 .LBB2_2-.Ltmp0, $2  }
0x2d: {  	_ =	sdelay $0x2  }
0x2e: {  	s15 =	sshra.s32 s16, $0x2  }
0x2f: {  	[tilespmem:s15+$0x400] =	vst v0  }
0x30: {  	[tilespmem:s15+$0x4400] =	vst v1  }
0x31: {  	[spmem:s12] =	stream.linear.scatter [tilespmem:s28], [sflag:$0xB], $0x4000, $0x38;
	[tilespmem:$0xAC00] =	vst v63  }
0x32: {  	_ =	swait.ge [sflag:s29], $0x4000  }
0x33: {  	[sflag:s29] =	ssyncset.done $0x0  }
0x34: {  	s14 =	rddreg [dreg:$0xc];
	[sflag:s29] =	ssyncadd.s32 $0xFFFFC000  }
0x35: {  	[spmem:s14] =	stream.linear.scatter [tilespmem:s28], [sflag:$0xB], $0x4000, $0x38;
	[tilespmem:$0xAC00] =	vst v63  }
0x36: {  	_ =	swait.ge [sflag:s29], $0x4000  }
0x37: {  	[sflag:s29] =	ssyncset.done $0x0  }
0x38: {  	s15 =	rddreg [dreg:$0xd];
	[sflag:s29] =	ssyncadd.s32 $0xFFFFC000  }
0x39: {  	[spmem:s15] =	stream.linear.scatter [tilespmem:s28], [sflag:$0xB], $0x4000, $0x38;
	[tilespmem:$0xAC00] =	vst v63  }
0x3a: {  	_ =	swait.ge [sflag:s29], $0x4000  }
0x3b: {  	[sflag:s29] =	ssyncset.done $0x0  }
0x3c: {  	[sflag:s29] =	ssyncadd.s32 $0xFFFFC000  }
0x3d: {  	[spmem:s17] =	stream.linear.scatter [tilespmem:s28], [sflag:$0xB], $0x4000, $0x38;
	[tilespmem:$0xAC00] =	vst v63  }
0x3e: {  	_ =	swait.ge [sflag:s29], $0x4000  }
0x3f: {  	[sflag:s29] =	ssyncset.done $0x0  }
0x40: {  	[sflag:s29] =	ssyncadd.s32 $0xFFFFC000  }
0x41: {  	[spmem:s18] =	stream.linear.scatter [tilespmem:s28], [sflag:$0xB], $0x4000, $0x38;
	[tilespmem:$0xAC00] =	vst v63  }
0x42: {  	_ =	swait.ge [sflag:s29], $0x4000  }
0x43: {  	[sflag:s29] =	ssyncset.done $0x0  }
0x44: {  	[sflag:s29] =	ssyncadd.s32 $0xFFFFC000  }
0x45: {  	[bflag:$0x0] =	sbarrier.arrive $0xFFFF  }
0x46: {  	_ =	swait.ge [sflag:s30], $0x80  }
0x47: {  	[sflag:s30] =	ssyncset.done $0x0  }
0x48: {  	[sflag:s30] =	ssyncadd.s32 $0xFFFFFF80  }
0x49: {  	[spmem:s2] =	stream.indirect.scatter.add.f32 [tilespmem:s31], [sflag:$0x9], $0x10, s3, s20, $0xb8;
	[tilespmem:$0xAC00] =	vst v63  }
0x4a: {  	_ =	swait.ge [sflag:s0], $0x80  }
0x4b: {  	[sflag:s0] =	ssyncset.done $0x0  }
0x4c: {  	[sflag:s0] =	ssyncadd.s32 $0xFFFFFF80  }
0x4d: {  	[spmem:s2] =	stream.indirect.scatter.add.f32 [tilespmem:s31], [sflag:$0xA], $0x10, s20, s20, $0xb8;
	[tilespmem:$0xAC00] =	vst v63  }
0x4e: {  	_ =	swait.ge [sflag:s1], $0x800  }
0x4f: {  	[sflag:s1] =	ssyncset.done $0x0  }
0x50: {  	s15 =	sadd.s32 $0x0, s19;
	[sflag:s1] =	ssyncadd.s32 $0xFFFFF800  }
0x51: {  	[tilespmem:s3], [sflag:$0x1] =	stream.linear.gather [hbm4b:s15+s3], $0x80, $0x38;
	[tilespmem:$0xAC00] =	vst v63  }
0x52: {  	_ =	swait.ge [sflag:s5], $0x80  }
0x53: {  	[sflag:s5] =	ssyncset.done $0x0  }
0x54: {  	[sflag:s5] =	ssyncadd.s32 $0xFFFFFF80  }
0x55: {  	[spmem:s2] =	stream.indirect.scatter.add.f32 [tilespmem:s31], [sflag:$0x9], $0x10, s21, s20, $0xb8;
	[tilespmem:$0xAC00] =	vst v63  }
0x56: {  	_ =	swait.ge [sflag:s6], $0x800  }
0x57: {  	[sflag:s6] =	ssyncset.done $0x0  }
0x58: {  	s16 =	sadd.s32 $0x10, s15;
	[sflag:s6] =	ssyncadd.s32 $0xFFFFF800  }
0x59: {  	[tilespmem:s20], [sflag:$0x2] =	stream.linear.gather [hbm4b:s16+s3], $0x80, $0x38;
	[tilespmem:$0xAC00] =	vst v63  }
0x5a: {  	_ =	swait.ge [sflag:s7], $0x80  }
0x5b: {  	[sflag:s7] =	ssyncset.done $0x0  }
0x5c: {  	[sflag:s7] =	ssyncadd.s32 $0xFFFFFF80  }
0x5d: {  	[spmem:s2] =	stream.indirect.scatter.add.f32 [tilespmem:s31], [sflag:$0xA], $0x10, s22, s20, $0xb8;
	[tilespmem:$0xAC00] =	vst v63  }
0x5e: {  	_ =	swait.ge [sflag:s1], $0x800  }
0x5f: {  	[sflag:s1] =	ssyncset.done $0x0  }
0x60: {  	s16 =	sadd.s32 $0x20, s15;
	[sflag:s1] =	ssyncadd.s32 $0xFFFFF800  }
0x61: {  	[tilespmem:s21], [sflag:$0x3] =	stream.linear.gather [hbm4b:s16+s3], $0x80, $0x38;
	[tilespmem:$0xAC00] =	vst v63  }
0x62: {  	_ =	swait.ge [sflag:s8], $0x80  }
0x63: {  	[sflag:s8] =	ssyncset.done $0x0  }
0x64: {  	[sflag:s8] =	ssyncadd.s32 $0xFFFFFF80  }
0x65: {  	[spmem:s2] =	stream.indirect.scatter.add.f32 [tilespmem:s31], [sflag:$0x9], $0x10, s23, s20, $0xb8;
	[tilespmem:$0xAC00] =	vst v63  }
0x66: {  	_ =	swait.ge [sflag:s6], $0x800  }
0x67: {  	[sflag:s6] =	ssyncset.done $0x0  }
0x68: {  	s16 =	sadd.s32 $0x30, s15;
	[sflag:s6] =	ssyncadd.s32 $0xFFFFF800  }
0x69: {  	[tilespmem:s22], [sflag:$0x4] =	stream.linear.gather [hbm4b:s16+s3], $0x80, $0x38;
	[tilespmem:$0xAC00] =	vst v63  }
0x6a: {  	_ =	swait.ge [sflag:s9], $0x80  }
0x6b: {  	[sflag:s9] =	ssyncset.done $0x0  }
0x6c: {  	[sflag:s9] =	ssyncadd.s32 $0xFFFFFF80  }
0x6d: {  	[spmem:s2] =	stream.indirect.scatter.add.f32 [tilespmem:s31], [sflag:$0xA], $0x10, s24, s20, $0xb8;
	[tilespmem:$0xAC00] =	vst v63  }
0x6e: {  	_ =	swait.ge [sflag:s1], $0x800  }
0x6f: {  	[sflag:s1] =	ssyncset.done $0x0  }
0x70: {  	s16 =	sadd.s32 $0x40, s15;
	[sflag:s1] =	ssyncadd.s32 $0xFFFFF800  }
0x71: {  	[tilespmem:s23], [sflag:$0x5] =	stream.linear.gather [hbm4b:s16+s3], $0x80, $0x38;
	[tilespmem:$0xAC00] =	vst v63  }
0x72: {  	_ =	swait.ge [sflag:s10], $0x80  }
0x73: {  	[sflag:s10] =	ssyncset.done $0x0  }
0x74: {  	[sflag:s10] =	ssyncadd.s32 $0xFFFFFF80  }
0x75: {  	[spmem:s2] =	stream.indirect.scatter.add.f32 [tilespmem:s31], [sflag:$0x9], $0x10, s25, s20, $0xb8;
	[tilespmem:$0xAC00] =	vst v63  }
0x76: {  	_ =	swait.ge [sflag:s6], $0x800  }
0x77: {  	[sflag:s6] =	ssyncset.done $0x0  }
0x78: {  	s16 =	sadd.s32 $0x50, s15;
	[sflag:s6] =	ssyncadd.s32 $0xFFFFF800  }
0x79: {  	[tilespmem:s24], [sflag:$0x6] =	stream.linear.gather [hbm4b:s16+s3], $0x80, $0x38;
	[tilespmem:$0xAC00] =	vst v63  }
0x7a: {  	_ =	swait.ge [sflag:s11], $0x80  }
0x7b: {  	[sflag:s11] =	ssyncset.done $0x0  }
0x7c: {  	[sflag:s11] =	ssyncadd.s32 $0xFFFFFF80  }
0x7d: {  	[spmem:s2] =	stream.indirect.scatter.add.f32 [tilespmem:s31], [sflag:$0xA], $0x10, s26, s20, $0xb8;
	[tilespmem:$0xAC00] =	vst v63  }
0x7e: {  	_ =	swait.ge [sflag:s1], $0x800  }
0x7f: {  	[sflag:s1] =	ssyncset.done $0x0  }
0x80: {  	s16 =	sadd.s32 $0x60, s15;
	[sflag:s1] =	ssyncadd.s32 $0xFFFFF800  }
0x81: {  	[tilespmem:s25], [sflag:$0x7] =	stream.linear.gather [hbm4b:s16+s3], $0x80, $0x38;
	[tilespmem:$0xAC00] =	vst v63  }
0x82: {  	_ =	swait.ge [sflag:s6], $0x800  }
0x83: {  	[sflag:s6] =	ssyncset.done $0x0  }
0x84: {  	s14 =	simm.s32 $0x80;
	s15 =	sadd.s32 $0x70, s15;
	[sflag:s6] =	ssyncadd.s32 $0xFFFFF800  }
.LBB2_4:
0x85: {  	[tilespmem:s26], [sflag:$0x8] =	stream.linear.gather [hbm4b:s15+s3], $0x80, $0x38;
	[tilespmem:$0xAC00] =	vst v63  }
0x86: {  	s15 =	smov.u32 s14  }
0x87: {  	p0 =	sne.s32 s14, $0x400;
	s14 =	sadd.s32 $0x80, s14;
	_ =	swait.ge [sflag:s30], $0x80  }
0x88: {  	[sflag:s30] =	ssyncset.done $0x0  }
0x89: {  	[sflag:s30] =	ssyncadd.s32 $0xFFFFFF80  }
0x8a: {  	[spmem:s2] =	stream.indirect.scatter.add.f32 [tilespmem:s31], [sflag:$0x9], $0x10, s3, s20, $0xb8;
	[tilespmem:$0xAC00] =	vst v63  }
0x8b: {  	_ =	swait.ge [sflag:s0], $0x80  }
0x8c: {  	[sflag:s0] =	ssyncset.done $0x0  }
0x8d: {  	[sflag:s0] =	ssyncadd.s32 $0xFFFFFF80  }
0x8e: {  	[spmem:s2] =	stream.indirect.scatter.add.f32 [tilespmem:s31], [sflag:$0xA], $0x10, s20, s20, $0xb8;
	[tilespmem:$0xAC00] =	vst v63  }
0x8f: {  	_ =	swait.ge [sflag:s1], $0x800  }
0x90: {  	[sflag:s1] =	ssyncset.done $0x0  }
0x91: {  	s15 =	sadd.s32 s15, s19;
	[sflag:s1] =	ssyncadd.s32 $0xFFFFF800  }
0x92: {  	[tilespmem:s3], [sflag:$0x1] =	stream.linear.gather [hbm4b:s15+s3], $0x80, $0x38;
	[tilespmem:$0xAC00] =	vst v63  }
0x93: {  	_ =	swait.ge [sflag:s5], $0x80  }
0x94: {  	[sflag:s5] =	ssyncset.done $0x0  }
0x95: {  	[sflag:s5] =	ssyncadd.s32 $0xFFFFFF80  }
0x96: {  	[spmem:s2] =	stream.indirect.scatter.add.f32 [tilespmem:s31], [sflag:$0x9], $0x10, s21, s20, $0xb8;
	[tilespmem:$0xAC00] =	vst v63  }
0x97: {  	_ =	swait.ge [sflag:s6], $0x800  }
0x98: {  	[sflag:s6] =	ssyncset.done $0x0  }
0x99: {  	s16 =	sadd.s32 $0x10, s15;
	[sflag:s6] =	ssyncadd.s32 $0xFFFFF800  }
0x9a: {  	[tilespmem:s20], [sflag:$0x2] =	stream.linear.gather [hbm4b:s16+s3], $0x80, $0x38;
	[tilespmem:$0xAC00] =	vst v63  }
0x9b: {  	_ =	swait.ge [sflag:s7], $0x80  }
0x9c: {  	[sflag:s7] =	ssyncset.done $0x0  }
0x9d: {  	[sflag:s7] =	ssyncadd.s32 $0xFFFFFF80  }
0x9e: {  	[spmem:s2] =	stream.indirect.scatter.add.f32 [tilespmem:s31], [sflag:$0xA], $0x10, s22, s20, $0xb8;
	[tilespmem:$0xAC00] =	vst v63  }
0x9f: {  	_ =	swait.ge [sflag:s1], $0x800  }
0xa0: {  	[sflag:s1] =	ssyncset.done $0x0  }
0xa1: {  	s16 =	sadd.s32 $0x20, s15;
	[sflag:s1] =	ssyncadd.s32 $0xFFFFF800  }
0xa2: {  	[tilespmem:s21], [sflag:$0x3] =	stream.linear.gather [hbm4b:s16+s3], $0x80, $0x38;
	[tilespmem:$0xAC00] =	vst v63  }
0xa3: {  	_ =	swait.ge [sflag:s8], $0x80  }
0xa4: {  	[sflag:s8] =	ssyncset.done $0x0  }
0xa5: {  	[sflag:s8] =	ssyncadd.s32 $0xFFFFFF80  }
0xa6: {  	[spmem:s2] =	stream.indirect.scatter.add.f32 [tilespmem:s31], [sflag:$0x9], $0x10, s23, s20, $0xb8;
	[tilespmem:$0xAC00] =	vst v63  }
0xa7: {  	_ =	swait.ge [sflag:s6], $0x800  }
0xa8: {  	[sflag:s6] =	ssyncset.done $0x0  }
0xa9: {  	s16 =	sadd.s32 $0x30, s15;
	[sflag:s6] =	ssyncadd.s32 $0xFFFFF800  }
0xaa: {  	[tilespmem:s22], [sflag:$0x4] =	stream.linear.gather [hbm4b:s16+s3], $0x80, $0x38;
	[tilespmem:$0xAC00] =	vst v63  }
0xab: {  	_ =	swait.ge [sflag:s9], $0x80  }
0xac: {  	[sflag:s9] =	ssyncset.done $0x0  }
0xad: {  	[sflag:s9] =	ssyncadd.s32 $0xFFFFFF80  }
0xae: {  	[spmem:s2] =	stream.indirect.scatter.add.f32 [tilespmem:s31], [sflag:$0xA], $0x10, s24, s20, $0xb8;
	[tilespmem:$0xAC00] =	vst v63  }
0xaf: {  	_ =	swait.ge [sflag:s1], $0x800  }
0xb0: {  	[sflag:s1] =	ssyncset.done $0x0  }
0xb1: {  	s16 =	sadd.s32 $0x40, s15;
	[sflag:s1] =	ssyncadd.s32 $0xFFFFF800  }
0xb2: {  	[tilespmem:s23], [sflag:$0x5] =	stream.linear.gather [hbm4b:s16+s3], $0x80, $0x38;
	[tilespmem:$0xAC00] =	vst v63  }
0xb3: {  	_ =	swait.ge [sflag:s10], $0x80  }
0xb4: {  	[sflag:s10] =	ssyncset.done $0x0  }
0xb5: {  	[sflag:s10] =	ssyncadd.s32 $0xFFFFFF80  }
0xb6: {  	[spmem:s2] =	stream.indirect.scatter.add.f32 [tilespmem:s31], [sflag:$0x9], $0x10, s25, s20, $0xb8;
	[tilespmem:$0xAC00] =	vst v63  }
0xb7: {  	_ =	swait.ge [sflag:s6], $0x800  }
0xb8: {  	[sflag:s6] =	ssyncset.done $0x0  }
0xb9: {  	s16 =	sadd.s32 $0x50, s15;
	[sflag:s6] =	ssyncadd.s32 $0xFFFFF800  }
0xba: {  	[tilespmem:s24], [sflag:$0x6] =	stream.linear.gather [hbm4b:s16+s3], $0x80, $0x38;
	[tilespmem:$0xAC00] =	vst v63  }
0xbb: {  	_ =	swait.ge [sflag:s11], $0x80  }
0xbc: {  	[sflag:s11] =	ssyncset.done $0x0  }
0xbd: {  	[sflag:s11] =	ssyncadd.s32 $0xFFFFFF80  }
0xbe: {  	[spmem:s2] =	stream.indirect.scatter.add.f32 [tilespmem:s31], [sflag:$0xA], $0x10, s26, s20, $0xb8;
	[tilespmem:$0xAC00] =	vst v63  }
0xbf: {  	_ =	swait.ge [sflag:s1], $0x800  }
0xc0: {  	[sflag:s1] =	ssyncset.done $0x0  }
.Ltmp1:
0xc1: {  	s16 =	sadd.s32 $0x60, s15;
	[sflag:s1] =	ssyncadd.s32 $0xFFFFF800;
	(pc) =	sbr.rel @p0 .LBB2_4-.Ltmp1, $4  }
0xc2: {  	[tilespmem:s25], [sflag:$0x7] =	stream.linear.gather [hbm4b:s16+s3], $0x80, $0x38;
	[tilespmem:$0xAC00] =	vst v63  }
0xc3: {  	_ =	swait.ge [sflag:s6], $0x800  }
0xc4: {  	[sflag:s6] =	ssyncset.done $0x0  }
0xc5: {  	s15 =	sadd.s32 $0x70, s15;
	[sflag:s6] =	ssyncadd.s32 $0xFFFFF800  }
0xc6: {  	[tilespmem:s26], [sflag:$0x8] =	stream.linear.gather [hbm4b:s15+s3], $0x80, $0x38;
	[tilespmem:$0xAC00] =	vst v63  }
0xc7: {  	_ =	swait.ge [sflag:s30], $0x80  }
0xc8: {  	[sflag:s30] =	ssyncset.done $0x0  }
0xc9: {  	[sflag:s30] =	ssyncadd.s32 $0xFFFFFF80  }
0xca: {  	[spmem:s2] =	stream.indirect.scatter.add.f32 [tilespmem:s31], [sflag:$0x9], $0x10, s3, s20, $0xb8;
	[tilespmem:$0xAC00] =	vst v63  }
0xcb: {  	_ =	swait.ge [sflag:s0], $0x80  }
0xcc: {  	[sflag:s0] =	ssyncset.done $0x0  }
0xcd: {  	[sflag:s0] =	ssyncadd.s32 $0xFFFFFF80  }
0xce: {  	[spmem:s2] =	stream.indirect.scatter.add.f32 [tilespmem:s31], [sflag:$0xA], $0x10, s20, s20, $0xb8;
	[tilespmem:$0xAC00] =	vst v63  }
0xcf: {  	_ =	swait.ge [sflag:s1], $0x800  }
0xd0: {  	[sflag:s1] =	ssyncset.done $0x0  }
0xd1: {  	[sflag:s1] =	ssyncadd.s32 $0xFFFFF800  }
0xd2: {  	_ =	swait.ge [sflag:s5], $0x80  }
0xd3: {  	[sflag:s5] =	ssyncset.done $0x0  }
0xd4: {  	[sflag:s5] =	ssyncadd.s32 $0xFFFFFF80  }
0xd5: {  	[spmem:s2] =	stream.indirect.scatter.add.f32 [tilespmem:s31], [sflag:$0x9], $0x10, s21, s20, $0xb8;
	[tilespmem:$0xAC00] =	vst v63  }
0xd6: {  	_ =	swait.ge [sflag:s6], $0x800  }
0xd7: {  	[sflag:s6] =	ssyncset.done $0x0  }
0xd8: {  	[sflag:s6] =	ssyncadd.s32 $0xFFFFF800  }
0xd9: {  	_ =	swait.ge [sflag:s7], $0x80  }
0xda: {  	[sflag:s7] =	ssyncset.done $0x0  }
0xdb: {  	[sflag:s7] =	ssyncadd.s32 $0xFFFFFF80  }
0xdc: {  	[spmem:s2] =	stream.indirect.scatter.add.f32 [tilespmem:s31], [sflag:$0xA], $0x10, s22, s20, $0xb8;
	[tilespmem:$0xAC00] =	vst v63  }
0xdd: {  	_ =	swait.ge [sflag:s1], $0x800  }
0xde: {  	[sflag:s1] =	ssyncset.done $0x0  }
0xdf: {  	[sflag:s1] =	ssyncadd.s32 $0xFFFFF800  }
0xe0: {  	_ =	swait.ge [sflag:s8], $0x80  }
0xe1: {  	[sflag:s8] =	ssyncset.done $0x0  }
0xe2: {  	[sflag:s8] =	ssyncadd.s32 $0xFFFFFF80  }
0xe3: {  	[spmem:s2] =	stream.indirect.scatter.add.f32 [tilespmem:s31], [sflag:$0x9], $0x10, s23, s20, $0xb8;
	[tilespmem:$0xAC00] =	vst v63  }
0xe4: {  	_ =	swait.ge [sflag:s6], $0x800  }
0xe5: {  	[sflag:s6] =	ssyncset.done $0x0  }
0xe6: {  	[sflag:s6] =	ssyncadd.s32 $0xFFFFF800  }
0xe7: {  	_ =	swait.ge [sflag:s9], $0x80  }
0xe8: {  	[sflag:s9] =	ssyncset.done $0x0  }
0xe9: {  	[sflag:s9] =	ssyncadd.s32 $0xFFFFFF80  }
0xea: {  	[spmem:s2] =	stream.indirect.scatter.add.f32 [tilespmem:s31], [sflag:$0xA], $0x10, s24, s20, $0xb8;
	[tilespmem:$0xAC00] =	vst v63  }
0xeb: {  	_ =	swait.ge [sflag:s1], $0x800  }
0xec: {  	[sflag:s1] =	ssyncset.done $0x0  }
0xed: {  	[sflag:s1] =	ssyncadd.s32 $0xFFFFF800  }
0xee: {  	_ =	swait.ge [sflag:s10], $0x80  }
0xef: {  	[sflag:s10] =	ssyncset.done $0x0  }
0xf0: {  	[sflag:s10] =	ssyncadd.s32 $0xFFFFFF80  }
0xf1: {  	[spmem:s2] =	stream.indirect.scatter.add.f32 [tilespmem:s31], [sflag:$0x9], $0x10, s25, s20, $0xb8;
	[tilespmem:$0xAC00] =	vst v63  }
0xf2: {  	_ =	swait.ge [sflag:s6], $0x800  }
0xf3: {  	[sflag:s6] =	ssyncset.done $0x0  }
0xf4: {  	[sflag:s6] =	ssyncadd.s32 $0xFFFFF800  }
0xf5: {  	_ =	swait.ge [sflag:s11], $0x80  }
0xf6: {  	[sflag:s11] =	ssyncset.done $0x0  }
0xf7: {  	[sflag:s11] =	ssyncadd.s32 $0xFFFFFF80  }
0xf8: {  	[spmem:s2] =	stream.indirect.scatter.add.f32 [tilespmem:s31], [sflag:$0xA], $0x10, s26, s20, $0xb8;
	[tilespmem:$0xAC00] =	vst v63  }
0xf9: {  	_ =	swait.ge [sflag:s1], $0x800  }
0xfa: {  	[sflag:s1] =	ssyncset.done $0x0  }
0xfb: {  	[sflag:s1] =	ssyncadd.s32 $0xFFFFF800  }
0xfc: {  	_ =	swait.ge [sflag:s6], $0x800  }
0xfd: {  	[sflag:s6] =	ssyncset.done $0x0  }
0xfe: {  	s14 =	stileid.u32;
	[sflag:s6] =	ssyncadd.s32 $0xFFFFF800  }
0xff: {  	s14 =	sshll.u32 s14, $0x6;
	[bflag:$0x0] =	sbarrier.arrive $0xFFFF  }
0x100: {  	s15 =	sshrl.u32 s12, $0x3;
	s14 =	sor.u32 $0x1C0B, s14;
	s16 =	rddreg [dreg:$0xa]  }
0x101: {  	[hbm:s16], [sflag:s14] =	dma.local [spmem:s15], $0x2800  }
0x102: {  	_ =	swait.ge [sflag:s29], $0x2800  }
0x103: {  	s13 =	sadd.s32 $0x1, s13;
	s16 =	rddreg [dreg:$0xb]  }
0x104: {  	p0 =	sne.s32 s13, s16  }
.Ltmp2:
0x105: {  	_ = 	snop;
	(pc) =	sbr.rel @p0 .LBB2_1-.Ltmp2, $3  }
0x106: {  	_ =	sdelay $0x1  }
0x107: {  	[sflag:s29] =	ssyncset.done $0x0  }
0x108: {  	[sflag:s29] =	ssyncadd.s32 $0xFFFFD800  }
0x109: {  	_ =	sfence.sel $0x180000  }
0x10a: {  	[bflag:$0x0] =	sbarrier.arrive $0xFFFF  }
0x10b: {  	_ =	strace $0x90000047  }
0x10c: {  	s0 =	stileid.u32;
	[bflag:$0x2] =	sbarrier.arrive $0xFFFF  }
0x10d: {  	p0 =	sne.s32 s0, $0x0;
	s0 =	rddreg [dreg:$0x2]  }
0x10e: {  	s0 =	sadd.s32 @!p0 $0x100000, s0  }
0x10f: {  	[sflag:s0] =	ssyncadd.tile.s32 @!p0 $0x1;
	_ =	shalt  }
.Lfunc_end2:
_tile_overlayer_lowered:
.L_overlay_start_2:
0x110: {  	(tag) =	ssettag $0x2  }
0x111: {  	s0 =	rddreg [dreg:$0x0];
	s2 =	stileid.u32  }
0x112: {  	s1 =	rddreg [dreg:$0x1];
	p0 =	sne.s32 s2, $0x0  }
0x113: {  	s3 =	rddreg [dreg:$0x2];
	[bflag:$0x3] =	sbarrier.arrive $0xFFFF;
	s2 =	simm.s32 @!p0 $0x1C0B  }
0x114: {  	[timem:s3], [sflag:s2] =	dma.local @!p0 [hbm:s0], s1  }
0x115: {  	s0 =	simm.s32 @!p0 $0xB  }
0x116: {  	_ =	swait.ge @!p0 [sflag:s0], s1  }
0x117: {  	s1 =	ssub.s32 @!p0 $0x0, s1;
	[sflag:s0] =	ssyncset.done @!p0 $0x0  }
0x118: {  	[sflag:s0] =	ssyncadd.s32 @!p0 s1  }
0x119: {  	[bflag:$0x3] =	sbarrier.arrive $0xFFFF  }
0x11a: {  	_ =	shalt  }

</sc_bundles>
